<compile_context>
chip_gen: v7x
topology: tpu7x:2x2x1
jax: 0.10.2.dev20260603
libtpu: 0.0.44.dev20260713+nightly
codegen_flags: <defaults>
</compile_context>

<pallas_src>
import functools

import jax
import jax.numpy as jnp
from jax import lax
from jax.experimental import pallas as pl
from jax.experimental.pallas import tpu as pltpu
from jax.experimental.pallas import tpu_sc as plsc

_K = 512
_D = 64
_NC = 2
_NS = 16
_NW = _NC * _NS
_L = 16
_BB = 8


def _argmin_body(z_ref, w_ref, idx_ref):
    w = w_ref[...]
    wn = jnp.sum(w * w, axis=1, keepdims=True)
    hw = z_ref.shape[2]
    rows = lax.broadcasted_iota(jnp.int32, (_K, hw), 0)
    for j in range(_BB):
        x = z_ref[j]
        zn = jnp.sum(x * x, axis=0, keepdims=True)
        scores = lax.dot_general(
            w, x, dimension_numbers=(((1,), (0,)), ((), ())),
            preferred_element_type=jnp.float32)
        d = (zn + wn) - 2.0 * scores
        m = jnp.min(d, axis=0, keepdims=True)
        idx = jnp.min(jnp.where(d <= m, rows, _K),
                      axis=0, keepdims=True)
        idx_ref[0, pl.ds(j, 1), :] = idx


def _sc_gather_body(wt_hbm, idx_hbm, out_hbm, wt_v, idx_v, out_v):
    wid = lax.axis_index("s") * _NC + lax.axis_index("c")
    per_w = idx_hbm.shape[0] // _NW
    hw = idx_hbm.shape[1]
    pltpu.sync_copy(wt_hbm, wt_v)
    for j in range(per_w):
        b = wid * per_w + j
        pltpu.sync_copy(idx_hbm.at[b], idx_v)

        @plsc.parallel_loop(0, hw // _L, unroll=2)
        def grp(g):
            vidx = idx_v[pl.ds(g * _L, _L)]
            for c in range(_D):
                row = plsc.load_gather(
                    wt_v, [jnp.full((_L,), c, jnp.int32), vidx])
                out_v[c, pl.ds(g * _L, _L)] = row

        pltpu.sync_copy(out_v, out_hbm.at[b])


def kernel(z_e, weight):
    B, C, H, W = z_e.shape
    hw = H * W
    z = z_e.reshape(B, C, hw)
    wt = jnp.transpose(weight, (1, 0))

    idx = pl.pallas_call(
        _argmin_body,
        grid=(B // _BB,),
        in_specs=[
            pl.BlockSpec((_BB, C, hw), lambda b: (b, 0, 0)),
            pl.BlockSpec((_K, _D), lambda b: (0, 0)),
        ],
        out_specs=pl.BlockSpec((1, _BB, hw), lambda b: (b, 0, 0)),
        out_shape=jax.ShapeDtypeStruct((B // _BB, _BB, hw), jnp.int32),
    )(z, weight)

    sc_gather = functools.partial(
        pl.kernel,
        out_type=jax.ShapeDtypeStruct((B, _D, hw), jnp.float32),
        mesh=plsc.VectorSubcoreMesh(core_axis_name="c", subcore_axis_name="s"),
        scratch_types=[
            pltpu.VMEM((_D, _K), jnp.float32),
            pltpu.VMEM((hw,), jnp.int32),
            pltpu.VMEM((_D, hw), jnp.float32),
        ],
        compiler_params=pltpu.CompilerParams(needs_layout_passes=False),
    )(_sc_gather_body)

    zq = sc_gather(wt, idx.reshape(B, hw))
    return zq.reshape(B, C, H, W)

# --- scband reference (transcript-rebuilt; emitter-appended) ---
"""Pipeline reference for scband-quantizer-23244363006432 (READ-ONLY COPY).

The authoritative reference and input builder live on the scoring server;
editing this copy changes nothing except your own understanding.
"""

import jax, jax.numpy as jnp
import numpy as np

EMBEDDING_DIM = 64
NUM_EMBEDDINGS = 512

def setup_inputs(seed: int = 0) -> dict:
    key = jax.random.key(seed)
    k1, k2 = jax.random.split(key)
    z_e = jax.random.normal(k1, (64, 64, 32, 32), dtype=jnp.float32)
    weight = jax.random.normal(k2, (NUM_EMBEDDINGS, EMBEDDING_DIM), dtype=jnp.float32) * 0.02
    return {"z_e": z_e, "weight": weight}

def reference(z_e, weight):
    B, C, H, W = z_e.shape
    z_e_flat = jnp.transpose(z_e, (0, 2, 3, 1)).reshape(-1, EMBEDDING_DIM)
    # distance computed without gradient tracking in the original (torch.no_grad)
    dist = (
        jnp.sum(z_e_flat ** 2, axis=1, keepdims=True)
        + jnp.sum(weight ** 2, axis=1)[None, :]
        - 2.0 * z_e_flat @ weight.T
    )
    dist = jax.lax.stop_gradient(dist)
    indices_flat = jnp.argmin(dist, axis=1)
    z_q = jnp.take(weight, indices_flat, axis=0).reshape(B, H, W, EMBEDDING_DIM)
    return jnp.transpose(z_q, (0, 3, 1, 2))

if __name__ == "__main__":
    import jax
    _d = setup_inputs()
    print(jax.jit(kernel)(*tuple(_d.values())))

</pallas_src>

<mosaic_0001>
#map = affine_map<(d0, d1) -> (0, 0)>
#map1 = affine_map<(d0, d1) -> (0, 0, 0)>
module attributes {stable_mosaic.version = 14 : i64} {
  func.func @_sc_gather_body(%arg0: i32, %arg1: i32, %arg2: memref<64x512xf32, #tpu.memory_space<hbm>>, %arg3: memref<64x1024xi32, #tpu.memory_space<hbm>>, %arg4: memref<64x64x1024xf32, #tpu.memory_space<hbm>>, %arg5: memref<64x512xf32, #tpu.memory_space<vmem>>, %arg6: memref<1024xi32, #tpu.memory_space<vmem>>, %arg7: memref<64x1024xf32, #tpu.memory_space<vmem>>) attributes {dimension_semantics = [#tpu.dimension_semantics<core_parallel>, #tpu.dimension_semantics<subcore_parallel>], iteration_bounds = array<i64: 2, 16>, scalar_prefetch = 0 : i64, scratch_operands = 3 : i64, tpu.core_type = #tpu.core_type<sc_vector_subcore>, window_params = [{transform_indices = #map}, {transform_indices = #map}, {transform_indices = #map1}]} {
    %mul3A = arith.constant 2 : i32
    %mul3A_0 = arith.muli %arg1, %mul3A : i32
    %add3A = arith.addi %mul3A_0, %arg0 : i32
    "tpu.region"() ({
      %run_scoped3A = tpu.sem_alloc : memref<!tpu.dma_semaphore, #tpu.memory_space<semaphore_mem>>
      tpu.enqueue_dma source(%arg2 : memref<64x512xf32, #tpu.memory_space<hbm>>) target(%arg5 : memref<64x512xf32, #tpu.memory_space<vmem>>) target_semaphore(%run_scoped3A : memref<!tpu.dma_semaphore, #tpu.memory_space<semaphore_mem>>)
      tpu.wait_dma2 semaphore(%run_scoped3A : memref<!tpu.dma_semaphore, #tpu.memory_space<semaphore_mem>>) src(%arg2 : memref<64x512xf32, #tpu.memory_space<hbm>>) dst(%arg5 : memref<64x512xf32, #tpu.memory_space<vmem>>)
      tpu.yield
    }) : () -> ()
    %mul3A_1 = arith.constant 2 : i32
    %mul3A_2 = arith.muli %add3A, %mul3A_1 : i32
    %add3A_3 = arith.constant 0 : i32
    %add3A_4 = arith.addi %mul3A_2, %add3A_3 : i32
    "tpu.region"() ({
      %run_scoped3A = tpu.sem_alloc : memref<!tpu.dma_semaphore, #tpu.memory_space<semaphore_mem>>
      %dma_start3A = arith.constant 0 : i32
      %dma_start3A_14 = tpu.memref_slice %arg3[%add3A_4, %dma_start3A] : memref<64x1024xi32, #tpu.memory_space<hbm>> -> memref<1x1024xi32, #tpu.memory_space<hbm>>
      %dma_start3A_15 = tpu.memref_squeeze %dma_start3A_14 : memref<1x1024xi32, #tpu.memory_space<hbm>> -> memref<1024xi32, #tpu.memory_space<hbm>>
      %dma_start3A_16 = arith.constant 0 : i32
      %dma_start3A_17 = tpu.memref_slice %arg3[%add3A_4, %dma_start3A_16] : memref<64x1024xi32, #tpu.memory_space<hbm>> -> memref<1x1024xi32, #tpu.memory_space<hbm>>
      %dma_start3A_18 = tpu.memref_squeeze %dma_start3A_17 : memref<1x1024xi32, #tpu.memory_space<hbm>> -> memref<1024xi32, #tpu.memory_space<hbm>>
      tpu.enqueue_dma source(%dma_start3A_18 : memref<1024xi32, #tpu.memory_space<hbm>>) target(%arg6 : memref<1024xi32, #tpu.memory_space<vmem>>) target_semaphore(%run_scoped3A : memref<!tpu.dma_semaphore, #tpu.memory_space<semaphore_mem>>)
      %dma_wait3A = arith.constant 0 : i32
      %dma_wait3A_19 = tpu.memref_slice %arg3[%add3A_4, %dma_wait3A] : memref<64x1024xi32, #tpu.memory_space<hbm>> -> memref<1x1024xi32, #tpu.memory_space<hbm>>
      %dma_wait3A_20 = tpu.memref_squeeze %dma_wait3A_19 : memref<1x1024xi32, #tpu.memory_space<hbm>> -> memref<1024xi32, #tpu.memory_space<hbm>>
      %dma_wait3A_21 = arith.constant 0 : i32
      %dma_wait3A_22 = tpu.memref_slice %arg3[%add3A_4, %dma_wait3A_21] : memref<64x1024xi32, #tpu.memory_space<hbm>> -> memref<1x1024xi32, #tpu.memory_space<hbm>>
      %dma_wait3A_23 = tpu.memref_squeeze %dma_wait3A_22 : memref<1x1024xi32, #tpu.memory_space<hbm>> -> memref<1024xi32, #tpu.memory_space<hbm>>
      tpu.wait_dma2 semaphore(%run_scoped3A : memref<!tpu.dma_semaphore, #tpu.memory_space<semaphore_mem>>) src(%dma_wait3A_23 : memref<1024xi32, #tpu.memory_space<hbm>>) dst(%arg6 : memref<1024xi32, #tpu.memory_space<vmem>>)
      tpu.yield
    }) : () -> ()
    %parallel_loop3A = arith.constant 0 : i32
    %parallel_loop3A_5 = arith.constant 64 : i32
    %parallel_loop3A_6 = arith.constant 1 : i32
    scf.for %parallel_loop3A_14 = %parallel_loop3A to %parallel_loop3A_5 step %parallel_loop3A_6  : i32 {
      %parallel_loop3A_15 = arith.constant 16 : i32
      %parallel_loop3A_16 = arith.muli %parallel_loop3A_14, %parallel_loop3A_15 : i32
      %parallel_loop3A_17 = arith.index_cast %parallel_loop3A_16 : i32 to index
      %parallel_loop3A_18 = tpu.vector_load %arg6[%parallel_loop3A_17] {strides = array<i32>} : memref<1024xi32, #tpu.memory_space<vmem>>, vector<16xi32>,
      %parallel_loop3A_19 = arith.constant 0 : i32
      %parallel_loop3A_20 = vector.broadcast %parallel_loop3A_19 : i32 to vector<16xi32>
      %parallel_loop3A_21 = tpu.vector_load_idx %arg5[%parallel_loop3A_20, %parallel_loop3A_18] : memref<64x512xf32, #tpu.memory_space<vmem>>[vector<16xi32>, vector<16xi32>], vector<16xf32>,
      %parallel_loop3A_22 = arith.constant 16 : i32
      %parallel_loop3A_23 = arith.muli %parallel_loop3A_14, %parallel_loop3A_22 : i32
      %parallel_loop3A_24 = arith.constant 0 : i32
      %parallel_loop3A_25 = arith.index_cast %parallel_loop3A_24 : i32 to index
      %parallel_loop3A_26 = arith.index_cast %parallel_loop3A_23 : i32 to index
      %parallel_loop3A_27 = tpu.vector_load %arg7[%parallel_loop3A_25, %parallel_loop3A_26] {strides = array<i32>} : memref<64x1024xf32, #tpu.memory_space<vmem>>, vector<16xf32>,
      tpu.vector_store %arg7[%parallel_loop3A_25, %parallel_loop3A_26], %parallel_loop3A_21 {strides = array<i32>} : memref<64x1024xf32, #tpu.memory_space<vmem>>, vector<16xf32>,
      %parallel_loop3A_28 = arith.constant 1 : i32
      %parallel_loop3A_29 = vector.broadcast %parallel_loop3A_28 : i32 to vector<16xi32>
      %parallel_loop3A_30 = tpu.vector_load_idx %arg5[%parallel_loop3A_29, %parallel_loop3A_18] : memref<64x512xf32, #tpu.memory_space<vmem>>[vector<16xi32>, vector<16xi32>], vector<16xf32>,
      %parallel_loop3A_31 = arith.constant 16 : i32
      %parallel_loop3A_32 = arith.muli %parallel_loop3A_14, %parallel_loop3A_31 : i32
      %parallel_loop3A_33 = arith.constant 1 : i32
      %parallel_loop3A_34 = arith.index_cast %parallel_loop3A_33 : i32 to index
      %parallel_loop3A_35 = arith.index_cast %parallel_loop3A_32 : i32 to index
      %parallel_loop3A_36 = tpu.vector_load %arg7[%parallel_loop3A_34, %parallel_loop3A_35] {strides = array<i32>} : memref<64x1024xf32, #tpu.memory_space<vmem>>, vector<16xf32>,
      tpu.vector_store %arg7[%parallel_loop3A_34, %parallel_loop3A_35], %parallel_loop3A_30 {strides = array<i32>} : memref<64x1024xf32, #tpu.memory_space<vmem>>, vector<16xf32>,
      %parallel_loop3A_37 = arith.constant 2 : i32
      %parallel_loop3A_38 = vector.broadcast %parallel_loop3A_37 : i32 to vector<16xi32>
      %parallel_loop3A_39 = tpu.vector_load_idx %arg5[%parallel_loop3A_38, %parallel_loop3A_18] : memref<64x512xf32, #tpu.memory_space<vmem>>[vector<16xi32>, vector<16xi32>], vector<16xf32>,
      %parallel_loop3A_40 = arith.constant 16 : i32
      %parallel_loop3A_41 = arith.muli %parallel_loop3A_14, %parallel_loop3A_40 : i32
      %parallel_loop3A_42 = arith.constant 2 : i32
      %parallel_loop3A_43 = arith.index_cast %parallel_loop3A_42 : i32 to index
      %parallel_loop3A_44 = arith.index_cast %parallel_loop3A_41 : i32 to index
      %parallel_loop3A_45 = tpu.vector_load %arg7[%parallel_loop3A_43, %parallel_loop3A_44] {strides = array<i32>} : memref<64x1024xf32, #tpu.memory_space<vmem>>, vector<16xf32>,
      tpu.vector_store %arg7[%parallel_loop3A_43, %parallel_loop3A_44], %parallel_loop3A_39 {strides = array<i32>} : memref<64x1024xf32, #tpu.memory_space<vmem>>, vector<16xf32>,
      %parallel_loop3A_46 = arith.constant 3 : i32
      %parallel_loop3A_47 = vector.broadcast %parallel_loop3A_46 : i32 to vector<16xi32>
      %parallel_loop3A_48 = tpu.vector_load_idx %arg5[%parallel_loop3A_47, %parallel_loop3A_18] : memref<64x512xf32, #tpu.memory_space<vmem>>[vector<16xi32>, vector<16xi32>], vector<16xf32>,
      %parallel_loop3A_49 = arith.constant 16 : i32
      %parallel_loop3A_50 = arith.muli %parallel_loop3A_14, %parallel_loop3A_49 : i32
      %parallel_loop3A_51 = arith.constant 3 : i32
      %parallel_loop3A_52 = arith.index_cast %parallel_loop3A_51 : i32 to index
      %parallel_loop3A_53 = arith.index_cast %parallel_loop3A_50 : i32 to index
      %parallel_loop3A_54 = tpu.vector_load %arg7[%parallel_loop3A_52, %parallel_loop3A_53] {strides = array<i32>} : memref<64x1024xf32, #tpu.memory_space<vmem>>, vector<16xf32>,
      tpu.vector_store %arg7[%parallel_loop3A_52, %parallel_loop3A_53], %parallel_loop3A_48 {strides = array<i32>} : memref<64x1024xf32, #tpu.memory_space<vmem>>, vector<16xf32>,
      %parallel_loop3A_55 = arith.constant 4 : i32
      %parallel_loop3A_56 = vector.broadcast %parallel_loop3A_55 : i32 to vector<16xi32>
      %parallel_loop3A_57 = tpu.vector_load_idx %arg5[%parallel_loop3A_56, %parallel_loop3A_18] : memref<64x512xf32, #tpu.memory_space<vmem>>[vector<16xi32>, vector<16xi32>], vector<16xf32>,
      %parallel_loop3A_58 = arith.constant 16 : i32
      %parallel_loop3A_59 = arith.muli %parallel_loop3A_14, %parallel_loop3A_58 : i32
      %parallel_loop3A_60 = arith.constant 4 : i32
      %parallel_loop3A_61 = arith.index_cast %parallel_loop3A_60 : i32 to index
      %parallel_loop3A_62 = arith.index_cast %parallel_loop3A_59 : i32 to index
      %parallel_loop3A_63 = tpu.vector_load %arg7[%parallel_loop3A_61, %parallel_loop3A_62] {strides = array<i32>} : memref<64x1024xf32, #tpu.memory_space<vmem>>, vector<16xf32>,
      tpu.vector_store %arg7[%parallel_loop3A_61, %parallel_loop3A_62], %parallel_loop3A_57 {strides = array<i32>} : memref<64x1024xf32, #tpu.memory_space<vmem>>, vector<16xf32>,
      %parallel_loop3A_64 = arith.constant 5 : i32
      %parallel_loop3A_65 = vector.broadcast %parallel_loop3A_64 : i32 to vector<16xi32>
      %parallel_loop3A_66 = tpu.vector_load_idx %arg5[%parallel_loop3A_65, %parallel_loop3A_18] : memref<64x512xf32, #tpu.memory_space<vmem>>[vector<16xi32>, vector<16xi32>], vector<16xf32>,
      %parallel_loop3A_67 = arith.constant 16 : i32
      %parallel_loop3A_68 = arith.muli %parallel_loop3A_14, %parallel_loop3A_67 : i32
      %parallel_loop3A_69 = arith.constant 5 : i32
      %parallel_loop3A_70 = arith.index_cast %parallel_loop3A_69 : i32 to index
      %parallel_loop3A_71 = arith.index_cast %parallel_loop3A_68 : i32 to index
      %parallel_loop3A_72 = tpu.vector_load %arg7[%parallel_loop3A_70, %parallel_loop3A_71] {strides = array<i32>} : memref<64x1024xf32, #tpu.memory_space<vmem>>, vector<16xf32>,
      tpu.vector_store %arg7[%parallel_loop3A_70, %parallel_loop3A_71], %parallel_loop3A_66 {strides = array<i32>} : memref<64x1024xf32, #tpu.memory_space<vmem>>, vector<16xf32>,
      %parallel_loop3A_73 = arith.constant 6 : i32
      %parallel_loop3A_74 = vector.broadcast %parallel_loop3A_73 : i32 to vector<16xi32>
      %parallel_loop3A_75 = tpu.vector_load_idx %arg5[%parallel_loop3A_74, %parallel_loop3A_18] : memref<64x512xf32, #tpu.memory_space<vmem>>[vector<16xi32>, vector<16xi32>], vector<16xf32>,
      %parallel_loop3A_76 = arith.constant 16 : i32
      %parallel_loop3A_77 = arith.muli %parallel_loop3A_14, %parallel_loop3A_76 : i32
      %parallel_loop3A_78 = arith.constant 6 : i32
      %parallel_loop3A_79 = arith.index_cast %parallel_loop3A_78 : i32 to index
      %parallel_loop3A_80 = arith.index_cast %parallel_loop3A_77 : i32 to index
      %parallel_loop3A_81 = tpu.vector_load %arg7[%parallel_loop3A_79, %parallel_loop3A_80] {strides = array<i32>} : memref<64x1024xf32, #tpu.memory_space<vmem>>, vector<16xf32>,
      tpu.vector_store %arg7[%parallel_loop3A_79, %parallel_loop3A_80], %parallel_loop3A_75 {strides = array<i32>} : memref<64x1024xf32, #tpu.memory_space<vmem>>, vector<16xf32>,
      %parallel_loop3A_82 = arith.constant 7 : i32
      %parallel_loop3A_83 = vector.broadcast %parallel_loop3A_82 : i32 to vector<16xi32>
      %parallel_loop3A_84 = tpu.vector_load_idx %arg5[%parallel_loop3A_83, %parallel_loop3A_18] : memref<64x512xf32, #tpu.memory_space<vmem>>[vector<16xi32>, vector<16xi32>], vector<16xf32>,
      %parallel_loop3A_85 = arith.constant 16 : i32
      %parallel_loop3A_86 = arith.muli %parallel_loop3A_14, %parallel_loop3A_85 : i32
      %parallel_loop3A_87 = arith.constant 7 : i32
      %parallel_loop3A_88 = arith.index_cast %parallel_loop3A_87 : i32 to index
      %parallel_loop3A_89 = arith.index_cast %parallel_loop3A_86 : i32 to index
      %parallel_loop3A_90 = tpu.vector_load %arg7[%parallel_loop3A_88, %parallel_loop3A_89] {strides = array<i32>} : memref<64x1024xf32, #tpu.memory_space<vmem>>, vector<16xf32>,
      tpu.vector_store %arg7[%parallel_loop3A_88, %parallel_loop3A_89], %parallel_loop3A_84 {strides = array<i32>} : memref<64x1024xf32, #tpu.memory_space<vmem>>, vector<16xf32>,
      %parallel_loop3A_91 = arith.constant 8 : i32
      %parallel_loop3A_92 = vector.broadcast %parallel_loop3A_91 : i32 to vector<16xi32>
      %parallel_loop3A_93 = tpu.vector_load_idx %arg5[%parallel_loop3A_92, %parallel_loop3A_18] : memref<64x512xf32, #tpu.memory_space<vmem>>[vector<16xi32>, vector<16xi32>], vector<16xf32>,
      %parallel_loop3A_94 = arith.constant 16 : i32
      %parallel_loop3A_95 = arith.muli %parallel_loop3A_14, %parallel_loop3A_94 : i32
      %parallel_loop3A_96 = arith.constant 8 : i32
      %parallel_loop3A_97 = arith.index_cast %parallel_loop3A_96 : i32 to index
      %parallel_loop3A_98 = arith.index_cast %parallel_loop3A_95 : i32 to index
      %parallel_loop3A_99 = tpu.vector_load %arg7[%parallel_loop3A_97, %parallel_loop3A_98] {strides = array<i32>} : memref<64x1024xf32, #tpu.memory_space<vmem>>, vector<16xf32>,
      tpu.vector_store %arg7[%parallel_loop3A_97, %parallel_loop3A_98], %parallel_loop3A_93 {strides = array<i32>} : memref<64x1024xf32, #tpu.memory_space<vmem>>, vector<16xf32>,
      %parallel_loop3A_100 = arith.constant 9 : i32
      %parallel_loop3A_101 = vector.broadcast %parallel_loop3A_100 : i32 to vector<16xi32>
      %parallel_loop3A_102 = tpu.vector_load_idx %arg5[%parallel_loop3A_101, %parallel_loop3A_18] : memref<64x512xf32, #tpu.memory_space<vmem>>[vector<16xi32>, vector<16xi32>], vector<16xf32>,
      %parallel_loop3A_103 = arith.constant 16 : i32
      %parallel_loop3A_104 = arith.muli %parallel_loop3A_14, %parallel_loop3A_103 : i32
      %parallel_loop3A_105 = arith.constant 9 : i32
      %parallel_loop3A_106 = arith.index_cast %parallel_loop3A_105 : i32 to index
      %parallel_loop3A_107 = arith.index_cast %parallel_loop3A_104 : i32 to index
      %parallel_loop3A_108 = tpu.vector_load %arg7[%parallel_loop3A_106, %parallel_loop3A_107] {strides = array<i32>} : memref<64x1024xf32, #tpu.memory_space<vmem>>, vector<16xf32>,
      tpu.vector_store %arg7[%parallel_loop3A_106, %parallel_loop3A_107], %parallel_loop3A_102 {strides = array<i32>} : memref<64x1024xf32, #tpu.memory_space<vmem>>, vector<16xf32>,
      %parallel_loop3A_109 = arith.constant 10 : i32
      %parallel_loop3A_110 = vector.broadcast %parallel_loop3A_109 : i32 to vector<16xi32>
      %parallel_loop3A_111 = tpu.vector_load_idx %arg5[%parallel_loop3A_110, %parallel_loop3A_18] : memref<64x512xf32, #tpu.memory_space<vmem>>[vector<16xi32>, vector<16xi32>], vector<16xf32>,
      %parallel_loop3A_112 = arith.constant 16 : i32
      %parallel_loop3A_113 = arith.muli %parallel_loop3A_14, %parallel_loop3A_112 : i32
      %parallel_loop3A_114 = arith.constant 10 : i32
      %parallel_loop3A_115 = arith.index_cast %parallel_loop3A_114 : i32 to index
      %parallel_loop3A_116 = arith.index_cast %parallel_loop3A_113 : i32 to index
      %parallel_loop3A_117 = tpu.vector_load %arg7[%parallel_loop3A_115, %parallel_loop3A_116] {strides = array<i32>} : memref<64x1024xf32, #tpu.memory_space<vmem>>, vector<16xf32>,
      tpu.vector_store %arg7[%parallel_loop3A_115, %parallel_loop3A_116], %parallel_loop3A_111 {strides = array<i32>} : memref<64x1024xf32, #tpu.memory_space<vmem>>, vector<16xf32>,
      %parallel_loop3A_118 = arith.constant 11 : i32
      %parallel_loop3A_119 = vector.broadcast %parallel_loop3A_118 : i32 to vector<16xi32>
      %parallel_loop3A_120 = tpu.vector_load_idx %arg5[%parallel_loop3A_119, %parallel_loop3A_18] : memref<64x512xf32, #tpu.memory_space<vmem>>[vector<16xi32>, vector<16xi32>], vector<16xf32>,
      %parallel_loop3A_121 = arith.constant 16 : i32
      %parallel_loop3A_122 = arith.muli %parallel_loop3A_14, %parallel_loop3A_121 : i32
      %parallel_loop3A_123 = arith.constant 11 : i32
      %parallel_loop3A_124 = arith.index_cast %parallel_loop3A_123 : i32 to index
      %parallel_loop3A_125 = arith.index_cast %parallel_loop3A_122 : i32 to index
      %parallel_loop3A_126 = tpu.vector_load %arg7[%parallel_loop3A_124, %parallel_loop3A_125] {strides = array<i32>} : memref<64x1024xf32, #tpu.memory_space<vmem>>, vector<16xf32>,
      tpu.vector_store %arg7[%parallel_loop3A_124, %parallel_loop3A_125], %parallel_loop3A_120 {strides = array<i32>} : memref<64x1024xf32, #tpu.memory_space<vmem>>, vector<16xf32>,
      %parallel_loop3A_127 = arith.constant 12 : i32
      %parallel_loop3A_128 = vector.broadcast %parallel_loop3A_127 : i32 to vector<16xi32>
      %parallel_loop3A_129 = tpu.vector_load_idx %arg5[%parallel_loop3A_128, %parallel_loop3A_18] : memref<64x512xf32, #tpu.memory_space<vmem>>[vector<16xi32>, vector<16xi32>], vector<16xf32>,
      %parallel_loop3A_130 = arith.constant 16 : i32
      %parallel_loop3A_131 = arith.muli %parallel_loop3A_14, %parallel_loop3A_130 : i32
      %parallel_loop3A_132 = arith.constant 12 : i32
      %parallel_loop3A_133 = arith.index_cast %parallel_loop3A_132 : i32 to index
      %parallel_loop3A_134 = arith.index_cast %parallel_loop3A_131 : i32 to index
      %parallel_loop3A_135 = tpu.vector_load %arg7[%parallel_loop3A_133, %parallel_loop3A_134] {strides = array<i32>} : memref<64x1024xf32, #tpu.memory_space<vmem>>, vector<16xf32>,
      tpu.vector_store %arg7[%parallel_loop3A_133, %parallel_loop3A_134], %parallel_loop3A_129 {strides = array<i32>} : memref<64x1024xf32, #tpu.memory_space<vmem>>, vector<16xf32>,
      %parallel_loop3A_136 = arith.constant 13 : i32
      %parallel_loop3A_137 = vector.broadcast %parallel_loop3A_136 : i32 to vector<16xi32>
      %parallel_loop3A_138 = tpu.vector_load_idx %arg5[%parallel_loop3A_137, %parallel_loop3A_18] : memref<64x512xf32, #tpu.memory_space<vmem>>[vector<16xi32>, vector<16xi32>], vector<16xf32>,
      %parallel_loop3A_139 = arith.constant 16 : i32
      %parallel_loop3A_140 = arith.muli %parallel_loop3A_14, %parallel_loop3A_139 : i32
      %parallel_loop3A_141 = arith.constant 13 : i32
      %parallel_loop3A_142 = arith.index_cast %parallel_loop3A_141 : i32 to index
      %parallel_loop3A_143 = arith.index_cast %parallel_loop3A_140 : i32 to index
      %parallel_loop3A_144 = tpu.vector_load %arg7[%parallel_loop3A_142, %parallel_loop3A_143] {strides = array<i32>} : memref<64x1024xf32, #tpu.memory_space<vmem>>, vector<16xf32>,
      tpu.vector_store %arg7[%parallel_loop3A_142, %parallel_loop3A_143], %parallel_loop3A_138 {strides = array<i32>} : memref<64x1024xf32, #tpu.memory_space<vmem>>, vector<16xf32>,
      %parallel_loop3A_145 = arith.constant 14 : i32
      %parallel_loop3A_146 = vector.broadcast %parallel_loop3A_145 : i32 to vector<16xi32>
      %parallel_loop3A_147 = tpu.vector_load_idx %arg5[%parallel_loop3A_146, %parallel_loop3A_18] : memref<64x512xf32, #tpu.memory_space<vmem>>[vector<16xi32>, vector<16xi32>], vector<16xf32>,
      %parallel_loop3A_148 = arith.constant 16 : i32
      %parallel_loop3A_149 = arith.muli %parallel_loop3A_14, %parallel_loop3A_148 : i32
      %parallel_loop3A_150 = arith.constant 14 : i32
      %parallel_loop3A_151 = arith.index_cast %parallel_loop3A_150 : i32 to index
      %parallel_loop3A_152 = arith.index_cast %parallel_loop3A_149 : i32 to index
      %parallel_loop3A_153 = tpu.vector_load %arg7[%parallel_loop3A_151, %parallel_loop3A_152] {strides = array<i32>} : memref<64x1024xf32, #tpu.memory_space<vmem>>, vector<16xf32>,
      tpu.vector_store %arg7[%parallel_loop3A_151, %parallel_loop3A_152], %parallel_loop3A_147 {strides = array<i32>} : memref<64x1024xf32, #tpu.memory_space<vmem>>, vector<16xf32>,
      %parallel_loop3A_154 = arith.constant 15 : i32
      %parallel_loop3A_155 = vector.broadcast %parallel_loop3A_154 : i32 to vector<16xi32>
      %parallel_loop3A_156 = tpu.vector_load_idx %arg5[%parallel_loop3A_155, %parallel_loop3A_18] : memref<64x512xf32, #tpu.memory_space<vmem>>[vector<16xi32>, vector<16xi32>], vector<16xf32>,
      %parallel_loop3A_157 = arith.constant 16 : i32
      %parallel_loop3A_158 = arith.muli %parallel_loop3A_14, %parallel_loop3A_157 : i32
      %parallel_loop3A_159 = arith.constant 15 : i32
      %parallel_loop3A_160 = arith.index_cast %parallel_loop3A_159 : i32 to index
      %parallel_loop3A_161 = arith.index_cast %parallel_loop3A_158 : i32 to index
      %parallel_loop3A_162 = tpu.vector_load %arg7[%parallel_loop3A_160, %parallel_loop3A_161] {strides = array<i32>} : memref<64x1024xf32, #tpu.memory_space<vmem>>, vector<16xf32>,
      tpu.vector_store %arg7[%parallel_loop3A_160, %parallel_loop3A_161], %parallel_loop3A_156 {strides = array<i32>} : memref<64x1024xf32, #tpu.memory_space<vmem>>, vector<16xf32>,
      %parallel_loop3A_163 = arith.constant 16 : i32
      %parallel_loop3A_164 = vector.broadcast %parallel_loop3A_163 : i32 to vector<16xi32>
      %parallel_loop3A_165 = tpu.vector_load_idx %arg5[%parallel_loop3A_164, %parallel_loop3A_18] : memref<64x512xf32, #tpu.memory_space<vmem>>[vector<16xi32>, vector<16xi32>], vector<16xf32>,
      %parallel_loop3A_166 = arith.constant 16 : i32
      %parallel_loop3A_167 = arith.muli %parallel_loop3A_14, %parallel_loop3A_166 : i32
      %parallel_loop3A_168 = arith.constant 16 : i32
      %parallel_loop3A_169 = arith.index_cast %parallel_loop3A_168 : i32 to index
      %parallel_loop3A_170 = arith.index_cast %parallel_loop3A_167 : i32 to index
      %parallel_loop3A_171 = tpu.vector_load %arg7[%parallel_loop3A_169, %parallel_loop3A_170] {strides = array<i32>} : memref<64x1024xf32, #tpu.memory_space<vmem>>, vector<16xf32>,
      tpu.vector_store %arg7[%parallel_loop3A_169, %parallel_loop3A_170], %parallel_loop3A_165 {strides = array<i32>} : memref<64x1024xf32, #tpu.memory_space<vmem>>, vector<16xf32>,
      %parallel_loop3A_172 = arith.constant 17 : i32
      %parallel_loop3A_173 = vector.broadcast %parallel_loop3A_172 : i32 to vector<16xi32>
      %parallel_loop3A_174 = tpu.vector_load_idx %arg5[%parallel_loop3A_173, %parallel_loop3A_18] : memref<64x512xf32, #tpu.memory_space<vmem>>[vector<16xi32>, vector<16xi32>], vector<16xf32>,
      %parallel_loop3A_175 = arith.constant 16 : i32
      %parallel_loop3A_176 = arith.muli %parallel_loop3A_14, %parallel_loop3A_175 : i32
      %parallel_loop3A_177 = arith.constant 17 : i32
      %parallel_loop3A_178 = arith.index_cast %parallel_loop3A_177 : i32 to index
      %parallel_loop3A_179 = arith.index_cast %parallel_loop3A_176 : i32 to index
      %parallel_loop3A_180 = tpu.vector_load %arg7[%parallel_loop3A_178, %parallel_loop3A_179] {strides = array<i32>} : memref<64x1024xf32, #tpu.memory_space<vmem>>, vector<16xf32>,
      tpu.vector_store %arg7[%parallel_loop3A_178, %parallel_loop3A_179], %parallel_loop3A_174 {strides = array<i32>} : memref<64x1024xf32, #tpu.memory_space<vmem>>, vector<16xf32>,
      %parallel_loop3A_181 = arith.constant 18 : i32
      %parallel_loop3A_182 = vector.broadcast %parallel_loop3A_181 : i32 to vector<16xi32>
      %parallel_loop3A_183 = tpu.vector_load_idx %arg5[%parallel_loop3A_182, %parallel_loop3A_18] : memref<64x512xf32, #tpu.memory_space<vmem>>[vector<16xi32>, vector<16xi32>], vector<16xf32>,
      %parallel_loop3A_184 = arith.constant 16 : i32
      %parallel_loop3A_185 = arith.muli %parallel_loop3A_14, %parallel_loop3A_184 : i32
      %parallel_loop3A_186 = arith.constant 18 : i32
      %parallel_loop3A_187 = arith.index_cast %parallel_loop3A_186 : i32 to index
      %parallel_loop3A_188 = arith.index_cast %parallel_loop3A_185 : i32 to index
      %parallel_loop3A_189 = tpu.vector_load %arg7[%parallel_loop3A_187, %parallel_loop3A_188] {strides = array<i32>} : memref<64x1024xf32, #tpu.memory_space<vmem>>, vector<16xf32>,
      tpu.vector_store %arg7[%parallel_loop3A_187, %parallel_loop3A_188], %parallel_loop3A_183 {strides = array<i32>} : memref<64x1024xf32, #tpu.memory_space<vmem>>, vector<16xf32>,
      %parallel_loop3A_190 = arith.constant 19 : i32
      %parallel_loop3A_191 = vector.broadcast %parallel_loop3A_190 : i32 to vector<16xi32>
      %parallel_loop3A_192 = tpu.vector_load_idx %arg5[%parallel_loop3A_191, %parallel_loop3A_18] : memref<64x512xf32, #tpu.memory_space<vmem>>[vector<16xi32>, vector<16xi32>], vector<16xf32>,
      %parallel_loop3A_193 = arith.constant 16 : i32
      %parallel_loop3A_194 = arith.muli %parallel_loop3A_14, %parallel_loop3A_193 : i32
      %parallel_loop3A_195 = arith.constant 19 : i32
      %parallel_loop3A_196 = arith.index_cast %parallel_loop3A_195 : i32 to index
      %parallel_loop3A_197 = arith.index_cast %parallel_loop3A_194 : i32 to index
      %parallel_loop3A_198 = tpu.vector_load %arg7[%parallel_loop3A_196, %parallel_loop3A_197] {strides = array<i32>} : memref<64x1024xf32, #tpu.memory_space<vmem>>, vector<16xf32>,
      tpu.vector_store %arg7[%parallel_loop3A_196, %parallel_loop3A_197], %parallel_loop3A_192 {strides = array<i32>} : memref<64x1024xf32, #tpu.memory_space<vmem>>, vector<16xf32>,
      %parallel_loop3A_199 = arith.constant 20 : i32
      %parallel_loop3A_200 = vector.broadcast %parallel_loop3A_199 : i32 to vector<16xi32>
      %parallel_loop3A_201 = tpu.vector_load_idx %arg5[%parallel_loop3A_200, %parallel_loop3A_18] : memref<64x512xf32, #tpu.memory_space<vmem>>[vector<16xi32>, vector<16xi32>], vector<16xf32>,
      %parallel_loop3A_202 = arith.constant 16 : i32
      %parallel_loop3A_203 = arith.muli %parallel_loop3A_14, %parallel_loop3A_202 : i32
      %parallel_loop3A_204 = arith.constant 20 : i32
      %parallel_loop3A_205 = arith.index_cast %parallel_loop3A_204 : i32 to index
      %parallel_loop3A_206 = arith.index_cast %parallel_loop3A_203 : i32 to index
      %parallel_loop3A_207 = tpu.vector_load %arg7[%parallel_loop3A_205, %parallel_loop3A_206] {strides = array<i32>} : memref<64x1024xf32, #tpu.memory_space<vmem>>, vector<16xf32>,
      tpu.vector_store %arg7[%parallel_loop3A_205, %parallel_loop3A_206], %parallel_loop3A_201 {strides = array<i32>} : memref<64x1024xf32, #tpu.memory_space<vmem>>, vector<16xf32>,
      %parallel_loop3A_208 = arith.constant 21 : i32
      %parallel_loop3A_209 = vector.broadcast %parallel_loop3A_208 : i32 to vector<16xi32>
      %parallel_loop3A_210 = tpu.vector_load_idx %arg5[%parallel_loop3A_209, %parallel_loop3A_18] : memref<64x512xf32, #tpu.memory_space<vmem>>[vector<16xi32>, vector<16xi32>], vector<16xf32>,
      %parallel_loop3A_211 = arith.constant 16 : i32
      %parallel_loop3A_212 = arith.muli %parallel_loop3A_14, %parallel_loop3A_211 : i32
      %parallel_loop3A_213 = arith.constant 21 : i32
      %parallel_loop3A_214 = arith.index_cast %parallel_loop3A_213 : i32 to index
      %parallel_loop3A_215 = arith.index_cast %parallel_loop3A_212 : i32 to index
      %parallel_loop3A_216 = tpu.vector_load %arg7[%parallel_loop3A_214, %parallel_loop3A_215] {strides = array<i32>} : memref<64x1024xf32, #tpu.memory_space<vmem>>, vector<16xf32>,
      tpu.vector_store %arg7[%parallel_loop3A_214, %parallel_loop3A_215], %parallel_loop3A_210 {strides = array<i32>} : memref<64x1024xf32, #tpu.memory_space<vmem>>, vector<16xf32>,
      %parallel_loop3A_217 = arith.constant 22 : i32
      %parallel_loop3A_218 = vector.broadcast %parallel_loop3A_217 : i32 to vector<16xi32>
      %parallel_loop3A_219 = tpu.vector_load_idx %arg5[%parallel_loop3A_218, %parallel_loop3A_18] : memref<64x512xf32, #tpu.memory_space<vmem>>[vector<16xi32>, vector<16xi32>], vector<16xf32>,
      %parallel_loop3A_220 = arith.constant 16 : i32
      %parallel_loop3A_221 = arith.muli %parallel_loop3A_14, %parallel_loop3A_220 : i32
      %parallel_loop3A_222 = arith.constant 22 : i32
      %parallel_loop3A_223 = arith.index_cast %parallel_loop3A_222 : i32 to index
      %parallel_loop3A_224 = arith.index_cast %parallel_loop3A_221 : i32 to index
      %parallel_loop3A_225 = tpu.vector_load %arg7[%parallel_loop3A_223, %parallel_loop3A_224] {strides = array<i32>} : memref<64x1024xf32, #tpu.memory_space<vmem>>, vector<16xf32>,
      tpu.vector_store %arg7[%parallel_loop3A_223, %parallel_loop3A_224], %parallel_loop3A_219 {strides = array<i32>} : memref<64x1024xf32, #tpu.memory_space<vmem>>, vector<16xf32>,
      %parallel_loop3A_226 = arith.constant 23 : i32
      %parallel_loop3A_227 = vector.broadcast %parallel_loop3A_226 : i32 to vector<16xi32>
      %parallel_loop3A_228 = tpu.vector_load_idx %arg5[%parallel_loop3A_227, %parallel_loop3A_18] : memref<64x512xf32, #tpu.memory_space<vmem>>[vector<16xi32>, vector<16xi32>], vector<16xf32>,
      %parallel_loop3A_229 = arith.constant 16 : i32
      %parallel_loop3A_230 = arith.muli %parallel_loop3A_14, %parallel_loop3A_229 : i32
      %parallel_loop3A_231 = arith.constant 23 : i32
      %parallel_loop3A_232 = arith.index_cast %parallel_loop3A_231 : i32 to index
      %parallel_loop3A_233 = arith.index_cast %parallel_loop3A_230 : i32 to index
      %parallel_loop3A_234 = tpu.vector_load %arg7[%parallel_loop3A_232, %parallel_loop3A_233] {strides = array<i32>} : memref<64x1024xf32, #tpu.memory_space<vmem>>, vector<16xf32>,
      tpu.vector_store %arg7[%parallel_loop3A_232, %parallel_loop3A_233], %parallel_loop3A_228 {strides = array<i32>} : memref<64x1024xf32, #tpu.memory_space<vmem>>, vector<16xf32>,
      %parallel_loop3A_235 = arith.constant 24 : i32
      %parallel_loop3A_236 = vector.broadcast %parallel_loop3A_235 : i32 to vector<16xi32>
      %parallel_loop3A_237 = tpu.vector_load_idx %arg5[%parallel_loop3A_236, %parallel_loop3A_18] : memref<64x512xf32, #tpu.memory_space<vmem>>[vector<16xi32>, vector<16xi32>], vector<16xf32>,
      %parallel_loop3A_238 = arith.constant 16 : i32
      %parallel_loop3A_239 = arith.muli %parallel_loop3A_14, %parallel_loop3A_238 : i32
      %parallel_loop3A_240 = arith.constant 24 : i32
      %parallel_loop3A_241 = arith.index_cast %parallel_loop3A_240 : i32 to index
      %parallel_loop3A_242 = arith.index_cast %parallel_loop3A_239 : i32 to index
      %parallel_loop3A_243 = tpu.vector_load %arg7[%parallel_loop3A_241, %parallel_loop3A_242] {strides = array<i32>} : memref<64x1024xf32, #tpu.memory_space<vmem>>, vector<16xf32>,
      tpu.vector_store %arg7[%parallel_loop3A_241, %parallel_loop3A_242], %parallel_loop3A_237 {strides = array<i32>} : memref<64x1024xf32, #tpu.memory_space<vmem>>, vector<16xf32>,
      %parallel_loop3A_244 = arith.constant 25 : i32
      %parallel_loop3A_245 = vector.broadcast %parallel_loop3A_244 : i32 to vector<16xi32>
      %parallel_loop3A_246 = tpu.vector_load_idx %arg5[%parallel_loop3A_245, %parallel_loop3A_18] : memref<64x512xf32, #tpu.memory_space<vmem>>[vector<16xi32>, vector<16xi32>], vector<16xf32>,
      %parallel_loop3A_247 = arith.constant 16 : i32
      %parallel_loop3A_248 = arith.muli %parallel_loop3A_14, %parallel_loop3A_247 : i32
      %parallel_loop3A_249 = arith.constant 25 : i32
      %parallel_loop3A_250 = arith.index_cast %parallel_loop3A_249 : i32 to index
      %parallel_loop3A_251 = arith.index_cast %parallel_loop3A_248 : i32 to index
      %parallel_loop3A_252 = tpu.vector_load %arg7[%parallel_loop3A_250, %parallel_loop3A_251] {strides = array<i32>} : memref<64x1024xf32, #tpu.memory_space<vmem>>, vector<16xf32>,
      tpu.vector_store %arg7[%parallel_loop3A_250, %parallel_loop3A_251], %parallel_loop3A_246 {strides = array<i32>} : memref<64x1024xf32, #tpu.memory_space<vmem>>, vector<16xf32>,
      %parallel_loop3A_253 = arith.constant 26 : i32
      %parallel_loop3A_254 = vector.broadcast %parallel_loop3A_253 : i32 to vector<16xi32>
      %parallel_loop3A_255 = tpu.vector_load_idx %arg5[%parallel_loop3A_254, %parallel_loop3A_18] : memref<64x512xf32, #tpu.memory_space<vmem>>[vector<16xi32>, vector<16xi32>], vector<16xf32>,
      %parallel_loop3A_256 = arith.constant 16 : i32
      %parallel_loop3A_257 = arith.muli %parallel_loop3A_14, %parallel_loop3A_256 : i32
      %parallel_loop3A_258 = arith.constant 26 : i32
      %parallel_loop3A_259 = arith.index_cast %parallel_loop3A_258 : i32 to index
      %parallel_loop3A_260 = arith.index_cast %parallel_loop3A_257 : i32 to index
      %parallel_loop3A_261 = tpu.vector_load %arg7[%parallel_loop3A_259, %parallel_loop3A_260] {strides = array<i32>} : memref<64x1024xf32, #tpu.memory_space<vmem>>, vector<16xf32>,
      tpu.vector_store %arg7[%parallel_loop3A_259, %parallel_loop3A_260], %parallel_loop3A_255 {strides = array<i32>} : memref<64x1024xf32, #tpu.memory_space<vmem>>, vector<16xf32>,
      %parallel_loop3A_262 = arith.constant 27 : i32
      %parallel_loop3A_263 = vector.broadcast %parallel_loop3A_262 : i32 to vector<16xi32>
      %parallel_loop3A_264 = tpu.vector_load_idx %arg5[%parallel_loop3A_263, %parallel_loop3A_18] : memref<64x512xf32, #tpu.memory_space<vmem>>[vector<16xi32>, vector<16xi32>], vector<16xf32>,
      %parallel_loop3A_265 = arith.constant 16 : i32
      %parallel_loop3A_266 = arith.muli %parallel_loop3A_14, %parallel_loop3A_265 : i32
      %parallel_loop3A_267 = arith.constant 27 : i32
      %parallel_loop3A_268 = arith.index_cast %parallel_loop3A_267 : i32 to index
      %parallel_loop3A_269 = arith.index_cast %parallel_loop3A_266 : i32 to index
      %parallel_loop3A_270 = tpu.vector_load %arg7[%parallel_loop3A_268, %parallel_loop3A_269] {strides = array<i32>} : memref<64x1024xf32, #tpu.memory_space<vmem>>, vector<16xf32>,
      tpu.vector_store %arg7[%parallel_loop3A_268, %parallel_loop3A_269], %parallel_loop3A_264 {strides = array<i32>} : memref<64x1024xf32, #tpu.memory_space<vmem>>, vector<16xf32>,
      %parallel_loop3A_271 = arith.constant 28 : i32
      %parallel_loop3A_272 = vector.broadcast %parallel_loop3A_271 : i32 to vector<16xi32>
      %parallel_loop3A_273 = tpu.vector_load_idx %arg5[%parallel_loop3A_272, %parallel_loop3A_18] : memref<64x512xf32, #tpu.memory_space<vmem>>[vector<16xi32>, vector<16xi32>], vector<16xf32>,
      %parallel_loop3A_274 = arith.constant 16 : i32
      %parallel_loop3A_275 = arith.muli %parallel_loop3A_14, %parallel_loop3A_274 : i32
      %parallel_loop3A_276 = arith.constant 28 : i32
      %parallel_loop3A_277 = arith.index_cast %parallel_loop3A_276 : i32 to index
      %parallel_loop3A_278 = arith.index_cast %parallel_loop3A_275 : i32 to index
      %parallel_loop3A_279 = tpu.vector_load %arg7[%parallel_loop3A_277, %parallel_loop3A_278] {strides = array<i32>} : memref<64x1024xf32, #tpu.memory_space<vmem>>, vector<16xf32>,
      tpu.vector_store %arg7[%parallel_loop3A_277, %parallel_loop3A_278], %parallel_loop3A_273 {strides = array<i32>} : memref<64x1024xf32, #tpu.memory_space<vmem>>, vector<16xf32>,
      %parallel_loop3A_280 = arith.constant 29 : i32
      %parallel_loop3A_281 = vector.broadcast %parallel_loop3A_280 : i32 to vector<16xi32>
      %parallel_loop3A_282 = tpu.vector_load_idx %arg5[%parallel_loop3A_281, %parallel_loop3A_18] : memref<64x512xf32, #tpu.memory_space<vmem>>[vector<16xi32>, vector<16xi32>], vector<16xf32>,
      %parallel_loop3A_283 = arith.constant 16 : i32
      %parallel_loop3A_284 = arith.muli %parallel_loop3A_14, %parallel_loop3A_283 : i32
      %parallel_loop3A_285 = arith.constant 29 : i32
      %parallel_loop3A_286 = arith.index_cast %parallel_loop3A_285 : i32 to index
      %parallel_loop3A_287 = arith.index_cast %parallel_loop3A_284 : i32 to index
      %parallel_loop3A_288 = tpu.vector_load %arg7[%parallel_loop3A_286, %parallel_loop3A_287] {strides = array<i32>} : memref<64x1024xf32, #tpu.memory_space<vmem>>, vector<16xf32>,
      tpu.vector_store %arg7[%parallel_loop3A_286, %parallel_loop3A_287], %parallel_loop3A_282 {strides = array<i32>} : memref<64x1024xf32, #tpu.memory_space<vmem>>, vector<16xf32>,
      %parallel_loop3A_289 = arith.constant 30 : i32
      %parallel_loop3A_290 = vector.broadcast %parallel_loop3A_289 : i32 to vector<16xi32>
      %parallel_loop3A_291 = tpu.vector_load_idx %arg5[%parallel_loop3A_290, %parallel_loop3A_18] : memref<64x512xf32, #tpu.memory_space<vmem>>[vector<16xi32>, vector<16xi32>], vector<16xf32>,
      %parallel_loop3A_292 = arith.constant 16 : i32
      %parallel_loop3A_293 = arith.muli %parallel_loop3A_14, %parallel_loop3A_292 : i32
      %parallel_loop3A_294 = arith.constant 30 : i32
      %parallel_loop3A_295 = arith.index_cast %parallel_loop3A_294 : i32 to index
      %parallel_loop3A_296 = arith.index_cast %parallel_loop3A_293 : i32 to index
      %parallel_loop3A_297 = tpu.vector_load %arg7[%parallel_loop3A_295, %parallel_loop3A_296] {strides = array<i32>} : memref<64x1024xf32, #tpu.memory_space<vmem>>, vector<16xf32>,
      tpu.vector_store %arg7[%parallel_loop3A_295, %parallel_loop3A_296], %parallel_loop3A_291 {strides = array<i32>} : memref<64x1024xf32, #tpu.memory_space<vmem>>, vector<16xf32>,
      %parallel_loop3A_298 = arith.constant 31 : i32
      %parallel_loop3A_299 = vector.broadcast %parallel_loop3A_298 : i32 to vector<16xi32>
      %parallel_loop3A_300 = tpu.vector_load_idx %arg5[%parallel_loop3A_299, %parallel_loop3A_18] : memref<64x512xf32, #tpu.memory_space<vmem>>[vector<16xi32>, vector<16xi32>], vector<16xf32>,
      %parallel_loop3A_301 = arith.constant 16 : i32
      %parallel_loop3A_302 = arith.muli %parallel_loop3A_14, %parallel_loop3A_301 : i32
      %parallel_loop3A_303 = arith.constant 31 : i32
      %parallel_loop3A_304 = arith.index_cast %parallel_loop3A_303 : i32 to index
      %parallel_loop3A_305 = arith.index_cast %parallel_loop3A_302 : i32 to index
      %parallel_loop3A_306 = tpu.vector_load %arg7[%parallel_loop3A_304, %parallel_loop3A_305] {strides = array<i32>} : memref<64x1024xf32, #tpu.memory_space<vmem>>, vector<16xf32>,
      tpu.vector_store %arg7[%parallel_loop3A_304, %parallel_loop3A_305], %parallel_loop3A_300 {strides = array<i32>} : memref<64x1024xf32, #tpu.memory_space<vmem>>, vector<16xf32>,
      %parallel_loop3A_307 = arith.constant 32 : i32
      %parallel_loop3A_308 = vector.broadcast %parallel_loop3A_307 : i32 to vector<16xi32>
      %parallel_loop3A_309 = tpu.vector_load_idx %arg5[%parallel_loop3A_308, %parallel_loop3A_18] : memref<64x512xf32, #tpu.memory_space<vmem>>[vector<16xi32>, vector<16xi32>], vector<16xf32>,
      %parallel_loop3A_310 = arith.constant 16 : i32
      %parallel_loop3A_311 = arith.muli %parallel_loop3A_14, %parallel_loop3A_310 : i32
      %parallel_loop3A_312 = arith.constant 32 : i32
      %parallel_loop3A_313 = arith.index_cast %parallel_loop3A_312 : i32 to index
      %parallel_loop3A_314 = arith.index_cast %parallel_loop3A_311 : i32 to index
      %parallel_loop3A_315 = tpu.vector_load %arg7[%parallel_loop3A_313, %parallel_loop3A_314] {strides = array<i32>} : memref<64x1024xf32, #tpu.memory_space<vmem>>, vector<16xf32>,
      tpu.vector_store %arg7[%parallel_loop3A_313, %parallel_loop3A_314], %parallel_loop3A_309 {strides = array<i32>} : memref<64x1024xf32, #tpu.memory_space<vmem>>, vector<16xf32>,
      %parallel_loop3A_316 = arith.constant 33 : i32
      %parallel_loop3A_317 = vector.broadcast %parallel_loop3A_316 : i32 to vector<16xi32>
      %parallel_loop3A_318 = tpu.vector_load_idx %arg5[%parallel_loop3A_317, %parallel_loop3A_18] : memref<64x512xf32, #tpu.memory_space<vmem>>[vector<16xi32>, vector<16xi32>], vector<16xf32>,
      %parallel_loop3A_319 = arith.constant 16 : i32
      %parallel_loop3A_320 = arith.muli %parallel_loop3A_14, %parallel_loop3A_319 : i32
      %parallel_loop3A_321 = arith.constant 33 : i32
      %parallel_loop3A_322 = arith.index_cast %parallel_loop3A_321 : i32 to index
      %parallel_loop3A_323 = arith.index_cast %parallel_loop3A_320 : i32 to index
      %parallel_loop3A_324 = tpu.vector_load %arg7[%parallel_loop3A_322, %parallel_loop3A_323] {strides = array<i32>} : memref<64x1024xf32, #tpu.memory_space<vmem>>, vector<16xf32>,
      tpu.vector_store %arg7[%parallel_loop3A_322, %parallel_loop3A_323], %parallel_loop3A_318 {strides = array<i32>} : memref<64x1024xf32, #tpu.memory_space<vmem>>, vector<16xf32>,
      %parallel_loop3A_325 = arith.constant 34 : i32
      %parallel_loop3A_326 = vector.broadcast %parallel_loop3A_325 : i32 to vector<16xi32>
      %parallel_loop3A_327 = tpu.vector_load_idx %arg5[%parallel_loop3A_326, %parallel_loop3A_18] : memref<64x512xf32, #tpu.memory_space<vmem>>[vector<16xi32>, vector<16xi32>], vector<16xf32>,
      %parallel_loop3A_328 = arith.constant 16 : i32
      %parallel_loop3A_329 = arith.muli %parallel_loop3A_14, %parallel_loop3A_328 : i32
      %parallel_loop3A_330 = arith.constant 34 : i32
      %parallel_loop3A_331 = arith.index_cast %parallel_loop3A_330 : i32 to index
      %parallel_loop3A_332 = arith.index_cast %parallel_loop3A_329 : i32 to index
      %parallel_loop3A_333 = tpu.vector_load %arg7[%parallel_loop3A_331, %parallel_loop3A_332] {strides = array<i32>} : memref<64x1024xf32, #tpu.memory_space<vmem>>, vector<16xf32>,
      tpu.vector_store %arg7[%parallel_loop3A_331, %parallel_loop3A_332], %parallel_loop3A_327 {strides = array<i32>} : memref<64x1024xf32, #tpu.memory_space<vmem>>, vector<16xf32>,
      %parallel_loop3A_334 = arith.constant 35 : i32
      %parallel_loop3A_335 = vector.broadcast %parallel_loop3A_334 : i32 to vector<16xi32>
      %parallel_loop3A_336 = tpu.vector_load_idx %arg5[%parallel_loop3A_335, %parallel_loop3A_18] : memref<64x512xf32, #tpu.memory_space<vmem>>[vector<16xi32>, vector<16xi32>], vector<16xf32>,
      %parallel_loop3A_337 = arith.constant 16 : i32
      %parallel_loop3A_338 = arith.muli %parallel_loop3A_14, %parallel_loop3A_337 : i32
      %parallel_loop3A_339 = arith.constant 35 : i32
      %parallel_loop3A_340 = arith.index_cast %parallel_loop3A_339 : i32 to index
      %parallel_loop3A_341 = arith.index_cast %parallel_loop3A_338 : i32 to index
      %parallel_loop3A_342 = tpu.vector_load %arg7[%parallel_loop3A_340, %parallel_loop3A_341] {strides = array<i32>} : memref<64x1024xf32, #tpu.memory_space<vmem>>, vector<16xf32>,
      tpu.vector_store %arg7[%parallel_loop3A_340, %parallel_loop3A_341], %parallel_loop3A_336 {strides = array<i32>} : memref<64x1024xf32, #tpu.memory_space<vmem>>, vector<16xf32>,
      %parallel_loop3A_343 = arith.constant 36 : i32
      %parallel_loop3A_344 = vector.broadcast %parallel_loop3A_343 : i32 to vector<16xi32>
      %parallel_loop3A_345 = tpu.vector_load_idx %arg5[%parallel_loop3A_344, %parallel_loop3A_18] : memref<64x512xf32, #tpu.memory_space<vmem>>[vector<16xi32>, vector<16xi32>], vector<16xf32>,
      %parallel_loop3A_346 = arith.constant 16 : i32
      %parallel_loop3A_347 = arith.muli %parallel_loop3A_14, %parallel_loop3A_346 : i32
      %parallel_loop3A_348 = arith.constant 36 : i32
      %parallel_loop3A_349 = arith.index_cast %parallel_loop3A_348 : i32 to index
      %parallel_loop3A_350 = arith.index_cast %parallel_loop3A_347 : i32 to index
      %parallel_loop3A_351 = tpu.vector_load %arg7[%parallel_loop3A_349, %parallel_loop3A_350] {strides = array<i32>} : memref<64x1024xf32, #tpu.memory_space<vmem>>, vector<16xf32>,
      tpu.vector_store %arg7[%parallel_loop3A_349, %parallel_loop3A_350], %parallel_loop3A_345 {strides = array<i32>} : memref<64x1024xf32, #tpu.memory_space<vmem>>, vector<16xf32>,
      %parallel_loop3A_352 = arith.constant 37 : i32
      %parallel_loop3A_353 = vector.broadcast %parallel_loop3A_352 : i32 to vector<16xi32>
      %parallel_loop3A_354 = tpu.vector_load_idx %arg5[%parallel_loop3A_353, %parallel_loop3A_18] : memref<64x512xf32, #tpu.memory_space<vmem>>[vector<16xi32>, vector<16xi32>], vector<16xf32>,
      %parallel_loop3A_355 = arith.constant 16 : i32
      %parallel_loop3A_356 = arith.muli %parallel_loop3A_14, %parallel_loop3A_355 : i32
      %parallel_loop3A_357 = arith.constant 37 : i32
      %parallel_loop3A_358 = arith.index_cast %parallel_loop3A_357 : i32 to index
      %parallel_loop3A_359 = arith.index_cast %parallel_loop3A_356 : i32 to index
      %parallel_loop3A_360 = tpu.vector_load %arg7[%parallel_loop3A_358, %parallel_loop3A_359] {strides = array<i32>} : memref<64x1024xf32, #tpu.memory_space<vmem>>, vector<16xf32>,
      tpu.vector_store %arg7[%parallel_loop3A_358, %parallel_loop3A_359], %parallel_loop3A_354 {strides = array<i32>} : memref<64x1024xf32, #tpu.memory_space<vmem>>, vector<16xf32>,
      %parallel_loop3A_361 = arith.constant 38 : i32
      %parallel_loop3A_362 = vector.broadcast %parallel_loop3A_361 : i32 to vector<16xi32>
      %parallel_loop3A_363 = tpu.vector_load_idx %arg5[%parallel_loop3A_362, %parallel_loop3A_18] : memref<64x512xf32, #tpu.memory_space<vmem>>[vector<16xi32>, vector<16xi32>], vector<16xf32>,
      %parallel_loop3A_364 = arith.constant 16 : i32
      %parallel_loop3A_365 = arith.muli %parallel_loop3A_14, %parallel_loop3A_364 : i32
      %parallel_loop3A_366 = arith.constant 38 : i32
      %parallel_loop3A_367 = arith.index_cast %parallel_loop3A_366 : i32 to index
      %parallel_loop3A_368 = arith.index_cast %parallel_loop3A_365 : i32 to index
      %parallel_loop3A_369 = tpu.vector_load %arg7[%parallel_loop3A_367, %parallel_loop3A_368] {strides = array<i32>} : memref<64x1024xf32, #tpu.memory_space<vmem>>, vector<16xf32>,
      tpu.vector_store %arg7[%parallel_loop3A_367, %parallel_loop3A_368], %parallel_loop3A_363 {strides = array<i32>} : memref<64x1024xf32, #tpu.memory_space<vmem>>, vector<16xf32>,
      %parallel_loop3A_370 = arith.constant 39 : i32
      %parallel_loop3A_371 = vector.broadcast %parallel_loop3A_370 : i32 to vector<16xi32>
      %parallel_loop3A_372 = tpu.vector_load_idx %arg5[%parallel_loop3A_371, %parallel_loop3A_18] : memref<64x512xf32, #tpu.memory_space<vmem>>[vector<16xi32>, vector<16xi32>], vector<16xf32>,
      %parallel_loop3A_373 = arith.constant 16 : i32
      %parallel_loop3A_374 = arith.muli %parallel_loop3A_14, %parallel_loop3A_373 : i32
      %parallel_loop3A_375 = arith.constant 39 : i32
      %parallel_loop3A_376 = arith.index_cast %parallel_loop3A_375 : i32 to index
      %parallel_loop3A_377 = arith.index_cast %parallel_loop3A_374 : i32 to index
      %parallel_loop3A_378 = tpu.vector_load %arg7[%parallel_loop3A_376, %parallel_loop3A_377] {strides = array<i32>} : memref<64x1024xf32, #tpu.memory_space<vmem>>, vector<16xf32>,
      tpu.vector_store %arg7[%parallel_loop3A_376, %parallel_loop3A_377], %parallel_loop3A_372 {strides = array<i32>} : memref<64x1024xf32, #tpu.memory_space<vmem>>, vector<16xf32>,
      %parallel_loop3A_379 = arith.constant 40 : i32
      %parallel_loop3A_380 = vector.broadcast %parallel_loop3A_379 : i32 to vector<16xi32>
      %parallel_loop3A_381 = tpu.vector_load_idx %arg5[%parallel_loop3A_380, %parallel_loop3A_18] : memref<64x512xf32, #tpu.memory_space<vmem>>[vector<16xi32>, vector<16xi32>], vector<16xf32>,
      %parallel_loop3A_382 = arith.constant 16 : i32
      %parallel_loop3A_383 = arith.muli %parallel_loop3A_14, %parallel_loop3A_382 : i32
      %parallel_loop3A_384 = arith.constant 40 : i32
      %parallel_loop3A_385 = arith.index_cast %parallel_loop3A_384 : i32 to index
      %parallel_loop3A_386 = arith.index_cast %parallel_loop3A_383 : i32 to index
      %parallel_loop3A_387 = tpu.vector_load %arg7[%parallel_loop3A_385, %parallel_loop3A_386] {strides = array<i32>} : memref<64x1024xf32, #tpu.memory_space<vmem>>, vector<16xf32>,
      tpu.vector_store %arg7[%parallel_loop3A_385, %parallel_loop3A_386], %parallel_loop3A_381 {strides = array<i32>} : memref<64x1024xf32, #tpu.memory_space<vmem>>, vector<16xf32>,
      %parallel_loop3A_388 = arith.constant 41 : i32
      %parallel_loop3A_389 = vector.broadcast %parallel_loop3A_388 : i32 to vector<16xi32>
      %parallel_loop3A_390 = tpu.vector_load_idx %arg5[%parallel_loop3A_389, %parallel_loop3A_18] : memref<64x512xf32, #tpu.memory_space<vmem>>[vector<16xi32>, vector<16xi32>], vector<16xf32>,
      %parallel_loop3A_391 = arith.constant 16 : i32
      %parallel_loop3A_392 = arith.muli %parallel_loop3A_14, %parallel_loop3A_391 : i32
      %parallel_loop3A_393 = arith.constant 41 : i32
      %parallel_loop3A_394 = arith.index_cast %parallel_loop3A_393 : i32 to index
      %parallel_loop3A_395 = arith.index_cast %parallel_loop3A_392 : i32 to index
      %parallel_loop3A_396 = tpu.vector_load %arg7[%parallel_loop3A_394, %parallel_loop3A_395] {strides = array<i32>} : memref<64x1024xf32, #tpu.memory_space<vmem>>, vector<16xf32>,
      tpu.vector_store %arg7[%parallel_loop3A_394, %parallel_loop3A_395], %parallel_loop3A_390 {strides = array<i32>} : memref<64x1024xf32, #tpu.memory_space<vmem>>, vector<16xf32>,
      %parallel_loop3A_397 = arith.constant 42 : i32
      %parallel_loop3A_398 = vector.broadcast %parallel_loop3A_397 : i32 to vector<16xi32>
      %parallel_loop3A_399 = tpu.vector_load_idx %arg5[%parallel_loop3A_398, %parallel_loop3A_18] : memref<64x512xf32, #tpu.memory_space<vmem>>[vector<16xi32>, vector<16xi32>], vector<16xf32>,
      %parallel_loop3A_400 = arith.constant 16 : i32
      %parallel_loop3A_401 = arith.muli %parallel_loop3A_14, %parallel_loop3A_400 : i32
      %parallel_loop3A_402 = arith.constant 42 : i32
      %parallel_loop3A_403 = arith.index_cast %parallel_loop3A_402 : i32 to index
      %parallel_loop3A_404 = arith.index_cast %parallel_loop3A_401 : i32 to index
      %parallel_loop3A_405 = tpu.vector_load %arg7[%parallel_loop3A_403, %parallel_loop3A_404] {strides = array<i32>} : memref<64x1024xf32, #tpu.memory_space<vmem>>, vector<16xf32>,
      tpu.vector_store %arg7[%parallel_loop3A_403, %parallel_loop3A_404], %parallel_loop3A_399 {strides = array<i32>} : memref<64x1024xf32, #tpu.memory_space<vmem>>, vector<16xf32>,
      %parallel_loop3A_406 = arith.constant 43 : i32
      %parallel_loop3A_407 = vector.broadcast %parallel_loop3A_406 : i32 to vector<16xi32>
      %parallel_loop3A_408 = tpu.vector_load_idx %arg5[%parallel_loop3A_407, %parallel_loop3A_18] : memref<64x512xf32, #tpu.memory_space<vmem>>[vector<16xi32>, vector<16xi32>], vector<16xf32>,
      %parallel_loop3A_409 = arith.constant 16 : i32
      %parallel_loop3A_410 = arith.muli %parallel_loop3A_14, %parallel_loop3A_409 : i32
      %parallel_loop3A_411 = arith.constant 43 : i32
      %parallel_loop3A_412 = arith.index_cast %parallel_loop3A_411 : i32 to index
      %parallel_loop3A_413 = arith.index_cast %parallel_loop3A_410 : i32 to index
      %parallel_loop3A_414 = tpu.vector_load %arg7[%parallel_loop3A_412, %parallel_loop3A_413] {strides = array<i32>} : memref<64x1024xf32, #tpu.memory_space<vmem>>, vector<16xf32>,
      tpu.vector_store %arg7[%parallel_loop3A_412, %parallel_loop3A_413], %parallel_loop3A_408 {strides = array<i32>} : memref<64x1024xf32, #tpu.memory_space<vmem>>, vector<16xf32>,
      %parallel_loop3A_415 = arith.constant 44 : i32
      %parallel_loop3A_416 = vector.broadcast %parallel_loop3A_415 : i32 to vector<16xi32>
      %parallel_loop3A_417 = tpu.vector_load_idx %arg5[%parallel_loop3A_416, %parallel_loop3A_18] : memref<64x512xf32, #tpu.memory_space<vmem>>[vector<16xi32>, vector<16xi32>], vector<16xf32>,
      %parallel_loop3A_418 = arith.constant 16 : i32
      %parallel_loop3A_419 = arith.muli %parallel_loop3A_14, %parallel_loop3A_418 : i32
      %parallel_loop3A_420 = arith.constant 44 : i32
      %parallel_loop3A_421 = arith.index_cast %parallel_loop3A_420 : i32 to index
      %parallel_loop3A_422 = arith.index_cast %parallel_loop3A_419 : i32 to index
      %parallel_loop3A_423 = tpu.vector_load %arg7[%parallel_loop3A_421, %parallel_loop3A_422] {strides = array<i32>} : memref<64x1024xf32, #tpu.memory_space<vmem>>, vector<16xf32>,
      tpu.vector_store %arg7[%parallel_loop3A_421, %parallel_loop3A_422], %parallel_loop3A_417 {strides = array<i32>} : memref<64x1024xf32, #tpu.memory_space<vmem>>, vector<16xf32>,
      %parallel_loop3A_424 = arith.constant 45 : i32
      %parallel_loop3A_425 = vector.broadcast %parallel_loop3A_424 : i32 to vector<16xi32>
      %parallel_loop3A_426 = tpu.vector_load_idx %arg5[%parallel_loop3A_425, %parallel_loop3A_18] : memref<64x512xf32, #tpu.memory_space<vmem>>[vector<16xi32>, vector<16xi32>], vector<16xf32>,
      %parallel_loop3A_427 = arith.constant 16 : i32
      %parallel_loop3A_428 = arith.muli %parallel_loop3A_14, %parallel_loop3A_427 : i32
      %parallel_loop3A_429 = arith.constant 45 : i32
      %parallel_loop3A_430 = arith.index_cast %parallel_loop3A_429 : i32 to index
      %parallel_loop3A_431 = arith.index_cast %parallel_loop3A_428 : i32 to index
      %parallel_loop3A_432 = tpu.vector_load %arg7[%parallel_loop3A_430, %parallel_loop3A_431] {strides = array<i32>} : memref<64x1024xf32, #tpu.memory_space<vmem>>, vector<16xf32>,
      tpu.vector_store %arg7[%parallel_loop3A_430, %parallel_loop3A_431], %parallel_loop3A_426 {strides = array<i32>} : memref<64x1024xf32, #tpu.memory_space<vmem>>, vector<16xf32>,
      %parallel_loop3A_433 = arith.constant 46 : i32
      %parallel_loop3A_434 = vector.broadcast %parallel_loop3A_433 : i32 to vector<16xi32>
      %parallel_loop3A_435 = tpu.vector_load_idx %arg5[%parallel_loop3A_434, %parallel_loop3A_18] : memref<64x512xf32, #tpu.memory_space<vmem>>[vector<16xi32>, vector<16xi32>], vector<16xf32>,
      %parallel_loop3A_436 = arith.constant 16 : i32
      %parallel_loop3A_437 = arith.muli %parallel_loop3A_14, %parallel_loop3A_436 : i32
      %parallel_loop3A_438 = arith.constant 46 : i32
      %parallel_loop3A_439 = arith.index_cast %parallel_loop3A_438 : i32 to index
      %parallel_loop3A_440 = arith.index_cast %parallel_loop3A_437 : i32 to index
      %parallel_loop3A_441 = tpu.vector_load %arg7[%parallel_loop3A_439, %parallel_loop3A_440] {strides = array<i32>} : memref<64x1024xf32, #tpu.memory_space<vmem>>, vector<16xf32>,
      tpu.vector_store %arg7[%parallel_loop3A_439, %parallel_loop3A_440], %parallel_loop3A_435 {strides = array<i32>} : memref<64x1024xf32, #tpu.memory_space<vmem>>, vector<16xf32>,
      %parallel_loop3A_442 = arith.constant 47 : i32
      %parallel_loop3A_443 = vector.broadcast %parallel_loop3A_442 : i32 to vector<16xi32>
      %parallel_loop3A_444 = tpu.vector_load_idx %arg5[%parallel_loop3A_443, %parallel_loop3A_18] : memref<64x512xf32, #tpu.memory_space<vmem>>[vector<16xi32>, vector<16xi32>], vector<16xf32>,
      %parallel_loop3A_445 = arith.constant 16 : i32
      %parallel_loop3A_446 = arith.muli %parallel_loop3A_14, %parallel_loop3A_445 : i32
      %parallel_loop3A_447 = arith.constant 47 : i32
      %parallel_loop3A_448 = arith.index_cast %parallel_loop3A_447 : i32 to index
      %parallel_loop3A_449 = arith.index_cast %parallel_loop3A_446 : i32 to index
      %parallel_loop3A_450 = tpu.vector_load %arg7[%parallel_loop3A_448, %parallel_loop3A_449] {strides = array<i32>} : memref<64x1024xf32, #tpu.memory_space<vmem>>, vector<16xf32>,
      tpu.vector_store %arg7[%parallel_loop3A_448, %parallel_loop3A_449], %parallel_loop3A_444 {strides = array<i32>} : memref<64x1024xf32, #tpu.memory_space<vmem>>, vector<16xf32>,
      %parallel_loop3A_451 = arith.constant 48 : i32
      %parallel_loop3A_452 = vector.broadcast %parallel_loop3A_451 : i32 to vector<16xi32>
      %parallel_loop3A_453 = tpu.vector_load_idx %arg5[%parallel_loop3A_452, %parallel_loop3A_18] : memref<64x512xf32, #tpu.memory_space<vmem>>[vector<16xi32>, vector<16xi32>], vector<16xf32>,
      %parallel_loop3A_454 = arith.constant 16 : i32
      %parallel_loop3A_455 = arith.muli %parallel_loop3A_14, %parallel_loop3A_454 : i32
      %parallel_loop3A_456 = arith.constant 48 : i32
      %parallel_loop3A_457 = arith.index_cast %parallel_loop3A_456 : i32 to index
      %parallel_loop3A_458 = arith.index_cast %parallel_loop3A_455 : i32 to index
      %parallel_loop3A_459 = tpu.vector_load %arg7[%parallel_loop3A_457, %parallel_loop3A_458] {strides = array<i32>} : memref<64x1024xf32, #tpu.memory_space<vmem>>, vector<16xf32>,
      tpu.vector_store %arg7[%parallel_loop3A_457, %parallel_loop3A_458], %parallel_loop3A_453 {strides = array<i32>} : memref<64x1024xf32, #tpu.memory_space<vmem>>, vector<16xf32>,
      %parallel_loop3A_460 = arith.constant 49 : i32
      %parallel_loop3A_461 = vector.broadcast %parallel_loop3A_460 : i32 to vector<16xi32>
      %parallel_loop3A_462 = tpu.vector_load_idx %arg5[%parallel_loop3A_461, %parallel_loop3A_18] : memref<64x512xf32, #tpu.memory_space<vmem>>[vector<16xi32>, vector<16xi32>], vector<16xf32>,
      %parallel_loop3A_463 = arith.constant 16 : i32
      %parallel_loop3A_464 = arith.muli %parallel_loop3A_14, %parallel_loop3A_463 : i32
      %parallel_loop3A_465 = arith.constant 49 : i32
      %parallel_loop3A_466 = arith.index_cast %parallel_loop3A_465 : i32 to index
      %parallel_loop3A_467 = arith.index_cast %parallel_loop3A_464 : i32 to index
      %parallel_loop3A_468 = tpu.vector_load %arg7[%parallel_loop3A_466, %parallel_loop3A_467] {strides = array<i32>} : memref<64x1024xf32, #tpu.memory_space<vmem>>, vector<16xf32>,
      tpu.vector_store %arg7[%parallel_loop3A_466, %parallel_loop3A_467], %parallel_loop3A_462 {strides = array<i32>} : memref<64x1024xf32, #tpu.memory_space<vmem>>, vector<16xf32>,
      %parallel_loop3A_469 = arith.constant 50 : i32
      %parallel_loop3A_470 = vector.broadcast %parallel_loop3A_469 : i32 to vector<16xi32>
      %parallel_loop3A_471 = tpu.vector_load_idx %arg5[%parallel_loop3A_470, %parallel_loop3A_18] : memref<64x512xf32, #tpu.memory_space<vmem>>[vector<16xi32>, vector<16xi32>], vector<16xf32>,
      %parallel_loop3A_472 = arith.constant 16 : i32
      %parallel_loop3A_473 = arith.muli %parallel_loop3A_14, %parallel_loop3A_472 : i32
      %parallel_loop3A_474 = arith.constant 50 : i32
      %parallel_loop3A_475 = arith.index_cast %parallel_loop3A_474 : i32 to index
      %parallel_loop3A_476 = arith.index_cast %parallel_loop3A_473 : i32 to index
      %parallel_loop3A_477 = tpu.vector_load %arg7[%parallel_loop3A_475, %parallel_loop3A_476] {strides = array<i32>} : memref<64x1024xf32, #tpu.memory_space<vmem>>, vector<16xf32>,
      tpu.vector_store %arg7[%parallel_loop3A_475, %parallel_loop3A_476], %parallel_loop3A_471 {strides = array<i32>} : memref<64x1024xf32, #tpu.memory_space<vmem>>, vector<16xf32>,
      %parallel_loop3A_478 = arith.constant 51 : i32
      %parallel_loop3A_479 = vector.broadcast %parallel_loop3A_478 : i32 to vector<16xi32>
      %parallel_loop3A_480 = tpu.vector_load_idx %arg5[%parallel_loop3A_479, %parallel_loop3A_18] : memref<64x512xf32, #tpu.memory_space<vmem>>[vector<16xi32>, vector<16xi32>], vector<16xf32>,
      %parallel_loop3A_481 = arith.constant 16 : i32
      %parallel_loop3A_482 = arith.muli %parallel_loop3A_14, %parallel_loop3A_481 : i32
      %parallel_loop3A_483 = arith.constant 51 : i32
      %parallel_loop3A_484 = arith.index_cast %parallel_loop3A_483 : i32 to index
      %parallel_loop3A_485 = arith.index_cast %parallel_loop3A_482 : i32 to index
      %parallel_loop3A_486 = tpu.vector_load %arg7[%parallel_loop3A_484, %parallel_loop3A_485] {strides = array<i32>} : memref<64x1024xf32, #tpu.memory_space<vmem>>, vector<16xf32>,
      tpu.vector_store %arg7[%parallel_loop3A_484, %parallel_loop3A_485], %parallel_loop3A_480 {strides = array<i32>} : memref<64x1024xf32, #tpu.memory_space<vmem>>, vector<16xf32>,
      %parallel_loop3A_487 = arith.constant 52 : i32
      %parallel_loop3A_488 = vector.broadcast %parallel_loop3A_487 : i32 to vector<16xi32>
      %parallel_loop3A_489 = tpu.vector_load_idx %arg5[%parallel_loop3A_488, %parallel_loop3A_18] : memref<64x512xf32, #tpu.memory_space<vmem>>[vector<16xi32>, vector<16xi32>], vector<16xf32>,
      %parallel_loop3A_490 = arith.constant 16 : i32
      %parallel_loop3A_491 = arith.muli %parallel_loop3A_14, %parallel_loop3A_490 : i32
      %parallel_loop3A_492 = arith.constant 52 : i32
      %parallel_loop3A_493 = arith.index_cast %parallel_loop3A_492 : i32 to index
      %parallel_loop3A_494 = arith.index_cast %parallel_loop3A_491 : i32 to index
      %parallel_loop3A_495 = tpu.vector_load %arg7[%parallel_loop3A_493, %parallel_loop3A_494] {strides = array<i32>} : memref<64x1024xf32, #tpu.memory_space<vmem>>, vector<16xf32>,
      tpu.vector_store %arg7[%parallel_loop3A_493, %parallel_loop3A_494], %parallel_loop3A_489 {strides = array<i32>} : memref<64x1024xf32, #tpu.memory_space<vmem>>, vector<16xf32>,
      %parallel_loop3A_496 = arith.constant 53 : i32
      %parallel_loop3A_497 = vector.broadcast %parallel_loop3A_496 : i32 to vector<16xi32>
      %parallel_loop3A_498 = tpu.vector_load_idx %arg5[%parallel_loop3A_497, %parallel_loop3A_18] : memref<64x512xf32, #tpu.memory_space<vmem>>[vector<16xi32>, vector<16xi32>], vector<16xf32>,
      %parallel_loop3A_499 = arith.constant 16 : i32
      %parallel_loop3A_500 = arith.muli %parallel_loop3A_14, %parallel_loop3A_499 : i32
      %parallel_loop3A_501 = arith.constant 53 : i32
      %parallel_loop3A_502 = arith.index_cast %parallel_loop3A_501 : i32 to index
      %parallel_loop3A_503 = arith.index_cast %parallel_loop3A_500 : i32 to index
      %parallel_loop3A_504 = tpu.vector_load %arg7[%parallel_loop3A_502, %parallel_loop3A_503] {strides = array<i32>} : memref<64x1024xf32, #tpu.memory_space<vmem>>, vector<16xf32>,
      tpu.vector_store %arg7[%parallel_loop3A_502, %parallel_loop3A_503], %parallel_loop3A_498 {strides = array<i32>} : memref<64x1024xf32, #tpu.memory_space<vmem>>, vector<16xf32>,
      %parallel_loop3A_505 = arith.constant 54 : i32
      %parallel_loop3A_506 = vector.broadcast %parallel_loop3A_505 : i32 to vector<16xi32>
      %parallel_loop3A_507 = tpu.vector_load_idx %arg5[%parallel_loop3A_506, %parallel_loop3A_18] : memref<64x512xf32, #tpu.memory_space<vmem>>[vector<16xi32>, vector<16xi32>], vector<16xf32>,
      %parallel_loop3A_508 = arith.constant 16 : i32
      %parallel_loop3A_509 = arith.muli %parallel_loop3A_14, %parallel_loop3A_508 : i32
      %parallel_loop3A_510 = arith.constant 54 : i32
      %parallel_loop3A_511 = arith.index_cast %parallel_loop3A_510 : i32 to index
      %parallel_loop3A_512 = arith.index_cast %parallel_loop3A_509 : i32 to index
      %parallel_loop3A_513 = tpu.vector_load %arg7[%parallel_loop3A_511, %parallel_loop3A_512] {strides = array<i32>} : memref<64x1024xf32, #tpu.memory_space<vmem>>, vector<16xf32>,
      tpu.vector_store %arg7[%parallel_loop3A_511, %parallel_loop3A_512], %parallel_loop3A_507 {strides = array<i32>} : memref<64x1024xf32, #tpu.memory_space<vmem>>, vector<16xf32>,
      %parallel_loop3A_514 = arith.constant 55 : i32
      %parallel_loop3A_515 = vector.broadcast %parallel_loop3A_514 : i32 to vector<16xi32>
      %parallel_loop3A_516 = tpu.vector_load_idx %arg5[%parallel_loop3A_515, %parallel_loop3A_18] : memref<64x512xf32, #tpu.memory_space<vmem>>[vector<16xi32>, vector<16xi32>], vector<16xf32>,
      %parallel_loop3A_517 = arith.constant 16 : i32
      %parallel_loop3A_518 = arith.muli %parallel_loop3A_14, %parallel_loop3A_517 : i32
      %parallel_loop3A_519 = arith.constant 55 : i32
      %parallel_loop3A_520 = arith.index_cast %parallel_loop3A_519 : i32 to index
      %parallel_loop3A_521 = arith.index_cast %parallel_loop3A_518 : i32 to index
      %parallel_loop3A_522 = tpu.vector_load %arg7[%parallel_loop3A_520, %parallel_loop3A_521] {strides = array<i32>} : memref<64x1024xf32, #tpu.memory_space<vmem>>, vector<16xf32>,
      tpu.vector_store %arg7[%parallel_loop3A_520, %parallel_loop3A_521], %parallel_loop3A_516 {strides = array<i32>} : memref<64x1024xf32, #tpu.memory_space<vmem>>, vector<16xf32>,
      %parallel_loop3A_523 = arith.constant 56 : i32
      %parallel_loop3A_524 = vector.broadcast %parallel_loop3A_523 : i32 to vector<16xi32>
      %parallel_loop3A_525 = tpu.vector_load_idx %arg5[%parallel_loop3A_524, %parallel_loop3A_18] : memref<64x512xf32, #tpu.memory_space<vmem>>[vector<16xi32>, vector<16xi32>], vector<16xf32>,
      %parallel_loop3A_526 = arith.constant 16 : i32
      %parallel_loop3A_527 = arith.muli %parallel_loop3A_14, %parallel_loop3A_526 : i32
      %parallel_loop3A_528 = arith.constant 56 : i32
      %parallel_loop3A_529 = arith.index_cast %parallel_loop3A_528 : i32 to index
      %parallel_loop3A_530 = arith.index_cast %parallel_loop3A_527 : i32 to index
      %parallel_loop3A_531 = tpu.vector_load %arg7[%parallel_loop3A_529, %parallel_loop3A_530] {strides = array<i32>} : memref<64x1024xf32, #tpu.memory_space<vmem>>, vector<16xf32>,
      tpu.vector_store %arg7[%parallel_loop3A_529, %parallel_loop3A_530], %parallel_loop3A_525 {strides = array<i32>} : memref<64x1024xf32, #tpu.memory_space<vmem>>, vector<16xf32>,
      %parallel_loop3A_532 = arith.constant 57 : i32
      %parallel_loop3A_533 = vector.broadcast %parallel_loop3A_532 : i32 to vector<16xi32>
      %parallel_loop3A_534 = tpu.vector_load_idx %arg5[%parallel_loop3A_533, %parallel_loop3A_18] : memref<64x512xf32, #tpu.memory_space<vmem>>[vector<16xi32>, vector<16xi32>], vector<16xf32>,
      %parallel_loop3A_535 = arith.constant 16 : i32
      %parallel_loop3A_536 = arith.muli %parallel_loop3A_14, %parallel_loop3A_535 : i32
      %parallel_loop3A_537 = arith.constant 57 : i32
      %parallel_loop3A_538 = arith.index_cast %parallel_loop3A_537 : i32 to index
      %parallel_loop3A_539 = arith.index_cast %parallel_loop3A_536 : i32 to index
      %parallel_loop3A_540 = tpu.vector_load %arg7[%parallel_loop3A_538, %parallel_loop3A_539] {strides = array<i32>} : memref<64x1024xf32, #tpu.memory_space<vmem>>, vector<16xf32>,
      tpu.vector_store %arg7[%parallel_loop3A_538, %parallel_loop3A_539], %parallel_loop3A_534 {strides = array<i32>} : memref<64x1024xf32, #tpu.memory_space<vmem>>, vector<16xf32>,
      %parallel_loop3A_541 = arith.constant 58 : i32
      %parallel_loop3A_542 = vector.broadcast %parallel_loop3A_541 : i32 to vector<16xi32>
      %parallel_loop3A_543 = tpu.vector_load_idx %arg5[%parallel_loop3A_542, %parallel_loop3A_18] : memref<64x512xf32, #tpu.memory_space<vmem>>[vector<16xi32>, vector<16xi32>], vector<16xf32>,
      %parallel_loop3A_544 = arith.constant 16 : i32
      %parallel_loop3A_545 = arith.muli %parallel_loop3A_14, %parallel_loop3A_544 : i32
      %parallel_loop3A_546 = arith.constant 58 : i32
      %parallel_loop3A_547 = arith.index_cast %parallel_loop3A_546 : i32 to index
      %parallel_loop3A_548 = arith.index_cast %parallel_loop3A_545 : i32 to index
      %parallel_loop3A_549 = tpu.vector_load %arg7[%parallel_loop3A_547, %parallel_loop3A_548] {strides = array<i32>} : memref<64x1024xf32, #tpu.memory_space<vmem>>, vector<16xf32>,
      tpu.vector_store %arg7[%parallel_loop3A_547, %parallel_loop3A_548], %parallel_loop3A_543 {strides = array<i32>} : memref<64x1024xf32, #tpu.memory_space<vmem>>, vector<16xf32>,
      %parallel_loop3A_550 = arith.constant 59 : i32
      %parallel_loop3A_551 = vector.broadcast %parallel_loop3A_550 : i32 to vector<16xi32>
      %parallel_loop3A_552 = tpu.vector_load_idx %arg5[%parallel_loop3A_551, %parallel_loop3A_18] : memref<64x512xf32, #tpu.memory_space<vmem>>[vector<16xi32>, vector<16xi32>], vector<16xf32>,
      %parallel_loop3A_553 = arith.constant 16 : i32
      %parallel_loop3A_554 = arith.muli %parallel_loop3A_14, %parallel_loop3A_553 : i32
      %parallel_loop3A_555 = arith.constant 59 : i32
      %parallel_loop3A_556 = arith.index_cast %parallel_loop3A_555 : i32 to index
      %parallel_loop3A_557 = arith.index_cast %parallel_loop3A_554 : i32 to index
      %parallel_loop3A_558 = tpu.vector_load %arg7[%parallel_loop3A_556, %parallel_loop3A_557] {strides = array<i32>} : memref<64x1024xf32, #tpu.memory_space<vmem>>, vector<16xf32>,
      tpu.vector_store %arg7[%parallel_loop3A_556, %parallel_loop3A_557], %parallel_loop3A_552 {strides = array<i32>} : memref<64x1024xf32, #tpu.memory_space<vmem>>, vector<16xf32>,
      %parallel_loop3A_559 = arith.constant 60 : i32
      %parallel_loop3A_560 = vector.broadcast %parallel_loop3A_559 : i32 to vector<16xi32>
      %parallel_loop3A_561 = tpu.vector_load_idx %arg5[%parallel_loop3A_560, %parallel_loop3A_18] : memref<64x512xf32, #tpu.memory_space<vmem>>[vector<16xi32>, vector<16xi32>], vector<16xf32>,
      %parallel_loop3A_562 = arith.constant 16 : i32
      %parallel_loop3A_563 = arith.muli %parallel_loop3A_14, %parallel_loop3A_562 : i32
      %parallel_loop3A_564 = arith.constant 60 : i32
      %parallel_loop3A_565 = arith.index_cast %parallel_loop3A_564 : i32 to index
      %parallel_loop3A_566 = arith.index_cast %parallel_loop3A_563 : i32 to index
      %parallel_loop3A_567 = tpu.vector_load %arg7[%parallel_loop3A_565, %parallel_loop3A_566] {strides = array<i32>} : memref<64x1024xf32, #tpu.memory_space<vmem>>, vector<16xf32>,
      tpu.vector_store %arg7[%parallel_loop3A_565, %parallel_loop3A_566], %parallel_loop3A_561 {strides = array<i32>} : memref<64x1024xf32, #tpu.memory_space<vmem>>, vector<16xf32>,
      %parallel_loop3A_568 = arith.constant 61 : i32
      %parallel_loop3A_569 = vector.broadcast %parallel_loop3A_568 : i32 to vector<16xi32>
      %parallel_loop3A_570 = tpu.vector_load_idx %arg5[%parallel_loop3A_569, %parallel_loop3A_18] : memref<64x512xf32, #tpu.memory_space<vmem>>[vector<16xi32>, vector<16xi32>], vector<16xf32>,
      %parallel_loop3A_571 = arith.constant 16 : i32
      %parallel_loop3A_572 = arith.muli %parallel_loop3A_14, %parallel_loop3A_571 : i32
      %parallel_loop3A_573 = arith.constant 61 : i32
      %parallel_loop3A_574 = arith.index_cast %parallel_loop3A_573 : i32 to index
      %parallel_loop3A_575 = arith.index_cast %parallel_loop3A_572 : i32 to index
      %parallel_loop3A_576 = tpu.vector_load %arg7[%parallel_loop3A_574, %parallel_loop3A_575] {strides = array<i32>} : memref<64x1024xf32, #tpu.memory_space<vmem>>, vector<16xf32>,
      tpu.vector_store %arg7[%parallel_loop3A_574, %parallel_loop3A_575], %parallel_loop3A_570 {strides = array<i32>} : memref<64x1024xf32, #tpu.memory_space<vmem>>, vector<16xf32>,
      %parallel_loop3A_577 = arith.constant 62 : i32
      %parallel_loop3A_578 = vector.broadcast %parallel_loop3A_577 : i32 to vector<16xi32>
      %parallel_loop3A_579 = tpu.vector_load_idx %arg5[%parallel_loop3A_578, %parallel_loop3A_18] : memref<64x512xf32, #tpu.memory_space<vmem>>[vector<16xi32>, vector<16xi32>], vector<16xf32>,
      %parallel_loop3A_580 = arith.constant 16 : i32
      %parallel_loop3A_581 = arith.muli %parallel_loop3A_14, %parallel_loop3A_580 : i32
      %parallel_loop3A_582 = arith.constant 62 : i32
      %parallel_loop3A_583 = arith.index_cast %parallel_loop3A_582 : i32 to index
      %parallel_loop3A_584 = arith.index_cast %parallel_loop3A_581 : i32 to index
      %parallel_loop3A_585 = tpu.vector_load %arg7[%parallel_loop3A_583, %parallel_loop3A_584] {strides = array<i32>} : memref<64x1024xf32, #tpu.memory_space<vmem>>, vector<16xf32>,
      tpu.vector_store %arg7[%parallel_loop3A_583, %parallel_loop3A_584], %parallel_loop3A_579 {strides = array<i32>} : memref<64x1024xf32, #tpu.memory_space<vmem>>, vector<16xf32>,
      %parallel_loop3A_586 = arith.constant 63 : i32
      %parallel_loop3A_587 = vector.broadcast %parallel_loop3A_586 : i32 to vector<16xi32>
      %parallel_loop3A_588 = tpu.vector_load_idx %arg5[%parallel_loop3A_587, %parallel_loop3A_18] : memref<64x512xf32, #tpu.memory_space<vmem>>[vector<16xi32>, vector<16xi32>], vector<16xf32>,
      %parallel_loop3A_589 = arith.constant 16 : i32
      %parallel_loop3A_590 = arith.muli %parallel_loop3A_14, %parallel_loop3A_589 : i32
      %parallel_loop3A_591 = arith.constant 63 : i32
      %parallel_loop3A_592 = arith.index_cast %parallel_loop3A_591 : i32 to index
      %parallel_loop3A_593 = arith.index_cast %parallel_loop3A_590 : i32 to index
      %parallel_loop3A_594 = tpu.vector_load %arg7[%parallel_loop3A_592, %parallel_loop3A_593] {strides = array<i32>} : memref<64x1024xf32, #tpu.memory_space<vmem>>, vector<16xf32>,
      tpu.vector_store %arg7[%parallel_loop3A_592, %parallel_loop3A_593], %parallel_loop3A_588 {strides = array<i32>} : memref<64x1024xf32, #tpu.memory_space<vmem>>, vector<16xf32>,
    } {sc.loop_unroll_factor = 2 : i64, sc.parallel_access}
    "tpu.region"() ({
      %run_scoped3A = tpu.sem_alloc : memref<!tpu.dma_semaphore, #tpu.memory_space<semaphore_mem>>
      %dma_start3A = arith.constant 0 : i32
      %dma_start3A_14 = arith.constant 0 : i32
      %dma_start3A_15 = tpu.memref_slice %arg4[%add3A_4, %dma_start3A, %dma_start3A_14] : memref<64x64x1024xf32, #tpu.memory_space<hbm>> -> memref<1x64x1024xf32, #tpu.memory_space<hbm>>
      %dma_start3A_16 = tpu.memref_squeeze %dma_start3A_15 : memref<1x64x1024xf32, #tpu.memory_space<hbm>> -> memref<64x1024xf32, #tpu.memory_space<hbm>>
      %dma_start3A_17 = arith.constant 0 : i32
      %dma_start3A_18 = arith.constant 0 : i32
      %dma_start3A_19 = tpu.memref_slice %arg4[%add3A_4, %dma_start3A_17, %dma_start3A_18] : memref<64x64x1024xf32, #tpu.memory_space<hbm>> -> memref<1x64x1024xf32, #tpu.memory_space<hbm>>
      %dma_start3A_20 = tpu.memref_squeeze %dma_start3A_19 : memref<1x64x1024xf32, #tpu.memory_space<hbm>> -> memref<64x1024xf32, #tpu.memory_space<hbm>>
      tpu.enqueue_dma source(%arg7 : memref<64x1024xf32, #tpu.memory_space<vmem>>) target(%dma_start3A_20 : memref<64x1024xf32, #tpu.memory_space<hbm>>) target_semaphore(%run_scoped3A : memref<!tpu.dma_semaphore, #tpu.memory_space<semaphore_mem>>)
      %dma_wait3A = arith.constant 0 : i32
      %dma_wait3A_21 = arith.constant 0 : i32
      %dma_wait3A_22 = tpu.memref_slice %arg4[%add3A_4, %dma_wait3A, %dma_wait3A_21] : memref<64x64x1024xf32, #tpu.memory_space<hbm>> -> memref<1x64x1024xf32, #tpu.memory_space<hbm>>
      %dma_wait3A_23 = tpu.memref_squeeze %dma_wait3A_22 : memref<1x64x1024xf32, #tpu.memory_space<hbm>> -> memref<64x1024xf32, #tpu.memory_space<hbm>>
      %dma_wait3A_24 = arith.constant 0 : i32
      %dma_wait3A_25 = arith.constant 0 : i32
      %dma_wait3A_26 = tpu.memref_slice %arg4[%add3A_4, %dma_wait3A_24, %dma_wait3A_25] : memref<64x64x1024xf32, #tpu.memory_space<hbm>> -> memref<1x64x1024xf32, #tpu.memory_space<hbm>>
      %dma_wait3A_27 = tpu.memref_squeeze %dma_wait3A_26 : memref<1x64x1024xf32, #tpu.memory_space<hbm>> -> memref<64x1024xf32, #tpu.memory_space<hbm>>
      tpu.wait_dma2 semaphore(%run_scoped3A : memref<!tpu.dma_semaphore, #tpu.memory_space<semaphore_mem>>) src(%arg7 : memref<64x1024xf32, #tpu.memory_space<vmem>>) dst(%dma_wait3A_27 : memref<64x1024xf32, #tpu.memory_space<hbm>>)
      tpu.yield
    }) : () -> ()
    %mul3A_7 = arith.constant 2 : i32
    %mul3A_8 = arith.muli %add3A, %mul3A_7 : i32
    %add3A_9 = arith.constant 1 : i32
    %add3A_10 = arith.addi %mul3A_8, %add3A_9 : i32
    "tpu.region"() ({
      %run_scoped3A = tpu.sem_alloc : memref<!tpu.dma_semaphore, #tpu.memory_space<semaphore_mem>>
      %dma_start3A = arith.constant 0 : i32
      %dma_start3A_14 = tpu.memref_slice %arg3[%add3A_10, %dma_start3A] : memref<64x1024xi32, #tpu.memory_space<hbm>> -> memref<1x1024xi32, #tpu.memory_space<hbm>>
      %dma_start3A_15 = tpu.memref_squeeze %dma_start3A_14 : memref<1x1024xi32, #tpu.memory_space<hbm>> -> memref<1024xi32, #tpu.memory_space<hbm>>
      %dma_start3A_16 = arith.constant 0 : i32
      %dma_start3A_17 = tpu.memref_slice %arg3[%add3A_10, %dma_start3A_16] : memref<64x1024xi32, #tpu.memory_space<hbm>> -> memref<1x1024xi32, #tpu.memory_space<hbm>>
      %dma_start3A_18 = tpu.memref_squeeze %dma_start3A_17 : memref<1x1024xi32, #tpu.memory_space<hbm>> -> memref<1024xi32, #tpu.memory_space<hbm>>
      tpu.enqueue_dma source(%dma_start3A_18 : memref<1024xi32, #tpu.memory_space<hbm>>) target(%arg6 : memref<1024xi32, #tpu.memory_space<vmem>>) target_semaphore(%run_scoped3A : memref<!tpu.dma_semaphore, #tpu.memory_space<semaphore_mem>>)
      %dma_wait3A = arith.constant 0 : i32
      %dma_wait3A_19 = tpu.memref_slice %arg3[%add3A_10, %dma_wait3A] : memref<64x1024xi32, #tpu.memory_space<hbm>> -> memref<1x1024xi32, #tpu.memory_space<hbm>>
      %dma_wait3A_20 = tpu.memref_squeeze %dma_wait3A_19 : memref<1x1024xi32, #tpu.memory_space<hbm>> -> memref<1024xi32, #tpu.memory_space<hbm>>
      %dma_wait3A_21 = arith.constant 0 : i32
      %dma_wait3A_22 = tpu.memref_slice %arg3[%add3A_10, %dma_wait3A_21] : memref<64x1024xi32, #tpu.memory_space<hbm>> -> memref<1x1024xi32, #tpu.memory_space<hbm>>
      %dma_wait3A_23 = tpu.memref_squeeze %dma_wait3A_22 : memref<1x1024xi32, #tpu.memory_space<hbm>> -> memref<1024xi32, #tpu.memory_space<hbm>>
      tpu.wait_dma2 semaphore(%run_scoped3A : memref<!tpu.dma_semaphore, #tpu.memory_space<semaphore_mem>>) src(%dma_wait3A_23 : memref<1024xi32, #tpu.memory_space<hbm>>) dst(%arg6 : memref<1024xi32, #tpu.memory_space<vmem>>)
      tpu.yield
    }) : () -> ()
    %parallel_loop3A_11 = arith.constant 0 : i32
    %parallel_loop3A_12 = arith.constant 64 : i32
    %parallel_loop3A_13 = arith.constant 1 : i32
    scf.for %parallel_loop3A_14 = %parallel_loop3A_11 to %parallel_loop3A_12 step %parallel_loop3A_13  : i32 {
      %parallel_loop3A_15 = arith.constant 16 : i32
      %parallel_loop3A_16 = arith.muli %parallel_loop3A_14, %parallel_loop3A_15 : i32
      %parallel_loop3A_17 = arith.index_cast %parallel_loop3A_16 : i32 to index
      %parallel_loop3A_18 = tpu.vector_load %arg6[%parallel_loop3A_17] {strides = array<i32>} : memref<1024xi32, #tpu.memory_space<vmem>>, vector<16xi32>,
      %parallel_loop3A_19 = arith.constant 0 : i32
      %parallel_loop3A_20 = vector.broadcast %parallel_loop3A_19 : i32 to vector<16xi32>
      %parallel_loop3A_21 = tpu.vector_load_idx %arg5[%parallel_loop3A_20, %parallel_loop3A_18] : memref<64x512xf32, #tpu.memory_space<vmem>>[vector<16xi32>, vector<16xi32>], vector<16xf32>,
      %parallel_loop3A_22 = arith.constant 16 : i32
      %parallel_loop3A_23 = arith.muli %parallel_loop3A_14, %parallel_loop3A_22 : i32
      %parallel_loop3A_24 = arith.constant 0 : i32
      %parallel_loop3A_25 = arith.index_cast %parallel_loop3A_24 : i32 to index
      %parallel_loop3A_26 = arith.index_cast %parallel_loop3A_23 : i32 to index
      %parallel_loop3A_27 = tpu.vector_load %arg7[%parallel_loop3A_25, %parallel_loop3A_26] {strides = array<i32>} : memref<64x1024xf32, #tpu.memory_space<vmem>>, vector<16xf32>,
      tpu.vector_store %arg7[%parallel_loop3A_25, %parallel_loop3A_26], %parallel_loop3A_21 {strides = array<i32>} : memref<64x1024xf32, #tpu.memory_space<vmem>>, vector<16xf32>,
      %parallel_loop3A_28 = arith.constant 1 : i32
      %parallel_loop3A_29 = vector.broadcast %parallel_loop3A_28 : i32 to vector<16xi32>
      %parallel_loop3A_30 = tpu.vector_load_idx %arg5[%parallel_loop3A_29, %parallel_loop3A_18] : memref<64x512xf32, #tpu.memory_space<vmem>>[vector<16xi32>, vector<16xi32>], vector<16xf32>,
      %parallel_loop3A_31 = arith.constant 16 : i32
      %parallel_loop3A_32 = arith.muli %parallel_loop3A_14, %parallel_loop3A_31 : i32
      %parallel_loop3A_33 = arith.constant 1 : i32
      %parallel_loop3A_34 = arith.index_cast %parallel_loop3A_33 : i32 to index
      %parallel_loop3A_35 = arith.index_cast %parallel_loop3A_32 : i32 to index
      %parallel_loop3A_36 = tpu.vector_load %arg7[%parallel_loop3A_34, %parallel_loop3A_35] {strides = array<i32>} : memref<64x1024xf32, #tpu.memory_space<vmem>>, vector<16xf32>,
      tpu.vector_store %arg7[%parallel_loop3A_34, %parallel_loop3A_35], %parallel_loop3A_30 {strides = array<i32>} : memref<64x1024xf32, #tpu.memory_space<vmem>>, vector<16xf32>,
      %parallel_loop3A_37 = arith.constant 2 : i32
      %parallel_loop3A_38 = vector.broadcast %parallel_loop3A_37 : i32 to vector<16xi32>
      %parallel_loop3A_39 = tpu.vector_load_idx %arg5[%parallel_loop3A_38, %parallel_loop3A_18] : memref<64x512xf32, #tpu.memory_space<vmem>>[vector<16xi32>, vector<16xi32>], vector<16xf32>,
      %parallel_loop3A_40 = arith.constant 16 : i32
      %parallel_loop3A_41 = arith.muli %parallel_loop3A_14, %parallel_loop3A_40 : i32
      %parallel_loop3A_42 = arith.constant 2 : i32
      %parallel_loop3A_43 = arith.index_cast %parallel_loop3A_42 : i32 to index
      %parallel_loop3A_44 = arith.index_cast %parallel_loop3A_41 : i32 to index
      %parallel_loop3A_45 = tpu.vector_load %arg7[%parallel_loop3A_43, %parallel_loop3A_44] {strides = array<i32>} : memref<64x1024xf32, #tpu.memory_space<vmem>>, vector<16xf32>,
      tpu.vector_store %arg7[%parallel_loop3A_43, %parallel_loop3A_44], %parallel_loop3A_39 {strides = array<i32>} : memref<64x1024xf32, #tpu.memory_space<vmem>>, vector<16xf32>,
      %parallel_loop3A_46 = arith.constant 3 : i32
      %parallel_loop3A_47 = vector.broadcast %parallel_loop3A_46 : i32 to vector<16xi32>
      %parallel_loop3A_48 = tpu.vector_load_idx %arg5[%parallel_loop3A_47, %parallel_loop3A_18] : memref<64x512xf32, #tpu.memory_space<vmem>>[vector<16xi32>, vector<16xi32>], vector<16xf32>,
      %parallel_loop3A_49 = arith.constant 16 : i32
      %parallel_loop3A_50 = arith.muli %parallel_loop3A_14, %parallel_loop3A_49 : i32
      %parallel_loop3A_51 = arith.constant 3 : i32
      %parallel_loop3A_52 = arith.index_cast %parallel_loop3A_51 : i32 to index
      %parallel_loop3A_53 = arith.index_cast %parallel_loop3A_50 : i32 to index
      %parallel_loop3A_54 = tpu.vector_load %arg7[%parallel_loop3A_52, %parallel_loop3A_53] {strides = array<i32>} : memref<64x1024xf32, #tpu.memory_space<vmem>>, vector<16xf32>,
      tpu.vector_store %arg7[%parallel_loop3A_52, %parallel_loop3A_53], %parallel_loop3A_48 {strides = array<i32>} : memref<64x1024xf32, #tpu.memory_space<vmem>>, vector<16xf32>,
      %parallel_loop3A_55 = arith.constant 4 : i32
      %parallel_loop3A_56 = vector.broadcast %parallel_loop3A_55 : i32 to vector<16xi32>
      %parallel_loop3A_57 = tpu.vector_load_idx %arg5[%parallel_loop3A_56, %parallel_loop3A_18] : memref<64x512xf32, #tpu.memory_space<vmem>>[vector<16xi32>, vector<16xi32>], vector<16xf32>,
      %parallel_loop3A_58 = arith.constant 16 : i32
      %parallel_loop3A_59 = arith.muli %parallel_loop3A_14, %parallel_loop3A_58 : i32
      %parallel_loop3A_60 = arith.constant 4 : i32
      %parallel_loop3A_61 = arith.index_cast %parallel_loop3A_60 : i32 to index
      %parallel_loop3A_62 = arith.index_cast %parallel_loop3A_59 : i32 to index
      %parallel_loop3A_63 = tpu.vector_load %arg7[%parallel_loop3A_61, %parallel_loop3A_62] {strides = array<i32>} : memref<64x1024xf32, #tpu.memory_space<vmem>>, vector<16xf32>,
      tpu.vector_store %arg7[%parallel_loop3A_61, %parallel_loop3A_62], %parallel_loop3A_57 {strides = array<i32>} : memref<64x1024xf32, #tpu.memory_space<vmem>>, vector<16xf32>,
      %parallel_loop3A_64 = arith.constant 5 : i32
      %parallel_loop3A_65 = vector.broadcast %parallel_loop3A_64 : i32 to vector<16xi32>
      %parallel_loop3A_66 = tpu.vector_load_idx %arg5[%parallel_loop3A_65, %parallel_loop3A_18] : memref<64x512xf32, #tpu.memory_space<vmem>>[vector<16xi32>, vector<16xi32>], vector<16xf32>,
      %parallel_loop3A_67 = arith.constant 16 : i32
      %parallel_loop3A_68 = arith.muli %parallel_loop3A_14, %parallel_loop3A_67 : i32
      %parallel_loop3A_69 = arith.constant 5 : i32
      %parallel_loop3A_70 = arith.index_cast %parallel_loop3A_69 : i32 to index
      %parallel_loop3A_71 = arith.index_cast %parallel_loop3A_68 : i32 to index
      %parallel_loop3A_72 = tpu.vector_load %arg7[%parallel_loop3A_70, %parallel_loop3A_71] {strides = array<i32>} : memref<64x1024xf32, #tpu.memory_space<vmem>>, vector<16xf32>,
      tpu.vector_store %arg7[%parallel_loop3A_70, %parallel_loop3A_71], %parallel_loop3A_66 {strides = array<i32>} : memref<64x1024xf32, #tpu.memory_space<vmem>>, vector<16xf32>,
      %parallel_loop3A_73 = arith.constant 6 : i32
      %parallel_loop3A_74 = vector.broadcast %parallel_loop3A_73 : i32 to vector<16xi32>
      %parallel_loop3A_75 = tpu.vector_load_idx %arg5[%parallel_loop3A_74, %parallel_loop3A_18] : memref<64x512xf32, #tpu.memory_space<vmem>>[vector<16xi32>, vector<16xi32>], vector<16xf32>,
      %parallel_loop3A_76 = arith.constant 16 : i32
      %parallel_loop3A_77 = arith.muli %parallel_loop3A_14, %parallel_loop3A_76 : i32
      %parallel_loop3A_78 = arith.constant 6 : i32
      %parallel_loop3A_79 = arith.index_cast %parallel_loop3A_78 : i32 to index
      %parallel_loop3A_80 = arith.index_cast %parallel_loop3A_77 : i32 to index
      %parallel_loop3A_81 = tpu.vector_load %arg7[%parallel_loop3A_79, %parallel_loop3A_80] {strides = array<i32>} : memref<64x1024xf32, #tpu.memory_space<vmem>>, vector<16xf32>,
      tpu.vector_store %arg7[%parallel_loop3A_79, %parallel_loop3A_80], %parallel_loop3A_75 {strides = array<i32>} : memref<64x1024xf32, #tpu.memory_space<vmem>>, vector<16xf32>,
      %parallel_loop3A_82 = arith.constant 7 : i32
      %parallel_loop3A_83 = vector.broadcast %parallel_loop3A_82 : i32 to vector<16xi32>
      %parallel_loop3A_84 = tpu.vector_load_idx %arg5[%parallel_loop3A_83, %parallel_loop3A_18] : memref<64x512xf32, #tpu.memory_space<vmem>>[vector<16xi32>, vector<16xi32>], vector<16xf32>,
      %parallel_loop3A_85 = arith.constant 16 : i32
      %parallel_loop3A_86 = arith.muli %parallel_loop3A_14, %parallel_loop3A_85 : i32
      %parallel_loop3A_87 = arith.constant 7 : i32
      %parallel_loop3A_88 = arith.index_cast %parallel_loop3A_87 : i32 to index
      %parallel_loop3A_89 = arith.index_cast %parallel_loop3A_86 : i32 to index
      %parallel_loop3A_90 = tpu.vector_load %arg7[%parallel_loop3A_88, %parallel_loop3A_89] {strides = array<i32>} : memref<64x1024xf32, #tpu.memory_space<vmem>>, vector<16xf32>,
      tpu.vector_store %arg7[%parallel_loop3A_88, %parallel_loop3A_89], %parallel_loop3A_84 {strides = array<i32>} : memref<64x1024xf32, #tpu.memory_space<vmem>>, vector<16xf32>,
      %parallel_loop3A_91 = arith.constant 8 : i32
      %parallel_loop3A_92 = vector.broadcast %parallel_loop3A_91 : i32 to vector<16xi32>
      %parallel_loop3A_93 = tpu.vector_load_idx %arg5[%parallel_loop3A_92, %parallel_loop3A_18] : memref<64x512xf32, #tpu.memory_space<vmem>>[vector<16xi32>, vector<16xi32>], vector<16xf32>,
      %parallel_loop3A_94 = arith.constant 16 : i32
      %parallel_loop3A_95 = arith.muli %parallel_loop3A_14, %parallel_loop3A_94 : i32
      %parallel_loop3A_96 = arith.constant 8 : i32
      %parallel_loop3A_97 = arith.index_cast %parallel_loop3A_96 : i32 to index
      %parallel_loop3A_98 = arith.index_cast %parallel_loop3A_95 : i32 to index
      %parallel_loop3A_99 = tpu.vector_load %arg7[%parallel_loop3A_97, %parallel_loop3A_98] {strides = array<i32>} : memref<64x1024xf32, #tpu.memory_space<vmem>>, vector<16xf32>,
      tpu.vector_store %arg7[%parallel_loop3A_97, %parallel_loop3A_98], %parallel_loop3A_93 {strides = array<i32>} : memref<64x1024xf32, #tpu.memory_space<vmem>>, vector<16xf32>,
      %parallel_loop3A_100 = arith.constant 9 : i32
      %parallel_loop3A_101 = vector.broadcast %parallel_loop3A_100 : i32 to vector<16xi32>
      %parallel_loop3A_102 = tpu.vector_load_idx %arg5[%parallel_loop3A_101, %parallel_loop3A_18] : memref<64x512xf32, #tpu.memory_space<vmem>>[vector<16xi32>, vector<16xi32>], vector<16xf32>,
      %parallel_loop3A_103 = arith.constant 16 : i32
      %parallel_loop3A_104 = arith.muli %parallel_loop3A_14, %parallel_loop3A_103 : i32
      %parallel_loop3A_105 = arith.constant 9 : i32
      %parallel_loop3A_106 = arith.index_cast %parallel_loop3A_105 : i32 to index
      %parallel_loop3A_107 = arith.index_cast %parallel_loop3A_104 : i32 to index
      %parallel_loop3A_108 = tpu.vector_load %arg7[%parallel_loop3A_106, %parallel_loop3A_107] {strides = array<i32>} : memref<64x1024xf32, #tpu.memory_space<vmem>>, vector<16xf32>,
      tpu.vector_store %arg7[%parallel_loop3A_106, %parallel_loop3A_107], %parallel_loop3A_102 {strides = array<i32>} : memref<64x1024xf32, #tpu.memory_space<vmem>>, vector<16xf32>,
      %parallel_loop3A_109 = arith.constant 10 : i32
      %parallel_loop3A_110 = vector.broadcast %parallel_loop3A_109 : i32 to vector<16xi32>
      %parallel_loop3A_111 = tpu.vector_load_idx %arg5[%parallel_loop3A_110, %parallel_loop3A_18] : memref<64x512xf32, #tpu.memory_space<vmem>>[vector<16xi32>, vector<16xi32>], vector<16xf32>,
      %parallel_loop3A_112 = arith.constant 16 : i32
      %parallel_loop3A_113 = arith.muli %parallel_loop3A_14, %parallel_loop3A_112 : i32
      %parallel_loop3A_114 = arith.constant 10 : i32
      %parallel_loop3A_115 = arith.index_cast %parallel_loop3A_114 : i32 to index
      %parallel_loop3A_116 = arith.index_cast %parallel_loop3A_113 : i32 to index
      %parallel_loop3A_117 = tpu.vector_load %arg7[%parallel_loop3A_115, %parallel_loop3A_116] {strides = array<i32>} : memref<64x1024xf32, #tpu.memory_space<vmem>>, vector<16xf32>,
      tpu.vector_store %arg7[%parallel_loop3A_115, %parallel_loop3A_116], %parallel_loop3A_111 {strides = array<i32>} : memref<64x1024xf32, #tpu.memory_space<vmem>>, vector<16xf32>,
      %parallel_loop3A_118 = arith.constant 11 : i32
      %parallel_loop3A_119 = vector.broadcast %parallel_loop3A_118 : i32 to vector<16xi32>
      %parallel_loop3A_120 = tpu.vector_load_idx %arg5[%parallel_loop3A_119, %parallel_loop3A_18] : memref<64x512xf32, #tpu.memory_space<vmem>>[vector<16xi32>, vector<16xi32>], vector<16xf32>,
      %parallel_loop3A_121 = arith.constant 16 : i32
      %parallel_loop3A_122 = arith.muli %parallel_loop3A_14, %parallel_loop3A_121 : i32
      %parallel_loop3A_123 = arith.constant 11 : i32
      %parallel_loop3A_124 = arith.index_cast %parallel_loop3A_123 : i32 to index
      %parallel_loop3A_125 = arith.index_cast %parallel_loop3A_122 : i32 to index
      %parallel_loop3A_126 = tpu.vector_load %arg7[%parallel_loop3A_124, %parallel_loop3A_125] {strides = array<i32>} : memref<64x1024xf32, #tpu.memory_space<vmem>>, vector<16xf32>,
      tpu.vector_store %arg7[%parallel_loop3A_124, %parallel_loop3A_125], %parallel_loop3A_120 {strides = array<i32>} : memref<64x1024xf32, #tpu.memory_space<vmem>>, vector<16xf32>,
      %parallel_loop3A_127 = arith.constant 12 : i32
      %parallel_loop3A_128 = vector.broadcast %parallel_loop3A_127 : i32 to vector<16xi32>
      %parallel_loop3A_129 = tpu.vector_load_idx %arg5[%parallel_loop3A_128, %parallel_loop3A_18] : memref<64x512xf32, #tpu.memory_space<vmem>>[vector<16xi32>, vector<16xi32>], vector<16xf32>,
      %parallel_loop3A_130 = arith.constant 16 : i32
      %parallel_loop3A_131 = arith.muli %parallel_loop3A_14, %parallel_loop3A_130 : i32
      %parallel_loop3A_132 = arith.constant 12 : i32
      %parallel_loop3A_133 = arith.index_cast %parallel_loop3A_132 : i32 to index
      %parallel_loop3A_134 = arith.index_cast %parallel_loop3A_131 : i32 to index
      %parallel_loop3A_135 = tpu.vector_load %arg7[%parallel_loop3A_133, %parallel_loop3A_134] {strides = array<i32>} : memref<64x1024xf32, #tpu.memory_space<vmem>>, vector<16xf32>,
      tpu.vector_store %arg7[%parallel_loop3A_133, %parallel_loop3A_134], %parallel_loop3A_129 {strides = array<i32>} : memref<64x1024xf32, #tpu.memory_space<vmem>>, vector<16xf32>,
      %parallel_loop3A_136 = arith.constant 13 : i32
      %parallel_loop3A_137 = vector.broadcast %parallel_loop3A_136 : i32 to vector<16xi32>
      %parallel_loop3A_138 = tpu.vector_load_idx %arg5[%parallel_loop3A_137, %parallel_loop3A_18] : memref<64x512xf32, #tpu.memory_space<vmem>>[vector<16xi32>, vector<16xi32>], vector<16xf32>,
      %parallel_loop3A_139 = arith.constant 16 : i32
      %parallel_loop3A_140 = arith.muli %parallel_loop3A_14, %parallel_loop3A_139 : i32
      %parallel_loop3A_141 = arith.constant 13 : i32
      %parallel_loop3A_142 = arith.index_cast %parallel_loop3A_141 : i32 to index
      %parallel_loop3A_143 = arith.index_cast %parallel_loop3A_140 : i32 to index
      %parallel_loop3A_144 = tpu.vector_load %arg7[%parallel_loop3A_142, %parallel_loop3A_143] {strides = array<i32>} : memref<64x1024xf32, #tpu.memory_space<vmem>>, vector<16xf32>,
      tpu.vector_store %arg7[%parallel_loop3A_142, %parallel_loop3A_143], %parallel_loop3A_138 {strides = array<i32>} : memref<64x1024xf32, #tpu.memory_space<vmem>>, vector<16xf32>,
      %parallel_loop3A_145 = arith.constant 14 : i32
      %parallel_loop3A_146 = vector.broadcast %parallel_loop3A_145 : i32 to vector<16xi32>
      %parallel_loop3A_147 = tpu.vector_load_idx %arg5[%parallel_loop3A_146, %parallel_loop3A_18] : memref<64x512xf32, #tpu.memory_space<vmem>>[vector<16xi32>, vector<16xi32>], vector<16xf32>,
      %parallel_loop3A_148 = arith.constant 16 : i32
      %parallel_loop3A_149 = arith.muli %parallel_loop3A_14, %parallel_loop3A_148 : i32
      %parallel_loop3A_150 = arith.constant 14 : i32
      %parallel_loop3A_151 = arith.index_cast %parallel_loop3A_150 : i32 to index
      %parallel_loop3A_152 = arith.index_cast %parallel_loop3A_149 : i32 to index
      %parallel_loop3A_153 = tpu.vector_load %arg7[%parallel_loop3A_151, %parallel_loop3A_152] {strides = array<i32>} : memref<64x1024xf32, #tpu.memory_space<vmem>>, vector<16xf32>,
      tpu.vector_store %arg7[%parallel_loop3A_151, %parallel_loop3A_152], %parallel_loop3A_147 {strides = array<i32>} : memref<64x1024xf32, #tpu.memory_space<vmem>>, vector<16xf32>,
      %parallel_loop3A_154 = arith.constant 15 : i32
      %parallel_loop3A_155 = vector.broadcast %parallel_loop3A_154 : i32 to vector<16xi32>
      %parallel_loop3A_156 = tpu.vector_load_idx %arg5[%parallel_loop3A_155, %parallel_loop3A_18] : memref<64x512xf32, #tpu.memory_space<vmem>>[vector<16xi32>, vector<16xi32>], vector<16xf32>,
      %parallel_loop3A_157 = arith.constant 16 : i32
      %parallel_loop3A_158 = arith.muli %parallel_loop3A_14, %parallel_loop3A_157 : i32
      %parallel_loop3A_159 = arith.constant 15 : i32
      %parallel_loop3A_160 = arith.index_cast %parallel_loop3A_159 : i32 to index
      %parallel_loop3A_161 = arith.index_cast %parallel_loop3A_158 : i32 to index
      %parallel_loop3A_162 = tpu.vector_load %arg7[%parallel_loop3A_160, %parallel_loop3A_161] {strides = array<i32>} : memref<64x1024xf32, #tpu.memory_space<vmem>>, vector<16xf32>,
      tpu.vector_store %arg7[%parallel_loop3A_160, %parallel_loop3A_161], %parallel_loop3A_156 {strides = array<i32>} : memref<64x1024xf32, #tpu.memory_space<vmem>>, vector<16xf32>,
      %parallel_loop3A_163 = arith.constant 16 : i32
      %parallel_loop3A_164 = vector.broadcast %parallel_loop3A_163 : i32 to vector<16xi32>
      %parallel_loop3A_165 = tpu.vector_load_idx %arg5[%parallel_loop3A_164, %parallel_loop3A_18] : memref<64x512xf32, #tpu.memory_space<vmem>>[vector<16xi32>, vector<16xi32>], vector<16xf32>,
      %parallel_loop3A_166 = arith.constant 16 : i32
      %parallel_loop3A_167 = arith.muli %parallel_loop3A_14, %parallel_loop3A_166 : i32
      %parallel_loop3A_168 = arith.constant 16 : i32
      %parallel_loop3A_169 = arith.index_cast %parallel_loop3A_168 : i32 to index
      %parallel_loop3A_170 = arith.index_cast %parallel_loop3A_167 : i32 to index
      %parallel_loop3A_171 = tpu.vector_load %arg7[%parallel_loop3A_169, %parallel_loop3A_170] {strides = array<i32>} : memref<64x1024xf32, #tpu.memory_space<vmem>>, vector<16xf32>,
      tpu.vector_store %arg7[%parallel_loop3A_169, %parallel_loop3A_170], %parallel_loop3A_165 {strides = array<i32>} : memref<64x1024xf32, #tpu.memory_space<vmem>>, vector<16xf32>,
      %parallel_loop3A_172 = arith.constant 17 : i32
      %parallel_loop3A_173 = vector.broadcast %parallel_loop3A_172 : i32 to vector<16xi32>
      %parallel_loop3A_174 = tpu.vector_load_idx %arg5[%parallel_loop3A_173, %parallel_loop3A_18] : memref<64x512xf32, #tpu.memory_space<vmem>>[vector<16xi32>, vector<16xi32>], vector<16xf32>,
      %parallel_loop3A_175 = arith.constant 16 : i32
      %parallel_loop3A_176 = arith.muli %parallel_loop3A_14, %parallel_loop3A_175 : i32
      %parallel_loop3A_177 = arith.constant 17 : i32
      %parallel_loop3A_178 = arith.index_cast %parallel_loop3A_177 : i32 to index
      %parallel_loop3A_179 = arith.index_cast %parallel_loop3A_176 : i32 to index
      %parallel_loop3A_180 = tpu.vector_load %arg7[%parallel_loop3A_178, %parallel_loop3A_179] {strides = array<i32>} : memref<64x1024xf32, #tpu.memory_space<vmem>>, vector<16xf32>,
      tpu.vector_store %arg7[%parallel_loop3A_178, %parallel_loop3A_179], %parallel_loop3A_174 {strides = array<i32>} : memref<64x1024xf32, #tpu.memory_space<vmem>>, vector<16xf32>,
      %parallel_loop3A_181 = arith.constant 18 : i32
      %parallel_loop3A_182 = vector.broadcast %parallel_loop3A_181 : i32 to vector<16xi32>
      %parallel_loop3A_183 = tpu.vector_load_idx %arg5[%parallel_loop3A_182, %parallel_loop3A_18] : memref<64x512xf32, #tpu.memory_space<vmem>>[vector<16xi32>, vector<16xi32>], vector<16xf32>,
      %parallel_loop3A_184 = arith.constant 16 : i32
      %parallel_loop3A_185 = arith.muli %parallel_loop3A_14, %parallel_loop3A_184 : i32
      %parallel_loop3A_186 = arith.constant 18 : i32
      %parallel_loop3A_187 = arith.index_cast %parallel_loop3A_186 : i32 to index
      %parallel_loop3A_188 = arith.index_cast %parallel_loop3A_185 : i32 to index
      %parallel_loop3A_189 = tpu.vector_load %arg7[%parallel_loop3A_187, %parallel_loop3A_188] {strides = array<i32>} : memref<64x1024xf32, #tpu.memory_space<vmem>>, vector<16xf32>,
      tpu.vector_store %arg7[%parallel_loop3A_187, %parallel_loop3A_188], %parallel_loop3A_183 {strides = array<i32>} : memref<64x1024xf32, #tpu.memory_space<vmem>>, vector<16xf32>,
      %parallel_loop3A_190 = arith.constant 19 : i32
      %parallel_loop3A_191 = vector.broadcast %parallel_loop3A_190 : i32 to vector<16xi32>
      %parallel_loop3A_192 = tpu.vector_load_idx %arg5[%parallel_loop3A_191, %parallel_loop3A_18] : memref<64x512xf32, #tpu.memory_space<vmem>>[vector<16xi32>, vector<16xi32>], vector<16xf32>,
      %parallel_loop3A_193 = arith.constant 16 : i32
      %parallel_loop3A_194 = arith.muli %parallel_loop3A_14, %parallel_loop3A_193 : i32
      %parallel_loop3A_195 = arith.constant 19 : i32
      %parallel_loop3A_196 = arith.index_cast %parallel_loop3A_195 : i32 to index
      %parallel_loop3A_197 = arith.index_cast %parallel_loop3A_194 : i32 to index
      %parallel_loop3A_198 = tpu.vector_load %arg7[%parallel_loop3A_196, %parallel_loop3A_197] {strides = array<i32>} : memref<64x1024xf32, #tpu.memory_space<vmem>>, vector<16xf32>,
      tpu.vector_store %arg7[%parallel_loop3A_196, %parallel_loop3A_197], %parallel_loop3A_192 {strides = array<i32>} : memref<64x1024xf32, #tpu.memory_space<vmem>>, vector<16xf32>,
      %parallel_loop3A_199 = arith.constant 20 : i32
      %parallel_loop3A_200 = vector.broadcast %parallel_loop3A_199 : i32 to vector<16xi32>
      %parallel_loop3A_201 = tpu.vector_load_idx %arg5[%parallel_loop3A_200, %parallel_loop3A_18] : memref<64x512xf32, #tpu.memory_space<vmem>>[vector<16xi32>, vector<16xi32>], vector<16xf32>,
      %parallel_loop3A_202 = arith.constant 16 : i32
      %parallel_loop3A_203 = arith.muli %parallel_loop3A_14, %parallel_loop3A_202 : i32
      %parallel_loop3A_204 = arith.constant 20 : i32
      %parallel_loop3A_205 = arith.index_cast %parallel_loop3A_204 : i32 to index
      %parallel_loop3A_206 = arith.index_cast %parallel_loop3A_203 : i32 to index
      %parallel_loop3A_207 = tpu.vector_load %arg7[%parallel_loop3A_205, %parallel_loop3A_206] {strides = array<i32>} : memref<64x1024xf32, #tpu.memory_space<vmem>>, vector<16xf32>,
      tpu.vector_store %arg7[%parallel_loop3A_205, %parallel_loop3A_206], %parallel_loop3A_201 {strides = array<i32>} : memref<64x1024xf32, #tpu.memory_space<vmem>>, vector<16xf32>,
      %parallel_loop3A_208 = arith.constant 21 : i32
      %parallel_loop3A_209 = vector.broadcast %parallel_loop3A_208 : i32 to vector<16xi32>
      %parallel_loop3A_210 = tpu.vector_load_idx %arg5[%parallel_loop3A_209, %parallel_loop3A_18] : memref<64x512xf32, #tpu.memory_space<vmem>>[vector<16xi32>, vector<16xi32>], vector<16xf32>,
      %parallel_loop3A_211 = arith.constant 16 : i32
      %parallel_loop3A_212 = arith.muli %parallel_loop3A_14, %parallel_loop3A_211 : i32
      %parallel_loop3A_213 = arith.constant 21 : i32
      %parallel_loop3A_214 = arith.index_cast %parallel_loop3A_213 : i32 to index
      %parallel_loop3A_215 = arith.index_cast %parallel_loop3A_212 : i32 to index
      %parallel_loop3A_216 = tpu.vector_load %arg7[%parallel_loop3A_214, %parallel_loop3A_215] {strides = array<i32>} : memref<64x1024xf32, #tpu.memory_space<vmem>>, vector<16xf32>,
      tpu.vector_store %arg7[%parallel_loop3A_214, %parallel_loop3A_215], %parallel_loop3A_210 {strides = array<i32>} : memref<64x1024xf32, #tpu.memory_space<vmem>>, vector<16xf32>,
      %parallel_loop3A_217 = arith.constant 22 : i32
      %parallel_loop3A_218 = vector.broadcast %parallel_loop3A_217 : i32 to vector<16xi32>
      %parallel_loop3A_219 = tpu.vector_load_idx %arg5[%parallel_loop3A_218, %parallel_loop3A_18] : memref<64x512xf32, #tpu.memory_space<vmem>>[vector<16xi32>, vector<16xi32>], vector<16xf32>,
      %parallel_loop3A_220 = arith.constant 16 : i32
      %parallel_loop3A_221 = arith.muli %parallel_loop3A_14, %parallel_loop3A_220 : i32
      %parallel_loop3A_222 = arith.constant 22 : i32
      %parallel_loop3A_223 = arith.index_cast %parallel_loop3A_222 : i32 to index
      %parallel_loop3A_224 = arith.index_cast %parallel_loop3A_221 : i32 to index
      %parallel_loop3A_225 = tpu.vector_load %arg7[%parallel_loop3A_223, %parallel_loop3A_224] {strides = array<i32>} : memref<64x1024xf32, #tpu.memory_space<vmem>>, vector<16xf32>,
      tpu.vector_store %arg7[%parallel_loop3A_223, %parallel_loop3A_224], %parallel_loop3A_219 {strides = array<i32>} : memref<64x1024xf32, #tpu.memory_space<vmem>>, vector<16xf32>,
      %parallel_loop3A_226 = arith.constant 23 : i32
      %parallel_loop3A_227 = vector.broadcast %parallel_loop3A_226 : i32 to vector<16xi32>
      %parallel_loop3A_228 = tpu.vector_load_idx %arg5[%parallel_loop3A_227, %parallel_loop3A_18] : memref<64x512xf32, #tpu.memory_space<vmem>>[vector<16xi32>, vector<16xi32>], vector<16xf32>,
      %parallel_loop3A_229 = arith.constant 16 : i32
      %parallel_loop3A_230 = arith.muli %parallel_loop3A_14, %parallel_loop3A_229 : i32
      %parallel_loop3A_231 = arith.constant 23 : i32
      %parallel_loop3A_232 = arith.index_cast %parallel_loop3A_231 : i32 to index
      %parallel_loop3A_233 = arith.index_cast %parallel_loop3A_230 : i32 to index
      %parallel_loop3A_234 = tpu.vector_load %arg7[%parallel_loop3A_232, %parallel_loop3A_233] {strides = array<i32>} : memref<64x1024xf32, #tpu.memory_space<vmem>>, vector<16xf32>,
      tpu.vector_store %arg7[%parallel_loop3A_232, %parallel_loop3A_233], %parallel_loop3A_228 {strides = array<i32>} : memref<64x1024xf32, #tpu.memory_space<vmem>>, vector<16xf32>,
      %parallel_loop3A_235 = arith.constant 24 : i32
      %parallel_loop3A_236 = vector.broadcast %parallel_loop3A_235 : i32 to vector<16xi32>
      %parallel_loop3A_237 = tpu.vector_load_idx %arg5[%parallel_loop3A_236, %parallel_loop3A_18] : memref<64x512xf32, #tpu.memory_space<vmem>>[vector<16xi32>, vector<16xi32>], vector<16xf32>,
      %parallel_loop3A_238 = arith.constant 16 : i32
      %parallel_loop3A_239 = arith.muli %parallel_loop3A_14, %parallel_loop3A_238 : i32
      %parallel_loop3A_240 = arith.constant 24 : i32
      %parallel_loop3A_241 = arith.index_cast %parallel_loop3A_240 : i32 to index
      %parallel_loop3A_242 = arith.index_cast %parallel_loop3A_239 : i32 to index
      %parallel_loop3A_243 = tpu.vector_load %arg7[%parallel_loop3A_241, %parallel_loop3A_242] {strides = array<i32>} : memref<64x1024xf32, #tpu.memory_space<vmem>>, vector<16xf32>,
      tpu.vector_store %arg7[%parallel_loop3A_241, %parallel_loop3A_242], %parallel_loop3A_237 {strides = array<i32>} : memref<64x1024xf32, #tpu.memory_space<vmem>>, vector<16xf32>,
      %parallel_loop3A_244 = arith.constant 25 : i32
      %parallel_loop3A_245 = vector.broadcast %parallel_loop3A_244 : i32 to vector<16xi32>
      %parallel_loop3A_246 = tpu.vector_load_idx %arg5[%parallel_loop3A_245, %parallel_loop3A_18] : memref<64x512xf32, #tpu.memory_space<vmem>>[vector<16xi32>, vector<16xi32>], vector<16xf32>,
      %parallel_loop3A_247 = arith.constant 16 : i32
      %parallel_loop3A_248 = arith.muli %parallel_loop3A_14, %parallel_loop3A_247 : i32
      %parallel_loop3A_249 = arith.constant 25 : i32
      %parallel_loop3A_250 = arith.index_cast %parallel_loop3A_249 : i32 to index
      %parallel_loop3A_251 = arith.index_cast %parallel_loop3A_248 : i32 to index
      %parallel_loop3A_252 = tpu.vector_load %arg7[%parallel_loop3A_250, %parallel_loop3A_251] {strides = array<i32>} : memref<64x1024xf32, #tpu.memory_space<vmem>>, vector<16xf32>,
      tpu.vector_store %arg7[%parallel_loop3A_250, %parallel_loop3A_251], %parallel_loop3A_246 {strides = array<i32>} : memref<64x1024xf32, #tpu.memory_space<vmem>>, vector<16xf32>,
      %parallel_loop3A_253 = arith.constant 26 : i32
      %parallel_loop3A_254 = vector.broadcast %parallel_loop3A_253 : i32 to vector<16xi32>
      %parallel_loop3A_255 = tpu.vector_load_idx %arg5[%parallel_loop3A_254, %parallel_loop3A_18] : memref<64x512xf32, #tpu.memory_space<vmem>>[vector<16xi32>, vector<16xi32>], vector<16xf32>,
      %parallel_loop3A_256 = arith.constant 16 : i32
      %parallel_loop3A_257 = arith.muli %parallel_loop3A_14, %parallel_loop3A_256 : i32
      %parallel_loop3A_258 = arith.constant 26 : i32
      %parallel_loop3A_259 = arith.index_cast %parallel_loop3A_258 : i32 to index
      %parallel_loop3A_260 = arith.index_cast %parallel_loop3A_257 : i32 to index
      %parallel_loop3A_261 = tpu.vector_load %arg7[%parallel_loop3A_259, %parallel_loop3A_260] {strides = array<i32>} : memref<64x1024xf32, #tpu.memory_space<vmem>>, vector<16xf32>,
      tpu.vector_store %arg7[%parallel_loop3A_259, %parallel_loop3A_260], %parallel_loop3A_255 {strides = array<i32>} : memref<64x1024xf32, #tpu.memory_space<vmem>>, vector<16xf32>,
      %parallel_loop3A_262 = arith.constant 27 : i32
      %parallel_loop3A_263 = vector.broadcast %parallel_loop3A_262 : i32 to vector<16xi32>
      %parallel_loop3A_264 = tpu.vector_load_idx %arg5[%parallel_loop3A_263, %parallel_loop3A_18] : memref<64x512xf32, #tpu.memory_space<vmem>>[vector<16xi32>, vector<16xi32>], vector<16xf32>,
      %parallel_loop3A_265 = arith.constant 16 : i32
      %parallel_loop3A_266 = arith.muli %parallel_loop3A_14, %parallel_loop3A_265 : i32
      %parallel_loop3A_267 = arith.constant 27 : i32
      %parallel_loop3A_268 = arith.index_cast %parallel_loop3A_267 : i32 to index
      %parallel_loop3A_269 = arith.index_cast %parallel_loop3A_266 : i32 to index
      %parallel_loop3A_270 = tpu.vector_load %arg7[%parallel_loop3A_268, %parallel_loop3A_269] {strides = array<i32>} : memref<64x1024xf32, #tpu.memory_space<vmem>>, vector<16xf32>,
      tpu.vector_store %arg7[%parallel_loop3A_268, %parallel_loop3A_269], %parallel_loop3A_264 {strides = array<i32>} : memref<64x1024xf32, #tpu.memory_space<vmem>>, vector<16xf32>,
      %parallel_loop3A_271 = arith.constant 28 : i32
      %parallel_loop3A_272 = vector.broadcast %parallel_loop3A_271 : i32 to vector<16xi32>
      %parallel_loop3A_273 = tpu.vector_load_idx %arg5[%parallel_loop3A_272, %parallel_loop3A_18] : memref<64x512xf32, #tpu.memory_space<vmem>>[vector<16xi32>, vector<16xi32>], vector<16xf32>,
      %parallel_loop3A_274 = arith.constant 16 : i32
      %parallel_loop3A_275 = arith.muli %parallel_loop3A_14, %parallel_loop3A_274 : i32
      %parallel_loop3A_276 = arith.constant 28 : i32
      %parallel_loop3A_277 = arith.index_cast %parallel_loop3A_276 : i32 to index
      %parallel_loop3A_278 = arith.index_cast %parallel_loop3A_275 : i32 to index
      %parallel_loop3A_279 = tpu.vector_load %arg7[%parallel_loop3A_277, %parallel_loop3A_278] {strides = array<i32>} : memref<64x1024xf32, #tpu.memory_space<vmem>>, vector<16xf32>,
      tpu.vector_store %arg7[%parallel_loop3A_277, %parallel_loop3A_278], %parallel_loop3A_273 {strides = array<i32>} : memref<64x1024xf32, #tpu.memory_space<vmem>>, vector<16xf32>,
      %parallel_loop3A_280 = arith.constant 29 : i32
      %parallel_loop3A_281 = vector.broadcast %parallel_loop3A_280 : i32 to vector<16xi32>
      %parallel_loop3A_282 = tpu.vector_load_idx %arg5[%parallel_loop3A_281, %parallel_loop3A_18] : memref<64x512xf32, #tpu.memory_space<vmem>>[vector<16xi32>, vector<16xi32>], vector<16xf32>,
      %parallel_loop3A_283 = arith.constant 16 : i32
      %parallel_loop3A_284 = arith.muli %parallel_loop3A_14, %parallel_loop3A_283 : i32
      %parallel_loop3A_285 = arith.constant 29 : i32
      %parallel_loop3A_286 = arith.index_cast %parallel_loop3A_285 : i32 to index
      %parallel_loop3A_287 = arith.index_cast %parallel_loop3A_284 : i32 to index
      %parallel_loop3A_288 = tpu.vector_load %arg7[%parallel_loop3A_286, %parallel_loop3A_287] {strides = array<i32>} : memref<64x1024xf32, #tpu.memory_space<vmem>>, vector<16xf32>,
      tpu.vector_store %arg7[%parallel_loop3A_286, %parallel_loop3A_287], %parallel_loop3A_282 {strides = array<i32>} : memref<64x1024xf32, #tpu.memory_space<vmem>>, vector<16xf32>,
      %parallel_loop3A_289 = arith.constant 30 : i32
      %parallel_loop3A_290 = vector.broadcast %parallel_loop3A_289 : i32 to vector<16xi32>
      %parallel_loop3A_291 = tpu.vector_load_idx %arg5[%parallel_loop3A_290, %parallel_loop3A_18] : memref<64x512xf32, #tpu.memory_space<vmem>>[vector<16xi32>, vector<16xi32>], vector<16xf32>,
      %parallel_loop3A_292 = arith.constant 16 : i32
      %parallel_loop3A_293 = arith.muli %parallel_loop3A_14, %parallel_loop3A_292 : i32
      %parallel_loop3A_294 = arith.constant 30 : i32
      %parallel_loop3A_295 = arith.index_cast %parallel_loop3A_294 : i32 to index
      %parallel_loop3A_296 = arith.index_cast %parallel_loop3A_293 : i32 to index
      %parallel_loop3A_297 = tpu.vector_load %arg7[%parallel_loop3A_295, %parallel_loop3A_296] {strides = array<i32>} : memref<64x1024xf32, #tpu.memory_space<vmem>>, vector<16xf32>,
      tpu.vector_store %arg7[%parallel_loop3A_295, %parallel_loop3A_296], %parallel_loop3A_291 {strides = array<i32>} : memref<64x1024xf32, #tpu.memory_space<vmem>>, vector<16xf32>,
      %parallel_loop3A_298 = arith.constant 31 : i32
      %parallel_loop3A_299 = vector.broadcast %parallel_loop3A_298 : i32 to vector<16xi32>
      %parallel_loop3A_300 = tpu.vector_load_idx %arg5[%parallel_loop3A_299, %parallel_loop3A_18] : memref<64x512xf32, #tpu.memory_space<vmem>>[vector<16xi32>, vector<16xi32>], vector<16xf32>,
      %parallel_loop3A_301 = arith.constant 16 : i32
      %parallel_loop3A_302 = arith.muli %parallel_loop3A_14, %parallel_loop3A_301 : i32
      %parallel_loop3A_303 = arith.constant 31 : i32
      %parallel_loop3A_304 = arith.index_cast %parallel_loop3A_303 : i32 to index
      %parallel_loop3A_305 = arith.index_cast %parallel_loop3A_302 : i32 to index
      %parallel_loop3A_306 = tpu.vector_load %arg7[%parallel_loop3A_304, %parallel_loop3A_305] {strides = array<i32>} : memref<64x1024xf32, #tpu.memory_space<vmem>>, vector<16xf32>,
      tpu.vector_store %arg7[%parallel_loop3A_304, %parallel_loop3A_305], %parallel_loop3A_300 {strides = array<i32>} : memref<64x1024xf32, #tpu.memory_space<vmem>>, vector<16xf32>,
      %parallel_loop3A_307 = arith.constant 32 : i32
      %parallel_loop3A_308 = vector.broadcast %parallel_loop3A_307 : i32 to vector<16xi32>
      %parallel_loop3A_309 = tpu.vector_load_idx %arg5[%parallel_loop3A_308, %parallel_loop3A_18] : memref<64x512xf32, #tpu.memory_space<vmem>>[vector<16xi32>, vector<16xi32>], vector<16xf32>,
      %parallel_loop3A_310 = arith.constant 16 : i32
      %parallel_loop3A_311 = arith.muli %parallel_loop3A_14, %parallel_loop3A_310 : i32
      %parallel_loop3A_312 = arith.constant 32 : i32
      %parallel_loop3A_313 = arith.index_cast %parallel_loop3A_312 : i32 to index
      %parallel_loop3A_314 = arith.index_cast %parallel_loop3A_311 : i32 to index
      %parallel_loop3A_315 = tpu.vector_load %arg7[%parallel_loop3A_313, %parallel_loop3A_314] {strides = array<i32>} : memref<64x1024xf32, #tpu.memory_space<vmem>>, vector<16xf32>,
      tpu.vector_store %arg7[%parallel_loop3A_313, %parallel_loop3A_314], %parallel_loop3A_309 {strides = array<i32>} : memref<64x1024xf32, #tpu.memory_space<vmem>>, vector<16xf32>,
      %parallel_loop3A_316 = arith.constant 33 : i32
      %parallel_loop3A_317 = vector.broadcast %parallel_loop3A_316 : i32 to vector<16xi32>
      %parallel_loop3A_318 = tpu.vector_load_idx %arg5[%parallel_loop3A_317, %parallel_loop3A_18] : memref<64x512xf32, #tpu.memory_space<vmem>>[vector<16xi32>, vector<16xi32>], vector<16xf32>,
      %parallel_loop3A_319 = arith.constant 16 : i32
      %parallel_loop3A_320 = arith.muli %parallel_loop3A_14, %parallel_loop3A_319 : i32
      %parallel_loop3A_321 = arith.constant 33 : i32
      %parallel_loop3A_322 = arith.index_cast %parallel_loop3A_321 : i32 to index
      %parallel_loop3A_323 = arith.index_cast %parallel_loop3A_320 : i32 to index
      %parallel_loop3A_324 = tpu.vector_load %arg7[%parallel_loop3A_322, %parallel_loop3A_323] {strides = array<i32>} : memref<64x1024xf32, #tpu.memory_space<vmem>>, vector<16xf32>,
      tpu.vector_store %arg7[%parallel_loop3A_322, %parallel_loop3A_323], %parallel_loop3A_318 {strides = array<i32>} : memref<64x1024xf32, #tpu.memory_space<vmem>>, vector<16xf32>,
      %parallel_loop3A_325 = arith.constant 34 : i32
      %parallel_loop3A_326 = vector.broadcast %parallel_loop3A_325 : i32 to vector<16xi32>
      %parallel_loop3A_327 = tpu.vector_load_idx %arg5[%parallel_loop3A_326, %parallel_loop3A_18] : memref<64x512xf32, #tpu.memory_space<vmem>>[vector<16xi32>, vector<16xi32>], vector<16xf32>,
      %parallel_loop3A_328 = arith.constant 16 : i32
      %parallel_loop3A_329 = arith.muli %parallel_loop3A_14, %parallel_loop3A_328 : i32
      %parallel_loop3A_330 = arith.constant 34 : i32
      %parallel_loop3A_331 = arith.index_cast %parallel_loop3A_330 : i32 to index
      %parallel_loop3A_332 = arith.index_cast %parallel_loop3A_329 : i32 to index
      %parallel_loop3A_333 = tpu.vector_load %arg7[%parallel_loop3A_331, %parallel_loop3A_332] {strides = array<i32>} : memref<64x1024xf32, #tpu.memory_space<vmem>>, vector<16xf32>,
      tpu.vector_store %arg7[%parallel_loop3A_331, %parallel_loop3A_332], %parallel_loop3A_327 {strides = array<i32>} : memref<64x1024xf32, #tpu.memory_space<vmem>>, vector<16xf32>,
      %parallel_loop3A_334 = arith.constant 35 : i32
      %parallel_loop3A_335 = vector.broadcast %parallel_loop3A_334 : i32 to vector<16xi32>
      %parallel_loop3A_336 = tpu.vector_load_idx %arg5[%parallel_loop3A_335, %parallel_loop3A_18] : memref<64x512xf32, #tpu.memory_space<vmem>>[vector<16xi32>, vector<16xi32>], vector<16xf32>,
      %parallel_loop3A_337 = arith.constant 16 : i32
      %parallel_loop3A_338 = arith.muli %parallel_loop3A_14, %parallel_loop3A_337 : i32
      %parallel_loop3A_339 = arith.constant 35 : i32
      %parallel_loop3A_340 = arith.index_cast %parallel_loop3A_339 : i32 to index
      %parallel_loop3A_341 = arith.index_cast %parallel_loop3A_338 : i32 to index
      %parallel_loop3A_342 = tpu.vector_load %arg7[%parallel_loop3A_340, %parallel_loop3A_341] {strides = array<i32>} : memref<64x1024xf32, #tpu.memory_space<vmem>>, vector<16xf32>,
      tpu.vector_store %arg7[%parallel_loop3A_340, %parallel_loop3A_341], %parallel_loop3A_336 {strides = array<i32>} : memref<64x1024xf32, #tpu.memory_space<vmem>>, vector<16xf32>,
      %parallel_loop3A_343 = arith.constant 36 : i32
      %parallel_loop3A_344 = vector.broadcast %parallel_loop3A_343 : i32 to vector<16xi32>
      %parallel_loop3A_345 = tpu.vector_load_idx %arg5[%parallel_loop3A_344, %parallel_loop3A_18] : memref<64x512xf32, #tpu.memory_space<vmem>>[vector<16xi32>, vector<16xi32>], vector<16xf32>,
      %parallel_loop3A_346 = arith.constant 16 : i32
      %parallel_loop3A_347 = arith.muli %parallel_loop3A_14, %parallel_loop3A_346 : i32
      %parallel_loop3A_348 = arith.constant 36 : i32
      %parallel_loop3A_349 = arith.index_cast %parallel_loop3A_348 : i32 to index
      %parallel_loop3A_350 = arith.index_cast %parallel_loop3A_347 : i32 to index
      %parallel_loop3A_351 = tpu.vector_load %arg7[%parallel_loop3A_349, %parallel_loop3A_350] {strides = array<i32>} : memref<64x1024xf32, #tpu.memory_space<vmem>>, vector<16xf32>,
      tpu.vector_store %arg7[%parallel_loop3A_349, %parallel_loop3A_350], %parallel_loop3A_345 {strides = array<i32>} : memref<64x1024xf32, #tpu.memory_space<vmem>>, vector<16xf32>,
      %parallel_loop3A_352 = arith.constant 37 : i32
      %parallel_loop3A_353 = vector.broadcast %parallel_loop3A_352 : i32 to vector<16xi32>
      %parallel_loop3A_354 = tpu.vector_load_idx %arg5[%parallel_loop3A_353, %parallel_loop3A_18] : memref<64x512xf32, #tpu.memory_space<vmem>>[vector<16xi32>, vector<16xi32>], vector<16xf32>,
      %parallel_loop3A_355 = arith.constant 16 : i32
      %parallel_loop3A_356 = arith.muli %parallel_loop3A_14, %parallel_loop3A_355 : i32
      %parallel_loop3A_357 = arith.constant 37 : i32
      %parallel_loop3A_358 = arith.index_cast %parallel_loop3A_357 : i32 to index
      %parallel_loop3A_359 = arith.index_cast %parallel_loop3A_356 : i32 to index
      %parallel_loop3A_360 = tpu.vector_load %arg7[%parallel_loop3A_358, %parallel_loop3A_359] {strides = array<i32>} : memref<64x1024xf32, #tpu.memory_space<vmem>>, vector<16xf32>,
      tpu.vector_store %arg7[%parallel_loop3A_358, %parallel_loop3A_359], %parallel_loop3A_354 {strides = array<i32>} : memref<64x1024xf32, #tpu.memory_space<vmem>>, vector<16xf32>,
      %parallel_loop3A_361 = arith.constant 38 : i32
      %parallel_loop3A_362 = vector.broadcast %parallel_loop3A_361 : i32 to vector<16xi32>
      %parallel_loop3A_363 = tpu.vector_load_idx %arg5[%parallel_loop3A_362, %parallel_loop3A_18] : memref<64x512xf32, #tpu.memory_space<vmem>>[vector<16xi32>, vector<16xi32>], vector<16xf32>,
      %parallel_loop3A_364 = arith.constant 16 : i32
      %parallel_loop3A_365 = arith.muli %parallel_loop3A_14, %parallel_loop3A_364 : i32
      %parallel_loop3A_366 = arith.constant 38 : i32
      %parallel_loop3A_367 = arith.index_cast %parallel_loop3A_366 : i32 to index
      %parallel_loop3A_368 = arith.index_cast %parallel_loop3A_365 : i32 to index
      %parallel_loop3A_369 = tpu.vector_load %arg7[%parallel_loop3A_367, %parallel_loop3A_368] {strides = array<i32>} : memref<64x1024xf32, #tpu.memory_space<vmem>>, vector<16xf32>,
      tpu.vector_store %arg7[%parallel_loop3A_367, %parallel_loop3A_368], %parallel_loop3A_363 {strides = array<i32>} : memref<64x1024xf32, #tpu.memory_space<vmem>>, vector<16xf32>,
      %parallel_loop3A_370 = arith.constant 39 : i32
      %parallel_loop3A_371 = vector.broadcast %parallel_loop3A_370 : i32 to vector<16xi32>
      %parallel_loop3A_372 = tpu.vector_load_idx %arg5[%parallel_loop3A_371, %parallel_loop3A_18] : memref<64x512xf32, #tpu.memory_space<vmem>>[vector<16xi32>, vector<16xi32>], vector<16xf32>,
      %parallel_loop3A_373 = arith.constant 16 : i32
      %parallel_loop3A_374 = arith.muli %parallel_loop3A_14, %parallel_loop3A_373 : i32
      %parallel_loop3A_375 = arith.constant 39 : i32
      %parallel_loop3A_376 = arith.index_cast %parallel_loop3A_375 : i32 to index
      %parallel_loop3A_377 = arith.index_cast %parallel_loop3A_374 : i32 to index
      %parallel_loop3A_378 = tpu.vector_load %arg7[%parallel_loop3A_376, %parallel_loop3A_377] {strides = array<i32>} : memref<64x1024xf32, #tpu.memory_space<vmem>>, vector<16xf32>,
      tpu.vector_store %arg7[%parallel_loop3A_376, %parallel_loop3A_377], %parallel_loop3A_372 {strides = array<i32>} : memref<64x1024xf32, #tpu.memory_space<vmem>>, vector<16xf32>,
      %parallel_loop3A_379 = arith.constant 40 : i32
      %parallel_loop3A_380 = vector.broadcast %parallel_loop3A_379 : i32 to vector<16xi32>
      %parallel_loop3A_381 = tpu.vector_load_idx %arg5[%parallel_loop3A_380, %parallel_loop3A_18] : memref<64x512xf32, #tpu.memory_space<vmem>>[vector<16xi32>, vector<16xi32>], vector<16xf32>,
      %parallel_loop3A_382 = arith.constant 16 : i32
      %parallel_loop3A_383 = arith.muli %parallel_loop3A_14, %parallel_loop3A_382 : i32
      %parallel_loop3A_384 = arith.constant 40 : i32
      %parallel_loop3A_385 = arith.index_cast %parallel_loop3A_384 : i32 to index
      %parallel_loop3A_386 = arith.index_cast %parallel_loop3A_383 : i32 to index
      %parallel_loop3A_387 = tpu.vector_load %arg7[%parallel_loop3A_385, %parallel_loop3A_386] {strides = array<i32>} : memref<64x1024xf32, #tpu.memory_space<vmem>>, vector<16xf32>,
      tpu.vector_store %arg7[%parallel_loop3A_385, %parallel_loop3A_386], %parallel_loop3A_381 {strides = array<i32>} : memref<64x1024xf32, #tpu.memory_space<vmem>>, vector<16xf32>,
      %parallel_loop3A_388 = arith.constant 41 : i32
      %parallel_loop3A_389 = vector.broadcast %parallel_loop3A_388 : i32 to vector<16xi32>
      %parallel_loop3A_390 = tpu.vector_load_idx %arg5[%parallel_loop3A_389, %parallel_loop3A_18] : memref<64x512xf32, #tpu.memory_space<vmem>>[vector<16xi32>, vector<16xi32>], vector<16xf32>,
      %parallel_loop3A_391 = arith.constant 16 : i32
      %parallel_loop3A_392 = arith.muli %parallel_loop3A_14, %parallel_loop3A_391 : i32
      %parallel_loop3A_393 = arith.constant 41 : i32
      %parallel_loop3A_394 = arith.index_cast %parallel_loop3A_393 : i32 to index
      %parallel_loop3A_395 = arith.index_cast %parallel_loop3A_392 : i32 to index
      %parallel_loop3A_396 = tpu.vector_load %arg7[%parallel_loop3A_394, %parallel_loop3A_395] {strides = array<i32>} : memref<64x1024xf32, #tpu.memory_space<vmem>>, vector<16xf32>,
      tpu.vector_store %arg7[%parallel_loop3A_394, %parallel_loop3A_395], %parallel_loop3A_390 {strides = array<i32>} : memref<64x1024xf32, #tpu.memory_space<vmem>>, vector<16xf32>,
      %parallel_loop3A_397 = arith.constant 42 : i32
      %parallel_loop3A_398 = vector.broadcast %parallel_loop3A_397 : i32 to vector<16xi32>
      %parallel_loop3A_399 = tpu.vector_load_idx %arg5[%parallel_loop3A_398, %parallel_loop3A_18] : memref<64x512xf32, #tpu.memory_space<vmem>>[vector<16xi32>, vector<16xi32>], vector<16xf32>,
      %parallel_loop3A_400 = arith.constant 16 : i32
      %parallel_loop3A_401 = arith.muli %parallel_loop3A_14, %parallel_loop3A_400 : i32
      %parallel_loop3A_402 = arith.constant 42 : i32
      %parallel_loop3A_403 = arith.index_cast %parallel_loop3A_402 : i32 to index
      %parallel_loop3A_404 = arith.index_cast %parallel_loop3A_401 : i32 to index
      %parallel_loop3A_405 = tpu.vector_load %arg7[%parallel_loop3A_403, %parallel_loop3A_404] {strides = array<i32>} : memref<64x1024xf32, #tpu.memory_space<vmem>>, vector<16xf32>,
      tpu.vector_store %arg7[%parallel_loop3A_403, %parallel_loop3A_404], %parallel_loop3A_399 {strides = array<i32>} : memref<64x1024xf32, #tpu.memory_space<vmem>>, vector<16xf32>,
      %parallel_loop3A_406 = arith.constant 43 : i32
      %parallel_loop3A_407 = vector.broadcast %parallel_loop3A_406 : i32 to vector<16xi32>
      %parallel_loop3A_408 = tpu.vector_load_idx %arg5[%parallel_loop3A_407, %parallel_loop3A_18] : memref<64x512xf32, #tpu.memory_space<vmem>>[vector<16xi32>, vector<16xi32>], vector<16xf32>,
      %parallel_loop3A_409 = arith.constant 16 : i32
      %parallel_loop3A_410 = arith.muli %parallel_loop3A_14, %parallel_loop3A_409 : i32
      %parallel_loop3A_411 = arith.constant 43 : i32
      %parallel_loop3A_412 = arith.index_cast %parallel_loop3A_411 : i32 to index
      %parallel_loop3A_413 = arith.index_cast %parallel_loop3A_410 : i32 to index
      %parallel_loop3A_414 = tpu.vector_load %arg7[%parallel_loop3A_412, %parallel_loop3A_413] {strides = array<i32>} : memref<64x1024xf32, #tpu.memory_space<vmem>>, vector<16xf32>,
      tpu.vector_store %arg7[%parallel_loop3A_412, %parallel_loop3A_413], %parallel_loop3A_408 {strides = array<i32>} : memref<64x1024xf32, #tpu.memory_space<vmem>>, vector<16xf32>,
      %parallel_loop3A_415 = arith.constant 44 : i32
      %parallel_loop3A_416 = vector.broadcast %parallel_loop3A_415 : i32 to vector<16xi32>
      %parallel_loop3A_417 = tpu.vector_load_idx %arg5[%parallel_loop3A_416, %parallel_loop3A_18] : memref<64x512xf32, #tpu.memory_space<vmem>>[vector<16xi32>, vector<16xi32>], vector<16xf32>,
      %parallel_loop3A_418 = arith.constant 16 : i32
      %parallel_loop3A_419 = arith.muli %parallel_loop3A_14, %parallel_loop3A_418 : i32
      %parallel_loop3A_420 = arith.constant 44 : i32
      %parallel_loop3A_421 = arith.index_cast %parallel_loop3A_420 : i32 to index
      %parallel_loop3A_422 = arith.index_cast %parallel_loop3A_419 : i32 to index
      %parallel_loop3A_423 = tpu.vector_load %arg7[%parallel_loop3A_421, %parallel_loop3A_422] {strides = array<i32>} : memref<64x1024xf32, #tpu.memory_space<vmem>>, vector<16xf32>,
      tpu.vector_store %arg7[%parallel_loop3A_421, %parallel_loop3A_422], %parallel_loop3A_417 {strides = array<i32>} : memref<64x1024xf32, #tpu.memory_space<vmem>>, vector<16xf32>,
      %parallel_loop3A_424 = arith.constant 45 : i32
      %parallel_loop3A_425 = vector.broadcast %parallel_loop3A_424 : i32 to vector<16xi32>
      %parallel_loop3A_426 = tpu.vector_load_idx %arg5[%parallel_loop3A_425, %parallel_loop3A_18] : memref<64x512xf32, #tpu.memory_space<vmem>>[vector<16xi32>, vector<16xi32>], vector<16xf32>,
      %parallel_loop3A_427 = arith.constant 16 : i32
      %parallel_loop3A_428 = arith.muli %parallel_loop3A_14, %parallel_loop3A_427 : i32
      %parallel_loop3A_429 = arith.constant 45 : i32
      %parallel_loop3A_430 = arith.index_cast %parallel_loop3A_429 : i32 to index
      %parallel_loop3A_431 = arith.index_cast %parallel_loop3A_428 : i32 to index
      %parallel_loop3A_432 = tpu.vector_load %arg7[%parallel_loop3A_430, %parallel_loop3A_431] {strides = array<i32>} : memref<64x1024xf32, #tpu.memory_space<vmem>>, vector<16xf32>,
      tpu.vector_store %arg7[%parallel_loop3A_430, %parallel_loop3A_431], %parallel_loop3A_426 {strides = array<i32>} : memref<64x1024xf32, #tpu.memory_space<vmem>>, vector<16xf32>,
      %parallel_loop3A_433 = arith.constant 46 : i32
      %parallel_loop3A_434 = vector.broadcast %parallel_loop3A_433 : i32 to vector<16xi32>
      %parallel_loop3A_435 = tpu.vector_load_idx %arg5[%parallel_loop3A_434, %parallel_loop3A_18] : memref<64x512xf32, #tpu.memory_space<vmem>>[vector<16xi32>, vector<16xi32>], vector<16xf32>,
      %parallel_loop3A_436 = arith.constant 16 : i32
      %parallel_loop3A_437 = arith.muli %parallel_loop3A_14, %parallel_loop3A_436 : i32
      %parallel_loop3A_438 = arith.constant 46 : i32
      %parallel_loop3A_439 = arith.index_cast %parallel_loop3A_438 : i32 to index
      %parallel_loop3A_440 = arith.index_cast %parallel_loop3A_437 : i32 to index
      %parallel_loop3A_441 = tpu.vector_load %arg7[%parallel_loop3A_439, %parallel_loop3A_440] {strides = array<i32>} : memref<64x1024xf32, #tpu.memory_space<vmem>>, vector<16xf32>,
      tpu.vector_store %arg7[%parallel_loop3A_439, %parallel_loop3A_440], %parallel_loop3A_435 {strides = array<i32>} : memref<64x1024xf32, #tpu.memory_space<vmem>>, vector<16xf32>,
      %parallel_loop3A_442 = arith.constant 47 : i32
      %parallel_loop3A_443 = vector.broadcast %parallel_loop3A_442 : i32 to vector<16xi32>
      %parallel_loop3A_444 = tpu.vector_load_idx %arg5[%parallel_loop3A_443, %parallel_loop3A_18] : memref<64x512xf32, #tpu.memory_space<vmem>>[vector<16xi32>, vector<16xi32>], vector<16xf32>,
      %parallel_loop3A_445 = arith.constant 16 : i32
      %parallel_loop3A_446 = arith.muli %parallel_loop3A_14, %parallel_loop3A_445 : i32
      %parallel_loop3A_447 = arith.constant 47 : i32
      %parallel_loop3A_448 = arith.index_cast %parallel_loop3A_447 : i32 to index
      %parallel_loop3A_449 = arith.index_cast %parallel_loop3A_446 : i32 to index
      %parallel_loop3A_450 = tpu.vector_load %arg7[%parallel_loop3A_448, %parallel_loop3A_449] {strides = array<i32>} : memref<64x1024xf32, #tpu.memory_space<vmem>>, vector<16xf32>,
      tpu.vector_store %arg7[%parallel_loop3A_448, %parallel_loop3A_449], %parallel_loop3A_444 {strides = array<i32>} : memref<64x1024xf32, #tpu.memory_space<vmem>>, vector<16xf32>,
      %parallel_loop3A_451 = arith.constant 48 : i32
      %parallel_loop3A_452 = vector.broadcast %parallel_loop3A_451 : i32 to vector<16xi32>
      %parallel_loop3A_453 = tpu.vector_load_idx %arg5[%parallel_loop3A_452, %parallel_loop3A_18] : memref<64x512xf32, #tpu.memory_space<vmem>>[vector<16xi32>, vector<16xi32>], vector<16xf32>,
      %parallel_loop3A_454 = arith.constant 16 : i32
      %parallel_loop3A_455 = arith.muli %parallel_loop3A_14, %parallel_loop3A_454 : i32
      %parallel_loop3A_456 = arith.constant 48 : i32
      %parallel_loop3A_457 = arith.index_cast %parallel_loop3A_456 : i32 to index
      %parallel_loop3A_458 = arith.index_cast %parallel_loop3A_455 : i32 to index
      %parallel_loop3A_459 = tpu.vector_load %arg7[%parallel_loop3A_457, %parallel_loop3A_458] {strides = array<i32>} : memref<64x1024xf32, #tpu.memory_space<vmem>>, vector<16xf32>,
      tpu.vector_store %arg7[%parallel_loop3A_457, %parallel_loop3A_458], %parallel_loop3A_453 {strides = array<i32>} : memref<64x1024xf32, #tpu.memory_space<vmem>>, vector<16xf32>,
      %parallel_loop3A_460 = arith.constant 49 : i32
      %parallel_loop3A_461 = vector.broadcast %parallel_loop3A_460 : i32 to vector<16xi32>
      %parallel_loop3A_462 = tpu.vector_load_idx %arg5[%parallel_loop3A_461, %parallel_loop3A_18] : memref<64x512xf32, #tpu.memory_space<vmem>>[vector<16xi32>, vector<16xi32>], vector<16xf32>,
      %parallel_loop3A_463 = arith.constant 16 : i32
      %parallel_loop3A_464 = arith.muli %parallel_loop3A_14, %parallel_loop3A_463 : i32
      %parallel_loop3A_465 = arith.constant 49 : i32
      %parallel_loop3A_466 = arith.index_cast %parallel_loop3A_465 : i32 to index
      %parallel_loop3A_467 = arith.index_cast %parallel_loop3A_464 : i32 to index
      %parallel_loop3A_468 = tpu.vector_load %arg7[%parallel_loop3A_466, %parallel_loop3A_467] {strides = array<i32>} : memref<64x1024xf32, #tpu.memory_space<vmem>>, vector<16xf32>,
      tpu.vector_store %arg7[%parallel_loop3A_466, %parallel_loop3A_467], %parallel_loop3A_462 {strides = array<i32>} : memref<64x1024xf32, #tpu.memory_space<vmem>>, vector<16xf32>,
      %parallel_loop3A_469 = arith.constant 50 : i32
      %parallel_loop3A_470 = vector.broadcast %parallel_loop3A_469 : i32 to vector<16xi32>
      %parallel_loop3A_471 = tpu.vector_load_idx %arg5[%parallel_loop3A_470, %parallel_loop3A_18] : memref<64x512xf32, #tpu.memory_space<vmem>>[vector<16xi32>, vector<16xi32>], vector<16xf32>,
      %parallel_loop3A_472 = arith.constant 16 : i32
      %parallel_loop3A_473 = arith.muli %parallel_loop3A_14, %parallel_loop3A_472 : i32
      %parallel_loop3A_474 = arith.constant 50 : i32
      %parallel_loop3A_475 = arith.index_cast %parallel_loop3A_474 : i32 to index
      %parallel_loop3A_476 = arith.index_cast %parallel_loop3A_473 : i32 to index
      %parallel_loop3A_477 = tpu.vector_load %arg7[%parallel_loop3A_475, %parallel_loop3A_476] {strides = array<i32>} : memref<64x1024xf32, #tpu.memory_space<vmem>>, vector<16xf32>,
      tpu.vector_store %arg7[%parallel_loop3A_475, %parallel_loop3A_476], %parallel_loop3A_471 {strides = array<i32>} : memref<64x1024xf32, #tpu.memory_space<vmem>>, vector<16xf32>,
      %parallel_loop3A_478 = arith.constant 51 : i32
      %parallel_loop3A_479 = vector.broadcast %parallel_loop3A_478 : i32 to vector<16xi32>
      %parallel_loop3A_480 = tpu.vector_load_idx %arg5[%parallel_loop3A_479, %parallel_loop3A_18] : memref<64x512xf32, #tpu.memory_space<vmem>>[vector<16xi32>, vector<16xi32>], vector<16xf32>,
      %parallel_loop3A_481 = arith.constant 16 : i32
      %parallel_loop3A_482 = arith.muli %parallel_loop3A_14, %parallel_loop3A_481 : i32
      %parallel_loop3A_483 = arith.constant 51 : i32
      %parallel_loop3A_484 = arith.index_cast %parallel_loop3A_483 : i32 to index
      %parallel_loop3A_485 = arith.index_cast %parallel_loop3A_482 : i32 to index
      %parallel_loop3A_486 = tpu.vector_load %arg7[%parallel_loop3A_484, %parallel_loop3A_485] {strides = array<i32>} : memref<64x1024xf32, #tpu.memory_space<vmem>>, vector<16xf32>,
      tpu.vector_store %arg7[%parallel_loop3A_484, %parallel_loop3A_485], %parallel_loop3A_480 {strides = array<i32>} : memref<64x1024xf32, #tpu.memory_space<vmem>>, vector<16xf32>,
      %parallel_loop3A_487 = arith.constant 52 : i32
      %parallel_loop3A_488 = vector.broadcast %parallel_loop3A_487 : i32 to vector<16xi32>
      %parallel_loop3A_489 = tpu.vector_load_idx %arg5[%parallel_loop3A_488, %parallel_loop3A_18] : memref<64x512xf32, #tpu.memory_space<vmem>>[vector<16xi32>, vector<16xi32>], vector<16xf32>,
      %parallel_loop3A_490 = arith.constant 16 : i32
      %parallel_loop3A_491 = arith.muli %parallel_loop3A_14, %parallel_loop3A_490 : i32
      %parallel_loop3A_492 = arith.constant 52 : i32
      %parallel_loop3A_493 = arith.index_cast %parallel_loop3A_492 : i32 to index
      %parallel_loop3A_494 = arith.index_cast %parallel_loop3A_491 : i32 to index
      %parallel_loop3A_495 = tpu.vector_load %arg7[%parallel_loop3A_493, %parallel_loop3A_494] {strides = array<i32>} : memref<64x1024xf32, #tpu.memory_space<vmem>>, vector<16xf32>,
      tpu.vector_store %arg7[%parallel_loop3A_493, %parallel_loop3A_494], %parallel_loop3A_489 {strides = array<i32>} : memref<64x1024xf32, #tpu.memory_space<vmem>>, vector<16xf32>,
      %parallel_loop3A_496 = arith.constant 53 : i32
      %parallel_loop3A_497 = vector.broadcast %parallel_loop3A_496 : i32 to vector<16xi32>
      %parallel_loop3A_498 = tpu.vector_load_idx %arg5[%parallel_loop3A_497, %parallel_loop3A_18] : memref<64x512xf32, #tpu.memory_space<vmem>>[vector<16xi32>, vector<16xi32>], vector<16xf32>,
      %parallel_loop3A_499 = arith.constant 16 : i32
      %parallel_loop3A_500 = arith.muli %parallel_loop3A_14, %parallel_loop3A_499 : i32
      %parallel_loop3A_501 = arith.constant 53 : i32
      %parallel_loop3A_502 = arith.index_cast %parallel_loop3A_501 : i32 to index
      %parallel_loop3A_503 = arith.index_cast %parallel_loop3A_500 : i32 to index
      %parallel_loop3A_504 = tpu.vector_load %arg7[%parallel_loop3A_502, %parallel_loop3A_503] {strides = array<i32>} : memref<64x1024xf32, #tpu.memory_space<vmem>>, vector<16xf32>,
      tpu.vector_store %arg7[%parallel_loop3A_502, %parallel_loop3A_503], %parallel_loop3A_498 {strides = array<i32>} : memref<64x1024xf32, #tpu.memory_space<vmem>>, vector<16xf32>,
      %parallel_loop3A_505 = arith.constant 54 : i32
      %parallel_loop3A_506 = vector.broadcast %parallel_loop3A_505 : i32 to vector<16xi32>
      %parallel_loop3A_507 = tpu.vector_load_idx %arg5[%parallel_loop3A_506, %parallel_loop3A_18] : memref<64x512xf32, #tpu.memory_space<vmem>>[vector<16xi32>, vector<16xi32>], vector<16xf32>,
      %parallel_loop3A_508 = arith.constant 16 : i32
      %parallel_loop3A_509 = arith.muli %parallel_loop3A_14, %parallel_loop3A_508 : i32
      %parallel_loop3A_510 = arith.constant 54 : i32
      %parallel_loop3A_511 = arith.index_cast %parallel_loop3A_510 : i32 to index
      %parallel_loop3A_512 = arith.index_cast %parallel_loop3A_509 : i32 to index
      %parallel_loop3A_513 = tpu.vector_load %arg7[%parallel_loop3A_511, %parallel_loop3A_512] {strides = array<i32>} : memref<64x1024xf32, #tpu.memory_space<vmem>>, vector<16xf32>,
      tpu.vector_store %arg7[%parallel_loop3A_511, %parallel_loop3A_512], %parallel_loop3A_507 {strides = array<i32>} : memref<64x1024xf32, #tpu.memory_space<vmem>>, vector<16xf32>,
      %parallel_loop3A_514 = arith.constant 55 : i32
      %parallel_loop3A_515 = vector.broadcast %parallel_loop3A_514 : i32 to vector<16xi32>
      %parallel_loop3A_516 = tpu.vector_load_idx %arg5[%parallel_loop3A_515, %parallel_loop3A_18] : memref<64x512xf32, #tpu.memory_space<vmem>>[vector<16xi32>, vector<16xi32>], vector<16xf32>,
      %parallel_loop3A_517 = arith.constant 16 : i32
      %parallel_loop3A_518 = arith.muli %parallel_loop3A_14, %parallel_loop3A_517 : i32
      %parallel_loop3A_519 = arith.constant 55 : i32
      %parallel_loop3A_520 = arith.index_cast %parallel_loop3A_519 : i32 to index
      %parallel_loop3A_521 = arith.index_cast %parallel_loop3A_518 : i32 to index
      %parallel_loop3A_522 = tpu.vector_load %arg7[%parallel_loop3A_520, %parallel_loop3A_521] {strides = array<i32>} : memref<64x1024xf32, #tpu.memory_space<vmem>>, vector<16xf32>,
      tpu.vector_store %arg7[%parallel_loop3A_520, %parallel_loop3A_521], %parallel_loop3A_516 {strides = array<i32>} : memref<64x1024xf32, #tpu.memory_space<vmem>>, vector<16xf32>,
      %parallel_loop3A_523 = arith.constant 56 : i32
      %parallel_loop3A_524 = vector.broadcast %parallel_loop3A_523 : i32 to vector<16xi32>
      %parallel_loop3A_525 = tpu.vector_load_idx %arg5[%parallel_loop3A_524, %parallel_loop3A_18] : memref<64x512xf32, #tpu.memory_space<vmem>>[vector<16xi32>, vector<16xi32>], vector<16xf32>,
      %parallel_loop3A_526 = arith.constant 16 : i32
      %parallel_loop3A_527 = arith.muli %parallel_loop3A_14, %parallel_loop3A_526 : i32
      %parallel_loop3A_528 = arith.constant 56 : i32
      %parallel_loop3A_529 = arith.index_cast %parallel_loop3A_528 : i32 to index
      %parallel_loop3A_530 = arith.index_cast %parallel_loop3A_527 : i32 to index
      %parallel_loop3A_531 = tpu.vector_load %arg7[%parallel_loop3A_529, %parallel_loop3A_530] {strides = array<i32>} : memref<64x1024xf32, #tpu.memory_space<vmem>>, vector<16xf32>,
      tpu.vector_store %arg7[%parallel_loop3A_529, %parallel_loop3A_530], %parallel_loop3A_525 {strides = array<i32>} : memref<64x1024xf32, #tpu.memory_space<vmem>>, vector<16xf32>,
      %parallel_loop3A_532 = arith.constant 57 : i32
      %parallel_loop3A_533 = vector.broadcast %parallel_loop3A_532 : i32 to vector<16xi32>
      %parallel_loop3A_534 = tpu.vector_load_idx %arg5[%parallel_loop3A_533, %parallel_loop3A_18] : memref<64x512xf32, #tpu.memory_space<vmem>>[vector<16xi32>, vector<16xi32>], vector<16xf32>,
      %parallel_loop3A_535 = arith.constant 16 : i32
      %parallel_loop3A_536 = arith.muli %parallel_loop3A_14, %parallel_loop3A_535 : i32
      %parallel_loop3A_537 = arith.constant 57 : i32
      %parallel_loop3A_538 = arith.index_cast %parallel_loop3A_537 : i32 to index
      %parallel_loop3A_539 = arith.index_cast %parallel_loop3A_536 : i32 to index
      %parallel_loop3A_540 = tpu.vector_load %arg7[%parallel_loop3A_538, %parallel_loop3A_539] {strides = array<i32>} : memref<64x1024xf32, #tpu.memory_space<vmem>>, vector<16xf32>,
      tpu.vector_store %arg7[%parallel_loop3A_538, %parallel_loop3A_539], %parallel_loop3A_534 {strides = array<i32>} : memref<64x1024xf32, #tpu.memory_space<vmem>>, vector<16xf32>,
      %parallel_loop3A_541 = arith.constant 58 : i32
      %parallel_loop3A_542 = vector.broadcast %parallel_loop3A_541 : i32 to vector<16xi32>
      %parallel_loop3A_543 = tpu.vector_load_idx %arg5[%parallel_loop3A_542, %parallel_loop3A_18] : memref<64x512xf32, #tpu.memory_space<vmem>>[vector<16xi32>, vector<16xi32>], vector<16xf32>,
      %parallel_loop3A_544 = arith.constant 16 : i32
      %parallel_loop3A_545 = arith.muli %parallel_loop3A_14, %parallel_loop3A_544 : i32
      %parallel_loop3A_546 = arith.constant 58 : i32
      %parallel_loop3A_547 = arith.index_cast %parallel_loop3A_546 : i32 to index
      %parallel_loop3A_548 = arith.index_cast %parallel_loop3A_545 : i32 to index
      %parallel_loop3A_549 = tpu.vector_load %arg7[%parallel_loop3A_547, %parallel_loop3A_548] {strides = array<i32>} : memref<64x1024xf32, #tpu.memory_space<vmem>>, vector<16xf32>,
      tpu.vector_store %arg7[%parallel_loop3A_547, %parallel_loop3A_548], %parallel_loop3A_543 {strides = array<i32>} : memref<64x1024xf32, #tpu.memory_space<vmem>>, vector<16xf32>,
      %parallel_loop3A_550 = arith.constant 59 : i32
      %parallel_loop3A_551 = vector.broadcast %parallel_loop3A_550 : i32 to vector<16xi32>
      %parallel_loop3A_552 = tpu.vector_load_idx %arg5[%parallel_loop3A_551, %parallel_loop3A_18] : memref<64x512xf32, #tpu.memory_space<vmem>>[vector<16xi32>, vector<16xi32>], vector<16xf32>,
      %parallel_loop3A_553 = arith.constant 16 : i32
      %parallel_loop3A_554 = arith.muli %parallel_loop3A_14, %parallel_loop3A_553 : i32
      %parallel_loop3A_555 = arith.constant 59 : i32
      %parallel_loop3A_556 = arith.index_cast %parallel_loop3A_555 : i32 to index
      %parallel_loop3A_557 = arith.index_cast %parallel_loop3A_554 : i32 to index
      %parallel_loop3A_558 = tpu.vector_load %arg7[%parallel_loop3A_556, %parallel_loop3A_557] {strides = array<i32>} : memref<64x1024xf32, #tpu.memory_space<vmem>>, vector<16xf32>,
      tpu.vector_store %arg7[%parallel_loop3A_556, %parallel_loop3A_557], %parallel_loop3A_552 {strides = array<i32>} : memref<64x1024xf32, #tpu.memory_space<vmem>>, vector<16xf32>,
      %parallel_loop3A_559 = arith.constant 60 : i32
      %parallel_loop3A_560 = vector.broadcast %parallel_loop3A_559 : i32 to vector<16xi32>
      %parallel_loop3A_561 = tpu.vector_load_idx %arg5[%parallel_loop3A_560, %parallel_loop3A_18] : memref<64x512xf32, #tpu.memory_space<vmem>>[vector<16xi32>, vector<16xi32>], vector<16xf32>,
      %parallel_loop3A_562 = arith.constant 16 : i32
      %parallel_loop3A_563 = arith.muli %parallel_loop3A_14, %parallel_loop3A_562 : i32
      %parallel_loop3A_564 = arith.constant 60 : i32
      %parallel_loop3A_565 = arith.index_cast %parallel_loop3A_564 : i32 to index
      %parallel_loop3A_566 = arith.index_cast %parallel_loop3A_563 : i32 to index
      %parallel_loop3A_567 = tpu.vector_load %arg7[%parallel_loop3A_565, %parallel_loop3A_566] {strides = array<i32>} : memref<64x1024xf32, #tpu.memory_space<vmem>>, vector<16xf32>,
      tpu.vector_store %arg7[%parallel_loop3A_565, %parallel_loop3A_566], %parallel_loop3A_561 {strides = array<i32>} : memref<64x1024xf32, #tpu.memory_space<vmem>>, vector<16xf32>,
      %parallel_loop3A_568 = arith.constant 61 : i32
      %parallel_loop3A_569 = vector.broadcast %parallel_loop3A_568 : i32 to vector<16xi32>
      %parallel_loop3A_570 = tpu.vector_load_idx %arg5[%parallel_loop3A_569, %parallel_loop3A_18] : memref<64x512xf32, #tpu.memory_space<vmem>>[vector<16xi32>, vector<16xi32>], vector<16xf32>,
      %parallel_loop3A_571 = arith.constant 16 : i32
      %parallel_loop3A_572 = arith.muli %parallel_loop3A_14, %parallel_loop3A_571 : i32
      %parallel_loop3A_573 = arith.constant 61 : i32
      %parallel_loop3A_574 = arith.index_cast %parallel_loop3A_573 : i32 to index
      %parallel_loop3A_575 = arith.index_cast %parallel_loop3A_572 : i32 to index
      %parallel_loop3A_576 = tpu.vector_load %arg7[%parallel_loop3A_574, %parallel_loop3A_575] {strides = array<i32>} : memref<64x1024xf32, #tpu.memory_space<vmem>>, vector<16xf32>,
      tpu.vector_store %arg7[%parallel_loop3A_574, %parallel_loop3A_575], %parallel_loop3A_570 {strides = array<i32>} : memref<64x1024xf32, #tpu.memory_space<vmem>>, vector<16xf32>,
      %parallel_loop3A_577 = arith.constant 62 : i32
      %parallel_loop3A_578 = vector.broadcast %parallel_loop3A_577 : i32 to vector<16xi32>
      %parallel_loop3A_579 = tpu.vector_load_idx %arg5[%parallel_loop3A_578, %parallel_loop3A_18] : memref<64x512xf32, #tpu.memory_space<vmem>>[vector<16xi32>, vector<16xi32>], vector<16xf32>,
      %parallel_loop3A_580 = arith.constant 16 : i32
      %parallel_loop3A_581 = arith.muli %parallel_loop3A_14, %parallel_loop3A_580 : i32
      %parallel_loop3A_582 = arith.constant 62 : i32
      %parallel_loop3A_583 = arith.index_cast %parallel_loop3A_582 : i32 to index
      %parallel_loop3A_584 = arith.index_cast %parallel_loop3A_581 : i32 to index
      %parallel_loop3A_585 = tpu.vector_load %arg7[%parallel_loop3A_583, %parallel_loop3A_584] {strides = array<i32>} : memref<64x1024xf32, #tpu.memory_space<vmem>>, vector<16xf32>,
      tpu.vector_store %arg7[%parallel_loop3A_583, %parallel_loop3A_584], %parallel_loop3A_579 {strides = array<i32>} : memref<64x1024xf32, #tpu.memory_space<vmem>>, vector<16xf32>,
      %parallel_loop3A_586 = arith.constant 63 : i32
      %parallel_loop3A_587 = vector.broadcast %parallel_loop3A_586 : i32 to vector<16xi32>
      %parallel_loop3A_588 = tpu.vector_load_idx %arg5[%parallel_loop3A_587, %parallel_loop3A_18] : memref<64x512xf32, #tpu.memory_space<vmem>>[vector<16xi32>, vector<16xi32>], vector<16xf32>,
      %parallel_loop3A_589 = arith.constant 16 : i32
      %parallel_loop3A_590 = arith.muli %parallel_loop3A_14, %parallel_loop3A_589 : i32
      %parallel_loop3A_591 = arith.constant 63 : i32
      %parallel_loop3A_592 = arith.index_cast %parallel_loop3A_591 : i32 to index
      %parallel_loop3A_593 = arith.index_cast %parallel_loop3A_590 : i32 to index
      %parallel_loop3A_594 = tpu.vector_load %arg7[%parallel_loop3A_592, %parallel_loop3A_593] {strides = array<i32>} : memref<64x1024xf32, #tpu.memory_space<vmem>>, vector<16xf32>,
      tpu.vector_store %arg7[%parallel_loop3A_592, %parallel_loop3A_593], %parallel_loop3A_588 {strides = array<i32>} : memref<64x1024xf32, #tpu.memory_space<vmem>>, vector<16xf32>,
    } {sc.loop_unroll_factor = 2 : i64, sc.parallel_access}
    "tpu.region"() ({
      %run_scoped3A = tpu.sem_alloc : memref<!tpu.dma_semaphore, #tpu.memory_space<semaphore_mem>>
      %dma_start3A = arith.constant 0 : i32
      %dma_start3A_14 = arith.constant 0 : i32
      %dma_start3A_15 = tpu.memref_slice %arg4[%add3A_10, %dma_start3A, %dma_start3A_14] : memref<64x64x1024xf32, #tpu.memory_space<hbm>> -> memref<1x64x1024xf32, #tpu.memory_space<hbm>>
      %dma_start3A_16 = tpu.memref_squeeze %dma_start3A_15 : memref<1x64x1024xf32, #tpu.memory_space<hbm>> -> memref<64x1024xf32, #tpu.memory_space<hbm>>
      %dma_start3A_17 = arith.constant 0 : i32
      %dma_start3A_18 = arith.constant 0 : i32
      %dma_start3A_19 = tpu.memref_slice %arg4[%add3A_10, %dma_start3A_17, %dma_start3A_18] : memref<64x64x1024xf32, #tpu.memory_space<hbm>> -> memref<1x64x1024xf32, #tpu.memory_space<hbm>>
      %dma_start3A_20 = tpu.memref_squeeze %dma_start3A_19 : memref<1x64x1024xf32, #tpu.memory_space<hbm>> -> memref<64x1024xf32, #tpu.memory_space<hbm>>
      tpu.enqueue_dma source(%arg7 : memref<64x1024xf32, #tpu.memory_space<vmem>>) target(%dma_start3A_20 : memref<64x1024xf32, #tpu.memory_space<hbm>>) target_semaphore(%run_scoped3A : memref<!tpu.dma_semaphore, #tpu.memory_space<semaphore_mem>>)
      %dma_wait3A = arith.constant 0 : i32
      %dma_wait3A_21 = arith.constant 0 : i32
      %dma_wait3A_22 = tpu.memref_slice %arg4[%add3A_10, %dma_wait3A, %dma_wait3A_21] : memref<64x64x1024xf32, #tpu.memory_space<hbm>> -> memref<1x64x1024xf32, #tpu.memory_space<hbm>>
      %dma_wait3A_23 = tpu.memref_squeeze %dma_wait3A_22 : memref<1x64x1024xf32, #tpu.memory_space<hbm>> -> memref<64x1024xf32, #tpu.memory_space<hbm>>
      %dma_wait3A_24 = arith.constant 0 : i32
      %dma_wait3A_25 = arith.constant 0 : i32
      %dma_wait3A_26 = tpu.memref_slice %arg4[%add3A_10, %dma_wait3A_24, %dma_wait3A_25] : memref<64x64x1024xf32, #tpu.memory_space<hbm>> -> memref<1x64x1024xf32, #tpu.memory_space<hbm>>
      %dma_wait3A_27 = tpu.memref_squeeze %dma_wait3A_26 : memref<1x64x1024xf32, #tpu.memory_space<hbm>> -> memref<64x1024xf32, #tpu.memory_space<hbm>>
      tpu.wait_dma2 semaphore(%run_scoped3A : memref<!tpu.dma_semaphore, #tpu.memory_space<semaphore_mem>>) src(%arg7 : memref<64x1024xf32, #tpu.memory_space<vmem>>) dst(%dma_wait3A_27 : memref<64x1024xf32, #tpu.memory_space<hbm>>)
      tpu.yield
    }) : () -> ()
    return
  }
}

module attributes {stable_mosaic.version = 14 : i64} {
  func.func @_argmin_body(%arg0: i32, %arg1: memref<8x64x1024xf32, #tpu.memory_space<vmem>>, %arg2: memref<512x64xf32, #tpu.memory_space<vmem>>, %arg3: memref<1x8x1024xi32, #tpu.memory_space<vmem>>) attributes {dimension_semantics = [#tpu.dimension_semantics<arbitrary>], iteration_bounds = array<i64: 8>, scalar_prefetch = 0 : i64, scratch_operands = 0 : i64, tpu.core_type = #tpu.core_type<tc>, window_params = [{transform_indices = @transform_0, window_bounds = array<i64: 8, 64, 1024>}, {pipeline_mode = #tpu.pipeline_mode<synchronous>, transform_indices = @transform_1, window_bounds = array<i64: 512, 64>}, {transform_indices = @transform_2, window_bounds = array<i64: 1, 8, 1024>}]} {
    %get3A = arith.constant 0 : index
    %get3A_0 = arith.constant 0 : index
    %get3A_1 = vector.load %arg2[%get3A, %get3A_0] : memref<512x64xf32, #tpu.memory_space<vmem>>, vector<512x64xf32>
    %mul3A = arith.mulf %get3A_1, %get3A_1 : vector<512x64xf32>
    %reduce_sum3A = arith.constant dense<0.000000e+00> : vector<512xf32>
    %reduce_sum3A_2 = vector.multi_reduction <add>, %mul3A, %reduce_sum3A [1] : vector<512x64xf32> to vector<512xf32>
    %broadcast_in_dim3A = vector.shape_cast %reduce_sum3A_2 : vector<512xf32> to vector<512x1xf32>
    %iota3A = tpu.iota {dimensions = array<i32: 0>} : vector<512x1024xi32>
    %get3A_3 = arith.constant 0 : index
    %get3A_4 = arith.constant 0 : index
    %get3A_5 = arith.constant 0 : index
    %get3A_6 = vector.load %arg1[%get3A_3, %get3A_4, %get3A_5] : memref<8x64x1024xf32, #tpu.memory_space<vmem>>, vector<1x64x1024xf32>
    %get3A_7 = vector.shape_cast %get3A_6 : vector<1x64x1024xf32> to vector<64x1024xf32>
    %mul3A_8 = arith.mulf %get3A_7, %get3A_7 : vector<64x1024xf32>
    %reduce_sum3A_9 = arith.constant dense<0.000000e+00> : vector<1024xf32>
    %reduce_sum3A_10 = vector.multi_reduction <add>, %mul3A_8, %reduce_sum3A_9 [0] : vector<64x1024xf32> to vector<1024xf32>
    %broadcast_in_dim3A_11 = vector.shape_cast %reduce_sum3A_10 : vector<1024xf32> to vector<1x1024xf32>
    %dot_general3A = arith.constant dense<0.000000e+00> : vector<512x1024xf32>
    %dot_general3A_12 = tpu.matmul %get3A_1, %get3A_7, %dot_general3A {dimension_numbers = #tpu.dot_dimension_numbers<[1], [0], [0], [1], [0, 0, 1, 1], [], []>, transpose_lhs_hint = false} : vector<512x64xf32>, vector<64x1024xf32>, vector<512x1024xf32> -> vector<512x1024xf32>
    %add3A = vector.broadcast %broadcast_in_dim3A_11 : vector<1x1024xf32> to vector<512x1024xf32>
    %add3A_13 = vector.broadcast %broadcast_in_dim3A : vector<512x1xf32> to vector<512x1024xf32>
    %add3A_14 = arith.addf %add3A, %add3A_13 : vector<512x1024xf32>
    %mul3A_15 = arith.constant 2.000000e+00 : f32
    %mul3A_16 = vector.broadcast %mul3A_15 : f32 to vector<512x1024xf32>
    %mul3A_17 = arith.mulf %mul3A_16, %dot_general3A_12 : vector<512x1024xf32>
    %sub3A = arith.subf %add3A_14, %mul3A_17 : vector<512x1024xf32>
    %reduce_min3A = arith.constant dense<0x7F800000> : vector<1024xf32>
    %reduce_min3A_18 = vector.multi_reduction <minimumf>, %sub3A, %reduce_min3A [0] : vector<512x1024xf32> to vector<1024xf32>
    %broadcast_in_dim3A_19 = vector.shape_cast %reduce_min3A_18 : vector<1024xf32> to vector<1x1024xf32>
    %le3A = vector.broadcast %broadcast_in_dim3A_19 : vector<1x1024xf32> to vector<512x1024xf32>
    %le3A_20 = arith.cmpf ole, %sub3A, %le3A : vector<512x1024xf32>
    %jit3A = arith.constant 512 : i32
    %broadcast_in_dim3A_21 = vector.broadcast %jit3A : i32 to vector<512x1024xi32>
    %select_n3A = arith.select %le3A_20, %iota3A, %broadcast_in_dim3A_21 : vector<512x1024xi1>, vector<512x1024xi32>
    %reduce_min3A_22 = arith.constant dense<2147483647> : vector<1024xi32>
    %reduce_min3A_23 = vector.multi_reduction <minsi>, %select_n3A, %reduce_min3A_22 [0] : vector<512x1024xi32> to vector<1024xi32>
    %broadcast_in_dim3A_24 = vector.shape_cast %reduce_min3A_23 : vector<1024xi32> to vector<1x1024xi32>
    %swap3A = arith.constant 0 : index
    %swap3A_25 = arith.constant 0 : index
    %swap3A_26 = arith.constant 0 : index
    %swap3A_27 = vector.load %arg3[%swap3A, %swap3A_25, %swap3A_26] : memref<1x8x1024xi32, #tpu.memory_space<vmem>>, vector<1x1x1024xi32>
    %swap3A_28 = vector.shape_cast %swap3A_27 : vector<1x1x1024xi32> to vector<1x1024xi32>
    %swap3A_29 = vector.shape_cast %broadcast_in_dim3A_24 : vector<1x1024xi32> to vector<1x1x1024xi32>
    tpu.vector_store %arg3[%swap3A, %swap3A_25, %swap3A_26], %swap3A_29 {strides = array<i32>} : memref<1x8x1024xi32, #tpu.memory_space<vmem>>, vector<1x1x1024xi32>,
    %get3A_30 = arith.constant 1 : index
    %get3A_31 = arith.constant 0 : index
    %get3A_32 = arith.constant 0 : index
    %get3A_33 = vector.load %arg1[%get3A_30, %get3A_31, %get3A_32] : memref<8x64x1024xf32, #tpu.memory_space<vmem>>, vector<1x64x1024xf32>
    %get3A_34 = vector.shape_cast %get3A_33 : vector<1x64x1024xf32> to vector<64x1024xf32>
    %mul3A_35 = arith.mulf %get3A_34, %get3A_34 : vector<64x1024xf32>
    %reduce_sum3A_36 = arith.constant dense<0.000000e+00> : vector<1024xf32>
    %reduce_sum3A_37 = vector.multi_reduction <add>, %mul3A_35, %reduce_sum3A_36 [0] : vector<64x1024xf32> to vector<1024xf32>
    %broadcast_in_dim3A_38 = vector.shape_cast %reduce_sum3A_37 : vector<1024xf32> to vector<1x1024xf32>
    %dot_general3A_39 = arith.constant dense<0.000000e+00> : vector<512x1024xf32>
    %dot_general3A_40 = tpu.matmul %get3A_1, %get3A_34, %dot_general3A_39 {dimension_numbers = #tpu.dot_dimension_numbers<[1], [0], [0], [1], [0, 0, 1, 1], [], []>, transpose_lhs_hint = false} : vector<512x64xf32>, vector<64x1024xf32>, vector<512x1024xf32> -> vector<512x1024xf32>
    %add3A_41 = vector.broadcast %broadcast_in_dim3A_38 : vector<1x1024xf32> to vector<512x1024xf32>
    %add3A_42 = vector.broadcast %broadcast_in_dim3A : vector<512x1xf32> to vector<512x1024xf32>
    %add3A_43 = arith.addf %add3A_41, %add3A_42 : vector<512x1024xf32>
    %mul3A_44 = arith.constant 2.000000e+00 : f32
    %mul3A_45 = vector.broadcast %mul3A_44 : f32 to vector<512x1024xf32>
    %mul3A_46 = arith.mulf %mul3A_45, %dot_general3A_40 : vector<512x1024xf32>
    %sub3A_47 = arith.subf %add3A_43, %mul3A_46 : vector<512x1024xf32>
    %reduce_min3A_48 = arith.constant dense<0x7F800000> : vector<1024xf32>
    %reduce_min3A_49 = vector.multi_reduction <minimumf>, %sub3A_47, %reduce_min3A_48 [0] : vector<512x1024xf32> to vector<1024xf32>
    %broadcast_in_dim3A_50 = vector.shape_cast %reduce_min3A_49 : vector<1024xf32> to vector<1x1024xf32>
    %le3A_51 = vector.broadcast %broadcast_in_dim3A_50 : vector<1x1024xf32> to vector<512x1024xf32>
    %le3A_52 = arith.cmpf ole, %sub3A_47, %le3A_51 : vector<512x1024xf32>
    %jit3A_53 = arith.constant 512 : i32
    %broadcast_in_dim3A_54 = vector.broadcast %jit3A_53 : i32 to vector<512x1024xi32>
    %select_n3A_55 = arith.select %le3A_52, %iota3A, %broadcast_in_dim3A_54 : vector<512x1024xi1>, vector<512x1024xi32>
    %reduce_min3A_56 = arith.constant dense<2147483647> : vector<1024xi32>
    %reduce_min3A_57 = vector.multi_reduction <minsi>, %select_n3A_55, %reduce_min3A_56 [0] : vector<512x1024xi32> to vector<1024xi32>
    %broadcast_in_dim3A_58 = vector.shape_cast %reduce_min3A_57 : vector<1024xi32> to vector<1x1024xi32>
    %swap3A_59 = arith.constant 0 : index
    %swap3A_60 = arith.constant 1 : index
    %swap3A_61 = arith.constant 0 : index
    %swap3A_62 = vector.load %arg3[%swap3A_59, %swap3A_60, %swap3A_61] : memref<1x8x1024xi32, #tpu.memory_space<vmem>>, vector<1x1x1024xi32>
    %swap3A_63 = vector.shape_cast %swap3A_62 : vector<1x1x1024xi32> to vector<1x1024xi32>
    %swap3A_64 = vector.shape_cast %broadcast_in_dim3A_58 : vector<1x1024xi32> to vector<1x1x1024xi32>
    tpu.vector_store %arg3[%swap3A_59, %swap3A_60, %swap3A_61], %swap3A_64 {strides = array<i32>} : memref<1x8x1024xi32, #tpu.memory_space<vmem>>, vector<1x1x1024xi32>,
    %get3A_65 = arith.constant 2 : index
    %get3A_66 = arith.constant 0 : index
    %get3A_67 = arith.constant 0 : index
    %get3A_68 = vector.load %arg1[%get3A_65, %get3A_66, %get3A_67] : memref<8x64x1024xf32, #tpu.memory_space<vmem>>, vector<1x64x1024xf32>
    %get3A_69 = vector.shape_cast %get3A_68 : vector<1x64x1024xf32> to vector<64x1024xf32>
    %mul3A_70 = arith.mulf %get3A_69, %get3A_69 : vector<64x1024xf32>
    %reduce_sum3A_71 = arith.constant dense<0.000000e+00> : vector<1024xf32>
    %reduce_sum3A_72 = vector.multi_reduction <add>, %mul3A_70, %reduce_sum3A_71 [0] : vector<64x1024xf32> to vector<1024xf32>
    %broadcast_in_dim3A_73 = vector.shape_cast %reduce_sum3A_72 : vector<1024xf32> to vector<1x1024xf32>
    %dot_general3A_74 = arith.constant dense<0.000000e+00> : vector<512x1024xf32>
    %dot_general3A_75 = tpu.matmul %get3A_1, %get3A_69, %dot_general3A_74 {dimension_numbers = #tpu.dot_dimension_numbers<[1], [0], [0], [1], [0, 0, 1, 1], [], []>, transpose_lhs_hint = false} : vector<512x64xf32>, vector<64x1024xf32>, vector<512x1024xf32> -> vector<512x1024xf32>
    %add3A_76 = vector.broadcast %broadcast_in_dim3A_73 : vector<1x1024xf32> to vector<512x1024xf32>
    %add3A_77 = vector.broadcast %broadcast_in_dim3A : vector<512x1xf32> to vector<512x1024xf32>
    %add3A_78 = arith.addf %add3A_76, %add3A_77 : vector<512x1024xf32>
    %mul3A_79 = arith.constant 2.000000e+00 : f32
    %mul3A_80 = vector.broadcast %mul3A_79 : f32 to vector<512x1024xf32>
    %mul3A_81 = arith.mulf %mul3A_80, %dot_general3A_75 : vector<512x1024xf32>
    %sub3A_82 = arith.subf %add3A_78, %mul3A_81 : vector<512x1024xf32>
    %reduce_min3A_83 = arith.constant dense<0x7F800000> : vector<1024xf32>
    %reduce_min3A_84 = vector.multi_reduction <minimumf>, %sub3A_82, %reduce_min3A_83 [0] : vector<512x1024xf32> to vector<1024xf32>
    %broadcast_in_dim3A_85 = vector.shape_cast %reduce_min3A_84 : vector<1024xf32> to vector<1x1024xf32>
    %le3A_86 = vector.broadcast %broadcast_in_dim3A_85 : vector<1x1024xf32> to vector<512x1024xf32>
    %le3A_87 = arith.cmpf ole, %sub3A_82, %le3A_86 : vector<512x1024xf32>
    %jit3A_88 = arith.constant 512 : i32
    %broadcast_in_dim3A_89 = vector.broadcast %jit3A_88 : i32 to vector<512x1024xi32>
    %select_n3A_90 = arith.select %le3A_87, %iota3A, %broadcast_in_dim3A_89 : vector<512x1024xi1>, vector<512x1024xi32>
    %reduce_min3A_91 = arith.constant dense<2147483647> : vector<1024xi32>
    %reduce_min3A_92 = vector.multi_reduction <minsi>, %select_n3A_90, %reduce_min3A_91 [0] : vector<512x1024xi32> to vector<1024xi32>
    %broadcast_in_dim3A_93 = vector.shape_cast %reduce_min3A_92 : vector<1024xi32> to vector<1x1024xi32>
    %swap3A_94 = arith.constant 0 : index
    %swap3A_95 = arith.constant 2 : index
    %swap3A_96 = arith.constant 0 : index
    %swap3A_97 = vector.load %arg3[%swap3A_94, %swap3A_95, %swap3A_96] : memref<1x8x1024xi32, #tpu.memory_space<vmem>>, vector<1x1x1024xi32>
    %swap3A_98 = vector.shape_cast %swap3A_97 : vector<1x1x1024xi32> to vector<1x1024xi32>
    %swap3A_99 = vector.shape_cast %broadcast_in_dim3A_93 : vector<1x1024xi32> to vector<1x1x1024xi32>
    tpu.vector_store %arg3[%swap3A_94, %swap3A_95, %swap3A_96], %swap3A_99 {strides = array<i32>} : memref<1x8x1024xi32, #tpu.memory_space<vmem>>, vector<1x1x1024xi32>,
    %get3A_100 = arith.constant 3 : index
    %get3A_101 = arith.constant 0 : index
    %get3A_102 = arith.constant 0 : index
    %get3A_103 = vector.load %arg1[%get3A_100, %get3A_101, %get3A_102] : memref<8x64x1024xf32, #tpu.memory_space<vmem>>, vector<1x64x1024xf32>
    %get3A_104 = vector.shape_cast %get3A_103 : vector<1x64x1024xf32> to vector<64x1024xf32>
    %mul3A_105 = arith.mulf %get3A_104, %get3A_104 : vector<64x1024xf32>
    %reduce_sum3A_106 = arith.constant dense<0.000000e+00> : vector<1024xf32>
    %reduce_sum3A_107 = vector.multi_reduction <add>, %mul3A_105, %reduce_sum3A_106 [0] : vector<64x1024xf32> to vector<1024xf32>
    %broadcast_in_dim3A_108 = vector.shape_cast %reduce_sum3A_107 : vector<1024xf32> to vector<1x1024xf32>
    %dot_general3A_109 = arith.constant dense<0.000000e+00> : vector<512x1024xf32>
    %dot_general3A_110 = tpu.matmul %get3A_1, %get3A_104, %dot_general3A_109 {dimension_numbers = #tpu.dot_dimension_numbers<[1], [0], [0], [1], [0, 0, 1, 1], [], []>, transpose_lhs_hint = false} : vector<512x64xf32>, vector<64x1024xf32>, vector<512x1024xf32> -> vector<512x1024xf32>
    %add3A_111 = vector.broadcast %broadcast_in_dim3A_108 : vector<1x1024xf32> to vector<512x1024xf32>
    %add3A_112 = vector.broadcast %broadcast_in_dim3A : vector<512x1xf32> to vector<512x1024xf32>
    %add3A_113 = arith.addf %add3A_111, %add3A_112 : vector<512x1024xf32>
    %mul3A_114 = arith.constant 2.000000e+00 : f32
    %mul3A_115 = vector.broadcast %mul3A_114 : f32 to vector<512x1024xf32>
    %mul3A_116 = arith.mulf %mul3A_115, %dot_general3A_110 : vector<512x1024xf32>
    %sub3A_117 = arith.subf %add3A_113, %mul3A_116 : vector<512x1024xf32>
    %reduce_min3A_118 = arith.constant dense<0x7F800000> : vector<1024xf32>
    %reduce_min3A_119 = vector.multi_reduction <minimumf>, %sub3A_117, %reduce_min3A_118 [0] : vector<512x1024xf32> to vector<1024xf32>
    %broadcast_in_dim3A_120 = vector.shape_cast %reduce_min3A_119 : vector<1024xf32> to vector<1x1024xf32>
    %le3A_121 = vector.broadcast %broadcast_in_dim3A_120 : vector<1x1024xf32> to vector<512x1024xf32>
    %le3A_122 = arith.cmpf ole, %sub3A_117, %le3A_121 : vector<512x1024xf32>
    %jit3A_123 = arith.constant 512 : i32
    %broadcast_in_dim3A_124 = vector.broadcast %jit3A_123 : i32 to vector<512x1024xi32>
    %select_n3A_125 = arith.select %le3A_122, %iota3A, %broadcast_in_dim3A_124 : vector<512x1024xi1>, vector<512x1024xi32>
    %reduce_min3A_126 = arith.constant dense<2147483647> : vector<1024xi32>
    %reduce_min3A_127 = vector.multi_reduction <minsi>, %select_n3A_125, %reduce_min3A_126 [0] : vector<512x1024xi32> to vector<1024xi32>
    %broadcast_in_dim3A_128 = vector.shape_cast %reduce_min3A_127 : vector<1024xi32> to vector<1x1024xi32>
    %swap3A_129 = arith.constant 0 : index
    %swap3A_130 = arith.constant 3 : index
    %swap3A_131 = arith.constant 0 : index
    %swap3A_132 = vector.load %arg3[%swap3A_129, %swap3A_130, %swap3A_131] : memref<1x8x1024xi32, #tpu.memory_space<vmem>>, vector<1x1x1024xi32>
    %swap3A_133 = vector.shape_cast %swap3A_132 : vector<1x1x1024xi32> to vector<1x1024xi32>
    %swap3A_134 = vector.shape_cast %broadcast_in_dim3A_128 : vector<1x1024xi32> to vector<1x1x1024xi32>
    tpu.vector_store %arg3[%swap3A_129, %swap3A_130, %swap3A_131], %swap3A_134 {strides = array<i32>} : memref<1x8x1024xi32, #tpu.memory_space<vmem>>, vector<1x1x1024xi32>,
    %get3A_135 = arith.constant 4 : index
    %get3A_136 = arith.constant 0 : index
    %get3A_137 = arith.constant 0 : index
    %get3A_138 = vector.load %arg1[%get3A_135, %get3A_136, %get3A_137] : memref<8x64x1024xf32, #tpu.memory_space<vmem>>, vector<1x64x1024xf32>
    %get3A_139 = vector.shape_cast %get3A_138 : vector<1x64x1024xf32> to vector<64x1024xf32>
    %mul3A_140 = arith.mulf %get3A_139, %get3A_139 : vector<64x1024xf32>
    %reduce_sum3A_141 = arith.constant dense<0.000000e+00> : vector<1024xf32>
    %reduce_sum3A_142 = vector.multi_reduction <add>, %mul3A_140, %reduce_sum3A_141 [0] : vector<64x1024xf32> to vector<1024xf32>
    %broadcast_in_dim3A_143 = vector.shape_cast %reduce_sum3A_142 : vector<1024xf32> to vector<1x1024xf32>
    %dot_general3A_144 = arith.constant dense<0.000000e+00> : vector<512x1024xf32>
    %dot_general3A_145 = tpu.matmul %get3A_1, %get3A_139, %dot_general3A_144 {dimension_numbers = #tpu.dot_dimension_numbers<[1], [0], [0], [1], [0, 0, 1, 1], [], []>, transpose_lhs_hint = false} : vector<512x64xf32>, vector<64x1024xf32>, vector<512x1024xf32> -> vector<512x1024xf32>
    %add3A_146 = vector.broadcast %broadcast_in_dim3A_143 : vector<1x1024xf32> to vector<512x1024xf32>
    %add3A_147 = vector.broadcast %broadcast_in_dim3A : vector<512x1xf32> to vector<512x1024xf32>
    %add3A_148 = arith.addf %add3A_146, %add3A_147 : vector<512x1024xf32>
    %mul3A_149 = arith.constant 2.000000e+00 : f32
    %mul3A_150 = vector.broadcast %mul3A_149 : f32 to vector<512x1024xf32>
    %mul3A_151 = arith.mulf %mul3A_150, %dot_general3A_145 : vector<512x1024xf32>
    %sub3A_152 = arith.subf %add3A_148, %mul3A_151 : vector<512x1024xf32>
    %reduce_min3A_153 = arith.constant dense<0x7F800000> : vector<1024xf32>
    %reduce_min3A_154 = vector.multi_reduction <minimumf>, %sub3A_152, %reduce_min3A_153 [0] : vector<512x1024xf32> to vector<1024xf32>
    %broadcast_in_dim3A_155 = vector.shape_cast %reduce_min3A_154 : vector<1024xf32> to vector<1x1024xf32>
    %le3A_156 = vector.broadcast %broadcast_in_dim3A_155 : vector<1x1024xf32> to vector<512x1024xf32>
    %le3A_157 = arith.cmpf ole, %sub3A_152, %le3A_156 : vector<512x1024xf32>
    %jit3A_158 = arith.constant 512 : i32
    %broadcast_in_dim3A_159 = vector.broadcast %jit3A_158 : i32 to vector<512x1024xi32>
    %select_n3A_160 = arith.select %le3A_157, %iota3A, %broadcast_in_dim3A_159 : vector<512x1024xi1>, vector<512x1024xi32>
    %reduce_min3A_161 = arith.constant dense<2147483647> : vector<1024xi32>
    %reduce_min3A_162 = vector.multi_reduction <minsi>, %select_n3A_160, %reduce_min3A_161 [0] : vector<512x1024xi32> to vector<1024xi32>
    %broadcast_in_dim3A_163 = vector.shape_cast %reduce_min3A_162 : vector<1024xi32> to vector<1x1024xi32>
    %swap3A_164 = arith.constant 0 : index
    %swap3A_165 = arith.constant 4 : index
    %swap3A_166 = arith.constant 0 : index
    %swap3A_167 = vector.load %arg3[%swap3A_164, %swap3A_165, %swap3A_166] : memref<1x8x1024xi32, #tpu.memory_space<vmem>>, vector<1x1x1024xi32>
    %swap3A_168 = vector.shape_cast %swap3A_167 : vector<1x1x1024xi32> to vector<1x1024xi32>
    %swap3A_169 = vector.shape_cast %broadcast_in_dim3A_163 : vector<1x1024xi32> to vector<1x1x1024xi32>
    tpu.vector_store %arg3[%swap3A_164, %swap3A_165, %swap3A_166], %swap3A_169 {strides = array<i32>} : memref<1x8x1024xi32, #tpu.memory_space<vmem>>, vector<1x1x1024xi32>,
    %get3A_170 = arith.constant 5 : index
    %get3A_171 = arith.constant 0 : index
    %get3A_172 = arith.constant 0 : index
    %get3A_173 = vector.load %arg1[%get3A_170, %get3A_171, %get3A_172] : memref<8x64x1024xf32, #tpu.memory_space<vmem>>, vector<1x64x1024xf32>
    %get3A_174 = vector.shape_cast %get3A_173 : vector<1x64x1024xf32> to vector<64x1024xf32>
    %mul3A_175 = arith.mulf %get3A_174, %get3A_174 : vector<64x1024xf32>
    %reduce_sum3A_176 = arith.constant dense<0.000000e+00> : vector<1024xf32>
    %reduce_sum3A_177 = vector.multi_reduction <add>, %mul3A_175, %reduce_sum3A_176 [0] : vector<64x1024xf32> to vector<1024xf32>
    %broadcast_in_dim3A_178 = vector.shape_cast %reduce_sum3A_177 : vector<1024xf32> to vector<1x1024xf32>
    %dot_general3A_179 = arith.constant dense<0.000000e+00> : vector<512x1024xf32>
    %dot_general3A_180 = tpu.matmul %get3A_1, %get3A_174, %dot_general3A_179 {dimension_numbers = #tpu.dot_dimension_numbers<[1], [0], [0], [1], [0, 0, 1, 1], [], []>, transpose_lhs_hint = false} : vector<512x64xf32>, vector<64x1024xf32>, vector<512x1024xf32> -> vector<512x1024xf32>
    %add3A_181 = vector.broadcast %broadcast_in_dim3A_178 : vector<1x1024xf32> to vector<512x1024xf32>
    %add3A_182 = vector.broadcast %broadcast_in_dim3A : vector<512x1xf32> to vector<512x1024xf32>
    %add3A_183 = arith.addf %add3A_181, %add3A_182 : vector<512x1024xf32>
    %mul3A_184 = arith.constant 2.000000e+00 : f32
    %mul3A_185 = vector.broadcast %mul3A_184 : f32 to vector<512x1024xf32>
    %mul3A_186 = arith.mulf %mul3A_185, %dot_general3A_180 : vector<512x1024xf32>
    %sub3A_187 = arith.subf %add3A_183, %mul3A_186 : vector<512x1024xf32>
    %reduce_min3A_188 = arith.constant dense<0x7F800000> : vector<1024xf32>
    %reduce_min3A_189 = vector.multi_reduction <minimumf>, %sub3A_187, %reduce_min3A_188 [0] : vector<512x1024xf32> to vector<1024xf32>
    %broadcast_in_dim3A_190 = vector.shape_cast %reduce_min3A_189 : vector<1024xf32> to vector<1x1024xf32>
    %le3A_191 = vector.broadcast %broadcast_in_dim3A_190 : vector<1x1024xf32> to vector<512x1024xf32>
    %le3A_192 = arith.cmpf ole, %sub3A_187, %le3A_191 : vector<512x1024xf32>
    %jit3A_193 = arith.constant 512 : i32
    %broadcast_in_dim3A_194 = vector.broadcast %jit3A_193 : i32 to vector<512x1024xi32>
    %select_n3A_195 = arith.select %le3A_192, %iota3A, %broadcast_in_dim3A_194 : vector<512x1024xi1>, vector<512x1024xi32>
    %reduce_min3A_196 = arith.constant dense<2147483647> : vector<1024xi32>
    %reduce_min3A_197 = vector.multi_reduction <minsi>, %select_n3A_195, %reduce_min3A_196 [0] : vector<512x1024xi32> to vector<1024xi32>
    %broadcast_in_dim3A_198 = vector.shape_cast %reduce_min3A_197 : vector<1024xi32> to vector<1x1024xi32>
    %swap3A_199 = arith.constant 0 : index
    %swap3A_200 = arith.constant 5 : index
    %swap3A_201 = arith.constant 0 : index
    %swap3A_202 = vector.load %arg3[%swap3A_199, %swap3A_200, %swap3A_201] : memref<1x8x1024xi32, #tpu.memory_space<vmem>>, vector<1x1x1024xi32>
    %swap3A_203 = vector.shape_cast %swap3A_202 : vector<1x1x1024xi32> to vector<1x1024xi32>
    %swap3A_204 = vector.shape_cast %broadcast_in_dim3A_198 : vector<1x1024xi32> to vector<1x1x1024xi32>
    tpu.vector_store %arg3[%swap3A_199, %swap3A_200, %swap3A_201], %swap3A_204 {strides = array<i32>} : memref<1x8x1024xi32, #tpu.memory_space<vmem>>, vector<1x1x1024xi32>,
    %get3A_205 = arith.constant 6 : index
    %get3A_206 = arith.constant 0 : index
    %get3A_207 = arith.constant 0 : index
    %get3A_208 = vector.load %arg1[%get3A_205, %get3A_206, %get3A_207] : memref<8x64x1024xf32, #tpu.memory_space<vmem>>, vector<1x64x1024xf32>
    %get3A_209 = vector.shape_cast %get3A_208 : vector<1x64x1024xf32> to vector<64x1024xf32>
    %mul3A_210 = arith.mulf %get3A_209, %get3A_209 : vector<64x1024xf32>
    %reduce_sum3A_211 = arith.constant dense<0.000000e+00> : vector<1024xf32>
    %reduce_sum3A_212 = vector.multi_reduction <add>, %mul3A_210, %reduce_sum3A_211 [0] : vector<64x1024xf32> to vector<1024xf32>
    %broadcast_in_dim3A_213 = vector.shape_cast %reduce_sum3A_212 : vector<1024xf32> to vector<1x1024xf32>
    %dot_general3A_214 = arith.constant dense<0.000000e+00> : vector<512x1024xf32>
    %dot_general3A_215 = tpu.matmul %get3A_1, %get3A_209, %dot_general3A_214 {dimension_numbers = #tpu.dot_dimension_numbers<[1], [0], [0], [1], [0, 0, 1, 1], [], []>, transpose_lhs_hint = false} : vector<512x64xf32>, vector<64x1024xf32>, vector<512x1024xf32> -> vector<512x1024xf32>
    %add3A_216 = vector.broadcast %broadcast_in_dim3A_213 : vector<1x1024xf32> to vector<512x1024xf32>
    %add3A_217 = vector.broadcast %broadcast_in_dim3A : vector<512x1xf32> to vector<512x1024xf32>
    %add3A_218 = arith.addf %add3A_216, %add3A_217 : vector<512x1024xf32>
    %mul3A_219 = arith.constant 2.000000e+00 : f32
    %mul3A_220 = vector.broadcast %mul3A_219 : f32 to vector<512x1024xf32>
    %mul3A_221 = arith.mulf %mul3A_220, %dot_general3A_215 : vector<512x1024xf32>
    %sub3A_222 = arith.subf %add3A_218, %mul3A_221 : vector<512x1024xf32>
    %reduce_min3A_223 = arith.constant dense<0x7F800000> : vector<1024xf32>
    %reduce_min3A_224 = vector.multi_reduction <minimumf>, %sub3A_222, %reduce_min3A_223 [0] : vector<512x1024xf32> to vector<1024xf32>
    %broadcast_in_dim3A_225 = vector.shape_cast %reduce_min3A_224 : vector<1024xf32> to vector<1x1024xf32>
    %le3A_226 = vector.broadcast %broadcast_in_dim3A_225 : vector<1x1024xf32> to vector<512x1024xf32>
    %le3A_227 = arith.cmpf ole, %sub3A_222, %le3A_226 : vector<512x1024xf32>
    %jit3A_228 = arith.constant 512 : i32
    %broadcast_in_dim3A_229 = vector.broadcast %jit3A_228 : i32 to vector<512x1024xi32>
    %select_n3A_230 = arith.select %le3A_227, %iota3A, %broadcast_in_dim3A_229 : vector<512x1024xi1>, vector<512x1024xi32>
    %reduce_min3A_231 = arith.constant dense<2147483647> : vector<1024xi32>
    %reduce_min3A_232 = vector.multi_reduction <minsi>, %select_n3A_230, %reduce_min3A_231 [0] : vector<512x1024xi32> to vector<1024xi32>
    %broadcast_in_dim3A_233 = vector.shape_cast %reduce_min3A_232 : vector<1024xi32> to vector<1x1024xi32>
    %swap3A_234 = arith.constant 0 : index
    %swap3A_235 = arith.constant 6 : index
    %swap3A_236 = arith.constant 0 : index
    %swap3A_237 = vector.load %arg3[%swap3A_234, %swap3A_235, %swap3A_236] : memref<1x8x1024xi32, #tpu.memory_space<vmem>>, vector<1x1x1024xi32>
    %swap3A_238 = vector.shape_cast %swap3A_237 : vector<1x1x1024xi32> to vector<1x1024xi32>
    %swap3A_239 = vector.shape_cast %broadcast_in_dim3A_233 : vector<1x1024xi32> to vector<1x1x1024xi32>
    tpu.vector_store %arg3[%swap3A_234, %swap3A_235, %swap3A_236], %swap3A_239 {strides = array<i32>} : memref<1x8x1024xi32, #tpu.memory_space<vmem>>, vector<1x1x1024xi32>,
    %get3A_240 = arith.constant 7 : index
    %get3A_241 = arith.constant 0 : index
    %get3A_242 = arith.constant 0 : index
    %get3A_243 = vector.load %arg1[%get3A_240, %get3A_241, %get3A_242] : memref<8x64x1024xf32, #tpu.memory_space<vmem>>, vector<1x64x1024xf32>
    %get3A_244 = vector.shape_cast %get3A_243 : vector<1x64x1024xf32> to vector<64x1024xf32>
    %mul3A_245 = arith.mulf %get3A_244, %get3A_244 : vector<64x1024xf32>
    %reduce_sum3A_246 = arith.constant dense<0.000000e+00> : vector<1024xf32>
    %reduce_sum3A_247 = vector.multi_reduction <add>, %mul3A_245, %reduce_sum3A_246 [0] : vector<64x1024xf32> to vector<1024xf32>
    %broadcast_in_dim3A_248 = vector.shape_cast %reduce_sum3A_247 : vector<1024xf32> to vector<1x1024xf32>
    %dot_general3A_249 = arith.constant dense<0.000000e+00> : vector<512x1024xf32>
    %dot_general3A_250 = tpu.matmul %get3A_1, %get3A_244, %dot_general3A_249 {dimension_numbers = #tpu.dot_dimension_numbers<[1], [0], [0], [1], [0, 0, 1, 1], [], []>, transpose_lhs_hint = false} : vector<512x64xf32>, vector<64x1024xf32>, vector<512x1024xf32> -> vector<512x1024xf32>
    %add3A_251 = vector.broadcast %broadcast_in_dim3A_248 : vector<1x1024xf32> to vector<512x1024xf32>
    %add3A_252 = vector.broadcast %broadcast_in_dim3A : vector<512x1xf32> to vector<512x1024xf32>
    %add3A_253 = arith.addf %add3A_251, %add3A_252 : vector<512x1024xf32>
    %mul3A_254 = arith.constant 2.000000e+00 : f32
    %mul3A_255 = vector.broadcast %mul3A_254 : f32 to vector<512x1024xf32>
    %mul3A_256 = arith.mulf %mul3A_255, %dot_general3A_250 : vector<512x1024xf32>
    %sub3A_257 = arith.subf %add3A_253, %mul3A_256 : vector<512x1024xf32>
    %reduce_min3A_258 = arith.constant dense<0x7F800000> : vector<1024xf32>
    %reduce_min3A_259 = vector.multi_reduction <minimumf>, %sub3A_257, %reduce_min3A_258 [0] : vector<512x1024xf32> to vector<1024xf32>
    %broadcast_in_dim3A_260 = vector.shape_cast %reduce_min3A_259 : vector<1024xf32> to vector<1x1024xf32>
    %le3A_261 = vector.broadcast %broadcast_in_dim3A_260 : vector<1x1024xf32> to vector<512x1024xf32>
    %le3A_262 = arith.cmpf ole, %sub3A_257, %le3A_261 : vector<512x1024xf32>
    %jit3A_263 = arith.constant 512 : i32
    %broadcast_in_dim3A_264 = vector.broadcast %jit3A_263 : i32 to vector<512x1024xi32>
    %select_n3A_265 = arith.select %le3A_262, %iota3A, %broadcast_in_dim3A_264 : vector<512x1024xi1>, vector<512x1024xi32>
    %reduce_min3A_266 = arith.constant dense<2147483647> : vector<1024xi32>
    %reduce_min3A_267 = vector.multi_reduction <minsi>, %select_n3A_265, %reduce_min3A_266 [0] : vector<512x1024xi32> to vector<1024xi32>
    %broadcast_in_dim3A_268 = vector.shape_cast %reduce_min3A_267 : vector<1024xi32> to vector<1x1024xi32>
    %swap3A_269 = arith.constant 0 : index
    %swap3A_270 = arith.constant 7 : index
    %swap3A_271 = arith.constant 0 : index
    %swap3A_272 = vector.load %arg3[%swap3A_269, %swap3A_270, %swap3A_271] : memref<1x8x1024xi32, #tpu.memory_space<vmem>>, vector<1x1x1024xi32>
    %swap3A_273 = vector.shape_cast %swap3A_272 : vector<1x1x1024xi32> to vector<1x1024xi32>
    %swap3A_274 = vector.shape_cast %broadcast_in_dim3A_268 : vector<1x1024xi32> to vector<1x1x1024xi32>
    tpu.vector_store %arg3[%swap3A_269, %swap3A_270, %swap3A_271], %swap3A_274 {strides = array<i32>} : memref<1x8x1024xi32, #tpu.memory_space<vmem>>, vector<1x1x1024xi32>,
    return
  }
  func.func @transform_0(%arg0: i32) -> (i32, i32, i32) {
    %c0_i32 = arith.constant 0 : i32
    %c0_i32_0 = arith.constant 0 : i32
    %c0_i32_1 = arith.constant 0 : i32
    return %arg0, %c0_i32, %c0_i32_0 : i32, i32, i32
  }
  func.func @transform_1(%arg0: i32) -> (i32, i32) {
    %c0_i32 = arith.constant 0 : i32
    %c0_i32_0 = arith.constant 0 : i32
    %c0_i32_1 = arith.constant 0 : i32
    return %c0_i32, %c0_i32_0 : i32, i32
  }
  func.func @transform_2(%arg0: i32) -> (i32, i32, i32) {
    %c0_i32 = arith.constant 0 : i32
    %c0_i32_0 = arith.constant 0 : i32
    %c0_i32_1 = arith.constant 0 : i32
    return %arg0, %c0_i32, %c0_i32_0 : i32, i32, i32
  }
}

</mosaic_0001>

<sc_bundles>
// kernel: kernel.4.cloned.1.call-start
scs
__scs_entry_jumppad:
0x0: {  	(pc) =	sbr.rel $0x88, $3  }
0x1: {  	(tag) =	ssettag $0x0;
	lr =	simm.s32 $0x1  }
0x2: {  	[smem:$0x3F9F] =	sst lr;
	_ =	strace $0xD0000000  }
0x3: {  	_ = 	snop  }
0x4: {  	_ = 	snop  }
0x5: {  	_ = 	snop  }
0x6: {  	_ = 	snop  }
0x7: {  	_ = 	snop  }
__scs_overlays_trampoline_lowered:
0x8: {  	[smem:$0x3FAE] =	sst s0  }
0x9: {  	[smem:$0x3FAF] =	sst s1  }
0xa: {  	[smem:$0x3FB0] =	sst s2  }
0xb: {  	[smem:$0x3FB1] =	sst s3  }
0xc: {  	[smem:$0x3FB2] =	sst s4  }
0xd: {  	[smem:$0x3FB3] =	sst s5  }
0xe: {  	[smem:$0x3FB4] =	sst s6  }
0xf: {  	[smem:$0x3FB5] =	sst s7  }
0x10: {  	[smem:$0x3FB6] =	sst s8  }
0x11: {  	[smem:$0x3FB7] =	sst s9;
	s0 =	simm.s32 @!p0 $0x0  }
0x12: {  	s1 =	sld [smem:$0x3F9D];
	s0 =	simm.s32 @p0 $0x1  }
0x13: {  	[smem:$0x3FB8] =	sst s0;
	s0 =	simm.s32 @!p1 $0x0  }
0x14: {  	s2 =	sld [smem:$0x3F9C];
	s0 =	simm.s32 @p1 $0x1  }
0x15: {  	[smem:$0x3FB9] =	sst s0;
	s0 =	simm.s32 @!p2 $0x0  }
0x16: {  	s3 =	sld [smem:$0x3FDB];
	s0 =	simm.s32 @p2 $0x1  }
0x17: {  	s4 =	simm.s32 $0x1BF5;
	[smem:$0x3FBB] =	sst s0  }
0x18: {  	s0 =	sld [smem:$0x3F9E];
	_ =	swait.ge [sflag:s4], $0x0  }
0x19: {  	s7 =	sld [smem:$0x3F9F]  }
0x1a: {  	s8 =	sadd.s32 $0xFFFFE003, lr  }
0x1b: {  	s9 =	sadd.s32 $0xFFFFFEF7, lr;
	s5 =	simm.s32 $0xFFFFFFFF;
	p2 =	slt.u32 s8, $0xFFFFF086  }
0x1c: {  	p1 =	slt.u32 s9, $0xF7A;
	s5 =	simm.s32 @!p2 $0x0  }
0x1d: {  	s5 =	simm.s32 @p1 $0x1;
	p0 =	seq.s32 s7, s2  }
0x1e: {  	s7 =	smul.u32 @!p0 $0xF7A, s2;
	p2 =	seq.s32 @!p0 s5, $0x0  }
0x1f: {  	s9 =	smul.u32 $0xF7A, s1;
	s8 =	simm.s32 @!p0 $0x1BF5;
	p2 =	por !p2, p0  }
0x20: {  	[sflag:s8] =	ssyncset.s32 @!p0 $0xFFFFF086;
	s6 =	sadd.s32 @!p0 s3, s7;
	s7 =	simm.s32 @!p0 $0x108  }
0x21: {  	s3 =	sadd.s32 s3, s9;
	s6 =	sadd.s32 @!p0 $0x88, s6;
	s7 =	simm.s32 @p2 $0x1082  }
0x22: {  	[simem:s7], [sflag:s8] =	dma.local @!p0 [hbm:s6], $0xF7A  }
0x23: {  	s9 =	sor.u32 $0xD0000000, s2;
	s6 =	simm.s32 $0x108;
	_ =	swait.ge @!p0 [sflag:s8], $0x0  }
0x24: {  	s3 =	sadd.s32 $0x88, s3;
	s6 =	simm.s32 @!p1 $0x1082;
	[sflag:s4] =	ssyncset.s32 $0xFFFFF086  }
0x25: {  	[simem:s6], [sflag:s4] =	dma.local [hbm:s3], $0xF7A  }
0x26: {  	[smem:$0x3F9F] =	sst s1;
	(tag) =	ssettag s2;
	_ =	strace s9  }
0x27: {  	s1 =	sld [smem:$0x3FAF]  }
0x28: {  	s2 =	sld [smem:$0x3FB0]  }
0x29: {  	s4 =	sld [smem:$0x3FB2]  }
0x2a: {  	p0 =	seq.s32 s5, $0x0;
	s5 =	sld [smem:$0x3FB3]  }
0x2b: {  	s6 =	sld [smem:$0x3FB4]  }
0x2c: {  	s7 =	sld [smem:$0x3FB5]  }
0x2d: {  	s3 =	simm.s32 $0x108;
	s8 =	sld [smem:$0x3FB6]  }
0x2e: {  	s3 =	simm.s32 @!p0 $0x1082;
	s9 =	sld [smem:$0x3FB7]  }
0x2f: {  	lr =	sadd.s32 s0, s3;
	s0 =	sld [smem:$0x3FAE]  }
0x30: {  	s3 =	sld [smem:$0x3FB1]  }
0x31: {  	[smem:$0x3FBA] =	sst s10  }
0x32: {  	s10 =	sld [smem:$0x3FB8];
	_ =	sdelay $0x3  }
0x33: {  	p0 =	seq.s32 s10, $0x1;
	s10 =	sld [smem:$0x3FBA];
	_ =	sdelay $0x3  }
0x34: {  	[smem:$0x3FBA] =	sst s10  }
0x35: {  	s10 =	sld [smem:$0x3FB9];
	_ =	sdelay $0x3  }
0x36: {  	p1 =	seq.s32 s10, $0x1;
	s10 =	sld [smem:$0x3FBA];
	_ =	sdelay $0x3  }
0x37: {  	[smem:$0x3FBA] =	sst s10  }
0x38: {  	s10 =	sld [smem:$0x3FBB]  }
0x39: {  	_ = 	snop;
	(pc) =	sbr.ind lr, $3  }
0x3a: {  	_ = 	snop  }
0x3b: {  	_ = 	snop  }
0x3c: {  	p2 =	seq.s32 s10, $0x1;
	s10 =	sld [smem:$0x3FBA]  }
0x3d: {  	_ =	shalt  }
0x3e: {  	_ =	shalt  }
0x3f: {  	_ =	shalt  }
0x40: {  	_ =	shalt  }
0x41: {  	_ =	shalt  }
0x42: {  	_ =	shalt  }
0x43: {  	_ =	shalt  }
0x44: {  	_ =	shalt  }
0x45: {  	_ =	shalt  }
0x46: {  	_ =	shalt  }
0x47: {  	_ =	shalt  }
0x48: {  	_ =	shalt  }
0x49: {  	_ =	shalt  }
0x4a: {  	_ =	shalt  }
0x4b: {  	_ =	shalt  }
0x4c: {  	_ =	shalt  }
0x4d: {  	_ =	shalt  }
0x4e: {  	_ =	shalt  }
0x4f: {  	_ =	shalt  }
0x50: {  	_ =	shalt  }
0x51: {  	_ =	shalt  }
0x52: {  	_ =	shalt  }
0x53: {  	_ =	shalt  }
0x54: {  	_ =	shalt  }
0x55: {  	_ =	shalt  }
0x56: {  	_ =	shalt  }
0x57: {  	_ =	shalt  }
0x58: {  	_ =	shalt  }
0x59: {  	_ =	shalt  }
0x5a: {  	_ =	shalt  }
0x5b: {  	_ =	shalt  }
0x5c: {  	_ =	shalt  }
0x5d: {  	_ =	shalt  }
0x5e: {  	_ =	shalt  }
0x5f: {  	_ =	shalt  }
0x60: {  	_ =	shalt  }
0x61: {  	_ =	shalt  }
0x62: {  	_ =	shalt  }
0x63: {  	_ =	shalt  }
0x64: {  	_ =	shalt  }
0x65: {  	_ =	shalt  }
0x66: {  	_ =	shalt  }
0x67: {  	_ =	shalt  }
0x68: {  	_ =	shalt  }
0x69: {  	_ =	shalt  }
0x6a: {  	_ =	shalt  }
0x6b: {  	_ =	shalt  }
0x6c: {  	_ =	shalt  }
0x6d: {  	_ =	shalt  }
0x6e: {  	_ =	shalt  }
0x6f: {  	_ =	shalt  }
0x70: {  	_ =	shalt  }
0x71: {  	_ =	shalt  }
0x72: {  	_ =	shalt  }
0x73: {  	_ =	shalt  }
0x74: {  	_ =	shalt  }
0x75: {  	_ =	shalt  }
0x76: {  	_ =	shalt  }
0x77: {  	_ =	shalt  }
0x78: {  	_ =	shalt  }
0x79: {  	_ =	shalt  }
0x7a: {  	_ =	shalt  }
0x7b: {  	_ =	shalt  }
0x7c: {  	_ =	shalt  }
0x7d: {  	_ =	shalt  }
0x7e: {  	_ =	shalt  }
0x7f: {  	_ =	shalt  }
0x80: {  	_ =	shalt  }
0x81: {  	_ =	shalt  }
0x82: {  	_ =	shalt  }
0x83: {  	_ =	shalt  }
0x84: {  	_ =	shalt  }
0x85: {  	_ =	shalt  }
0x86: {  	_ =	shalt  }
0x87: {  	_ =	shalt  }
.Lfunc_end0:
.L_simem_size_0:
called_computation_lowered:
.L_overlay_start_0:
0x88: {  	s2 =	sld [smem:$0x3FD9]  }
0x89: {  	s3 =	sld [smem:$0x3FFE];
	_ =	sdelay $0x1  }
0x8a: {  	s1 =	srdreg.scid  }
0x8b: {  	s0 =	sand.u32 $0x1, s1  }
0x8c: {  	s17 =	sshll.u32 s0, $0xA;
	s2 =	sadd.s32 s3, s2  }
0x8d: {  	s2 =	sadd.s32 s2, s17  }
0x8e: {  	[smem:$0x3FC6] =	sst s2  }
0x8f: {  	_ = 	snop  }
0x90: {  	s2 =	sld [smem:$0x3FC8]  }
0x91: {  	s18 =	sld [smem:$0x3FD0];
	(tm) =	ssettm $0x1  }
0x92: {  	s4 =	sld [smem:$0x3FFB];
	_ =	sdelay $0x3  }
0x93: {  	_ =	strace s4  }
0x94: {  	s4 =	sld [smem:$0x3FFC];
	_ =	sdelay $0x3  }
0x95: {  	_ =	strace s4  }
0x96: {  	s4 =	sld [smem:$0x3FFD];
	_ =	sdelay $0x3  }
0x97: {  	_ =	strace s4  }
0x98: {  	_ =	strace $0x8FFFFFFF  }
0x99: {  	s19 =	sld [smem:$0x3FDB];
	_ =	sdelay $0x1  }
0x9a: {  	s5 =	simm.s32 $_scs_section_size  }
0x9b: {  	s6 =	simm.s32 $_size__tile_overlayer_lowered;
	s7 =	simm.s32 $_tile_overlayer_lowered  }
0x9c: {  	s22 =	simm.s32 $0x1BFF;
	s21 =	sshll.u32 s7, $0x1;
	s4 =	sadd.s32 s5, s19  }
0x9d: {  	s8 =	simm.s32 $0x0;
	s20 =	sshll.u32 s6, $0x1;
	s6 =	sadd.s32 s21, s4  }
0x9e: {  	[timem:s8], [sflag:s22] =	dma.local [hbm:s6], s20  }
0x9f: {  	_ =	swait.ge [sflag:s22], s20  }
0xa0: {  	s5 =	ssub.s32 $0x0, s20;
	[sflag:s22] =	ssyncset.done $0x0  }
0xa1: {  	[sflag:s22] =	ssyncadd.s32 s5;
	_ =	sdelay $0x1  }
0xa2: {  	s23 =	simm.s32 $0x1B8B  }
0xa3: {  	_ =	swait.ge [sflag:s23], $0x1  }
0xa4: {  	[sflag:s23] =	ssyncset.done $0x0  }
0xa5: {  	s25 =	simm.s32 $0x1B8E;
	s24 =	sld [smem:$0x3FFE];
	[sflag:s23] =	ssyncadd.s32 $0xFFFFFFFF  }
0xa6: {  	s26 =	simm.s32 $execute0_lowered;
	[smem:$0x3FD2] =	sst s25  }
0xa7: {  	s6 =	sshll.u32 s26, $0x1;
	_ =	strace $0x80000046;
	[dreg:$0x1] =	wrdreg $0xFFFFFFFF  }
0xa8: {  	s28 =	simm.s32 $_size_execute0_lowered;
	s4 =	sadd.s32 s4, s6;
	[dreg:$0x0] =	wrdreg $0x0  }
0xa9: {  	s6 =	sshll.u32 s28, $0x1;
	[dreg:$0x2] =	wrdreg s4  }
0xaa: {  	[dreg:$0x3] =	wrdreg s6  }
0xab: {  	[dreg:$0x4] =	wrdreg $0xC0  }
0xac: {  	_ =	task [dreg:s8], $0x5FFFF  }
0xad: {  	[dreg:$0x1] =	wrdreg $0xFFFFFFFF  }
0xae: {  	[dreg:$0x0] =	wrdreg $0x60  }
0xaf: {  	[dreg:$0x2] =	wrdreg s2  }
0xb0: {  	[dreg:$0x3] =	wrdreg s18  }
0xb1: {  	[dreg:$0x4] =	wrdreg s24  }
0xb2: {  	[dreg:$0x5] =	wrdreg $0x9  }
0xb3: {  	_ =	task.clear_ibuf [dreg:s8], $0x6FFFF;
	_ =	strace $0x90000046  }
0xb4: {  	s29 =	simm.s32 $0x9;
	_ =	strace $0x80000048  }
0xb5: {  	_ =	swait.ge [sflag:s29], $0x1  }
0xb6: {  	[sflag:s29] =	ssyncadd.s32 $0xFFFFFFFF  }
0xb7: {  	_ =	strace $0x90000048  }
0xb8: {  	_ =	sfence  }
0xb9: {  	s30 =	sld [smem:$0x0];
	_ =	sdelay $0x2  }
0xba: {  	s31 =	sshll.u32 s1, $0xD;
	s1 =	sshrl.u32 s1, $0x2  }
0xbb: {  	s3 =	sand.u32 $0x4000, s31;
	s1 =	sadd.s32 s1, s30  }
0xbc: {  	s0 =	sor.u32 s3, s0;
	s1 =	sshll.u32 s1, $0x11  }
0xbd: {  	s0 =	sor.u32 s1, s0  }
0xbe: {  	s0 =	sadd.s32 $0x8F2B, s0  }
0xbf: {  	[sflag:s0] =	ssyncadd.remote.s32 $0x1  }
0xc0: {  	_ =	sfence.sel $0xFFFF  }
0xc1: {  	[dreg:$0x0] =	wrdreg $0xFFFFFFFF;
	(pc) =	sbr.abs _section_cstart, $3  }
0xc2: {  	[dreg:$0x1] =	wrdreg $0xFFFFFFFF  }
0xc3: {  	_ =	task.clear_ibuf [dreg:s8], $0x2FFFF;
	_ =	strace $0x9FFFFFFF  }
0xc4: {  	(tm) =	ssettm $0x7FFFFFFF  }
0xc5: {  	_ =	shalt  }
tec
execute0_lowered:
.L_overlay_start_1:
0x0: {  	(tag) =	ssettag $0x1  }
0x1: {  	s0 =	rddreg [dreg:$0x1]  }
0x2: {  	s1 =	rddreg [dreg:$0x2]  }
0x3: {  	s2 =	srdreg.scid;
	s6 =	stileid.u32  }
0x4: {  	s3 =	simm.s32 $0x0;
	s2 =	sand.u32 $0x1, s2;
	s4 =	sshll.u32 s6, $0x2  }
0x5: {  	[smem:$0x7FF] =	sst s3;
	s26 =	sshll.u32 s6, $0xC;
	s5 =	sshll.u32 s2, $0x1  }
0x6: {  	s1 =	sadd.s32 $0x600, s1;
	s2 =	ssub.s32 $0x2, s2;
	s4 =	sor.u32 s5, s4  }
0x7: {  	_ =	strace $0x80000047;
	s9 =	sshrl.u32 s2, $0x1;
	s28 =	sshll.u32 s4, $0x7  }
0x8: {  	s7 =	sor.u32 $0x1, s4;
	s2 =	ssub.s32 s2, s9;
	s4 =	sshll.u32 s4, $0xD  }
0x9: {  	s6 =	sor.u32 s26, s28;
	s8 =	sshll.u32 s7, $0x7;
	s29 =	sshll.u32 s7, $0xD  }
0xa: {  	s4 =	sadd.s32 s1, s4;
	s31 =	smax.u32 s2, $0x1;
	s6 =	sand.u32 $0xE300, s6  }
0xb: {  	s5 =	sor.u32 s26, s8;
	[dreg:$0x7] =	wrdreg s4;
	s30 =	sadd.s32 s1, s29  }
0xc: {  	[dreg:$0xa] =	wrdreg s31;
	s6 =	sshrl.u32 s6, $0x3;
	s5 =	sand.u32 $0xE380, s5  }
0xd: {  	[dreg:$0x9] =	wrdreg s30;
	s6 =	sadd.s32 s0, s6;
	s5 =	sshrl.u32 s5, $0x3  }
0xe: {  	[dreg:$0x6] =	wrdreg s6;
	s0 =	sadd.s32 s0, s5  }
0xf: {  	s2 =	simm.s32 $0x1;
	s1 =	simm.s32 $0x0;
	[dreg:$0x8] =	wrdreg s0  }
.LBB2_1:
0x10: {  	[dreg:$0xb] =	wrdreg s1  }
0x11: {  	s0 =	rddreg [dreg:$0x0]  }
0x12: {  	[tilespmem:s3], [sflag:$0x1] =	stream.linear.gather [hbm4b:s0+s3], $0x8000, $0x38;
	[tilespmem:$0x18400] =	vst v63  }
0x13: {  	_ =	swait.ge [sflag:s2], $0x8000  }
0x14: {  	s23 =	simm.s32 $0x8000;
	s4 =	simm.s32 $0x80;
	[sflag:s2] =	ssyncset.done $0x0  }
0x15: {  	s5 =	simm.s32 $0x400;
	s25 =	rddreg [dreg:$0x6];
	[sflag:s2] =	ssyncadd.s32 $0xFFFF8000  }
0x16: {  	[tilespmem:s23], [sflag:$0x1] =	stream.strided.gather [hbm4b:s25+s4], $0x400, s5, s4, $0x38;
	[tilespmem:$0x18400] =	vst v63  }
0x17: {  	s14 =	sand.u32 $0x60, s3;
	_ =	swait.ge [sflag:s2], $0x400  }
0x18: {  	s26 =	sand.u32 $0x380, s3;
	s24 =	sor.u32 $0x10, s14;
	[sflag:s2] =	ssyncset.done $0x0  }
0x19: {  	s1 =	sor.u32 s24, s26;
	[sflag:s2] =	ssyncadd.s32 $0xFFFFFC00  }
0x1a: {  	v0 =	vld [tilespmem:s1+$0x8000]  }
0x1b: {  	v1 =	vld [tilespmem:s23+$0x0];
	_ =	sdelay $0x3  }
0x1c: {  	v2 =	vshll.u32 v0, $0x3  }
0x1d: {  	v3 =	vshll.u32 v1, $0x3;
	v0 =	vand.u32 $0x7F, v0;
	v2 =	vand.u32 $0xFFFFFC00, v2  }
0x1e: {  	v1 =	vand.u32 $0x7F, v1;
	v3 =	vand.u32 $0xFFFFFC00, v3;
	v7 =	vor.u32 v0, v2  }
0x1f: {  	v2 =	vor.u32 v1, v3;
	_ =	sdelay $0x3  }
0x20: {  	v0 =	vld.idx.msk [tilespmem:v7+s3+$0x0], $0xffff  }
0x21: {  	v3 =	vor.u32 $0x80, v7;
	v1 =	vld.idx.msk [tilespmem:v2+s3+$0x0], $0xffff  }
0x22: {  	s25 =	sand.u32 $0x1C00, s3;
	v4 =	vor.u32 $0x80, v2  }
0x23: {  	s4 =	sadd.s32 $0x8400, s25  }
0x24: {  	s5 =	sor.u32 s24, s4  }
0x25: {  	s0 =	sor.u32 s14, s4;
	[tilespmem:s5+$0x0] =	vst v0  }
0x26: {  	[tilespmem:s0+$0x0] =	vst v1;
	v0 =	vld.idx.msk [tilespmem:v3+s3+$0x0], $0xffff  }
0x27: {  	v1 =	vld.idx.msk [tilespmem:v4+s3+$0x0], $0xffff;
	v3 =	vor.u32 $0x100, v7  }
0x28: {  	v4 =	vor.u32 $0x100, v2;
	_ =	sdelay $0x2  }
0x29: {  	[tilespmem:s5+$0x80] =	vst v0  }
0x2a: {  	[tilespmem:s0+$0x80] =	vst v1;
	v0 =	vld.idx.msk [tilespmem:v3+s3+$0x0], $0xffff  }
0x2b: {  	v1 =	vld.idx.msk [tilespmem:v4+s3+$0x0], $0xffff;
	v3 =	vor.u32 $0x180, v7  }
0x2c: {  	v4 =	vor.u32 $0x180, v2;
	_ =	sdelay $0x2  }
0x2d: {  	[tilespmem:s5+$0x100] =	vst v0  }
0x2e: {  	[tilespmem:s0+$0x100] =	vst v1;
	v0 =	vld.idx.msk [tilespmem:v3+s3+$0x0], $0xffff  }
0x2f: {  	v1 =	vld.idx.msk [tilespmem:v4+s3+$0x0], $0xffff;
	v3 =	vor.u32 $0x200, v7  }
0x30: {  	v4 =	vor.u32 $0x200, v2;
	_ =	sdelay $0x2  }
0x31: {  	[tilespmem:s5+$0x180] =	vst v0  }
0x32: {  	[tilespmem:s0+$0x180] =	vst v1;
	v0 =	vld.idx.msk [tilespmem:v3+s3+$0x0], $0xffff  }
0x33: {  	v1 =	vld.idx.msk [tilespmem:v4+s3+$0x0], $0xffff;
	v3 =	vor.u32 $0x280, v7  }
0x34: {  	v4 =	vor.u32 $0x280, v2;
	_ =	sdelay $0x2  }
0x35: {  	[tilespmem:s5+$0x200] =	vst v0  }
0x36: {  	[tilespmem:s0+$0x200] =	vst v1;
	v0 =	vld.idx.msk [tilespmem:v3+s3+$0x0], $0xffff  }
0x37: {  	v1 =	vld.idx.msk [tilespmem:v4+s3+$0x0], $0xffff;
	v3 =	vor.u32 $0x300, v7  }
0x38: {  	v4 =	vor.u32 $0x300, v2;
	_ =	sdelay $0x2  }
0x39: {  	[tilespmem:s5+$0x280] =	vst v0  }
0x3a: {  	s6 =	sand.u32 $0x3, s3;
	[tilespmem:s0+$0x280] =	vst v1;
	v0 =	vld.idx.msk [tilespmem:v3+s3+$0x0], $0xffff  }
0x3b: {  	s0 =	sshll.u32 s6, $0x5;
	v1 =	vld.idx.msk [tilespmem:v4+s3+$0x0], $0xffff;
	v3 =	vor.u32 $0x380, v7  }
0x3c: {  	s0 =	sadd.s32 $0x0, s0;
	v4 =	vor.u32 $0x380, v2  }
0x3d: {  	s7 =	sadd.s32 $0x10, s0  }
0x3e: {  	s8 =	sor.u32 $0x300, s7  }
0x3f: {  	s0 =	sor.u32 $0x300, s0;
	[tilespmem:s8+$0x8400] =	vst v0  }
0x40: {  	[tilespmem:s0+$0x8400] =	vst v1;
	v0 =	vld.idx.msk [tilespmem:v3+s3+$0x0], $0xffff  }
0x41: {  	v1 =	vld.idx.msk [tilespmem:v4+s3+$0x0], $0xffff;
	v3 =	vadd.s32 $0x1000, v7  }
0x42: {  	v4 =	vadd.s32 $0x1000, v2;
	_ =	sdelay $0x1  }
0x43: {  	s9 =	sor.u32 s3, s3;
	s1 =	sor.u32 $0x380, s7  }
0x44: {  	s0 =	sor.u32 $0x380, s9;
	[tilespmem:s1+$0x8400] =	vst v0  }
0x45: {  	[tilespmem:s0+$0x8400] =	vst v1;
	v0 =	vld.idx.msk [tilespmem:v3+s3+$0x0], $0xffff  }
0x46: {  	v1 =	vld.idx.msk [tilespmem:v4+s3+$0x0], $0xffff;
	v3 =	vadd.s32 $0x1080, v7  }
0x47: {  	v4 =	vadd.s32 $0x1080, v2  }
0x48: {  	s10 =	sadd.s32 $0xA400, s25  }
0x49: {  	s11 =	sor.u32 s24, s10  }
0x4a: {  	s0 =	sor.u32 s14, s10;
	[tilespmem:s11+$0x0] =	vst v0  }
0x4b: {  	[tilespmem:s0+$0x0] =	vst v1;
	v0 =	vld.idx.msk [tilespmem:v3+s3+$0x0], $0xffff  }
0x4c: {  	v1 =	vld.idx.msk [tilespmem:v4+s3+$0x0], $0xffff;
	v3 =	vadd.s32 $0x1100, v7  }
0x4d: {  	v4 =	vadd.s32 $0x1100, v2  }
0x4e: {  	s12 =	sadd.s32 $0xA480, s25  }
0x4f: {  	s13 =	sor.u32 s24, s12  }
0x50: {  	s0 =	sor.u32 s14, s12;
	[tilespmem:s13+$0x0] =	vst v0  }
0x51: {  	[tilespmem:s0+$0x0] =	vst v1;
	v0 =	vld.idx.msk [tilespmem:v3+s3+$0x0], $0xffff  }
0x52: {  	v1 =	vld.idx.msk [tilespmem:v4+s3+$0x0], $0xffff;
	v3 =	vadd.s32 $0x1180, v7  }
0x53: {  	v4 =	vadd.s32 $0x1180, v2  }
0x54: {  	s15 =	sadd.s32 $0xA500, s25  }
0x55: {  	s16 =	sor.u32 s24, s15  }
0x56: {  	s0 =	sor.u32 s14, s15;
	[tilespmem:s16+$0x0] =	vst v0  }
0x57: {  	[tilespmem:s0+$0x0] =	vst v1;
	v0 =	vld.idx.msk [tilespmem:v3+s3+$0x0], $0xffff  }
0x58: {  	v1 =	vld.idx.msk [tilespmem:v4+s3+$0x0], $0xffff;
	v3 =	vadd.s32 $0x1200, v7  }
0x59: {  	v4 =	vadd.s32 $0x1200, v2  }
0x5a: {  	s17 =	sadd.s32 $0xA580, s25  }
0x5b: {  	s18 =	sor.u32 s24, s17  }
0x5c: {  	s0 =	sor.u32 s14, s17;
	[tilespmem:s18+$0x0] =	vst v0  }
0x5d: {  	[tilespmem:s0+$0x0] =	vst v1;
	v0 =	vld.idx.msk [tilespmem:v3+s3+$0x0], $0xffff  }
0x5e: {  	v1 =	vld.idx.msk [tilespmem:v4+s3+$0x0], $0xffff;
	v3 =	vadd.s32 $0x1280, v7  }
0x5f: {  	v4 =	vadd.s32 $0x1280, v2  }
0x60: {  	s19 =	sadd.s32 $0xA600, s25  }
0x61: {  	s20 =	sor.u32 s24, s19  }
0x62: {  	s0 =	sor.u32 s14, s19;
	[tilespmem:s20+$0x0] =	vst v0  }
0x63: {  	[tilespmem:s0+$0x0] =	vst v1;
	v0 =	vld.idx.msk [tilespmem:v3+s3+$0x0], $0xffff  }
0x64: {  	v1 =	vld.idx.msk [tilespmem:v4+s3+$0x0], $0xffff;
	v3 =	vadd.s32 $0x1300, v7  }
0x65: {  	v4 =	vadd.s32 $0x1300, v2  }
0x66: {  	s21 =	sadd.s32 $0xA680, s25  }
0x67: {  	s22 =	sor.u32 s24, s21  }
0x68: {  	s0 =	sor.u32 s14, s21;
	[tilespmem:s22+$0x0] =	vst v0  }
0x69: {  	[tilespmem:s0+$0x0] =	vst v1;
	v0 =	vld.idx.msk [tilespmem:v3+s3+$0x0], $0xffff  }
0x6a: {  	v1 =	vld.idx.msk [tilespmem:v4+s3+$0x0], $0xffff;
	v3 =	vadd.s32 $0x1380, v7  }
0x6b: {  	v4 =	vadd.s32 $0x1380, v2  }
0x6c: {  	s23 =	sadd.s32 $0xA700, s25  }
0x6d: {  	s26 =	sor.u32 s24, s23  }
0x6e: {  	s0 =	sor.u32 s14, s23;
	[tilespmem:s26+$0x0] =	vst v0  }
0x6f: {  	[tilespmem:s0+$0x0] =	vst v1;
	v0 =	vld.idx.msk [tilespmem:v3+s3+$0x0], $0xffff  }
0x70: {  	v1 =	vld.idx.msk [tilespmem:v4+s3+$0x0], $0xffff  }
0x71: {  	v3 =	vadd.s32 $0x2000, v7  }
0x72: {  	s2 =	sadd.s32 $0xA780, s25  }
0x73: {  	s4 =	sor.u32 s24, s2  }
0x74: {  	s5 =	simm.s32 $0x8020;
	s0 =	sor.u32 s14, s2;
	[tilespmem:s4+$0x0] =	vst v0  }
0x75: {  	v0 =	vld [tilespmem:s5+$0x0];
	[tilespmem:s0+$0x0] =	vst v1;
	s0 =	simm.s32 $0x20  }
0x76: {  	v1 =	vadd.s32 $0x2000, v2;
	v3 =	vld.idx.msk [tilespmem:v3+s3+$0x0], $0xffff;
	s23 =	sand.u32 $0x60, s0  }
0x77: {  	v4 =	vadd.s32 $0x2080, v7;
	s6 =	sand.u32 $0x380, s0;
	s15 =	sor.u32 $0x10, s23  }
0x78: {  	s1 =	sor.u32 s15, s6  }
0x79: {  	s7 =	sadd.s32 $0xC400, s25;
	v5 =	vld [tilespmem:s1+$0x8000]  }
0x7a: {  	s8 =	sor.u32 s24, s7  }
0x7b: {  	v1 =	vld.idx.msk [tilespmem:v1+s3+$0x0], $0xffff;
	[tilespmem:s8+$0x0] =	vst v3  }
0x7c: {  	v3 =	vadd.s32 $0x2080, v2;
	v4 =	vld.idx.msk [tilespmem:v4+s3+$0x0], $0xffff  }
0x7d: {  	v6 =	vadd.s32 $0x2100, v7  }
0x7e: {  	v8 =	vshll.u32 v5, $0x3  }
0x7f: {  	s9 =	sor.u32 s14, s7;
	s10 =	sadd.s32 $0xC480, s25;
	v9 =	vshll.u32 v0, $0x3;
	v5 =	vand.u32 $0x7F, v5;
	v8 =	vand.u32 $0xFFFFFC00, v8  }
0x80: {  	s11 =	sor.u32 s24, s10;
	v0 =	vand.u32 $0x7F, v0;
	v9 =	vand.u32 $0xFFFFFC00, v9;
	[tilespmem:s9+$0x0] =	vst v1;
	v1 =	vor.u32 v5, v8  }
0x81: {  	v0 =	vor.u32 v0, v9;
	v3 =	vld.idx.msk [tilespmem:v3+s3+$0x0], $0xffff;
	[tilespmem:s11+$0x0] =	vst v4  }
0x82: {  	v4 =	vadd.s32 $0x2100, v2;
	v5 =	vld.idx.msk [tilespmem:v6+s3+$0x0], $0xffff  }
0x83: {  	v6 =	vadd.s32 $0x2180, v7;
	_ =	sdelay $0x1  }
0x84: {  	s12 =	sor.u32 s14, s10;
	s13 =	sadd.s32 $0xC500, s25;
	v8 =	vld.idx.msk [tilespmem:v1+s3+$0x0], $0xffff  }
0x85: {  	s17 =	sor.u32 s24, s13;
	s1 =	simm.s32 $0x100;
	v9 =	vld.idx.msk [tilespmem:v0+s3+$0x0], $0xffff;
	[tilespmem:s12+$0x0] =	vst v3;
	v3 =	vor.u32 $0x80, v1  }
0x86: {  	s16 =	sand.u32 $0x1C00, s1;
	v4 =	vld.idx.msk [tilespmem:v4+s3+$0x0], $0xffff;
	[tilespmem:s17+$0x0] =	vst v5;
	v5 =	vor.u32 $0x80, v0  }
0x87: {  	v10 =	vadd.s32 $0x2180, v2;
	s18 =	sadd.s32 $0x8400, s16;
	v6 =	vld.idx.msk [tilespmem:v6+s3+$0x0], $0xffff  }
0x88: {  	v11 =	vadd.s32 $0x2200, v7;
	s19 =	sor.u32 s15, s18  }
0x89: {  	s2 =	sor.u32 s23, s18;
	[tilespmem:s19+$0x0] =	vst v8  }
0x8a: {  	s5 =	sor.u32 s14, s13;
	s6 =	sadd.s32 $0xC580, s25;
	[tilespmem:s2+$0x0] =	vst v9;
	v3 =	vld.idx.msk [tilespmem:v3+s3+$0x0], $0xffff  }
0x8b: {  	s20 =	sor.u32 s24, s6;
	[tilespmem:s5+$0x0] =	vst v4;
	v4 =	vld.idx.msk [tilespmem:v5+s3+$0x0], $0xffff;
	v5 =	vor.u32 $0x100, v1  }
0x8c: {  	v8 =	vld.idx.msk [tilespmem:v10+s3+$0x0], $0xffff;
	[tilespmem:s20+$0x0] =	vst v6;
	v6 =	vor.u32 $0x100, v0  }
0x8d: {  	v9 =	vadd.s32 $0x2200, v2;
	v10 =	vld.idx.msk [tilespmem:v11+s3+$0x0], $0xffff  }
0x8e: {  	v11 =	vadd.s32 $0x2280, v7  }
0x8f: {  	[tilespmem:s19+$0x80] =	vst v3  }
0x90: {  	s22 =	sadd.s32 $0xC600, s25;
	s21 =	sor.u32 s14, s6;
	[tilespmem:s2+$0x80] =	vst v4;
	v3 =	vld.idx.msk [tilespmem:v5+s3+$0x0], $0xffff  }
0x91: {  	s26 =	sor.u32 s24, s22;
	[tilespmem:s21+$0x0] =	vst v8;
	v5 =	vor.u32 $0x180, v1;
	v4 =	vld.idx.msk [tilespmem:v6+s3+$0x0], $0xffff  }
0x92: {  	v8 =	vor.u32 $0x180, v0;
	v6 =	vld.idx.msk [tilespmem:v9+s3+$0x0], $0xffff;
	[tilespmem:s26+$0x0] =	vst v10  }
0x93: {  	v9 =	vadd.s32 $0x2280, v2;
	v10 =	vld.idx.msk [tilespmem:v11+s3+$0x0], $0xffff  }
0x94: {  	v11 =	vadd.s32 $0x2300, v7  }
0x95: {  	[tilespmem:s19+$0x100] =	vst v3  }
0x96: {  	s7 =	sor.u32 s14, s22;
	s8 =	sadd.s32 $0xC680, s25;
	[tilespmem:s2+$0x100] =	vst v4;
	v3 =	vld.idx.msk [tilespmem:v5+s3+$0x0], $0xffff  }
0x97: {  	s9 =	sor.u32 s24, s8;
	[tilespmem:s7+$0x0] =	vst v6;
	v5 =	vor.u32 $0x200, v1;
	v4 =	vld.idx.msk [tilespmem:v8+s3+$0x0], $0xffff  }
0x98: {  	v6 =	vld.idx.msk [tilespmem:v9+s3+$0x0], $0xffff;
	v8 =	vor.u32 $0x200, v0;
	[tilespmem:s9+$0x0] =	vst v10  }
0x99: {  	v9 =	vadd.s32 $0x2300, v2;
	v10 =	vld.idx.msk [tilespmem:v11+s3+$0x0], $0xffff  }
0x9a: {  	v11 =	vadd.s32 $0x2380, v7  }
0x9b: {  	[tilespmem:s19+$0x180] =	vst v3  }
0x9c: {  	s10 =	sor.u32 s14, s8;
	s11 =	sadd.s32 $0xC700, s25;
	[tilespmem:s2+$0x180] =	vst v4;
	v3 =	vld.idx.msk [tilespmem:v5+s3+$0x0], $0xffff  }
0x9d: {  	s12 =	sor.u32 s24, s11;
	[tilespmem:s10+$0x0] =	vst v6;
	v5 =	vor.u32 $0x280, v1;
	v4 =	vld.idx.msk [tilespmem:v8+s3+$0x0], $0xffff  }
0x9e: {  	v6 =	vld.idx.msk [tilespmem:v9+s3+$0x0], $0xffff;
	v8 =	vor.u32 $0x280, v0;
	[tilespmem:s12+$0x0] =	vst v10  }
0x9f: {  	v9 =	vadd.s32 $0x2380, v2;
	v10 =	vld.idx.msk [tilespmem:v11+s3+$0x0], $0xffff  }
0xa0: {  	v11 =	vadd.s32 $0x3000, v7  }
0xa1: {  	[tilespmem:s19+$0x200] =	vst v3  }
0xa2: {  	s13 =	sor.u32 s14, s11;
	s17 =	sadd.s32 $0xC780, s25;
	[tilespmem:s2+$0x200] =	vst v4;
	v3 =	vld.idx.msk [tilespmem:v5+s3+$0x0], $0xffff  }
0xa3: {  	s18 =	sor.u32 s24, s17;
	[tilespmem:s13+$0x0] =	vst v6;
	v5 =	vor.u32 $0x300, v1;
	v4 =	vld.idx.msk [tilespmem:v8+s3+$0x0], $0xffff  }
0xa4: {  	v6 =	vld.idx.msk [tilespmem:v9+s3+$0x0], $0xffff;
	v8 =	vor.u32 $0x300, v0;
	[tilespmem:s18+$0x0] =	vst v10  }
0xa5: {  	v9 =	vadd.s32 $0x3000, v2;
	v10 =	vld.idx.msk [tilespmem:v11+s3+$0x0], $0xffff  }
0xa6: {  	v11 =	vadd.s32 $0x3080, v7  }
0xa7: {  	[tilespmem:s19+$0x280] =	vst v3;
	s19 =	simm.s32 $0x1  }
0xa8: {  	s20 =	sor.u32 s14, s17;
	s21 =	sadd.s32 $0xE400, s25;
	[tilespmem:s2+$0x280] =	vst v4;
	v3 =	vld.idx.msk [tilespmem:v5+s3+$0x0], $0xffff;
	s4 =	sand.u32 $0x3, s19  }
0xa9: {  	s22 =	sor.u32 s24, s21;
	[tilespmem:s20+$0x0] =	vst v6;
	v5 =	vor.u32 $0x380, v1;
	v4 =	vld.idx.msk [tilespmem:v8+s3+$0x0], $0xffff;
	s4 =	sshll.u32 s4, $0x5  }
0xaa: {  	v6 =	vld.idx.msk [tilespmem:v9+s3+$0x0], $0xffff;
	v8 =	vor.u32 $0x380, v0;
	[tilespmem:s22+$0x0] =	vst v10;
	s4 =	sadd.s32 $0x100, s4  }
0xab: {  	v9 =	vadd.s32 $0x3080, v2;
	v10 =	vld.idx.msk [tilespmem:v11+s3+$0x0], $0xffff;
	s26 =	sadd.s32 $0x10, s4  }
0xac: {  	v11 =	vadd.s32 $0x3100, v7;
	s7 =	sor.u32 $0x300, s26  }
0xad: {  	s4 =	sor.u32 $0x300, s4;
	[tilespmem:s7+$0x8400] =	vst v3  }
0xae: {  	s8 =	sadd.s32 $0xE480, s25;
	s2 =	sor.u32 s14, s21;
	[tilespmem:s4+$0x8400] =	vst v4;
	v3 =	vld.idx.msk [tilespmem:v5+s3+$0x0], $0xffff  }
0xaf: {  	s9 =	sor.u32 s24, s8;
	[tilespmem:s2+$0x0] =	vst v6;
	v5 =	vadd.s32 $0x1000, v1;
	v4 =	vld.idx.msk [tilespmem:v8+s3+$0x0], $0xffff  }
0xb0: {  	v6 =	vld.idx.msk [tilespmem:v9+s3+$0x0], $0xffff;
	v8 =	vadd.s32 $0x1000, v0;
	[tilespmem:s9+$0x0] =	vst v10  }
0xb1: {  	v9 =	vadd.s32 $0x3100, v2;
	v10 =	vld.idx.msk [tilespmem:v11+s3+$0x0], $0xffff  }
0xb2: {  	s0 =	sor.u32 s1, s0;
	s10 =	sor.u32 $0x380, s26;
	v11 =	vadd.s32 $0x3180, v7  }
0xb3: {  	s0 =	sor.u32 $0x380, s0;
	[tilespmem:s10+$0x8400] =	vst v3  }
0xb4: {  	s11 =	sor.u32 s14, s8;
	s12 =	sadd.s32 $0xE500, s25;
	[tilespmem:s0+$0x8400] =	vst v4;
	v3 =	vld.idx.msk [tilespmem:v5+s3+$0x0], $0xffff  }
0xb5: {  	s13 =	sor.u32 s24, s12;
	[tilespmem:s11+$0x0] =	vst v6;
	v5 =	vadd.s32 $0x1080, v1;
	v4 =	vld.idx.msk [tilespmem:v8+s3+$0x0], $0xffff  }
0xb6: {  	v6 =	vld.idx.msk [tilespmem:v9+s3+$0x0], $0xffff;
	v8 =	vadd.s32 $0x1080, v0;
	[tilespmem:s13+$0x0] =	vst v10  }
0xb7: {  	s17 =	sadd.s32 $0xA400, s16;
	v9 =	vadd.s32 $0x3180, v2;
	v10 =	vld.idx.msk [tilespmem:v11+s3+$0x0], $0xffff  }
0xb8: {  	s18 =	sor.u32 s15, s17;
	v11 =	vadd.s32 $0x3200, v7  }
0xb9: {  	s1 =	sor.u32 s23, s17;
	[tilespmem:s18+$0x0] =	vst v3  }
0xba: {  	s19 =	sadd.s32 $0xE580, s25;
	s0 =	sor.u32 s14, s12;
	[tilespmem:s1+$0x0] =	vst v4;
	v3 =	vld.idx.msk [tilespmem:v5+s3+$0x0], $0xffff  }
0xbb: {  	s20 =	sor.u32 s24, s19;
	[tilespmem:s0+$0x0] =	vst v6;
	v5 =	vadd.s32 $0x1100, v1;
	v4 =	vld.idx.msk [tilespmem:v8+s3+$0x0], $0xffff  }
0xbc: {  	v6 =	vld.idx.msk [tilespmem:v9+s3+$0x0], $0xffff;
	v8 =	vadd.s32 $0x1100, v0;
	[tilespmem:s20+$0x0] =	vst v10  }
0xbd: {  	s21 =	sadd.s32 $0xA480, s16;
	v9 =	vadd.s32 $0x3200, v2;
	v10 =	vld.idx.msk [tilespmem:v11+s3+$0x0], $0xffff  }
0xbe: {  	s22 =	sor.u32 s15, s21;
	v11 =	vadd.s32 $0x3280, v7  }
0xbf: {  	s0 =	sor.u32 s23, s21;
	[tilespmem:s22+$0x0] =	vst v3  }
0xc0: {  	s26 =	sadd.s32 $0xE600, s25;
	s1 =	sor.u32 s14, s19;
	[tilespmem:s0+$0x0] =	vst v4;
	v3 =	vld.idx.msk [tilespmem:v5+s3+$0x0], $0xffff  }
0xc1: {  	s4 =	sor.u32 s24, s26;
	[tilespmem:s1+$0x0] =	vst v6;
	v5 =	vadd.s32 $0x1180, v1;
	v4 =	vld.idx.msk [tilespmem:v8+s3+$0x0], $0xffff  }
0xc2: {  	v6 =	vld.idx.msk [tilespmem:v9+s3+$0x0], $0xffff;
	v8 =	vadd.s32 $0x1180, v0;
	[tilespmem:s4+$0x0] =	vst v10  }
0xc3: {  	s5 =	sadd.s32 $0xA500, s16;
	v9 =	vadd.s32 $0x3280, v2;
	v10 =	vld.idx.msk [tilespmem:v11+s3+$0x0], $0xffff  }
0xc4: {  	s6 =	sor.u32 s15, s5;
	v11 =	vadd.s32 $0x3300, v7  }
0xc5: {  	s1 =	sor.u32 s23, s5;
	[tilespmem:s6+$0x0] =	vst v3  }
0xc6: {  	s7 =	sadd.s32 $0xE680, s25;
	s0 =	sor.u32 s14, s26;
	[tilespmem:s1+$0x0] =	vst v4;
	v3 =	vld.idx.msk [tilespmem:v5+s3+$0x0], $0xffff  }
0xc7: {  	s8 =	sor.u32 s24, s7;
	[tilespmem:s0+$0x0] =	vst v6;
	v5 =	vadd.s32 $0x1200, v1;
	v4 =	vld.idx.msk [tilespmem:v8+s3+$0x0], $0xffff  }
0xc8: {  	v6 =	vld.idx.msk [tilespmem:v9+s3+$0x0], $0xffff;
	v8 =	vadd.s32 $0x1200, v0;
	[tilespmem:s8+$0x0] =	vst v10  }
0xc9: {  	s9 =	sadd.s32 $0xA580, s16;
	v9 =	vadd.s32 $0x3300, v2;
	v10 =	vld.idx.msk [tilespmem:v11+s3+$0x0], $0xffff  }
0xca: {  	s10 =	sor.u32 s15, s9;
	v11 =	vadd.s32 $0x3380, v7  }
0xcb: {  	s0 =	sor.u32 s23, s9;
	[tilespmem:s10+$0x0] =	vst v3  }
0xcc: {  	s11 =	sadd.s32 $0xE700, s25;
	s1 =	sor.u32 s14, s7;
	[tilespmem:s0+$0x0] =	vst v4;
	v3 =	vld.idx.msk [tilespmem:v5+s3+$0x0], $0xffff  }
0xcd: {  	s12 =	sor.u32 s24, s11;
	[tilespmem:s1+$0x0] =	vst v6;
	v5 =	vadd.s32 $0x1280, v1;
	v4 =	vld.idx.msk [tilespmem:v8+s3+$0x0], $0xffff  }
0xce: {  	v6 =	vld.idx.msk [tilespmem:v9+s3+$0x0], $0xffff;
	v8 =	vadd.s32 $0x1280, v0;
	[tilespmem:s12+$0x0] =	vst v10  }
0xcf: {  	s13 =	sadd.s32 $0xA600, s16;
	v9 =	vadd.s32 $0x3380, v2;
	v10 =	vld.idx.msk [tilespmem:v11+s3+$0x0], $0xffff  }
0xd0: {  	s17 =	sor.u32 s15, s13;
	v11 =	vadd.s32 $0x4000, v7  }
0xd1: {  	s1 =	sor.u32 s23, s13;
	[tilespmem:s17+$0x0] =	vst v3  }
0xd2: {  	s18 =	sadd.s32 $0xE780, s25;
	s0 =	sor.u32 s14, s11;
	[tilespmem:s1+$0x0] =	vst v4;
	v3 =	vld.idx.msk [tilespmem:v5+s3+$0x0], $0xffff  }
0xd3: {  	s19 =	sor.u32 s24, s18;
	[tilespmem:s0+$0x0] =	vst v6;
	v5 =	vadd.s32 $0x1300, v1;
	v4 =	vld.idx.msk [tilespmem:v8+s3+$0x0], $0xffff  }
0xd4: {  	v6 =	vld.idx.msk [tilespmem:v9+s3+$0x0], $0xffff;
	v8 =	vadd.s32 $0x1300, v0;
	[tilespmem:s19+$0x0] =	vst v10  }
0xd5: {  	s20 =	sadd.s32 $0xA680, s16;
	v9 =	vadd.s32 $0x4000, v2;
	v10 =	vld.idx.msk [tilespmem:v11+s3+$0x0], $0xffff  }
0xd6: {  	s21 =	sor.u32 s15, s20;
	v11 =	vadd.s32 $0x4080, v7  }
0xd7: {  	s0 =	sor.u32 s23, s20;
	[tilespmem:s21+$0x0] =	vst v3  }
0xd8: {  	s22 =	sadd.s32 $0x10400, s25;
	s1 =	sor.u32 s14, s18;
	[tilespmem:s0+$0x0] =	vst v4;
	v3 =	vld.idx.msk [tilespmem:v5+s3+$0x0], $0xffff  }
0xd9: {  	s26 =	sor.u32 s24, s22;
	[tilespmem:s1+$0x0] =	vst v6;
	v5 =	vadd.s32 $0x1380, v1;
	v4 =	vld.idx.msk [tilespmem:v8+s3+$0x0], $0xffff  }
0xda: {  	v6 =	vld.idx.msk [tilespmem:v9+s3+$0x0], $0xffff;
	v8 =	vadd.s32 $0x1380, v0;
	[tilespmem:s26+$0x0] =	vst v10  }
0xdb: {  	s2 =	sadd.s32 $0xA700, s16;
	v9 =	vadd.s32 $0x4080, v2;
	v10 =	vld.idx.msk [tilespmem:v11+s3+$0x0], $0xffff  }
0xdc: {  	s4 =	sor.u32 s15, s2;
	v11 =	vadd.s32 $0x4100, v7  }
0xdd: {  	s1 =	sor.u32 s23, s2;
	[tilespmem:s4+$0x0] =	vst v3  }
0xde: {  	s5 =	sadd.s32 $0x10480, s25;
	s0 =	sor.u32 s14, s22;
	[tilespmem:s1+$0x0] =	vst v4;
	v3 =	vld.idx.msk [tilespmem:v5+s3+$0x0], $0xffff  }
0xdf: {  	s6 =	sor.u32 s24, s5;
	[tilespmem:s0+$0x0] =	vst v6;
	v5 =	vadd.s32 $0x2000, v1;
	v4 =	vld.idx.msk [tilespmem:v8+s3+$0x0], $0xffff  }
0xe0: {  	v6 =	vld.idx.msk [tilespmem:v9+s3+$0x0], $0xffff;
	v8 =	vadd.s32 $0x2000, v0;
	[tilespmem:s6+$0x0] =	vst v10  }
0xe1: {  	s7 =	sadd.s32 $0xA780, s16;
	v9 =	vadd.s32 $0x4100, v2;
	v10 =	vld.idx.msk [tilespmem:v11+s3+$0x0], $0xffff  }
0xe2: {  	s9 =	sor.u32 s15, s7;
	v11 =	vadd.s32 $0x4180, v7  }
0xe3: {  	s0 =	sor.u32 s23, s7;
	[tilespmem:s9+$0x0] =	vst v3  }
0xe4: {  	s10 =	sadd.s32 $0x10500, s25;
	s1 =	sor.u32 s14, s5;
	[tilespmem:s0+$0x0] =	vst v4;
	v3 =	vld.idx.msk [tilespmem:v5+s3+$0x0], $0xffff;
	s0 =	simm.s32 $0x40  }
0xe5: {  	s11 =	sor.u32 s24, s10;
	[tilespmem:s1+$0x0] =	vst v6;
	v5 =	vadd.s32 $0x2080, v1;
	v4 =	vld.idx.msk [tilespmem:v8+s3+$0x0], $0xffff;
	s17 =	sand.u32 $0x60, s0  }
0xe6: {  	v6 =	vld.idx.msk [tilespmem:v9+s3+$0x0], $0xffff;
	s12 =	sand.u32 $0x380, s0;
	v8 =	vadd.s32 $0x2080, v0;
	[tilespmem:s11+$0x0] =	vst v10;
	s18 =	sor.u32 $0x10, s17  }
0xe7: {  	s13 =	sadd.s32 $0xC400, s16;
	v9 =	vadd.s32 $0x4180, v2;
	v10 =	vld.idx.msk [tilespmem:v11+s3+$0x0], $0xffff;
	s4 =	sor.u32 s18, s12  }
0xe8: {  	v13 =	vadd.s32 $0x4200, v7;
	s8 =	simm.s32 $0x8040;
	s19 =	sor.u32 s15, s13;
	v11 =	vld [tilespmem:s4+$0x8000]  }
0xe9: {  	v12 =	vld [tilespmem:s8+$0x0];
	s1 =	sor.u32 s23, s13;
	[tilespmem:s19+$0x0] =	vst v3  }
0xea: {  	s20 =	sadd.s32 $0x10580, s25;
	s2 =	sor.u32 s14, s10;
	[tilespmem:s1+$0x0] =	vst v4;
	v3 =	vld.idx.msk [tilespmem:v5+s3+$0x0], $0xffff  }
0xeb: {  	s21 =	sor.u32 s24, s20;
	[tilespmem:s2+$0x0] =	vst v6;
	v6 =	vadd.s32 $0x2100, v1;
	v5 =	vld.idx.msk [tilespmem:v8+s3+$0x0], $0xffff  }
0xec: {  	v8 =	vld.idx.msk [tilespmem:v9+s3+$0x0], $0xffff;
	v9 =	vadd.s32 $0x2100, v0;
	[tilespmem:s21+$0x0] =	vst v10  }
0xed: {  	v15 =	vadd.s32 $0x4280, v7;
	s22 =	sadd.s32 $0xC480, s16;
	v10 =	vadd.s32 $0x4200, v2;
	v13 =	vld.idx.msk [tilespmem:v13+s3+$0x0], $0xffff;
	v14 =	vshll.u32 v11, $0x3  }
0xee: {  	s26 =	sor.u32 s15, s22;
	v4 =	vshll.u32 v12, $0x3;
	v11 =	vand.u32 $0x7F, v11;
	v14 =	vand.u32 $0xFFFFFC00, v14  }
0xef: {  	v12 =	vand.u32 $0x7F, v12;
	s2 =	sor.u32 s23, s22;
	v16 =	vand.u32 $0xFFFFFC00, v4;
	v4 =	vor.u32 v11, v14;
	[tilespmem:s26+$0x0] =	vst v3  }
0xf0: {  	s5 =	sadd.s32 $0x10600, s25;
	s1 =	sor.u32 s14, s20;
	v3 =	vor.u32 v12, v16;
	[tilespmem:s2+$0x0] =	vst v5;
	v5 =	vld.idx.msk [tilespmem:v6+s3+$0x0], $0xffff  }
0xf1: {  	s6 =	sor.u32 s24, s5;
	[tilespmem:s1+$0x0] =	vst v8;
	v8 =	vadd.s32 $0x2180, v1;
	v6 =	vld.idx.msk [tilespmem:v9+s3+$0x0], $0xffff  }
0xf2: {  	v9 =	vld.idx.msk [tilespmem:v10+s3+$0x0], $0xffff;
	v10 =	vadd.s32 $0x2180, v0;
	[tilespmem:s6+$0x0] =	vst v13  }
0xf3: {  	s7 =	sadd.s32 $0xC500, s16;
	v11 =	vadd.s32 $0x4280, v2;
	v12 =	vld.idx.msk [tilespmem:v15+s3+$0x0], $0xffff  }
0xf4: {  	s8 =	sor.u32 s15, s7;
	v14 =	vadd.s32 $0x4300, v7;
	v13 =	vld.idx.msk [tilespmem:v4+s3+$0x0], $0xffff  }
0xf5: {  	s9 =	sor.u32 s23, s7;
	v16 =	vor.u32 $0x80, v4;
	s1 =	simm.s32 $0x200;
	v15 =	vld.idx.msk [tilespmem:v3+s3+$0x0], $0xffff;
	[tilespmem:s8+$0x0] =	vst v5  }
0xf6: {  	s10 =	sadd.s32 $0x10680, s25;
	s2 =	sor.u32 s14, s5;
	s19 =	sand.u32 $0x1C00, s1;
	v5 =	vor.u32 $0x80, v3;
	[tilespmem:s9+$0x0] =	vst v6;
	v6 =	vld.idx.msk [tilespmem:v8+s3+$0x0], $0xffff  }
0xf7: {  	s12 =	sor.u32 s24, s10;
	s11 =	sadd.s32 $0x8400, s19;
	[tilespmem:s2+$0x0] =	vst v9;
	v9 =	vadd.s32 $0x2200, v1;
	v8 =	vld.idx.msk [tilespmem:v10+s3+$0x0], $0xffff  }
0xf8: {  	s4 =	sor.u32 s18, s11;
	v10 =	vld.idx.msk [tilespmem:v11+s3+$0x0], $0xffff;
	v11 =	vadd.s32 $0x2200, v0;
	[tilespmem:s12+$0x0] =	vst v12  }
0xf9: {  	s13 =	sadd.s32 $0xC580, s16;
	s2 =	sor.u32 s17, s11;
	[tilespmem:s4+$0x0] =	vst v13;
	v12 =	vld.idx.msk [tilespmem:v14+s3+$0x0], $0xffff;
	v13 =	vadd.s32 $0x4300, v2  }
0xfa: {  	s7 =	sor.u32 s15, s13;
	[tilespmem:s2+$0x0] =	vst v15;
	v15 =	vadd.s32 $0x4380, v7;
	v14 =	vld.idx.msk [tilespmem:v16+s3+$0x0], $0xffff  }
0xfb: {  	s6 =	sor.u32 s23, s13;
	v5 =	vld.idx.msk [tilespmem:v5+s3+$0x0], $0xffff;
	v16 =	vor.u32 $0x100, v4;
	[tilespmem:s7+$0x0] =	vst v6  }
0xfc: {  	s20 =	sadd.s32 $0x10700, s25;
	s5 =	sor.u32 s14, s10;
	v6 =	vor.u32 $0x100, v3;
	[tilespmem:s6+$0x0] =	vst v8;
	v8 =	vld.idx.msk [tilespmem:v9+s3+$0x0], $0xffff  }
0xfd: {  	s21 =	sor.u32 s24, s20;
	[tilespmem:s5+$0x0] =	vst v10;
	v10 =	vadd.s32 $0x2280, v1;
	v9 =	vld.idx.msk [tilespmem:v11+s3+$0x0], $0xffff  }
0xfe: {  	v11 =	vld.idx.msk [tilespmem:v13+s3+$0x0], $0xffff;
	[tilespmem:s21+$0x0] =	vst v12;
	v12 =	vadd.s32 $0x2280, v0  }
0xff: {  	s22 =	sadd.s32 $0xC600, s16;
	[tilespmem:s4+$0x80] =	vst v14;
	v13 =	vld.idx.msk [tilespmem:v15+s3+$0x0], $0xffff;
	v14 =	vadd.s32 $0x4380, v2  }
0x100: {  	s26 =	sor.u32 s15, s22;
	[tilespmem:s2+$0x80] =	vst v5;
	v15 =	vadd.s32 $0x5000, v7;
	v5 =	vld.idx.msk [tilespmem:v16+s3+$0x0], $0xffff  }
0x101: {  	s5 =	sor.u32 s23, s22;
	v6 =	vld.idx.msk [tilespmem:v6+s3+$0x0], $0xffff;
	v16 =	vor.u32 $0x180, v4;
	[tilespmem:s26+$0x0] =	vst v8  }
0x102: {  	s8 =	sadd.s32 $0x10780, s25;
	s6 =	sor.u32 s14, s20;
	v8 =	vor.u32 $0x180, v3;
	[tilespmem:s5+$0x0] =	vst v9;
	v9 =	vld.idx.msk [tilespmem:v10+s3+$0x0], $0xffff  }
0x103: {  	s9 =	sor.u32 s24, s8;
	v10 =	vld.idx.msk [tilespmem:v12+s3+$0x0], $0xffff;
	[tilespmem:s6+$0x0] =	vst v11;
	v11 =	vadd.s32 $0x2300, v1  }
0x104: {  	v12 =	vld.idx.msk [tilespmem:v14+s3+$0x0], $0xffff;
	[tilespmem:s9+$0x0] =	vst v13;
	v13 =	vadd.s32 $0x2300, v0  }
0x105: {  	s10 =	sadd.s32 $0xC680, s16;
	v14 =	vadd.s32 $0x5000, v2;
	[tilespmem:s4+$0x100] =	vst v5;
	v5 =	vld.idx.msk [tilespmem:v15+s3+$0x0], $0xffff  }
0x106: {  	s11 =	sor.u32 s15, s10;
	[tilespmem:s2+$0x100] =	vst v6;
	v15 =	vadd.s32 $0x5080, v7;
	v6 =	vld.idx.msk [tilespmem:v16+s3+$0x0], $0xffff  }
0x107: {  	s6 =	sor.u32 s23, s10;
	v8 =	vld.idx.msk [tilespmem:v8+s3+$0x0], $0xffff;
	v16 =	vor.u32 $0x200, v4;
	[tilespmem:s11+$0x0] =	vst v9  }
0x108: {  	s12 =	sadd.s32 $0x12400, s25;
	s5 =	sor.u32 s14, s8;
	v9 =	vor.u32 $0x200, v3;
	[tilespmem:s6+$0x0] =	vst v10;
	v10 =	vld.idx.msk [tilespmem:v11+s3+$0x0], $0xffff  }
0x109: {  	s13 =	sor.u32 s24, s12;
	v11 =	vld.idx.msk [tilespmem:v13+s3+$0x0], $0xffff;
	[tilespmem:s5+$0x0] =	vst v12;
	v12 =	vadd.s32 $0x2380, v1  }
0x10a: {  	v13 =	vld.idx.msk [tilespmem:v14+s3+$0x0], $0xffff;
	[tilespmem:s13+$0x0] =	vst v5;
	v5 =	vadd.s32 $0x2380, v0  }
0x10b: {  	s20 =	sadd.s32 $0xC700, s16;
	v14 =	vadd.s32 $0x5080, v2;
	[tilespmem:s4+$0x180] =	vst v6;
	v6 =	vld.idx.msk [tilespmem:v15+s3+$0x0], $0xffff  }
0x10c: {  	s21 =	sor.u32 s15, s20;
	[tilespmem:s2+$0x180] =	vst v8;
	v15 =	vadd.s32 $0x5100, v7;
	v8 =	vld.idx.msk [tilespmem:v16+s3+$0x0], $0xffff  }
0x10d: {  	s5 =	sor.u32 s23, s20;
	v9 =	vld.idx.msk [tilespmem:v9+s3+$0x0], $0xffff;
	v16 =	vor.u32 $0x280, v4;
	[tilespmem:s21+$0x0] =	vst v10  }
0x10e: {  	s22 =	sadd.s32 $0x12480, s25;
	s6 =	sor.u32 s14, s12;
	v10 =	vor.u32 $0x280, v3;
	[tilespmem:s5+$0x0] =	vst v11;
	v11 =	vld.idx.msk [tilespmem:v12+s3+$0x0], $0xffff  }
0x10f: {  	s26 =	sor.u32 s24, s22;
	v12 =	vadd.s32 $0x3000, v1;
	v5 =	vld.idx.msk [tilespmem:v5+s3+$0x0], $0xffff;
	[tilespmem:s6+$0x0] =	vst v13  }
0x110: {  	v13 =	vld.idx.msk [tilespmem:v14+s3+$0x0], $0xffff;
	[tilespmem:s26+$0x0] =	vst v6;
	v6 =	vadd.s32 $0x3000, v0  }
0x111: {  	s7 =	sadd.s32 $0xC780, s16;
	v14 =	vadd.s32 $0x5100, v2;
	[tilespmem:s4+$0x200] =	vst v8;
	v8 =	vld.idx.msk [tilespmem:v15+s3+$0x0], $0xffff  }
0x112: {  	s8 =	sor.u32 s15, s7;
	[tilespmem:s2+$0x200] =	vst v9;
	v15 =	vadd.s32 $0x5180, v7;
	v9 =	vld.idx.msk [tilespmem:v16+s3+$0x0], $0xffff  }
0x113: {  	s6 =	sor.u32 s23, s7;
	v10 =	vld.idx.msk [tilespmem:v10+s3+$0x0], $0xffff;
	v16 =	vor.u32 $0x300, v4;
	[tilespmem:s8+$0x0] =	vst v11  }
0x114: {  	s9 =	sadd.s32 $0x12500, s25;
	s5 =	sor.u32 s14, s22;
	v11 =	vor.u32 $0x300, v3;
	[tilespmem:s6+$0x0] =	vst v5;
	v5 =	vld.idx.msk [tilespmem:v12+s3+$0x0], $0xffff  }
0x115: {  	s10 =	sor.u32 s24, s9;
	v12 =	vadd.s32 $0x3080, v1;
	v6 =	vld.idx.msk [tilespmem:v6+s3+$0x0], $0xffff;
	[tilespmem:s5+$0x0] =	vst v13  }
0x116: {  	v13 =	vld.idx.msk [tilespmem:v14+s3+$0x0], $0xffff;
	[tilespmem:s10+$0x0] =	vst v8;
	v8 =	vadd.s32 $0x3080, v0  }
0x117: {  	s11 =	sadd.s32 $0xE400, s16;
	s12 =	simm.s32 $0x2;
	v14 =	vadd.s32 $0x5180, v2;
	[tilespmem:s4+$0x280] =	vst v9;
	v9 =	vld.idx.msk [tilespmem:v15+s3+$0x0], $0xffff  }
0x118: {  	s20 =	sor.u32 s15, s11;
	s13 =	sand.u32 $0x3, s12;
	[tilespmem:s2+$0x280] =	vst v10;
	v15 =	vadd.s32 $0x5200, v7;
	v10 =	vld.idx.msk [tilespmem:v16+s3+$0x0], $0xffff  }
0x119: {  	s4 =	sor.u32 s23, s11;
	s2 =	sshll.u32 s13, $0x5;
	v11 =	vld.idx.msk [tilespmem:v11+s3+$0x0], $0xffff;
	v16 =	vor.u32 $0x380, v4;
	[tilespmem:s20+$0x0] =	vst v5  }
0x11a: {  	s21 =	sor.u32 s14, s9;
	s22 =	sadd.s32 $0x12580, s25;
	s2 =	sadd.s32 $0x200, s2;
	v5 =	vor.u32 $0x380, v3;
	[tilespmem:s4+$0x0] =	vst v6;
	v6 =	vld.idx.msk [tilespmem:v12+s3+$0x0], $0xffff  }
0x11b: {  	s7 =	sor.u32 s24, s22;
	s26 =	sadd.s32 $0x10, s2;
	v12 =	vadd.s32 $0x3100, v1;
	v8 =	vld.idx.msk [tilespmem:v8+s3+$0x0], $0xffff;
	[tilespmem:s21+$0x0] =	vst v13  }
0x11c: {  	s8 =	sor.u32 $0x300, s26;
	v13 =	vld.idx.msk [tilespmem:v14+s3+$0x0], $0xffff;
	[tilespmem:s7+$0x0] =	vst v9;
	v9 =	vadd.s32 $0x3100, v0  }
0x11d: {  	s9 =	sadd.s32 $0xE480, s16;
	s2 =	sor.u32 $0x300, s2;
	v14 =	vadd.s32 $0x5200, v2;
	[tilespmem:s8+$0x8400] =	vst v10;
	v10 =	vld.idx.msk [tilespmem:v15+s3+$0x0], $0xffff  }
0x11e: {  	s10 =	sor.u32 s15, s9;
	[tilespmem:s2+$0x8400] =	vst v11;
	v15 =	vadd.s32 $0x5280, v7;
	v11 =	vld.idx.msk [tilespmem:v16+s3+$0x0], $0xffff  }
0x11f: {  	s5 =	sor.u32 s23, s9;
	v5 =	vld.idx.msk [tilespmem:v5+s3+$0x0], $0xffff;
	[tilespmem:s10+$0x0] =	vst v6  }
0x120: {  	s12 =	sadd.s32 $0x12600, s25;
	s11 =	sor.u32 s14, s22;
	v16 =	vadd.s32 $0x1000, v4;
	[tilespmem:s5+$0x0] =	vst v8;
	v8 =	vld.idx.msk [tilespmem:v12+s3+$0x0], $0xffff  }
0x121: {  	s13 =	sor.u32 s24, s12;
	v6 =	vadd.s32 $0x1000, v3;
	v9 =	vld.idx.msk [tilespmem:v9+s3+$0x0], $0xffff;
	[tilespmem:s11+$0x0] =	vst v13  }
0x122: {  	s0 =	sor.u32 s1, s0;
	s20 =	sor.u32 $0x380, s26;
	v12 =	vadd.s32 $0x3180, v1;
	v13 =	vld.idx.msk [tilespmem:v14+s3+$0x0], $0xffff;
	[tilespmem:s13+$0x0] =	vst v10  }
0x123: {  	s0 =	sor.u32 $0x380, s0;
	s22 =	simm.s32 $0x8060;
	v10 =	vadd.s32 $0x3180, v0;
	[tilespmem:s20+$0x8400] =	vst v11;
	v11 =	vld.idx.msk [tilespmem:v15+s3+$0x0], $0xffff  }
0x124: {  	s21 =	sadd.s32 $0xE500, s16;
	[tilespmem:s0+$0x8400] =	vst v5;
	v15 =	vadd.s32 $0x5280, v2;
	v5 =	vld [tilespmem:s22+$0x0]  }
0x125: {  	s26 =	sor.u32 s15, s21;
	v14 =	vld.idx.msk [tilespmem:v16+s3+$0x0], $0xffff;
	v16 =	vadd.s32 $0x5300, v7  }
0x126: {  	v17 =	vadd.s32 $0x1080, v4;
	s0 =	sor.u32 s23, s21;
	v6 =	vld.idx.msk [tilespmem:v6+s3+$0x0], $0xffff;
	[tilespmem:s26+$0x0] =	vst v8  }
0x127: {  	s4 =	sor.u32 s14, s12;
	s5 =	sadd.s32 $0x12680, s25;
	v8 =	vadd.s32 $0x1080, v3;
	[tilespmem:s0+$0x0] =	vst v9;
	v9 =	vld.idx.msk [tilespmem:v12+s3+$0x0], $0xffff  }
0x128: {  	s6 =	sadd.s32 $0xA400, s19;
	s7 =	sor.u32 s24, s5;
	v12 =	vadd.s32 $0x3200, v1;
	v10 =	vld.idx.msk [tilespmem:v10+s3+$0x0], $0xffff;
	[tilespmem:s4+$0x0] =	vst v13  }
0x129: {  	s8 =	sor.u32 s18, s6;
	v13 =	vld.idx.msk [tilespmem:v15+s3+$0x0], $0xffff;
	[tilespmem:s7+$0x0] =	vst v11;
	v11 =	vadd.s32 $0x3200, v0  }
0x12a: {  	s9 =	sor.u32 s17, s6;
	s10 =	sadd.s32 $0xE580, s16;
	v15 =	vadd.s32 $0x5300, v2;
	[tilespmem:s8+$0x0] =	vst v14;
	v14 =	vld.idx.msk [tilespmem:v16+s3+$0x0], $0xffff  }
0x12b: {  	s11 =	sor.u32 s15, s10;
	[tilespmem:s9+$0x0] =	vst v6;
	v16 =	vadd.s32 $0x5380, v7;
	v6 =	vld.idx.msk [tilespmem:v17+s3+$0x0], $0xffff  }
0x12c: {  	s2 =	sor.u32 s23, s10;
	v8 =	vld.idx.msk [tilespmem:v8+s3+$0x0], $0xffff;
	v17 =	vadd.s32 $0x1100, v4;
	[tilespmem:s11+$0x0] =	vst v9  }
0x12d: {  	s12 =	sadd.s32 $0x12700, s25;
	s0 =	sor.u32 s14, s5;
	v9 =	vadd.s32 $0x1100, v3;
	[tilespmem:s2+$0x0] =	vst v10;
	v10 =	vld.idx.msk [tilespmem:v12+s3+$0x0], $0xffff  }
0x12e: {  	s13 =	sadd.s32 $0xA480, s19;
	s20 =	sor.u32 s24, s12;
	v12 =	vadd.s32 $0x3280, v1;
	v11 =	vld.idx.msk [tilespmem:v11+s3+$0x0], $0xffff;
	[tilespmem:s0+$0x0] =	vst v13  }
0x12f: {  	s21 =	sor.u32 s18, s13;
	v13 =	vld.idx.msk [tilespmem:v15+s3+$0x0], $0xffff;
	[tilespmem:s20+$0x0] =	vst v14;
	v14 =	vadd.s32 $0x3280, v0  }
0x130: {  	s22 =	sor.u32 s17, s13;
	s26 =	sadd.s32 $0xE600, s16;
	v15 =	vadd.s32 $0x5380, v2;
	[tilespmem:s21+$0x0] =	vst v6;
	v6 =	vld.idx.msk [tilespmem:v16+s3+$0x0], $0xffff  }
0x131: {  	s4 =	sor.u32 s15, s26;
	[tilespmem:s22+$0x0] =	vst v8;
	v16 =	vadd.s32 $0x6000, v7;
	v8 =	vld.idx.msk [tilespmem:v17+s3+$0x0], $0xffff  }
0x132: {  	s2 =	sor.u32 s23, s26;
	v9 =	vld.idx.msk [tilespmem:v9+s3+$0x0], $0xffff;
	v17 =	vadd.s32 $0x1180, v4;
	[tilespmem:s4+$0x0] =	vst v10  }
0x133: {  	s6 =	sadd.s32 $0x12780, s25;
	s5 =	sor.u32 s14, s12;
	v10 =	vadd.s32 $0x1180, v3;
	[tilespmem:s2+$0x0] =	vst v11;
	v11 =	vld.idx.msk [tilespmem:v12+s3+$0x0], $0xffff  }
0x134: {  	s7 =	sadd.s32 $0xA500, s19;
	s8 =	sor.u32 s24, s6;
	v12 =	vld.idx.msk [tilespmem:v14+s3+$0x0], $0xffff;
	[tilespmem:s5+$0x0] =	vst v13;
	v13 =	vadd.s32 $0x3300, v1  }
0x135: {  	s9 =	sor.u32 s18, s7;
	v14 =	vld.idx.msk [tilespmem:v15+s3+$0x0], $0xffff;
	[tilespmem:s8+$0x0] =	vst v6;
	v6 =	vadd.s32 $0x3300, v0  }
0x136: {  	s10 =	sor.u32 s17, s7;
	s11 =	sadd.s32 $0xE680, s16;
	v15 =	vadd.s32 $0x6000, v2;
	[tilespmem:s9+$0x0] =	vst v8;
	v8 =	vld.idx.msk [tilespmem:v16+s3+$0x0], $0xffff  }
0x137: {  	s12 =	sor.u32 s15, s11;
	[tilespmem:s10+$0x0] =	vst v9;
	v16 =	vadd.s32 $0x6080, v7;
	v9 =	vld.idx.msk [tilespmem:v17+s3+$0x0], $0xffff  }
0x138: {  	s2 =	sor.u32 s23, s11;
	v10 =	vld.idx.msk [tilespmem:v10+s3+$0x0], $0xffff;
	v17 =	vadd.s32 $0x1200, v4;
	[tilespmem:s12+$0x0] =	vst v11  }
0x139: {  	s13 =	sor.u32 s14, s6;
	s20 =	sadd.s32 $0x14400, s25;
	v11 =	vadd.s32 $0x1200, v3;
	[tilespmem:s2+$0x0] =	vst v12;
	v12 =	vld.idx.msk [tilespmem:v13+s3+$0x0], $0xffff  }
0x13a: {  	s21 =	sadd.s32 $0xA580, s19;
	s22 =	sor.u32 s24, s20;
	v13 =	vadd.s32 $0x3380, v1;
	v6 =	vld.idx.msk [tilespmem:v6+s3+$0x0], $0xffff;
	[tilespmem:s13+$0x0] =	vst v14  }
0x13b: {  	s26 =	sor.u32 s18, s21;
	v14 =	vld.idx.msk [tilespmem:v15+s3+$0x0], $0xffff;
	[tilespmem:s22+$0x0] =	vst v8;
	v8 =	vadd.s32 $0x3380, v0  }
0x13c: {  	s6 =	sadd.s32 $0xE700, s16;
	s5 =	sor.u32 s17, s21;
	v15 =	vadd.s32 $0x6080, v2;
	[tilespmem:s26+$0x0] =	vst v9;
	v9 =	vld.idx.msk [tilespmem:v16+s3+$0x0], $0xffff  }
0x13d: {  	s7 =	sor.u32 s15, s6;
	[tilespmem:s5+$0x0] =	vst v10;
	v16 =	vadd.s32 $0x6100, v7;
	v10 =	vld.idx.msk [tilespmem:v17+s3+$0x0], $0xffff  }
0x13e: {  	s2 =	sor.u32 s23, s6;
	v11 =	vld.idx.msk [tilespmem:v11+s3+$0x0], $0xffff;
	v17 =	vadd.s32 $0x1280, v4;
	[tilespmem:s7+$0x0] =	vst v12  }
0x13f: {  	s8 =	sor.u32 s14, s20;
	s9 =	sadd.s32 $0x14480, s25;
	v12 =	vadd.s32 $0x1280, v3;
	[tilespmem:s2+$0x0] =	vst v6;
	v6 =	vld.idx.msk [tilespmem:v13+s3+$0x0], $0xffff  }
0x140: {  	s10 =	sadd.s32 $0xA600, s19;
	s11 =	sor.u32 s24, s9;
	v13 =	vadd.s32 $0x4000, v1;
	v8 =	vld.idx.msk [tilespmem:v8+s3+$0x0], $0xffff;
	[tilespmem:s8+$0x0] =	vst v14  }
0x141: {  	s12 =	sor.u32 s18, s10;
	v14 =	vld.idx.msk [tilespmem:v15+s3+$0x0], $0xffff;
	[tilespmem:s11+$0x0] =	vst v9;
	v9 =	vadd.s32 $0x4000, v0  }
0x142: {  	s20 =	sadd.s32 $0xE780, s16;
	s13 =	sor.u32 s17, s10;
	v15 =	vadd.s32 $0x6100, v2;
	[tilespmem:s12+$0x0] =	vst v10;
	v10 =	vld.idx.msk [tilespmem:v16+s3+$0x0], $0xffff  }
0x143: {  	s21 =	sor.u32 s15, s20;
	[tilespmem:s13+$0x0] =	vst v11;
	v16 =	vadd.s32 $0x6180, v7;
	v11 =	vld.idx.msk [tilespmem:v17+s3+$0x0], $0xffff  }
0x144: {  	s2 =	sor.u32 s23, s20;
	v12 =	vld.idx.msk [tilespmem:v12+s3+$0x0], $0xffff;
	v17 =	vadd.s32 $0x1300, v4;
	[tilespmem:s21+$0x0] =	vst v6  }
0x145: {  	s22 =	sor.u32 s14, s9;
	s26 =	sadd.s32 $0x14500, s25;
	v6 =	vadd.s32 $0x1300, v3;
	[tilespmem:s2+$0x0] =	vst v8;
	v8 =	vld.idx.msk [tilespmem:v13+s3+$0x0], $0xffff  }
0x146: {  	s4 =	sadd.s32 $0xA680, s19;
	s5 =	sor.u32 s24, s26;
	v13 =	vadd.s32 $0x4080, v1;
	v9 =	vld.idx.msk [tilespmem:v9+s3+$0x0], $0xffff;
	[tilespmem:s22+$0x0] =	vst v14  }
0x147: {  	s6 =	sor.u32 s18, s4;
	v14 =	vld.idx.msk [tilespmem:v15+s3+$0x0], $0xffff;
	[tilespmem:s5+$0x0] =	vst v10;
	v10 =	vadd.s32 $0x4080, v0  }
0x148: {  	s7 =	sor.u32 s17, s4;
	s8 =	sadd.s32 $0x10400, s16;
	v15 =	vadd.s32 $0x6180, v2;
	[tilespmem:s6+$0x0] =	vst v11;
	v11 =	vld.idx.msk [tilespmem:v16+s3+$0x0], $0xffff  }
0x149: {  	s9 =	sor.u32 s15, s8;
	[tilespmem:s7+$0x0] =	vst v12;
	v16 =	vadd.s32 $0x6200, v7;
	v12 =	vld.idx.msk [tilespmem:v17+s3+$0x0], $0xffff  }
0x14a: {  	s2 =	sor.u32 s23, s8;
	v6 =	vld.idx.msk [tilespmem:v6+s3+$0x0], $0xffff;
	v17 =	vadd.s32 $0x1380, v4;
	[tilespmem:s9+$0x0] =	vst v8  }
0x14b: {  	s10 =	sor.u32 s14, s26;
	s11 =	sadd.s32 $0x14580, s25;
	v8 =	vadd.s32 $0x1380, v3;
	[tilespmem:s2+$0x0] =	vst v9;
	v9 =	vld.idx.msk [tilespmem:v13+s3+$0x0], $0xffff  }
0x14c: {  	s12 =	sadd.s32 $0xA700, s19;
	s13 =	sor.u32 s24, s11;
	v13 =	vadd.s32 $0x4100, v1;
	v10 =	vld.idx.msk [tilespmem:v10+s3+$0x0], $0xffff;
	[tilespmem:s10+$0x0] =	vst v14  }
0x14d: {  	s20 =	sor.u32 s18, s12;
	v14 =	vld.idx.msk [tilespmem:v15+s3+$0x0], $0xffff;
	[tilespmem:s13+$0x0] =	vst v11;
	v11 =	vadd.s32 $0x4100, v0  }
0x14e: {  	s21 =	sor.u32 s17, s12;
	s22 =	sadd.s32 $0x10480, s16;
	v15 =	vadd.s32 $0x6200, v2;
	[tilespmem:s20+$0x0] =	vst v12;
	v12 =	vld.idx.msk [tilespmem:v16+s3+$0x0], $0xffff  }
0x14f: {  	s26 =	sor.u32 s15, s22;
	[tilespmem:s21+$0x0] =	vst v6;
	v16 =	vadd.s32 $0x6280, v7;
	v6 =	vld.idx.msk [tilespmem:v17+s3+$0x0], $0xffff  }
0x150: {  	s2 =	sor.u32 s23, s22;
	v8 =	vld.idx.msk [tilespmem:v8+s3+$0x0], $0xffff;
	v17 =	vadd.s32 $0x2000, v4;
	[tilespmem:s26+$0x0] =	vst v9  }
0x151: {  	s1 =	sadd.s32 $0x14600, s25;
	s4 =	sor.u32 s14, s11;
	v9 =	vadd.s32 $0x2000, v3;
	[tilespmem:s2+$0x0] =	vst v10;
	v10 =	vld.idx.msk [tilespmem:v13+s3+$0x0], $0xffff  }
0x152: {  	s5 =	sadd.s32 $0xA780, s19;
	s6 =	sor.u32 s24, s1;
	v11 =	vld.idx.msk [tilespmem:v11+s3+$0x0], $0xffff;
	[tilespmem:s4+$0x0] =	vst v14  }
0x153: {  	s7 =	sor.u32 s18, s5;
	s26 =	simm.s32 $0x60;
	v13 =	vadd.s32 $0x4180, v1;
	v14 =	vld.idx.msk [tilespmem:v15+s3+$0x0], $0xffff;
	[tilespmem:s6+$0x0] =	vst v12  }
0x154: {  	s8 =	sor.u32 s17, s5;
	s21 =	sand.u32 $0x60, s26;
	v12 =	vadd.s32 $0x4180, v0;
	[tilespmem:s7+$0x0] =	vst v6;
	v6 =	vld.idx.msk [tilespmem:v16+s3+$0x0], $0xffff  }
0x155: {  	s9 =	sadd.s32 $0x10500, s16;
	s11 =	sand.u32 $0x380, s26;
	s20 =	sor.u32 $0x10, s21;
	v15 =	vadd.s32 $0x6300, v7;
	[tilespmem:s8+$0x0] =	vst v8;
	v8 =	vld.idx.msk [tilespmem:v17+s3+$0x0], $0xffff  }
0x156: {  	s10 =	sor.u32 s15, s9;
	s0 =	sor.u32 s20, s11;
	v16 =	vadd.s32 $0x2080, v4;
	v9 =	vld.idx.msk [tilespmem:v9+s3+$0x0], $0xffff  }
0x157: {  	s2 =	sor.u32 s23, s9;
	s4 =	sadd.s32 $0x14680, s25;
	v18 =	vld [tilespmem:s0+$0x8000];
	[tilespmem:s10+$0x0] =	vst v10;
	v10 =	vadd.s32 $0x2080, v3  }
0x158: {  	s12 =	sadd.s32 $0xC400, s19;
	s13 =	sor.u32 s24, s4;
	[tilespmem:s2+$0x0] =	vst v11;
	v11 =	vld.idx.msk [tilespmem:v13+s3+$0x0], $0xffff;
	v13 =	vadd.s32 $0x6280, v2  }
0x159: {  	v19 =	vadd.s32 $0x4200, v1;
	s22 =	sor.u32 s18, s12;
	v17 =	vshll.u32 v5, $0x3;
	v12 =	vld.idx.msk [tilespmem:v12+s3+$0x0], $0xffff;
	[tilespmem:s13+$0x0] =	vst v6  }
0x15a: {  	v5 =	vand.u32 $0x7F, v5;
	s2 =	sor.u32 s17, s12;
	v6 =	vand.u32 $0xFFFFFC00, v17;
	[tilespmem:s22+$0x0] =	vst v8;
	v8 =	vadd.s32 $0x4200, v0;
	v15 =	vld.idx.msk [tilespmem:v15+s3+$0x0], $0xffff  }
0x15b: {  	s6 =	sor.u32 s14, s1;
	s7 =	sadd.s32 $0x10580, s16;
	v6 =	vor.u32 v5, v6;
	[tilespmem:s2+$0x0] =	vst v9;
	v9 =	vld.idx.msk [tilespmem:v16+s3+$0x0], $0xffff  }
0x15c: {  	s8 =	sor.u32 s15, s7;
	[tilespmem:s6+$0x0] =	vst v14;
	v14 =	vadd.s32 $0x6380, v7;
	v10 =	vld.idx.msk [tilespmem:v10+s3+$0x0], $0xffff  }
0x15d: {  	s1 =	sor.u32 s23, s7;
	v5 =	vshll.u32 v18, $0x3;
	v16 =	vadd.s32 $0x2100, v4;
	[tilespmem:s8+$0x0] =	vst v11;
	v11 =	vld.idx.msk [tilespmem:v13+s3+$0x0], $0xffff  }
0x15e: {  	v18 =	vand.u32 $0x7F, v18;
	v5 =	vand.u32 $0xFFFFFC00, v5;
	v13 =	vadd.s32 $0x2100, v3;
	[tilespmem:s1+$0x0] =	vst v12;
	v12 =	vld.idx.msk [tilespmem:v19+s3+$0x0], $0xffff;
	s1 =	sadd.s32 $0x14700, s25  }
0x15f: {  	s9 =	sadd.s32 $0xC480, s19;
	v5 =	vor.u32 v18, v5;
	s10 =	sor.u32 s24, s1;
	v8 =	vld.idx.msk [tilespmem:v8+s3+$0x0], $0xffff  }
0x160: {  	s11 =	sor.u32 s18, s9;
	v17 =	vadd.s32 $0x6300, v2;
	v19 =	vld.idx.msk [tilespmem:v6+s3+$0x0], $0xffff;
	[tilespmem:s10+$0x0] =	vst v15  }
0x161: {  	v20 =	vadd.s32 $0x4280, v1;
	s0 =	sor.u32 s17, s9;
	[tilespmem:s11+$0x0] =	vst v9;
	v9 =	vld.idx.msk [tilespmem:v14+s3+$0x0], $0xffff  }
0x162: {  	s12 =	sor.u32 s14, s4;
	s13 =	sadd.s32 $0x10600, s16;
	[tilespmem:s0+$0x0] =	vst v10;
	v14 =	vadd.s32 $0x4280, v0;
	v10 =	vld.idx.msk [tilespmem:v16+s3+$0x0], $0xffff  }
0x163: {  	s31 =	simm.s32 $0x300;
	s22 =	sor.u32 s15, s13;
	v13 =	vld.idx.msk [tilespmem:v13+s3+$0x0], $0xffff;
	[tilespmem:s12+$0x0] =	vst v11;
	v11 =	vadd.s32 $0x7000, v7  }
0x164: {  	s5 =	sor.u32 s23, s13;
	v15 =	vadd.s32 $0x2180, v4;
	s0 =	sadd.s32 $0x14780, s25;
	v18 =	vld.idx.msk [tilespmem:v5+s3+$0x0], $0xffff;
	[tilespmem:s22+$0x0] =	vst v12;
	s22 =	sand.u32 $0x1C00, s31  }
0x165: {  	v16 =	vadd.s32 $0x2180, v3;
	s7 =	sor.u32 s24, s0;
	v12 =	vld.idx.msk [tilespmem:v17+s3+$0x0], $0xffff;
	s10 =	sadd.s32 $0x8400, s22;
	[tilespmem:s5+$0x0] =	vst v8  }
0x166: {  	s6 =	sadd.s32 $0xC500, s19;
	v17 =	vld.idx.msk [tilespmem:v20+s3+$0x0], $0xffff;
	v8 =	vadd.s32 $0x6380, v2;
	s4 =	sor.u32 s21, s10;
	[tilespmem:s7+$0x0] =	vst v9  }
0x167: {  	s8 =	sor.u32 s18, s6;
	v20 =	vadd.s32 $0x4300, v1;
	v14 =	vld.idx.msk [tilespmem:v14+s3+$0x0], $0xffff;
	[tilespmem:s4+$0x0] =	vst v19  }
0x168: {  	s2 =	sor.u32 s17, s6;
	v9 =	vor.u32 $0x80, v5;
	[tilespmem:s8+$0x0] =	vst v10;
	v10 =	vld.idx.msk [tilespmem:v11+s3+$0x0], $0xffff  }
0x169: {  	s9 =	sadd.s32 $0x10680, s16;
	s1 =	sor.u32 s14, s1;
	v11 =	vor.u32 $0x80, v6;
	[tilespmem:s2+$0x0] =	vst v13;
	v13 =	vld.idx.msk [tilespmem:v15+s3+$0x0], $0xffff  }
0x16a: {  	s11 =	sor.u32 s15, s9;
	v19 =	vadd.s32 $0x4300, v0;
	v15 =	vld.idx.msk [tilespmem:v16+s3+$0x0], $0xffff;
	[tilespmem:s1+$0x0] =	vst v12  }
0x16b: {  	s5 =	sor.u32 s20, s10;
	v12 =	vadd.s32 $0x7080, v7;
	[tilespmem:s11+$0x0] =	vst v17;
	v8 =	vld.idx.msk [tilespmem:v8+s3+$0x0], $0xffff  }
0x16c: {  	[tilespmem:s5+$0x0] =	vst v18;
	v16 =	vadd.s32 $0x2200, v4;
	v18 =	vld.idx.msk [tilespmem:v20+s3+$0x0], $0xffff  }
0x16d: {  	s2 =	sor.u32 s23, s9;
	s1 =	sadd.s32 $0x16400, s25;
	v17 =	vadd.s32 $0x2200, v3;
	v9 =	vld.idx.msk [tilespmem:v9+s3+$0x0], $0xffff  }
0x16e: {  	s12 =	sadd.s32 $0xC580, s19;
	s13 =	sor.u32 s24, s1;
	v20 =	vadd.s32 $0x4380, v1;
	[tilespmem:s2+$0x0] =	vst v14;
	v11 =	vld.idx.msk [tilespmem:v11+s3+$0x0], $0xffff  }
0x16f: {  	s8 =	sor.u32 s18, s12;
	[tilespmem:s13+$0x0] =	vst v10;
	v10 =	vor.u32 $0x100, v5;
	v19 =	vld.idx.msk [tilespmem:v19+s3+$0x0], $0xffff  }
0x170: {  	s6 =	sor.u32 s17, s12;
	s9 =	sadd.s32 $0x10700, s16;
	[tilespmem:s8+$0x0] =	vst v13;
	v12 =	vld.idx.msk [tilespmem:v12+s3+$0x0], $0xffff;
	v13 =	vor.u32 $0x100, v6  }
0x171: {  	s11 =	sor.u32 s15, s9;
	v14 =	vadd.s32 $0x7100, v7;
	[tilespmem:s6+$0x0] =	vst v15;
	v15 =	vld.idx.msk [tilespmem:v16+s3+$0x0], $0xffff  }
0x172: {  	v16 =	vld.idx.msk [tilespmem:v17+s3+$0x0], $0xffff;
	v17 =	vadd.s32 $0x2280, v4;
	[tilespmem:s11+$0x0] =	vst v18  }
0x173: {  	s2 =	sadd.s32 $0x16480, s25;
	[tilespmem:s5+$0x80] =	vst v9;
	v9 =	vadd.s32 $0x2280, v3;
	v18 =	vld.idx.msk [tilespmem:v20+s3+$0x0], $0xffff  }
0x174: {  	s12 =	sadd.s32 $0xC600, s19;
	s13 =	sor.u32 s24, s2;
	[tilespmem:s4+$0x80] =	vst v11;
	v10 =	vld.idx.msk [tilespmem:v10+s3+$0x0], $0xffff;
	v11 =	vadd.s32 $0x4380, v0  }
0x175: {  	s10 =	sor.u32 s18, s12;
	v20 =	vadd.s32 $0x5000, v1;
	v13 =	vld.idx.msk [tilespmem:v13+s3+$0x0], $0xffff;
	[tilespmem:s13+$0x0] =	vst v12  }
0x176: {  	s7 =	sor.u32 s17, s12;
	v12 =	vor.u32 $0x180, v5;
	[tilespmem:s10+$0x0] =	vst v15;
	v14 =	vld.idx.msk [tilespmem:v14+s3+$0x0], $0xffff  }
0x177: {  	s6 =	sor.u32 s23, s9;
	v15 =	vor.u32 $0x180, v6;
	[tilespmem:s7+$0x0] =	vst v16;
	s7 =	sadd.s32 $0x10780, s16;
	v16 =	vld.idx.msk [tilespmem:v17+s3+$0x0], $0xffff  }
0x178: {  	[tilespmem:s6+$0x0] =	vst v19;
	s9 =	sor.u32 s15, s7;
	v17 =	vadd.s32 $0x7180, v7;
	v9 =	vld.idx.msk [tilespmem:v9+s3+$0x0], $0xffff  }
0x179: {  	v19 =	vadd.s32 $0x2300, v4;
	[tilespmem:s9+$0x0] =	vst v18;
	v11 =	vld.idx.msk [tilespmem:v11+s3+$0x0], $0xffff  }
0x17a: {  	s11 =	sadd.s32 $0x16500, s25;
	[tilespmem:s5+$0x100] =	vst v10;
	v10 =	vadd.s32 $0x2300, v3;
	v18 =	vld.idx.msk [tilespmem:v20+s3+$0x0], $0xffff  }
0x17b: {  	s12 =	sor.u32 s24, s11;
	s10 =	sadd.s32 $0xC680, s19;
	[tilespmem:s4+$0x100] =	vst v13;
	v12 =	vld.idx.msk [tilespmem:v12+s3+$0x0], $0xffff;
	v13 =	vadd.s32 $0x5000, v0  }
0x17c: {  	s13 =	sor.u32 s18, s10;
	v20 =	vadd.s32 $0x5080, v1;
	v15 =	vld.idx.msk [tilespmem:v15+s3+$0x0], $0xffff;
	[tilespmem:s12+$0x0] =	vst v14  }
0x17d: {  	s6 =	sor.u32 s17, s10;
	v14 =	vor.u32 $0x200, v5;
	[tilespmem:s13+$0x0] =	vst v16;
	v16 =	vld.idx.msk [tilespmem:v17+s3+$0x0], $0xffff  }
0x17e: {  	s7 =	sor.u32 s23, s7;
	v17 =	vor.u32 $0x200, v6;
	[tilespmem:s6+$0x0] =	vst v9;
	v9 =	vld.idx.msk [tilespmem:v19+s3+$0x0], $0xffff;
	s6 =	sadd.s32 $0x12400, s16  }
0x17f: {  	v10 =	vld.idx.msk [tilespmem:v10+s3+$0x0], $0xffff;
	[tilespmem:s7+$0x0] =	vst v11;
	s8 =	sor.u32 s15, s6;
	v11 =	vadd.s32 $0x7200, v7  }
0x180: {  	v19 =	vadd.s32 $0x2380, v4;
	v13 =	vld.idx.msk [tilespmem:v13+s3+$0x0], $0xffff;
	[tilespmem:s8+$0x0] =	vst v18  }
0x181: {  	s12 =	sadd.s32 $0x16580, s25;
	[tilespmem:s5+$0x180] =	vst v12;
	v12 =	vadd.s32 $0x2380, v3;
	v18 =	vld.idx.msk [tilespmem:v20+s3+$0x0], $0xffff  }
0x182: {  	s9 =	sadd.s32 $0xC700, s19;
	s10 =	sor.u32 s24, s12;
	[tilespmem:s4+$0x180] =	vst v15;
	v14 =	vld.idx.msk [tilespmem:v14+s3+$0x0], $0xffff;
	v15 =	vadd.s32 $0x5080, v0  }
0x183: {  	s13 =	sor.u32 s18, s9;
	v20 =	vadd.s32 $0x5100, v1;
	v17 =	vld.idx.msk [tilespmem:v17+s3+$0x0], $0xffff;
	[tilespmem:s10+$0x0] =	vst v16  }
0x184: {  	s7 =	sor.u32 s17, s9;
	v16 =	vor.u32 $0x280, v5;
	[tilespmem:s13+$0x0] =	vst v9;
	v9 =	vld.idx.msk [tilespmem:v11+s3+$0x0], $0xffff  }
0x185: {  	s6 =	sor.u32 s23, s6;
	v11 =	vor.u32 $0x280, v6;
	[tilespmem:s7+$0x0] =	vst v10;
	v10 =	vld.idx.msk [tilespmem:v19+s3+$0x0], $0xffff;
	s7 =	sadd.s32 $0x12480, s16  }
0x186: {  	v12 =	vld.idx.msk [tilespmem:v12+s3+$0x0], $0xffff;
	[tilespmem:s6+$0x0] =	vst v13;
	s9 =	sor.u32 s15, s7;
	v13 =	vadd.s32 $0x7280, v7  }
0x187: {  	v19 =	vadd.s32 $0x3000, v4;
	v15 =	vld.idx.msk [tilespmem:v15+s3+$0x0], $0xffff;
	[tilespmem:s9+$0x0] =	vst v18  }
0x188: {  	s28 =	sadd.s32 $0x16600, s25;
	[tilespmem:s5+$0x200] =	vst v14;
	v14 =	vadd.s32 $0x3000, v3;
	v18 =	vld.idx.msk [tilespmem:v20+s3+$0x0], $0xffff  }
0x189: {  	s10 =	sadd.s32 $0xC780, s19;
	s13 =	sor.u32 s24, s28;
	[tilespmem:s4+$0x200] =	vst v17;
	v16 =	vld.idx.msk [tilespmem:v16+s3+$0x0], $0xffff;
	v17 =	vadd.s32 $0x5100, v0  }
0x18a: {  	s9 =	sor.u32 s18, s10;
	v20 =	vadd.s32 $0x5180, v1;
	v11 =	vld.idx.msk [tilespmem:v11+s3+$0x0], $0xffff;
	[tilespmem:s13+$0x0] =	vst v9  }
0x18b: {  	s6 =	sor.u32 s17, s10;
	v9 =	vor.u32 $0x300, v5;
	[tilespmem:s9+$0x0] =	vst v10;
	v10 =	vld.idx.msk [tilespmem:v13+s3+$0x0], $0xffff  }
0x18c: {  	s7 =	sor.u32 s23, s7;
	v13 =	vor.u32 $0x300, v6;
	[tilespmem:s6+$0x0] =	vst v12;
	v12 =	vld.idx.msk [tilespmem:v19+s3+$0x0], $0xffff;
	s6 =	sadd.s32 $0x12500, s16  }
0x18d: {  	v14 =	vld.idx.msk [tilespmem:v14+s3+$0x0], $0xffff;
	[tilespmem:s7+$0x0] =	vst v15;
	s13 =	sor.u32 s15, s6;
	v15 =	vadd.s32 $0x7300, v7  }
0x18e: {  	v19 =	vadd.s32 $0x3080, v4;
	v17 =	vld.idx.msk [tilespmem:v17+s3+$0x0], $0xffff;
	[tilespmem:s13+$0x0] =	vst v18  }
0x18f: {  	[tilespmem:s5+$0x280] =	vst v16;
	v16 =	vadd.s32 $0x3080, v3;
	s5 =	sadd.s32 $0x16680, s25;
	v18 =	vld.idx.msk [tilespmem:v20+s3+$0x0], $0xffff  }
0x190: {  	s10 =	simm.s32 $0x3;
	s8 =	sor.u32 s24, s5;
	[tilespmem:s4+$0x280] =	vst v11;
	v9 =	vld.idx.msk [tilespmem:v9+s3+$0x0], $0xffff;
	s4 =	sadd.s32 $0xE400, s19;
	v11 =	vadd.s32 $0x5180, v0  }
0x191: {  	s9 =	sand.u32 $0x3, s10;
	v13 =	vld.idx.msk [tilespmem:v13+s3+$0x0], $0xffff;
	[tilespmem:s8+$0x0] =	vst v10;
	s13 =	sor.u32 s18, s4;
	v10 =	vadd.s32 $0x5200, v1  }
0x192: {  	v20 =	vor.u32 $0x380, v5;
	s4 =	sor.u32 s17, s4;
	s8 =	sshll.u32 s9, $0x5;
	[tilespmem:s13+$0x0] =	vst v12;
	v12 =	vld.idx.msk [tilespmem:v15+s3+$0x0], $0xffff  }
0x193: {  	s6 =	sor.u32 s23, s6;
	s7 =	sadd.s32 $0x300, s8;
	v15 =	vor.u32 $0x380, v6;
	[tilespmem:s4+$0x0] =	vst v14;
	s4 =	sadd.s32 $0x12580, s16;
	v14 =	vld.idx.msk [tilespmem:v19+s3+$0x0], $0xffff  }
0x194: {  	v7 =	vadd.s32 $0x7380, v7;
	s8 =	sadd.s32 $0x10, s7;
	v16 =	vld.idx.msk [tilespmem:v16+s3+$0x0], $0xffff;
	[tilespmem:s6+$0x0] =	vst v17;
	s9 =	sor.u32 s15, s4  }
0x195: {  	v17 =	vadd.s32 $0x3100, v4;
	[tilespmem:s9+$0x0] =	vst v18;
	s13 =	sor.u32 $0x300, s8;
	v11 =	vld.idx.msk [tilespmem:v11+s3+$0x0], $0xffff  }
0x196: {  	s7 =	sor.u32 $0x300, s7;
	[tilespmem:s13+$0x8400] =	vst v9;
	v9 =	vadd.s32 $0x3100, v3;
	s13 =	sadd.s32 $0x16700, s25;
	v10 =	vld.idx.msk [tilespmem:v10+s3+$0x0], $0xffff  }
0x197: {  	s29 =	sadd.s32 $0xE480, s19;
	s6 =	sor.u32 s31, s26;
	v19 =	vadd.s32 $0x5200, v0;
	[tilespmem:s7+$0x8400] =	vst v13;
	v18 =	vld.idx.msk [tilespmem:v20+s3+$0x0], $0xffff;
	s9 =	sor.u32 s24, s13  }
0x198: {  	s30 =	sor.u32 s14, s28;
	v20 =	vadd.s32 $0x5280, v1;
	[tilespmem:s9+$0x0] =	vst v12;
	s9 =	sor.u32 $0x380, s6;
	v15 =	vld.idx.msk [tilespmem:v15+s3+$0x0], $0xffff;
	s6 =	sor.u32 s18, s29  }
0x199: {  	[tilespmem:s6+$0x0] =	vst v14;
	s6 =	sor.u32 s14, s1;
	s1 =	sor.u32 s14, s2;
	s2 =	sor.u32 s17, s29;
	v14 =	vadd.s32 $0x1000, v5;
	v7 =	vld.idx.msk [tilespmem:v7+s3+$0x0], $0xffff  }
0x19a: {  	v21 =	vadd.s32 $0x1000, v6;
	[tilespmem:s2+$0x0] =	vst v16;
	s2 =	sor.u32 s14, s11;
	s11 =	sor.u32 s23, s4;
	v12 =	vld.idx.msk [tilespmem:v17+s3+$0x0], $0xffff;
	s4 =	sadd.s32 $0x12600, s16  }
0x19b: {  	s7 =	sor.u32 s14, s0;
	s0 =	sor.u32 s14, s12;
	[tilespmem:s11+$0x0] =	vst v11;
	v13 =	vld.idx.msk [tilespmem:v9+s3+$0x0], $0xffff;
	s12 =	sor.u32 s15, s4  }
0x19c: {  	s8 =	sor.u32 $0x380, s8;
	s28 =	sor.u32 s14, s13;
	s13 =	sadd.s32 $0xE500, s19;
	[tilespmem:s12+$0x0] =	vst v10;
	v11 =	vld.idx.msk [tilespmem:v19+s3+$0x0], $0xffff  }
0x19d: {  	s29 =	sor.u32 s14, s5;
	s5 =	sor.u32 s17, s13;
	[tilespmem:s8+$0x8400] =	vst v18;
	s12 =	sadd.s32 $0x16780, s25;
	v9 =	vld.idx.msk [tilespmem:v20+s3+$0x0], $0xffff  }
0x19e: {  	v16 =	vadd.s32 $0x3180, v4;
	s11 =	simm.s32 $0x6;
	s8 =	sor.u32 s23, s4;
	[tilespmem:s9+$0x8400] =	vst v15;
	s24 =	sor.u32 s24, s12;
	v10 =	vld.idx.msk [tilespmem:v14+s3+$0x0], $0xffff  }
0x19f: {  	v17 =	vadd.s32 $0x3180, v3;
	s4 =	simm.s32 $0x8080;
	v18 =	vadd.s32 $0x5300, v1;
	s25 =	sor.u32 s14, s12;
	v15 =	vadd.s32 $0x5280, v0;
	s12 =	sor.u32 s18, s13;
	v14 =	vld.idx.msk [tilespmem:v21+s3+$0x0], $0xffff;
	[tilespmem:s24+$0x0] =	vst v7  }
.LBB2_2:
0x1a0: {  	_ =	sdelay $0x1  }
0x1a1: {  	v7 =	vld [tilespmem:s4+$0x0];
	s14 =	sadd.s32 $0x12680, s16;
	[tilespmem:s12+$0x0] =	vst v12  }
0x1a2: {  	v19 =	vadd.s32 $0x1080, v5;
	s24 =	smov.u32 s15;
	s9 =	sadd.s32 $0xA400, s22;
	s12 =	smov.u32 s23;
	[tilespmem:s5+$0x0] =	vst v13;
	v13 =	vld.idx.msk [tilespmem:v16+s3+$0x0], $0xffff  }
0x1a3: {  	s23 =	smov.u32 s17;
	s17 =	smov.u32 s21;
	v12 =	vadd.s32 $0x1080, v6;
	s5 =	sor.u32 s24, s14;
	v16 =	vld.idx.msk [tilespmem:v17+s3+$0x0], $0xffff;
	[tilespmem:s8+$0x0] =	vst v11  }
0x1a4: {  	v11 =	vadd.s32 $0x7000, v2;
	s13 =	sor.u32 s17, s9;
	s9 =	sor.u32 s20, s9;
	[tilespmem:s5+$0x0] =	vst v9  }
0x1a5: {  	v17 =	vadd.s32 $0x3200, v4;
	v15 =	vld.idx.msk [tilespmem:v15+s3+$0x0], $0xffff;
	[tilespmem:s9+$0x0] =	vst v10  }
0x1a6: {  	v9 =	vadd.s32 $0x3200, v3;
	v10 =	vld.idx.msk [tilespmem:v18+s3+$0x0], $0xffff  }
0x1a7: {  	s15 =	smov.u32 s18;
	s21 =	sadd.s32 $0xE580, s19;
	[tilespmem:s13+$0x0] =	vst v14;
	v14 =	vld.idx.msk [tilespmem:v19+s3+$0x0], $0xffff  }
0x1a8: {  	s9 =	sor.u32 s15, s21;
	v18 =	vadd.s32 $0x5300, v0;
	v12 =	vld.idx.msk [tilespmem:v12+s3+$0x0], $0xffff;
	[tilespmem:s7+$0x0] =	vst v8  }
0x1a9: {  	s5 =	smov.u32 s22;
	s22 =	sor.u32 s23, s21;
	v19 =	vadd.s32 $0x5380, v1;
	[tilespmem:s9+$0x0] =	vst v13;
	v11 =	vld.idx.msk [tilespmem:v11+s3+$0x0], $0xffff  }
0x1aa: {  	s8 =	sor.u32 s12, s14;
	s14 =	sadd.s32 $0x12700, s16;
	v13 =	vadd.s32 $0x1100, v6;
	[tilespmem:s22+$0x0] =	vst v16;
	v16 =	vld.idx.msk [tilespmem:v17+s3+$0x0], $0xffff  }
0x1ab: {  	s18 =	smov.u32 s20;
	s20 =	sadd.s32 $0xA480, s5;
	v8 =	vadd.s32 $0x1100, v5;
	s7 =	sor.u32 s24, s14;
	v9 =	vld.idx.msk [tilespmem:v9+s3+$0x0], $0xffff;
	[tilespmem:s8+$0x0] =	vst v15  }
0x1ac: {  	s9 =	sor.u32 s18, s20;
	v15 =	vadd.s32 $0x7080, v2;
	[tilespmem:s7+$0x0] =	vst v10  }
0x1ad: {  	s22 =	sor.u32 s17, s20;
	v18 =	vld.idx.msk [tilespmem:v18+s3+$0x0], $0xffff;
	v10 =	vadd.s32 $0x3280, v3;
	[tilespmem:s9+$0x0] =	vst v14  }
0x1ae: {  	v17 =	vadd.s32 $0x3280, v4;
	[tilespmem:s22+$0x0] =	vst v12;
	s9 =	sadd.s32 $0xE600, s19;
	v14 =	vld.idx.msk [tilespmem:v19+s3+$0x0], $0xffff  }
0x1af: {  	v12 =	vadd.s32 $0x5380, v0;
	v13 =	vld.idx.msk [tilespmem:v13+s3+$0x0], $0xffff;
	s7 =	sor.u32 s15, s9;
	[tilespmem:s6+$0x0] =	vst v11  }
0x1b0: {  	v8 =	vld.idx.msk [tilespmem:v8+s3+$0x0], $0xffff;
	s13 =	sor.u32 s23, s9;
	[tilespmem:s7+$0x0] =	vst v16;
	v16 =	vadd.s32 $0x1180, v6  }
0x1b1: {  	s21 =	sor.u32 s12, s14;
	s14 =	sadd.s32 $0x12780, s16;
	v19 =	vadd.s32 $0x6000, v1;
	v15 =	vld.idx.msk [tilespmem:v15+s3+$0x0], $0xffff;
	[tilespmem:s13+$0x0] =	vst v9  }
0x1b2: {  	s20 =	sadd.s32 $0xA500, s5;
	v11 =	vadd.s32 $0x1180, v5;
	s6 =	sor.u32 s24, s14;
	v10 =	vld.idx.msk [tilespmem:v10+s3+$0x0], $0xffff;
	[tilespmem:s21+$0x0] =	vst v18  }
0x1b3: {  	s22 =	sor.u32 s17, s20;
	v9 =	vld.idx.msk [tilespmem:v17+s3+$0x0], $0xffff;
	v17 =	vadd.s32 $0x7100, v2;
	[tilespmem:s6+$0x0] =	vst v14  }
0x1b4: {  	s7 =	sor.u32 s18, s20;
	v12 =	vld.idx.msk [tilespmem:v12+s3+$0x0], $0xffff;
	[tilespmem:s22+$0x0] =	vst v13  }
0x1b5: {  	[tilespmem:s7+$0x0] =	vst v8;
	v8 =	vadd.s32 $0x3300, v3;
	v16 =	vld.idx.msk [tilespmem:v16+s3+$0x0], $0xffff  }
0x1b6: {  	s9 =	sadd.s32 $0xE680, s19;
	v18 =	vadd.s32 $0x3300, v4;
	v14 =	vld.idx.msk [tilespmem:v19+s3+$0x0], $0xffff  }
0x1b7: {  	v13 =	vadd.s32 $0x6000, v0;
	s6 =	sor.u32 s15, s9;
	[tilespmem:s1+$0x0] =	vst v15;
	v11 =	vld.idx.msk [tilespmem:v11+s3+$0x0], $0xffff  }
0x1b8: {  	s13 =	sor.u32 s23, s9;
	[tilespmem:s6+$0x0] =	vst v9;
	v9 =	vld.idx.msk [tilespmem:v17+s3+$0x0], $0xffff;
	v17 =	vadd.s32 $0x1200, v6  }
0x1b9: {  	s21 =	sor.u32 s12, s14;
	s14 =	sadd.s32 $0x14400, s16;
	v19 =	vadd.s32 $0x6080, v1;
	[tilespmem:s13+$0x0] =	vst v10  }
0x1ba: {  	s20 =	sadd.s32 $0xA580, s5;
	v15 =	vadd.s32 $0x1200, v5;
	s1 =	sor.u32 s24, s14;
	v8 =	vld.idx.msk [tilespmem:v8+s3+$0x0], $0xffff;
	[tilespmem:s21+$0x0] =	vst v12  }
0x1bb: {  	s22 =	sor.u32 s17, s20;
	v10 =	vld.idx.msk [tilespmem:v18+s3+$0x0], $0xffff;
	[tilespmem:s1+$0x0] =	vst v14  }
0x1bc: {  	s6 =	sor.u32 s18, s20;
	v12 =	vadd.s32 $0x7180, v2;
	v13 =	vld.idx.msk [tilespmem:v13+s3+$0x0], $0xffff;
	[tilespmem:s22+$0x0] =	vst v16  }
0x1bd: {  	[tilespmem:s6+$0x0] =	vst v11;
	v11 =	vadd.s32 $0x3380, v3;
	v17 =	vld.idx.msk [tilespmem:v17+s3+$0x0], $0xffff  }
0x1be: {  	s9 =	sadd.s32 $0xE700, s19;
	v18 =	vadd.s32 $0x3380, v4;
	v14 =	vld.idx.msk [tilespmem:v19+s3+$0x0], $0xffff  }
0x1bf: {  	v16 =	vadd.s32 $0x6080, v0;
	s1 =	sor.u32 s15, s9;
	[tilespmem:s2+$0x0] =	vst v9;
	v15 =	vld.idx.msk [tilespmem:v15+s3+$0x0], $0xffff  }
0x1c0: {  	s13 =	sor.u32 s23, s9;
	v19 =	vadd.s32 $0x6100, v1;
	[tilespmem:s1+$0x0] =	vst v10  }
0x1c1: {  	s21 =	sor.u32 s12, s14;
	s14 =	sadd.s32 $0x14480, s16;
	v9 =	vadd.s32 $0x1280, v5;
	v10 =	vld.idx.msk [tilespmem:v12+s3+$0x0], $0xffff;
	[tilespmem:s13+$0x0] =	vst v8  }
0x1c2: {  	s20 =	sadd.s32 $0xA600, s5;
	s1 =	sor.u32 s24, s14;
	v12 =	vadd.s32 $0x1280, v6;
	v11 =	vld.idx.msk [tilespmem:v11+s3+$0x0], $0xffff;
	[tilespmem:s21+$0x0] =	vst v13  }
0x1c3: {  	s2 =	sor.u32 s18, s20;
	v8 =	vld.idx.msk [tilespmem:v18+s3+$0x0], $0xffff;
	[tilespmem:s1+$0x0] =	vst v14  }
0x1c4: {  	v13 =	vadd.s32 $0x7200, v2;
	v16 =	vld.idx.msk [tilespmem:v16+s3+$0x0], $0xffff;
	[tilespmem:s2+$0x0] =	vst v15  }
0x1c5: {  	s22 =	sor.u32 s17, s20;
	v14 =	vadd.s32 $0x4000, v3;
	v15 =	vld.idx.msk [tilespmem:v19+s3+$0x0], $0xffff  }
0x1c6: {  	s7 =	sadd.s32 $0xE780, s19;
	v18 =	vadd.s32 $0x4000, v4;
	[tilespmem:s22+$0x0] =	vst v17;
	v9 =	vld.idx.msk [tilespmem:v9+s3+$0x0], $0xffff  }
0x1c7: {  	v17 =	vadd.s32 $0x6100, v0;
	s1 =	sor.u32 s15, s7;
	v12 =	vld.idx.msk [tilespmem:v12+s3+$0x0], $0xffff;
	[tilespmem:s0+$0x0] =	vst v10  }
0x1c8: {  	s8 =	sor.u32 s23, s7;
	v19 =	vadd.s32 $0x6180, v1;
	[tilespmem:s1+$0x0] =	vst v8  }
0x1c9: {  	s9 =	sadd.s32 $0x14500, s16;
	s21 =	sor.u32 s12, s14;
	v10 =	vadd.s32 $0x1300, v5;
	v8 =	vld.idx.msk [tilespmem:v13+s3+$0x0], $0xffff;
	[tilespmem:s8+$0x0] =	vst v11  }
0x1ca: {  	s13 =	sadd.s32 $0xA680, s5;
	s0 =	sor.u32 s24, s9;
	v13 =	vadd.s32 $0x1300, v6;
	v14 =	vld.idx.msk [tilespmem:v14+s3+$0x0], $0xffff;
	[tilespmem:s21+$0x0] =	vst v16  }
0x1cb: {  	s1 =	sor.u32 s18, s13;
	v11 =	vld.idx.msk [tilespmem:v18+s3+$0x0], $0xffff;
	v16 =	vadd.s32 $0x7280, v2;
	[tilespmem:s0+$0x0] =	vst v15  }
0x1cc: {  	v17 =	vld.idx.msk [tilespmem:v17+s3+$0x0], $0xffff;
	[tilespmem:s1+$0x0] =	vst v9  }
0x1cd: {  	s20 =	sor.u32 s17, s13;
	v9 =	vadd.s32 $0x4080, v3;
	v15 =	vld.idx.msk [tilespmem:v19+s3+$0x0], $0xffff  }
0x1ce: {  	v18 =	vadd.s32 $0x4080, v4;
	s21 =	sadd.s32 $0x10400, s19;
	[tilespmem:s20+$0x0] =	vst v12;
	v10 =	vld.idx.msk [tilespmem:v10+s3+$0x0], $0xffff  }
0x1cf: {  	v12 =	vadd.s32 $0x6180, v0;
	s0 =	sor.u32 s15, s21;
	v13 =	vld.idx.msk [tilespmem:v13+s3+$0x0], $0xffff;
	[tilespmem:s30+$0x0] =	vst v8  }
0x1d0: {  	s22 =	sor.u32 s23, s21;
	[tilespmem:s0+$0x0] =	vst v11;
	v11 =	vld.idx.msk [tilespmem:v16+s3+$0x0], $0xffff;
	v16 =	vadd.s32 $0x1380, v6  }
0x1d1: {  	s14 =	sor.u32 s12, s9;
	s1 =	sadd.s32 $0x14580, s16;
	v19 =	vadd.s32 $0x6200, v1;
	[tilespmem:s22+$0x0] =	vst v14  }
0x1d2: {  	s6 =	sadd.s32 $0xA700, s5;
	v8 =	vadd.s32 $0x1380, v5;
	s0 =	sor.u32 s24, s1;
	v9 =	vld.idx.msk [tilespmem:v9+s3+$0x0], $0xffff;
	[tilespmem:s14+$0x0] =	vst v17  }
0x1d3: {  	s8 =	sor.u32 s17, s6;
	v14 =	vld.idx.msk [tilespmem:v18+s3+$0x0], $0xffff;
	[tilespmem:s0+$0x0] =	vst v15  }
0x1d4: {  	s7 =	sor.u32 s12, s1;
	s1 =	sor.u32 s18, s6;
	v17 =	vadd.s32 $0x7300, v2;
	v12 =	vld.idx.msk [tilespmem:v12+s3+$0x0], $0xffff;
	[tilespmem:s8+$0x0] =	vst v13  }
0x1d5: {  	[tilespmem:s1+$0x0] =	vst v10;
	v10 =	vadd.s32 $0x4100, v3;
	v16 =	vld.idx.msk [tilespmem:v16+s3+$0x0], $0xffff  }
0x1d6: {  	s9 =	sadd.s32 $0x10480, s19;
	v18 =	vadd.s32 $0x4100, v4;
	v15 =	vld.idx.msk [tilespmem:v19+s3+$0x0], $0xffff  }
0x1d7: {  	v13 =	vadd.s32 $0x6200, v0;
	s0 =	sor.u32 s15, s9;
	[tilespmem:s29+$0x0] =	vst v11;
	v8 =	vld.idx.msk [tilespmem:v8+s3+$0x0], $0xffff  }
0x1d8: {  	s13 =	sor.u32 s23, s9;
	v19 =	vadd.s32 $0x6280, v1;
	[tilespmem:s0+$0x0] =	vst v14  }
0x1d9: {  	s14 =	sadd.s32 $0x14600, s16;
	v11 =	vadd.s32 $0x2000, v5;
	v14 =	vld.idx.msk [tilespmem:v17+s3+$0x0], $0xffff;
	[tilespmem:s13+$0x0] =	vst v9  }
0x1da: {  	s20 =	sadd.s32 $0xA780, s5;
	s0 =	sor.u32 s24, s14;
	v17 =	vadd.s32 $0x2000, v6;
	v10 =	vld.idx.msk [tilespmem:v10+s3+$0x0], $0xffff;
	[tilespmem:s7+$0x0] =	vst v12  }
0x1db: {  	s1 =	sor.u32 s18, s20;
	v9 =	vld.idx.msk [tilespmem:v18+s3+$0x0], $0xffff;
	v12 =	vadd.s32 $0x7380, v2;
	[tilespmem:s0+$0x0] =	vst v15  }
0x1dc: {  	v2 =	vmovc v0;
	v0 =	vmov v3;
	v3 =	vmov v6;
	v6 =	vadd.s32 $0x4180, v4;
	v13 =	vld.idx.msk [tilespmem:v13+s3+$0x0], $0xffff;
	[tilespmem:s1+$0x0] =	vst v8  }
0x1dd: {  	s22 =	sor.u32 s17, s20;
	v8 =	vadd.s32 $0x4180, v0;
	v15 =	vld.idx.msk [tilespmem:v19+s3+$0x0], $0xffff  }
0x1de: {  	[tilespmem:s22+$0x0] =	vst v16;
	s1 =	sadd.s32 $0x10500, s19;
	v11 =	vld.idx.msk [tilespmem:v11+s3+$0x0], $0xffff  }
0x1df: {  	s26 =	sadd.s32 $0x20, s26;
	v16 =	vld.idx.msk [tilespmem:v17+s3+$0x0], $0xffff;
	s0 =	sor.u32 s15, s1;
	[tilespmem:s28+$0x0] =	vst v14  }
0x1e0: {  	s21 =	sor.u32 s12, s14;
	s14 =	sand.u32 $0x60, s26;
	s6 =	sor.u32 s23, s1;
	v17 =	vadd.s32 $0x6300, v1;
	[tilespmem:s0+$0x0] =	vst v9;
	v9 =	vld.idx.msk [tilespmem:v12+s3+$0x0], $0xffff  }
0x1e1: {  	s20 =	sor.u32 $0x10, s14;
	s7 =	sand.u32 $0x380, s26;
	v14 =	vadd.s32 $0x2080, v5;
	s0 =	sadd.s32 $0x14680, s16;
	[tilespmem:s6+$0x0] =	vst v10;
	v10 =	vld.idx.msk [tilespmem:v6+s3+$0x0], $0xffff  }
0x1e2: {  	s8 =	sadd.s32 $0xC400, s5;
	s9 =	sor.u32 s20, s7;
	v12 =	vadd.s32 $0x2080, v3;
	s13 =	sor.u32 s24, s0;
	v8 =	vld.idx.msk [tilespmem:v8+s3+$0x0], $0xffff;
	[tilespmem:s21+$0x0] =	vst v13  }
0x1e3: {  	s22 =	sor.u32 s18, s8;
	v6 =	vshll.u32 v7, $0x3;
	v18 =	vld [tilespmem:s9+$0x8000];
	v13 =	vadd.s32 $0x6280, v2;
	[tilespmem:s13+$0x0] =	vst v15  }
0x1e4: {  	v19 =	vadd.s32 $0x4200, v4;
	v7 =	vand.u32 $0x7F, v7;
	v6 =	vand.u32 $0xFFFFFC00, v6;
	[tilespmem:s22+$0x0] =	vst v11  }
0x1e5: {  	s21 =	sor.u32 s17, s8;
	v6 =	vor.u32 v7, v6;
	v15 =	vld.idx.msk [tilespmem:v17+s3+$0x0], $0xffff  }
0x1e6: {  	s6 =	sadd.s32 $0x10580, s19;
	[tilespmem:s21+$0x0] =	vst v16;
	v11 =	vadd.s32 $0x4200, v0;
	v14 =	vld.idx.msk [tilespmem:v14+s3+$0x0], $0xffff  }
0x1e7: {  	s7 =	sor.u32 s12, s0;
	s0 =	sor.u32 s15, s6;
	v16 =	vadd.s32 $0x6380, v1;
	v12 =	vld.idx.msk [tilespmem:v12+s3+$0x0], $0xffff;
	[tilespmem:s25+$0x0] =	vst v9  }
0x1e8: {  	s9 =	sadd.s32 $0x14700, s16;
	s8 =	sor.u32 s23, s6;
	v9 =	vadd.s32 $0x2100, v5;
	[tilespmem:s0+$0x0] =	vst v10;
	v10 =	vld.idx.msk [tilespmem:v13+s3+$0x0], $0xffff  }
0x1e9: {  	s1 =	sor.u32 s24, s9;
	s13 =	sadd.s32 $0xC480, s5;
	v7 =	vshll.u32 v18, $0x3;
	v13 =	vadd.s32 $0x2100, v3;
	[tilespmem:s8+$0x0] =	vst v8;
	v8 =	vld.idx.msk [tilespmem:v19+s3+$0x0], $0xffff  }
0x1ea: {  	s2 =	sor.u32 s18, s13;
	v17 =	vadd.s32 $0x6300, v2;
	v18 =	vand.u32 $0x7F, v18;
	v7 =	vand.u32 $0xFFFFFC00, v7;
	v19 =	vld.idx.msk [tilespmem:v6+s3+$0x0], $0xffff;
	[tilespmem:s1+$0x0] =	vst v15  }
0x1eb: {  	v7 =	vor.u32 v18, v7;
	v11 =	vld.idx.msk [tilespmem:v11+s3+$0x0], $0xffff;
	[tilespmem:s2+$0x0] =	vst v14  }
0x1ec: {  	v20 =	vadd.s32 $0x4280, v4;
	s21 =	sor.u32 s17, s13;
	v14 =	vld.idx.msk [tilespmem:v16+s3+$0x0], $0xffff  }
0x1ed: {  	s22 =	sadd.s32 $0x10600, s19;
	[tilespmem:s21+$0x0] =	vst v12;
	v12 =	vadd.s32 $0x4280, v0;
	v9 =	vld.idx.msk [tilespmem:v9+s3+$0x0], $0xffff  }
0x1ee: {  	s1 =	sor.u32 s15, s22;
	v13 =	vld.idx.msk [tilespmem:v13+s3+$0x0], $0xffff;
	[tilespmem:s7+$0x0] =	vst v10;
	v10 =	vadd.s32 $0x7000, v1  }
0x1ef: {  	s25 =	sor.u32 s23, s22;
	v15 =	vadd.s32 $0x2180, v5;
	s2 =	sadd.s32 $0x14780, s16;
	[tilespmem:s1+$0x0] =	vst v8;
	v8 =	vld.idx.msk [tilespmem:v17+s3+$0x0], $0xffff  }
0x1f0: {  	s6 =	sadd.s32 $0xC500, s5;
	v16 =	vadd.s32 $0x2180, v3;
	s1 =	sor.u32 s24, s2;
	v17 =	vld.idx.msk [tilespmem:v7+s3+$0x0], $0xffff;
	[tilespmem:s25+$0x0] =	vst v11  }
0x1f1: {  	s7 =	sor.u32 s12, s2;
	s2 =	sor.u32 s18, s6;
	v11 =	vld.idx.msk [tilespmem:v20+s3+$0x0], $0xffff;
	[tilespmem:s1+$0x0] =	vst v14  }
0x1f2: {  	v18 =	vadd.s32 $0x6380, v2;
	v12 =	vld.idx.msk [tilespmem:v12+s3+$0x0], $0xffff;
	[tilespmem:s2+$0x0] =	vst v9  }
0x1f3: {  	s31 =	sadd.s32 $0x100, s31;
	s8 =	sor.u32 s17, s6;
	v20 =	vadd.s32 $0x4300, v4;
	v9 =	vld.idx.msk [tilespmem:v10+s3+$0x0], $0xffff  }
0x1f4: {  	s13 =	sadd.s32 $0x10680, s19;
	s0 =	sor.u32 s12, s9;
	s22 =	sand.u32 $0x1C00, s31;
	v14 =	vor.u32 $0x80, v7;
	[tilespmem:s8+$0x0] =	vst v13;
	v13 =	vld.idx.msk [tilespmem:v15+s3+$0x0], $0xffff  }
0x1f5: {  	s9 =	sor.u32 s31, s26;
	s21 =	sadd.s32 $0x8400, s22;
	s8 =	sor.u32 s15, s13;
	v10 =	vor.u32 $0x80, v6;
	v15 =	vld.idx.msk [tilespmem:v16+s3+$0x0], $0xffff;
	[tilespmem:s0+$0x0] =	vst v8  }
0x1f6: {  	s28 =	sor.u32 s20, s21;
	s1 =	sor.u32 $0x380, s9;
	[tilespmem:s8+$0x0] =	vst v11;
	v11 =	vadd.s32 $0x2200, v3  }
0x1f7: {  	s25 =	sor.u32 s14, s21;
	s9 =	sadd.s32 $0x16400, s16;
	[dreg:$0x5] =	wrdreg s1;
	v16 =	vadd.s32 $0x7080, v1;
	v8 =	vld.idx.msk [tilespmem:v18+s3+$0x0], $0xffff;
	[tilespmem:s28+$0x0] =	vst v17  }
0x1f8: {  	v21 =	vadd.s32 $0x2200, v5;
	s1 =	sor.u32 s24, s9;
	s0 =	sor.u32 s23, s13;
	s13 =	sadd.s32 $0xC580, s5;
	[tilespmem:s25+$0x0] =	vst v19;
	v17 =	vld.idx.msk [tilespmem:v20+s3+$0x0], $0xffff  }
0x1f9: {  	s21 =	sor.u32 s17, s13;
	v14 =	vld.idx.msk [tilespmem:v14+s3+$0x0], $0xffff;
	[tilespmem:s1+$0x0] =	vst v9  }
0x1fa: {  	v18 =	vadd.s32 $0x4300, v0;
	s2 =	sor.u32 s18, s13;
	v10 =	vld.idx.msk [tilespmem:v10+s3+$0x0], $0xffff;
	[tilespmem:s21+$0x0] =	vst v15  }
0x1fb: {  	s8 =	sadd.s32 $0x10700, s19;
	v19 =	vadd.s32 $0x4380, v4;
	[tilespmem:s2+$0x0] =	vst v13;
	v11 =	vld.idx.msk [tilespmem:v11+s3+$0x0], $0xffff  }
0x1fc: {  	v9 =	vor.u32 $0x100, v7;
	s1 =	sor.u32 s15, s8;
	[tilespmem:s0+$0x0] =	vst v12;
	v13 =	vld.idx.msk [tilespmem:v16+s3+$0x0], $0xffff  }
0x1fd: {  	v16 =	vor.u32 $0x100, v6;
	v15 =	vld.idx.msk [tilespmem:v21+s3+$0x0], $0xffff;
	[tilespmem:s1+$0x0] =	vst v17  }
0x1fe: {  	[tilespmem:s28+$0x80] =	vst v14;
	v14 =	vadd.s32 $0x2280, v3  }
0x1ff: {  	s6 =	sor.u32 s12, s9;
	s9 =	sadd.s32 $0x16480, s16;
	v12 =	vadd.s32 $0x7100, v1;
	v18 =	vld.idx.msk [tilespmem:v18+s3+$0x0], $0xffff  }
0x200: {  	s13 =	sadd.s32 $0xC600, s5;
	v20 =	vadd.s32 $0x2280, v5;
	s2 =	sor.u32 s24, s9;
	v17 =	vld.idx.msk [tilespmem:v19+s3+$0x0], $0xffff;
	[tilespmem:s25+$0x80] =	vst v10  }
0x201: {  	s21 =	sor.u32 s17, s13;
	v9 =	vld.idx.msk [tilespmem:v9+s3+$0x0], $0xffff;
	[tilespmem:s2+$0x0] =	vst v13  }
0x202: {  	s0 =	sor.u32 s23, s8;
	s8 =	sor.u32 s18, s13;
	v10 =	vadd.s32 $0x4380, v0;
	v16 =	vld.idx.msk [tilespmem:v16+s3+$0x0], $0xffff;
	[tilespmem:s21+$0x0] =	vst v11  }
0x203: {  	v19 =	vadd.s32 $0x5000, v4;
	[tilespmem:s8+$0x0] =	vst v15;
	v14 =	vld.idx.msk [tilespmem:v14+s3+$0x0], $0xffff  }
0x204: {  	v13 =	vor.u32 $0x180, v7;
	s8 =	sadd.s32 $0x10780, s19;
	v12 =	vld.idx.msk [tilespmem:v12+s3+$0x0], $0xffff  }
0x205: {  	v15 =	vor.u32 $0x180, v6;
	[tilespmem:s0+$0x0] =	vst v18;
	v11 =	vld.idx.msk [tilespmem:v20+s3+$0x0], $0xffff;
	s2 =	sor.u32 s15, s8  }
0x206: {  	v18 =	vadd.s32 $0x7180, v1;
	[tilespmem:s2+$0x0] =	vst v17  }
0x207: {  	s1 =	sor.u32 s12, s9;
	s9 =	sadd.s32 $0x16500, s16;
	v20 =	vadd.s32 $0x2300, v5;
	v10 =	vld.idx.msk [tilespmem:v10+s3+$0x0], $0xffff;
	[tilespmem:s28+$0x100] =	vst v9  }
0x208: {  	s13 =	sadd.s32 $0xC680, s5;
	s0 =	sor.u32 s23, s8;
	s8 =	sor.u32 s24, s9;
	v9 =	vadd.s32 $0x2300, v3;
	v17 =	vld.idx.msk [tilespmem:v19+s3+$0x0], $0xffff;
	[tilespmem:s25+$0x100] =	vst v16  }
0x209: {  	s2 =	sor.u32 s12, s9;
	s9 =	sor.u32 s18, s13;
	v13 =	vld.idx.msk [tilespmem:v13+s3+$0x0], $0xffff;
	[tilespmem:s8+$0x0] =	vst v12  }
0x20a: {  	v16 =	vadd.s32 $0x5000, v0;
	v15 =	vld.idx.msk [tilespmem:v15+s3+$0x0], $0xffff;
	[tilespmem:s9+$0x0] =	vst v11  }
0x20b: {  	s21 =	sor.u32 s17, s13;
	v19 =	vadd.s32 $0x5080, v4;
	v11 =	vld.idx.msk [tilespmem:v18+s3+$0x0], $0xffff  }
0x20c: {  	[tilespmem:s21+$0x0] =	vst v14;
	s21 =	sadd.s32 $0x12400, s19;
	v12 =	vor.u32 $0x200, v7;
	v14 =	vld.idx.msk [tilespmem:v20+s3+$0x0], $0xffff  }
0x20d: {  	s8 =	sor.u32 s15, s21;
	v18 =	vor.u32 $0x200, v6;
	v9 =	vld.idx.msk [tilespmem:v9+s3+$0x0], $0xffff;
	[tilespmem:s0+$0x0] =	vst v10  }
0x20e: {  	v10 =	vadd.s32 $0x7200, v1;
	[tilespmem:s8+$0x0] =	vst v17  }
0x20f: {  	s13 =	sadd.s32 $0x16580, s16;
	v20 =	vadd.s32 $0x2380, v5;
	v16 =	vld.idx.msk [tilespmem:v16+s3+$0x0], $0xffff;
	[tilespmem:s28+$0x180] =	vst v13  }
0x210: {  	s9 =	sor.u32 s23, s21;
	s21 =	sadd.s32 $0xC700, s5;
	s8 =	sor.u32 s24, s13;
	v13 =	vadd.s32 $0x2380, v3;
	[tilespmem:s25+$0x180] =	vst v15;
	v17 =	vld.idx.msk [tilespmem:v19+s3+$0x0], $0xffff  }
0x211: {  	s0 =	sor.u32 s12, s13;
	s13 =	sor.u32 s18, s21;
	v12 =	vld.idx.msk [tilespmem:v12+s3+$0x0], $0xffff;
	[tilespmem:s8+$0x0] =	vst v11  }
0x212: {  	v15 =	vadd.s32 $0x5080, v0;
	v18 =	vld.idx.msk [tilespmem:v18+s3+$0x0], $0xffff;
	[tilespmem:s13+$0x0] =	vst v14  }
0x213: {  	s29 =	sor.u32 s17, s21;
	v19 =	vadd.s32 $0x5100, v4;
	v10 =	vld.idx.msk [tilespmem:v10+s3+$0x0], $0xffff  }
0x214: {  	s21 =	sadd.s32 $0x12480, s19;
	v11 =	vor.u32 $0x280, v7;
	[tilespmem:s29+$0x0] =	vst v9;
	v9 =	vld.idx.msk [tilespmem:v20+s3+$0x0], $0xffff  }
0x215: {  	s8 =	sor.u32 s15, s21;
	v14 =	vor.u32 $0x280, v6;
	v13 =	vld.idx.msk [tilespmem:v13+s3+$0x0], $0xffff;
	[tilespmem:s9+$0x0] =	vst v16  }
0x216: {  	v16 =	vadd.s32 $0x7280, v1;
	[tilespmem:s8+$0x0] =	vst v17  }
0x217: {  	s13 =	sadd.s32 $0x16600, s16;
	v20 =	vadd.s32 $0x3000, v5;
	v15 =	vld.idx.msk [tilespmem:v15+s3+$0x0], $0xffff;
	[tilespmem:s28+$0x200] =	vst v12  }
0x218: {  	s9 =	sor.u32 s23, s21;
	s21 =	sadd.s32 $0xC780, s5;
	s8 =	sor.u32 s24, s13;
	v12 =	vadd.s32 $0x3000, v3;
	v17 =	vld.idx.msk [tilespmem:v19+s3+$0x0], $0xffff;
	[tilespmem:s25+$0x200] =	vst v18  }
0x219: {  	s30 =	sor.u32 s12, s13;
	s13 =	sor.u32 s18, s21;
	v11 =	vld.idx.msk [tilespmem:v11+s3+$0x0], $0xffff;
	[tilespmem:s8+$0x0] =	vst v10  }
0x21a: {  	v18 =	vadd.s32 $0x5100, v0;
	v14 =	vld.idx.msk [tilespmem:v14+s3+$0x0], $0xffff;
	[tilespmem:s13+$0x0] =	vst v9  }
0x21b: {  	s29 =	sor.u32 s17, s21;
	v19 =	vadd.s32 $0x5180, v4;
	v9 =	vld.idx.msk [tilespmem:v16+s3+$0x0], $0xffff  }
0x21c: {  	s21 =	sadd.s32 $0x12500, s19;
	v10 =	vor.u32 $0x300, v7;
	[tilespmem:s29+$0x0] =	vst v13;
	v13 =	vld.idx.msk [tilespmem:v20+s3+$0x0], $0xffff  }
0x21d: {  	s8 =	sor.u32 s15, s21;
	v16 =	vor.u32 $0x300, v6;
	v12 =	vld.idx.msk [tilespmem:v12+s3+$0x0], $0xffff;
	[tilespmem:s9+$0x0] =	vst v15  }
0x21e: {  	v15 =	vadd.s32 $0x7300, v1;
	[tilespmem:s8+$0x0] =	vst v17  }
0x21f: {  	v20 =	vadd.s32 $0x3080, v5;
	v18 =	vld.idx.msk [tilespmem:v18+s3+$0x0], $0xffff;
	s8 =	sadd.s32 $0x16680, s16;
	[tilespmem:s28+$0x280] =	vst v11  }
0x220: {  	s10 =	sadd.s32 $0x1, s10;
	s13 =	sadd.s32 $0xE400, s5;
	v11 =	vadd.s32 $0x3080, v3;
	[tilespmem:s25+$0x280] =	vst v14;
	s25 =	sor.u32 s24, s8;
	v17 =	vld.idx.msk [tilespmem:v19+s3+$0x0], $0xffff  }
0x221: {  	s9 =	sor.u32 s23, s21;
	s21 =	sor.u32 s17, s13;
	s13 =	sor.u32 s18, s13;
	v10 =	vld.idx.msk [tilespmem:v10+s3+$0x0], $0xffff;
	[tilespmem:s25+$0x0] =	vst v9  }
0x222: {  	v14 =	vadd.s32 $0x5180, v0;
	s28 =	sand.u32 $0x3, s10;
	v16 =	vld.idx.msk [tilespmem:v16+s3+$0x0], $0xffff;
	[tilespmem:s13+$0x0] =	vst v13  }
0x223: {  	v19 =	vadd.s32 $0x5200, v4;
	s25 =	sshll.u32 s28, $0x5;
	v13 =	vld.idx.msk [tilespmem:v15+s3+$0x0], $0xffff  }
0x224: {  	s29 =	sor.u32 s12, s8;
	v9 =	vor.u32 $0x380, v7;
	[tilespmem:s21+$0x0] =	vst v12;
	s25 =	sadd.s32 s25, s31;
	s13 =	sadd.s32 $0x12580, s19;
	v12 =	vld.idx.msk [tilespmem:v20+s3+$0x0], $0xffff  }
0x225: {  	v15 =	vor.u32 $0x380, v6;
	s21 =	sor.u32 $0x300, s25;
	s25 =	sadd.s32 $0x10, s25;
	v11 =	vld.idx.msk [tilespmem:v11+s3+$0x0], $0xffff;
	[tilespmem:s9+$0x0] =	vst v18;
	s8 =	sor.u32 s15, s13  }
0x226: {  	v18 =	vadd.s32 $0x7380, v1;
	s9 =	sor.u32 $0x300, s25;
	[tilespmem:s8+$0x0] =	vst v17  }
0x227: {  	v1 =	vmov v4;
	v4 =	vmov v5;
	v14 =	vld.idx.msk [tilespmem:v14+s3+$0x0], $0xffff;
	s8 =	sadd.s32 $0x16700, s16;
	[tilespmem:s9+$0x8400] =	vst v10;
	v10 =	vadd.s32 $0x3100, v3  }
0x228: {  	v5 =	vmov v7;
	v7 =	vadd.s32 $0x3100, v4;
	s9 =	sadd.s32 $0xE480, s5;
	s28 =	sor.u32 s12, s8;
	s8 =	sor.u32 s24, s8;
	v17 =	vld.idx.msk [tilespmem:v19+s3+$0x0], $0xffff;
	[tilespmem:s21+$0x8400] =	vst v16  }
0x229: {  	v9 =	vld.idx.msk [tilespmem:v9+s3+$0x0], $0xffff;
	v19 =	vadd.s32 $0x5200, v0;
	s21 =	sor.u32 s17, s9;
	s9 =	sor.u32 s18, s9;
	[tilespmem:s8+$0x0] =	vst v13  }
0x22a: {  	s11 =	sadd.s32 $0x2, s11;
	v20 =	vadd.s32 $0x5280, v1;
	v15 =	vld.idx.msk [tilespmem:v15+s3+$0x0], $0xffff;
	[tilespmem:s9+$0x0] =	vst v12  }
0x22b: {  	s13 =	sor.u32 s23, s13;
	v63 =	vadd.s32 $0x1000, v5;
	[tilespmem:s21+$0x0] =	vst v11;
	s21 =	smov.u32 s14;
	s14 =	sadd.s32 $0x12600, s19;
	v22 =	vld.idx.msk [tilespmem:v18+s3+$0x0], $0xffff  }
0x22c: {  	p0 =	slt.u32 s11, $0x3E;
	s9 =	sor.u32 s15, s14;
	v18 =	vadd.s32 $0x1000, v6;
	v13 =	vld.idx.msk [tilespmem:v10+s3+$0x0], $0xffff;
	[tilespmem:s13+$0x0] =	vst v14  }
.Ltmp0:
0x22d: {  	s25 =	sor.u32 $0x380, s25;
	v12 =	vld.idx.msk [tilespmem:v7+s3+$0x0], $0xffff;
	[tilespmem:s9+$0x0] =	vst v17;
	(pc) =	sbr.rel @p0 .LBB2_2-.Ltmp0, $4  }
0x22e: {  	s8 =	sor.u32 s23, s14;
	s13 =	rddreg [dreg:$0x5];
	v11 =	vld.idx.msk [tilespmem:v19+s3+$0x0], $0xffff;
	[tilespmem:s25+$0x8400] =	vst v9  }
0x22f: {  	s9 =	sadd.s32 $0x16780, s16;
	s16 =	smov.u32 s19;
	s19 =	smov.u32 s5;
	v9 =	vld.idx.msk [tilespmem:v20+s3+$0x0], $0xffff  }
0x230: {  	v16 =	vadd.s32 $0x3180, v4;
	s14 =	sadd.s32 $0xE500, s19;
	s25 =	sor.u32 s12, s9;
	s9 =	sor.u32 s24, s9;
	[tilespmem:s13+$0x8400] =	vst v15;
	v10 =	vld.idx.msk [tilespmem:v63+s3+$0x0], $0xffff  }
0x231: {  	s4 =	sadd.s32 $0x20, s4;
	v17 =	vadd.s32 $0x3180, v3;
	v15 =	vadd.s32 $0x5280, v0;
	s5 =	sor.u32 s17, s14;
	s12 =	sor.u32 s18, s14;
	v14 =	vld.idx.msk [tilespmem:v18+s3+$0x0], $0xffff;
	v18 =	vadd.s32 $0x5300, v1;
	[tilespmem:s9+$0x0] =	vst v22  }
0x232: {  	_ =	sdelay $0x2  }
0x233: {  	[tilespmem:s12+$0x0] =	vst v12;
	v7 =	vadd.s32 $0x1080, v5  }
0x234: {  	[tilespmem:s5+$0x0] =	vst v13;
	s4 =	sadd.s32 $0x12680, s16;
	v12 =	vadd.s32 $0x1080, v6;
	v13 =	vld.idx.msk [tilespmem:v16+s3+$0x0], $0xffff  }
0x235: {  	s24 =	sadd.s32 $0xA400, s22;
	[tilespmem:s8+$0x0] =	vst v11;
	s26 =	sor.u32 s15, s4;
	v11 =	vld.idx.msk [tilespmem:v17+s3+$0x0], $0xffff;
	v16 =	vadd.s32 $0x7000, v2  }
0x236: {  	s9 =	sor.u32 s20, s24;
	[tilespmem:s26+$0x0] =	vst v9;
	v9 =	vadd.s32 $0x3200, v4;
	v15 =	vld.idx.msk [tilespmem:v15+s3+$0x0], $0xffff  }
0x237: {  	s5 =	sor.u32 s21, s24;
	[tilespmem:s9+$0x0] =	vst v10;
	v10 =	vadd.s32 $0x3200, v3;
	v17 =	vld.idx.msk [tilespmem:v18+s3+$0x0], $0xffff  }
0x238: {  	s8 =	sadd.s32 $0xE580, s19;
	[tilespmem:s5+$0x0] =	vst v14;
	v14 =	vadd.s32 $0x5300, v0;
	v7 =	vld.idx.msk [tilespmem:v7+s3+$0x0], $0xffff  }
0x239: {  	[tilespmem:s7+$0x0] =	vst v8;
	s9 =	sor.u32 s18, s8;
	v8 =	vld.idx.msk [tilespmem:v12+s3+$0x0], $0xffff;
	v12 =	vadd.s32 $0x5380, v1  }
0x23a: {  	s5 =	sor.u32 s17, s8;
	[tilespmem:s9+$0x0] =	vst v13;
	v13 =	vadd.s32 $0x1100, v5;
	v16 =	vld.idx.msk [tilespmem:v16+s3+$0x0], $0xffff  }
0x23b: {  	s10 =	sadd.s32 $0x12700, s16;
	s4 =	sor.u32 s23, s4;
	[tilespmem:s5+$0x0] =	vst v11;
	v11 =	vadd.s32 $0x1100, v6;
	v9 =	vld.idx.msk [tilespmem:v9+s3+$0x0], $0xffff  }
0x23c: {  	s11 =	sadd.s32 $0xA480, s22;
	s12 =	sor.u32 s15, s10;
	[tilespmem:s4+$0x0] =	vst v15;
	v15 =	vadd.s32 $0x7080, v2;
	v10 =	vld.idx.msk [tilespmem:v10+s3+$0x0], $0xffff  }
0x23d: {  	s13 =	sor.u32 s20, s11;
	[tilespmem:s12+$0x0] =	vst v17;
	v14 =	vld.idx.msk [tilespmem:v14+s3+$0x0], $0xffff  }
0x23e: {  	s14 =	sor.u32 s21, s11;
	[tilespmem:s13+$0x0] =	vst v7;
	v12 =	vld.idx.msk [tilespmem:v12+s3+$0x0], $0xffff  }
0x23f: {  	s24 =	sadd.s32 $0xE600, s19;
	[tilespmem:s14+$0x0] =	vst v8;
	v13 =	vld.idx.msk [tilespmem:v13+s3+$0x0], $0xffff  }
0x240: {  	v20 =	vadd.s32 $0x1180, v5;
	s4 =	sor.u32 s17, s24;
	[tilespmem:s6+$0x0] =	vst v16;
	v16 =	vld.idx.msk [tilespmem:v11+s3+$0x0], $0xffff  }
0x241: {  	s26 =	sor.u32 s18, s24;
	v8 =	vld.idx.msk [tilespmem:v15+s3+$0x0], $0xffff;
	v15 =	vadd.s32 $0x1180, v6;
	[tilespmem:s4+$0x0] =	vst v10;
	s4 =	sadd.s32 $0x12780, s16  }
0x242: {  	s7 =	sadd.s32 $0xA500, s22;
	v17 =	vadd.s32 $0x3280, v4;
	[tilespmem:s26+$0x0] =	vst v9;
	s8 =	sor.u32 s15, s4  }
0x243: {  	s9 =	sor.u32 s20, s7;
	v7 =	vadd.s32 $0x3280, v3;
	[tilespmem:s8+$0x0] =	vst v12  }
0x244: {  	v18 =	vadd.s32 $0x5380, v0;
	s5 =	sor.u32 s23, s10;
	s10 =	sor.u32 s21, s7;
	[tilespmem:s9+$0x0] =	vst v13  }
0x245: {  	v19 =	vadd.s32 $0x6000, v1;
	[tilespmem:s10+$0x0] =	vst v16;
	v12 =	vld.idx.msk [tilespmem:v20+s3+$0x0], $0xffff  }
0x246: {  	[tilespmem:s5+$0x0] =	vst v14;
	v14 =	vadd.s32 $0x1200, v5;
	v13 =	vld.idx.msk [tilespmem:v15+s3+$0x0], $0xffff  }
0x247: {  	v10 =	vld.idx.msk [tilespmem:v17+s3+$0x0], $0xffff;
	v15 =	vadd.s32 $0x1200, v6  }
0x248: {  	s11 =	sadd.s32 $0xA580, s22;
	v11 =	vld.idx.msk [tilespmem:v7+s3+$0x0], $0xffff  }
0x249: {  	s12 =	sor.u32 s20, s11;
	v9 =	vld.idx.msk [tilespmem:v18+s3+$0x0], $0xffff  }
0x24a: {  	s5 =	sor.u32 s21, s11;
	v7 =	vld.idx.msk [tilespmem:v19+s3+$0x0], $0xffff;
	[tilespmem:s12+$0x0] =	vst v12  }
0x24b: {  	[tilespmem:s5+$0x0] =	vst v13;
	v12 =	vld.idx.msk [tilespmem:v14+s3+$0x0], $0xffff  }
0x24c: {  	v13 =	vld.idx.msk [tilespmem:v15+s3+$0x0], $0xffff;
	v14 =	vadd.s32 $0x1280, v5  }
0x24d: {  	v15 =	vadd.s32 $0x1280, v6  }
0x24e: {  	s13 =	sadd.s32 $0xA600, s22  }
0x24f: {  	s14 =	sor.u32 s20, s13  }
0x250: {  	s5 =	sor.u32 s21, s13;
	[tilespmem:s14+$0x0] =	vst v12  }
0x251: {  	[tilespmem:s5+$0x0] =	vst v13;
	v12 =	vld.idx.msk [tilespmem:v14+s3+$0x0], $0xffff  }
0x252: {  	v13 =	vld.idx.msk [tilespmem:v15+s3+$0x0], $0xffff;
	v14 =	vadd.s32 $0x1300, v5  }
0x253: {  	v15 =	vadd.s32 $0x1300, v6  }
0x254: {  	s24 =	sadd.s32 $0xA680, s22  }
0x255: {  	s26 =	sor.u32 s20, s24  }
0x256: {  	s5 =	sor.u32 s21, s24;
	[tilespmem:s26+$0x0] =	vst v12  }
0x257: {  	[tilespmem:s5+$0x0] =	vst v13;
	v12 =	vld.idx.msk [tilespmem:v14+s3+$0x0], $0xffff  }
0x258: {  	v13 =	vld.idx.msk [tilespmem:v15+s3+$0x0], $0xffff;
	v14 =	vadd.s32 $0x1380, v5  }
0x259: {  	v15 =	vadd.s32 $0x1380, v6  }
0x25a: {  	s7 =	sadd.s32 $0xA700, s22  }
0x25b: {  	s8 =	sor.u32 s20, s7  }
0x25c: {  	s5 =	sor.u32 s21, s7;
	[tilespmem:s8+$0x0] =	vst v12  }
0x25d: {  	[tilespmem:s5+$0x0] =	vst v13;
	v12 =	vld.idx.msk [tilespmem:v14+s3+$0x0], $0xffff  }
0x25e: {  	v13 =	vld.idx.msk [tilespmem:v15+s3+$0x0], $0xffff;
	v14 =	vadd.s32 $0x2000, v5  }
0x25f: {  	v15 =	vadd.s32 $0x2000, v6  }
0x260: {  	s9 =	sadd.s32 $0xA780, s22  }
0x261: {  	s10 =	sor.u32 s20, s9  }
0x262: {  	s5 =	sor.u32 s21, s9;
	[tilespmem:s10+$0x0] =	vst v12  }
0x263: {  	[tilespmem:s5+$0x0] =	vst v13;
	v12 =	vld.idx.msk [tilespmem:v14+s3+$0x0], $0xffff  }
0x264: {  	v13 =	vld.idx.msk [tilespmem:v15+s3+$0x0], $0xffff;
	v14 =	vadd.s32 $0x2080, v5  }
0x265: {  	v15 =	vadd.s32 $0x2080, v6  }
0x266: {  	s11 =	sadd.s32 $0xC400, s22  }
0x267: {  	s12 =	sor.u32 s20, s11  }
0x268: {  	s5 =	sor.u32 s21, s11;
	[tilespmem:s12+$0x0] =	vst v12  }
0x269: {  	[tilespmem:s5+$0x0] =	vst v13;
	v12 =	vld.idx.msk [tilespmem:v14+s3+$0x0], $0xffff  }
0x26a: {  	v13 =	vld.idx.msk [tilespmem:v15+s3+$0x0], $0xffff;
	v14 =	vadd.s32 $0x2100, v5  }
0x26b: {  	v15 =	vadd.s32 $0x2100, v6  }
0x26c: {  	s13 =	sadd.s32 $0xC480, s22  }
0x26d: {  	s14 =	sor.u32 s20, s13  }
0x26e: {  	s5 =	sor.u32 s21, s13;
	[tilespmem:s14+$0x0] =	vst v12  }
0x26f: {  	[tilespmem:s5+$0x0] =	vst v13;
	v12 =	vld.idx.msk [tilespmem:v14+s3+$0x0], $0xffff  }
0x270: {  	v13 =	vld.idx.msk [tilespmem:v15+s3+$0x0], $0xffff;
	v14 =	vadd.s32 $0x2180, v5  }
0x271: {  	v15 =	vadd.s32 $0x2180, v6  }
0x272: {  	s24 =	sadd.s32 $0xC500, s22  }
0x273: {  	s26 =	sor.u32 s20, s24  }
0x274: {  	s5 =	sor.u32 s21, s24;
	[tilespmem:s26+$0x0] =	vst v12  }
0x275: {  	[tilespmem:s5+$0x0] =	vst v13;
	v12 =	vld.idx.msk [tilespmem:v14+s3+$0x0], $0xffff  }
0x276: {  	v13 =	vld.idx.msk [tilespmem:v15+s3+$0x0], $0xffff;
	v14 =	vadd.s32 $0x2200, v5  }
0x277: {  	v15 =	vadd.s32 $0x2200, v6  }
0x278: {  	s7 =	sadd.s32 $0xC580, s22  }
0x279: {  	s8 =	sor.u32 s20, s7  }
0x27a: {  	s5 =	sor.u32 s21, s7;
	[tilespmem:s8+$0x0] =	vst v12  }
0x27b: {  	[tilespmem:s5+$0x0] =	vst v13;
	v12 =	vld.idx.msk [tilespmem:v14+s3+$0x0], $0xffff  }
0x27c: {  	v13 =	vld.idx.msk [tilespmem:v15+s3+$0x0], $0xffff;
	v14 =	vadd.s32 $0x2280, v5  }
0x27d: {  	v15 =	vadd.s32 $0x2280, v6  }
0x27e: {  	s9 =	sadd.s32 $0xC600, s22  }
0x27f: {  	s10 =	sor.u32 s20, s9  }
0x280: {  	s5 =	sor.u32 s21, s9;
	[tilespmem:s10+$0x0] =	vst v12  }
0x281: {  	[tilespmem:s5+$0x0] =	vst v13;
	v12 =	vld.idx.msk [tilespmem:v14+s3+$0x0], $0xffff  }
0x282: {  	v13 =	vld.idx.msk [tilespmem:v15+s3+$0x0], $0xffff;
	v14 =	vadd.s32 $0x2300, v5  }
0x283: {  	v15 =	vadd.s32 $0x2300, v6  }
0x284: {  	s11 =	sadd.s32 $0xC680, s22  }
0x285: {  	s12 =	sor.u32 s20, s11  }
0x286: {  	s5 =	sor.u32 s21, s11;
	[tilespmem:s12+$0x0] =	vst v12  }
0x287: {  	[tilespmem:s5+$0x0] =	vst v13;
	v12 =	vld.idx.msk [tilespmem:v14+s3+$0x0], $0xffff  }
0x288: {  	v13 =	vld.idx.msk [tilespmem:v15+s3+$0x0], $0xffff;
	v14 =	vadd.s32 $0x2380, v5  }
0x289: {  	v15 =	vadd.s32 $0x2380, v6  }
0x28a: {  	s13 =	sadd.s32 $0xC700, s22  }
0x28b: {  	s14 =	sor.u32 s20, s13  }
0x28c: {  	s5 =	sor.u32 s21, s13;
	[tilespmem:s14+$0x0] =	vst v12  }
0x28d: {  	[tilespmem:s5+$0x0] =	vst v13;
	v12 =	vld.idx.msk [tilespmem:v14+s3+$0x0], $0xffff  }
0x28e: {  	v13 =	vld.idx.msk [tilespmem:v15+s3+$0x0], $0xffff;
	v14 =	vadd.s32 $0x3000, v5  }
0x28f: {  	v15 =	vadd.s32 $0x3000, v6  }
0x290: {  	s24 =	sadd.s32 $0xC780, s22  }
0x291: {  	s26 =	sor.u32 s20, s24  }
0x292: {  	s5 =	sor.u32 s21, s24;
	[tilespmem:s26+$0x0] =	vst v12  }
0x293: {  	[tilespmem:s5+$0x0] =	vst v13;
	v12 =	vld.idx.msk [tilespmem:v14+s3+$0x0], $0xffff  }
0x294: {  	v13 =	vld.idx.msk [tilespmem:v15+s3+$0x0], $0xffff;
	v14 =	vadd.s32 $0x3080, v5  }
0x295: {  	v15 =	vadd.s32 $0x3080, v6  }
0x296: {  	s7 =	sadd.s32 $0xE400, s22  }
0x297: {  	s8 =	sor.u32 s20, s7  }
0x298: {  	s5 =	sor.u32 s21, s7;
	[tilespmem:s8+$0x0] =	vst v12  }
0x299: {  	[tilespmem:s5+$0x0] =	vst v13;
	v12 =	vld.idx.msk [tilespmem:v14+s3+$0x0], $0xffff  }
0x29a: {  	v13 =	vld.idx.msk [tilespmem:v15+s3+$0x0], $0xffff;
	v14 =	vadd.s32 $0x3100, v5  }
0x29b: {  	v15 =	vadd.s32 $0x3100, v6  }
0x29c: {  	s9 =	sadd.s32 $0xE480, s22  }
0x29d: {  	s10 =	sor.u32 s20, s9  }
0x29e: {  	s5 =	sor.u32 s21, s9;
	[tilespmem:s10+$0x0] =	vst v12  }
0x29f: {  	[tilespmem:s5+$0x0] =	vst v13;
	v12 =	vld.idx.msk [tilespmem:v14+s3+$0x0], $0xffff  }
0x2a0: {  	v13 =	vld.idx.msk [tilespmem:v15+s3+$0x0], $0xffff;
	v14 =	vadd.s32 $0x3180, v5  }
0x2a1: {  	v15 =	vadd.s32 $0x3180, v6  }
0x2a2: {  	s11 =	sadd.s32 $0xE500, s22  }
0x2a3: {  	s12 =	sor.u32 s20, s11  }
0x2a4: {  	s5 =	sor.u32 s21, s11;
	[tilespmem:s12+$0x0] =	vst v12  }
0x2a5: {  	[tilespmem:s5+$0x0] =	vst v13;
	v12 =	vld.idx.msk [tilespmem:v14+s3+$0x0], $0xffff  }
0x2a6: {  	v13 =	vld.idx.msk [tilespmem:v15+s3+$0x0], $0xffff;
	v14 =	vadd.s32 $0x3200, v5  }
0x2a7: {  	v15 =	vadd.s32 $0x3200, v6  }
0x2a8: {  	s13 =	sadd.s32 $0xE580, s22  }
0x2a9: {  	s14 =	sor.u32 s20, s13  }
0x2aa: {  	s5 =	sor.u32 s21, s13;
	[tilespmem:s14+$0x0] =	vst v12  }
0x2ab: {  	[tilespmem:s5+$0x0] =	vst v13;
	v12 =	vld.idx.msk [tilespmem:v14+s3+$0x0], $0xffff  }
0x2ac: {  	v13 =	vld.idx.msk [tilespmem:v15+s3+$0x0], $0xffff;
	v14 =	vadd.s32 $0x3280, v5  }
0x2ad: {  	v15 =	vadd.s32 $0x3280, v6  }
0x2ae: {  	s24 =	sadd.s32 $0xE600, s22  }
0x2af: {  	s26 =	sor.u32 s20, s24  }
0x2b0: {  	v16 =	vadd.s32 $0x3300, v4;
	s5 =	sor.u32 s21, s24;
	[tilespmem:s26+$0x0] =	vst v12  }
0x2b1: {  	v12 =	vadd.s32 $0x3300, v3;
	[tilespmem:s5+$0x0] =	vst v13;
	v13 =	vld.idx.msk [tilespmem:v14+s3+$0x0], $0xffff  }
0x2b2: {  	s7 =	sadd.s32 $0xE680, s19;
	v14 =	vld.idx.msk [tilespmem:v15+s3+$0x0], $0xffff;
	v15 =	vadd.s32 $0x3300, v5  }
0x2b3: {  	v17 =	vadd.s32 $0x3300, v6;
	s8 =	sor.u32 s18, s7  }
0x2b4: {  	s9 =	sadd.s32 $0xE680, s22;
	[tilespmem:s8+$0x0] =	vst v10;
	s5 =	sor.u32 s17, s7  }
0x2b5: {  	v10 =	vld.idx.msk [tilespmem:v16+s3+$0x0], $0xffff;
	s10 =	sor.u32 s20, s9;
	[tilespmem:s5+$0x0] =	vst v11  }
0x2b6: {  	s6 =	sor.u32 s21, s9;
	v11 =	vld.idx.msk [tilespmem:v12+s3+$0x0], $0xffff;
	v12 =	vadd.s32 $0x3380, v4;
	[tilespmem:s10+$0x0] =	vst v13  }
0x2b7: {  	v13 =	vadd.s32 $0x3380, v3;
	[tilespmem:s6+$0x0] =	vst v14;
	v14 =	vld.idx.msk [tilespmem:v15+s3+$0x0], $0xffff  }
0x2b8: {  	v16 =	vadd.s32 $0x3380, v5;
	s11 =	sadd.s32 $0xE700, s19;
	v15 =	vld.idx.msk [tilespmem:v17+s3+$0x0], $0xffff  }
0x2b9: {  	s12 =	sor.u32 s18, s11;
	v17 =	vadd.s32 $0x3380, v6  }
0x2ba: {  	s13 =	sadd.s32 $0xE700, s22;
	[tilespmem:s12+$0x0] =	vst v10;
	s5 =	sor.u32 s17, s11  }
0x2bb: {  	s14 =	sor.u32 s20, s13;
	[tilespmem:s5+$0x0] =	vst v11;
	v10 =	vld.idx.msk [tilespmem:v12+s3+$0x0], $0xffff  }
0x2bc: {  	s6 =	sor.u32 s21, s13;
	v12 =	vadd.s32 $0x4000, v4;
	v11 =	vld.idx.msk [tilespmem:v13+s3+$0x0], $0xffff;
	[tilespmem:s14+$0x0] =	vst v14  }
0x2bd: {  	v13 =	vadd.s32 $0x4000, v3;
	[tilespmem:s6+$0x0] =	vst v15;
	v14 =	vld.idx.msk [tilespmem:v16+s3+$0x0], $0xffff  }
0x2be: {  	s24 =	sadd.s32 $0xE780, s19;
	v15 =	vld.idx.msk [tilespmem:v17+s3+$0x0], $0xffff;
	v16 =	vadd.s32 $0x4000, v5  }
0x2bf: {  	s26 =	sor.u32 s18, s24;
	v17 =	vadd.s32 $0x4000, v6  }
0x2c0: {  	s7 =	sadd.s32 $0xE780, s22;
	s5 =	sor.u32 s17, s24;
	[tilespmem:s26+$0x0] =	vst v10  }
0x2c1: {  	s8 =	sor.u32 s20, s7;
	[tilespmem:s5+$0x0] =	vst v11;
	v10 =	vld.idx.msk [tilespmem:v12+s3+$0x0], $0xffff  }
0x2c2: {  	s6 =	sor.u32 s21, s7;
	v12 =	vadd.s32 $0x4080, v4;
	v11 =	vld.idx.msk [tilespmem:v13+s3+$0x0], $0xffff;
	[tilespmem:s8+$0x0] =	vst v14  }
0x2c3: {  	v13 =	vadd.s32 $0x4080, v3;
	[tilespmem:s6+$0x0] =	vst v15;
	v14 =	vld.idx.msk [tilespmem:v16+s3+$0x0], $0xffff  }
0x2c4: {  	s9 =	sadd.s32 $0x10400, s19;
	v15 =	vld.idx.msk [tilespmem:v17+s3+$0x0], $0xffff;
	v16 =	vadd.s32 $0x4080, v5  }
0x2c5: {  	s10 =	sor.u32 s18, s9;
	v17 =	vadd.s32 $0x4080, v6  }
0x2c6: {  	s11 =	sadd.s32 $0x10400, s22;
	s5 =	sor.u32 s17, s9;
	[tilespmem:s10+$0x0] =	vst v10  }
0x2c7: {  	s12 =	sor.u32 s20, s11;
	[tilespmem:s5+$0x0] =	vst v11;
	v10 =	vld.idx.msk [tilespmem:v12+s3+$0x0], $0xffff  }
0x2c8: {  	s6 =	sor.u32 s21, s11;
	v12 =	vadd.s32 $0x4100, v4;
	v11 =	vld.idx.msk [tilespmem:v13+s3+$0x0], $0xffff;
	[tilespmem:s12+$0x0] =	vst v14  }
0x2c9: {  	v13 =	vadd.s32 $0x4100, v3;
	[tilespmem:s6+$0x0] =	vst v15;
	v14 =	vld.idx.msk [tilespmem:v16+s3+$0x0], $0xffff  }
0x2ca: {  	s13 =	sadd.s32 $0x10480, s19;
	v15 =	vld.idx.msk [tilespmem:v17+s3+$0x0], $0xffff;
	v16 =	vadd.s32 $0x4100, v5  }
0x2cb: {  	s14 =	sor.u32 s18, s13;
	v17 =	vadd.s32 $0x4100, v6  }
0x2cc: {  	s24 =	sadd.s32 $0x10480, s22;
	s5 =	sor.u32 s17, s13;
	[tilespmem:s14+$0x0] =	vst v10  }
0x2cd: {  	s26 =	sor.u32 s20, s24;
	[tilespmem:s5+$0x0] =	vst v11;
	v10 =	vld.idx.msk [tilespmem:v12+s3+$0x0], $0xffff  }
0x2ce: {  	s6 =	sor.u32 s21, s24;
	v12 =	vadd.s32 $0x4180, v4;
	v11 =	vld.idx.msk [tilespmem:v13+s3+$0x0], $0xffff;
	[tilespmem:s26+$0x0] =	vst v14  }
0x2cf: {  	v13 =	vadd.s32 $0x4180, v3;
	[tilespmem:s6+$0x0] =	vst v15;
	v14 =	vld.idx.msk [tilespmem:v16+s3+$0x0], $0xffff  }
0x2d0: {  	s7 =	sadd.s32 $0x10500, s19;
	v15 =	vld.idx.msk [tilespmem:v17+s3+$0x0], $0xffff;
	v16 =	vadd.s32 $0x4180, v5  }
0x2d1: {  	s8 =	sor.u32 s18, s7;
	v17 =	vadd.s32 $0x4180, v6  }
0x2d2: {  	s9 =	sadd.s32 $0x10500, s22;
	s5 =	sor.u32 s17, s7;
	[tilespmem:s8+$0x0] =	vst v10  }
0x2d3: {  	s10 =	sor.u32 s20, s9;
	[tilespmem:s5+$0x0] =	vst v11;
	v10 =	vld.idx.msk [tilespmem:v12+s3+$0x0], $0xffff  }
0x2d4: {  	s6 =	sor.u32 s21, s9;
	v12 =	vadd.s32 $0x4200, v4;
	v11 =	vld.idx.msk [tilespmem:v13+s3+$0x0], $0xffff;
	[tilespmem:s10+$0x0] =	vst v14  }
0x2d5: {  	v13 =	vadd.s32 $0x4200, v3;
	[tilespmem:s6+$0x0] =	vst v15;
	v14 =	vld.idx.msk [tilespmem:v16+s3+$0x0], $0xffff  }
0x2d6: {  	s11 =	sadd.s32 $0x10580, s19;
	v15 =	vld.idx.msk [tilespmem:v17+s3+$0x0], $0xffff;
	v16 =	vadd.s32 $0x4200, v5  }
0x2d7: {  	s12 =	sor.u32 s18, s11;
	v17 =	vadd.s32 $0x4200, v6  }
0x2d8: {  	s13 =	sadd.s32 $0x10580, s22;
	s5 =	sor.u32 s17, s11;
	[tilespmem:s12+$0x0] =	vst v10  }
0x2d9: {  	s14 =	sor.u32 s20, s13;
	[tilespmem:s5+$0x0] =	vst v11;
	v10 =	vld.idx.msk [tilespmem:v12+s3+$0x0], $0xffff  }
0x2da: {  	s6 =	sor.u32 s21, s13;
	v12 =	vadd.s32 $0x4280, v4;
	v11 =	vld.idx.msk [tilespmem:v13+s3+$0x0], $0xffff;
	[tilespmem:s14+$0x0] =	vst v14  }
0x2db: {  	v13 =	vadd.s32 $0x4280, v3;
	[tilespmem:s6+$0x0] =	vst v15;
	v14 =	vld.idx.msk [tilespmem:v16+s3+$0x0], $0xffff  }
0x2dc: {  	s24 =	sadd.s32 $0x10600, s19;
	v15 =	vld.idx.msk [tilespmem:v17+s3+$0x0], $0xffff;
	v16 =	vadd.s32 $0x4280, v5  }
0x2dd: {  	s26 =	sor.u32 s18, s24;
	v17 =	vadd.s32 $0x4280, v6  }
0x2de: {  	s7 =	sadd.s32 $0x10600, s22;
	s5 =	sor.u32 s17, s24;
	[tilespmem:s26+$0x0] =	vst v10  }
0x2df: {  	s8 =	sor.u32 s20, s7;
	[tilespmem:s5+$0x0] =	vst v11;
	v10 =	vld.idx.msk [tilespmem:v12+s3+$0x0], $0xffff  }
0x2e0: {  	s6 =	sor.u32 s21, s7;
	v12 =	vadd.s32 $0x4300, v4;
	v11 =	vld.idx.msk [tilespmem:v13+s3+$0x0], $0xffff;
	[tilespmem:s8+$0x0] =	vst v14  }
0x2e1: {  	v13 =	vadd.s32 $0x4300, v3;
	[tilespmem:s6+$0x0] =	vst v15;
	v14 =	vld.idx.msk [tilespmem:v16+s3+$0x0], $0xffff  }
0x2e2: {  	s9 =	sadd.s32 $0x10680, s19;
	v15 =	vld.idx.msk [tilespmem:v17+s3+$0x0], $0xffff;
	v16 =	vadd.s32 $0x4300, v5  }
0x2e3: {  	s10 =	sor.u32 s18, s9;
	v17 =	vadd.s32 $0x4300, v6  }
0x2e4: {  	s11 =	sadd.s32 $0x10680, s22;
	s5 =	sor.u32 s17, s9;
	[tilespmem:s10+$0x0] =	vst v10  }
0x2e5: {  	s12 =	sor.u32 s20, s11;
	v10 =	vld.idx.msk [tilespmem:v12+s3+$0x0], $0xffff;
	[tilespmem:s5+$0x0] =	vst v11  }
0x2e6: {  	s6 =	sor.u32 s21, s11;
	v11 =	vadd.s32 $0x4380, v4;
	v12 =	vld.idx.msk [tilespmem:v13+s3+$0x0], $0xffff;
	[tilespmem:s12+$0x0] =	vst v14  }
0x2e7: {  	v13 =	vadd.s32 $0x4380, v3;
	[tilespmem:s6+$0x0] =	vst v15;
	v14 =	vld.idx.msk [tilespmem:v16+s3+$0x0], $0xffff  }
0x2e8: {  	s13 =	sadd.s32 $0x10700, s19;
	v15 =	vadd.s32 $0x4380, v5;
	v16 =	vld.idx.msk [tilespmem:v17+s3+$0x0], $0xffff  }
0x2e9: {  	s14 =	sor.u32 s18, s13;
	v17 =	vadd.s32 $0x4380, v6  }
0x2ea: {  	s24 =	sadd.s32 $0x10700, s22;
	s5 =	sor.u32 s17, s13;
	[tilespmem:s14+$0x0] =	vst v10  }
0x2eb: {  	s26 =	sor.u32 s20, s24;
	v10 =	vld.idx.msk [tilespmem:v11+s3+$0x0], $0xffff;
	[tilespmem:s5+$0x0] =	vst v12  }
0x2ec: {  	s6 =	sor.u32 s21, s24;
	v11 =	vadd.s32 $0x5000, v4;
	v12 =	vld.idx.msk [tilespmem:v13+s3+$0x0], $0xffff;
	[tilespmem:s26+$0x0] =	vst v14  }
0x2ed: {  	v13 =	vadd.s32 $0x5000, v3;
	[tilespmem:s6+$0x0] =	vst v16;
	v14 =	vld.idx.msk [tilespmem:v15+s3+$0x0], $0xffff  }
0x2ee: {  	s7 =	sadd.s32 $0x10780, s19;
	v15 =	vadd.s32 $0x5000, v5;
	v16 =	vld.idx.msk [tilespmem:v17+s3+$0x0], $0xffff  }
0x2ef: {  	s8 =	sor.u32 s18, s7;
	v17 =	vadd.s32 $0x5000, v6  }
0x2f0: {  	s9 =	sadd.s32 $0x10780, s22;
	s5 =	sor.u32 s17, s7;
	[tilespmem:s8+$0x0] =	vst v10  }
0x2f1: {  	s10 =	sor.u32 s20, s9;
	v10 =	vld.idx.msk [tilespmem:v11+s3+$0x0], $0xffff;
	[tilespmem:s5+$0x0] =	vst v12  }
0x2f2: {  	s6 =	sor.u32 s21, s9;
	v11 =	vadd.s32 $0x5080, v4;
	v12 =	vld.idx.msk [tilespmem:v13+s3+$0x0], $0xffff;
	[tilespmem:s10+$0x0] =	vst v14  }
0x2f3: {  	v13 =	vadd.s32 $0x5080, v3;
	[tilespmem:s6+$0x0] =	vst v16;
	v14 =	vld.idx.msk [tilespmem:v15+s3+$0x0], $0xffff  }
0x2f4: {  	s11 =	sadd.s32 $0x12400, s19;
	v15 =	vadd.s32 $0x5080, v5;
	v16 =	vld.idx.msk [tilespmem:v17+s3+$0x0], $0xffff  }
0x2f5: {  	s12 =	sor.u32 s18, s11;
	v17 =	vadd.s32 $0x5080, v6  }
0x2f6: {  	s13 =	sadd.s32 $0x12400, s22;
	s5 =	sor.u32 s17, s11;
	[tilespmem:s12+$0x0] =	vst v10  }
0x2f7: {  	s14 =	sor.u32 s20, s13;
	v10 =	vld.idx.msk [tilespmem:v11+s3+$0x0], $0xffff;
	[tilespmem:s5+$0x0] =	vst v12  }
0x2f8: {  	s6 =	sor.u32 s21, s13;
	v11 =	vadd.s32 $0x5100, v4;
	v12 =	vld.idx.msk [tilespmem:v13+s3+$0x0], $0xffff;
	[tilespmem:s14+$0x0] =	vst v14  }
0x2f9: {  	v13 =	vadd.s32 $0x5100, v3;
	[tilespmem:s6+$0x0] =	vst v16;
	v14 =	vld.idx.msk [tilespmem:v15+s3+$0x0], $0xffff  }
0x2fa: {  	s24 =	sadd.s32 $0x12480, s19;
	v15 =	vadd.s32 $0x5100, v5;
	v16 =	vld.idx.msk [tilespmem:v17+s3+$0x0], $0xffff  }
0x2fb: {  	s26 =	sor.u32 s18, s24;
	v17 =	vadd.s32 $0x5100, v6  }
0x2fc: {  	s7 =	sadd.s32 $0x12480, s22;
	s5 =	sor.u32 s17, s24;
	[tilespmem:s26+$0x0] =	vst v10  }
0x2fd: {  	s8 =	sor.u32 s20, s7;
	v10 =	vld.idx.msk [tilespmem:v11+s3+$0x0], $0xffff;
	[tilespmem:s5+$0x0] =	vst v12  }
0x2fe: {  	s6 =	sor.u32 s21, s7;
	v11 =	vadd.s32 $0x5180, v4;
	v12 =	vld.idx.msk [tilespmem:v13+s3+$0x0], $0xffff;
	[tilespmem:s8+$0x0] =	vst v14  }
0x2ff: {  	v13 =	vadd.s32 $0x5180, v3;
	[tilespmem:s6+$0x0] =	vst v16;
	v14 =	vld.idx.msk [tilespmem:v15+s3+$0x0], $0xffff  }
0x300: {  	s9 =	sadd.s32 $0x12500, s19;
	v15 =	vadd.s32 $0x5180, v5;
	v16 =	vld.idx.msk [tilespmem:v17+s3+$0x0], $0xffff  }
0x301: {  	s10 =	sor.u32 s18, s9;
	v17 =	vadd.s32 $0x5180, v6  }
0x302: {  	s11 =	sadd.s32 $0x12500, s22;
	s5 =	sor.u32 s17, s9;
	[tilespmem:s10+$0x0] =	vst v10  }
0x303: {  	s12 =	sor.u32 s20, s11;
	v10 =	vld.idx.msk [tilespmem:v11+s3+$0x0], $0xffff;
	[tilespmem:s5+$0x0] =	vst v12  }
0x304: {  	s6 =	sor.u32 s21, s11;
	v11 =	vadd.s32 $0x5200, v4;
	v12 =	vld.idx.msk [tilespmem:v13+s3+$0x0], $0xffff;
	[tilespmem:s12+$0x0] =	vst v14  }
0x305: {  	v13 =	vadd.s32 $0x5200, v3;
	[tilespmem:s6+$0x0] =	vst v16;
	v14 =	vld.idx.msk [tilespmem:v15+s3+$0x0], $0xffff  }
0x306: {  	s13 =	sadd.s32 $0x12580, s19;
	v15 =	vadd.s32 $0x5200, v5;
	v16 =	vld.idx.msk [tilespmem:v17+s3+$0x0], $0xffff  }
0x307: {  	s14 =	sor.u32 s18, s13;
	v17 =	vadd.s32 $0x5200, v6  }
0x308: {  	s24 =	sadd.s32 $0x12580, s22;
	s5 =	sor.u32 s17, s13;
	[tilespmem:s14+$0x0] =	vst v10  }
0x309: {  	s26 =	sor.u32 s20, s24;
	v10 =	vadd.s32 $0x7100, v2;
	v11 =	vld.idx.msk [tilespmem:v11+s3+$0x0], $0xffff;
	[tilespmem:s5+$0x0] =	vst v12  }
0x30a: {  	s6 =	sor.u32 s21, s24;
	v12 =	vadd.s32 $0x5280, v4;
	v13 =	vld.idx.msk [tilespmem:v13+s3+$0x0], $0xffff;
	[tilespmem:s26+$0x0] =	vst v14  }
0x30b: {  	v14 =	vadd.s32 $0x5280, v3;
	[tilespmem:s6+$0x0] =	vst v16;
	v15 =	vld.idx.msk [tilespmem:v15+s3+$0x0], $0xffff  }
0x30c: {  	s4 =	sor.u32 s23, s4;
	[tilespmem:s1+$0x0] =	vst v8;
	v8 =	vadd.s32 $0x5280, v5;
	s5 =	sadd.s32 $0x12600, s19;
	v16 =	vld.idx.msk [tilespmem:v17+s3+$0x0], $0xffff  }
0x30d: {  	[tilespmem:s4+$0x0] =	vst v9;
	v9 =	vadd.s32 $0x5280, v6;
	s6 =	sor.u32 s18, s5  }
0x30e: {  	s7 =	sadd.s32 $0x12600, s22;
	s1 =	sor.u32 s17, s5;
	v17 =	vadd.s32 $0x6000, v0;
	v10 =	vld.idx.msk [tilespmem:v10+s3+$0x0], $0xffff;
	[tilespmem:s6+$0x0] =	vst v11  }
0x30f: {  	s8 =	sor.u32 s20, s7;
	v11 =	vadd.s32 $0x6080, v1;
	v12 =	vld.idx.msk [tilespmem:v12+s3+$0x0], $0xffff;
	[tilespmem:s1+$0x0] =	vst v13  }
0x310: {  	s4 =	sor.u32 s21, s7;
	s9 =	sadd.s32 $0x14400, s16;
	v13 =	vadd.s32 $0x5300, v4;
	v14 =	vld.idx.msk [tilespmem:v14+s3+$0x0], $0xffff;
	[tilespmem:s8+$0x0] =	vst v15  }
0x311: {  	s10 =	sor.u32 s15, s9;
	v15 =	vadd.s32 $0x5300, v3;
	[tilespmem:s4+$0x0] =	vst v16;
	v8 =	vld.idx.msk [tilespmem:v8+s3+$0x0], $0xffff  }
0x312: {  	s11 =	sadd.s32 $0x12680, s19;
	[tilespmem:s10+$0x0] =	vst v7;
	v7 =	vadd.s32 $0x5300, v5;
	v9 =	vld.idx.msk [tilespmem:v9+s3+$0x0], $0xffff  }
0x313: {  	s12 =	sor.u32 s18, s11;
	v16 =	vld.idx.msk [tilespmem:v17+s3+$0x0], $0xffff;
	[tilespmem:s2+$0x0] =	vst v10;
	v10 =	vadd.s32 $0x5300, v6  }
0x314: {  	s13 =	sadd.s32 $0x12680, s22;
	s1 =	sor.u32 s17, s11;
	v17 =	vadd.s32 $0x7180, v2;
	v11 =	vld.idx.msk [tilespmem:v11+s3+$0x0], $0xffff;
	[tilespmem:s12+$0x0] =	vst v12  }
0x315: {  	s14 =	sor.u32 s20, s13;
	v12 =	vadd.s32 $0x6080, v0;
	v13 =	vld.idx.msk [tilespmem:v13+s3+$0x0], $0xffff;
	[tilespmem:s1+$0x0] =	vst v14  }
0x316: {  	s2 =	sor.u32 s21, s13;
	v14 =	vadd.s32 $0x5380, v4;
	v15 =	vld.idx.msk [tilespmem:v15+s3+$0x0], $0xffff;
	[tilespmem:s14+$0x0] =	vst v8  }
0x317: {  	s24 =	sor.u32 s23, s9;
	s26 =	sadd.s32 $0x14480, s16;
	v8 =	vadd.s32 $0x5380, v3;
	[tilespmem:s2+$0x0] =	vst v9;
	v7 =	vld.idx.msk [tilespmem:v7+s3+$0x0], $0xffff  }
0x318: {  	s5 =	sor.u32 s15, s26;
	s6 =	sadd.s32 $0x12700, s19;
	[tilespmem:s24+$0x0] =	vst v16;
	v9 =	vadd.s32 $0x5380, v5;
	v10 =	vld.idx.msk [tilespmem:v10+s3+$0x0], $0xffff  }
0x319: {  	s7 =	sor.u32 s18, s6;
	v16 =	vld.idx.msk [tilespmem:v17+s3+$0x0], $0xffff;
	[tilespmem:s5+$0x0] =	vst v11;
	v11 =	vadd.s32 $0x5380, v6  }
0x31a: {  	s8 =	sadd.s32 $0x12700, s22;
	v17 =	vadd.s32 $0x6100, v1;
	s2 =	sor.u32 s17, s6;
	v12 =	vld.idx.msk [tilespmem:v12+s3+$0x0], $0xffff;
	[tilespmem:s7+$0x0] =	vst v13  }
0x31b: {  	s9 =	sor.u32 s20, s8;
	v13 =	vadd.s32 $0x7200, v2;
	v14 =	vld.idx.msk [tilespmem:v14+s3+$0x0], $0xffff;
	[tilespmem:s2+$0x0] =	vst v15  }
0x31c: {  	s1 =	sor.u32 s21, s8;
	v15 =	vadd.s32 $0x6000, v4;
	v8 =	vld.idx.msk [tilespmem:v8+s3+$0x0], $0xffff;
	[tilespmem:s9+$0x0] =	vst v7  }
0x31d: {  	v7 =	vadd.s32 $0x6000, v3;
	[tilespmem:s1+$0x0] =	vst v10;
	v9 =	vld.idx.msk [tilespmem:v9+s3+$0x0], $0xffff  }
0x31e: {  	s10 =	sor.u32 s23, s26;
	s11 =	sadd.s32 $0x12780, s19;
	[tilespmem:s0+$0x0] =	vst v16;
	v10 =	vadd.s32 $0x6000, v5;
	v11 =	vld.idx.msk [tilespmem:v11+s3+$0x0], $0xffff  }
0x31f: {  	s12 =	sor.u32 s18, s11;
	v16 =	vld.idx.msk [tilespmem:v17+s3+$0x0], $0xffff;
	[tilespmem:s10+$0x0] =	vst v12;
	v12 =	vadd.s32 $0x6000, v6  }
0x320: {  	s13 =	sadd.s32 $0x12780, s22;
	v17 =	vadd.s32 $0x6100, v0;
	s0 =	sor.u32 s17, s11;
	v13 =	vld.idx.msk [tilespmem:v13+s3+$0x0], $0xffff;
	[tilespmem:s12+$0x0] =	vst v14  }
0x321: {  	s14 =	sor.u32 s20, s13;
	v14 =	vadd.s32 $0x6180, v1;
	v15 =	vld.idx.msk [tilespmem:v15+s3+$0x0], $0xffff;
	[tilespmem:s0+$0x0] =	vst v8  }
0x322: {  	s24 =	sadd.s32 $0x14500, s16;
	s1 =	sor.u32 s21, s13;
	v8 =	vadd.s32 $0x6080, v4;
	v7 =	vld.idx.msk [tilespmem:v7+s3+$0x0], $0xffff;
	[tilespmem:s14+$0x0] =	vst v9  }
0x323: {  	s26 =	sor.u32 s15, s24;
	v9 =	vadd.s32 $0x6080, v3;
	[tilespmem:s1+$0x0] =	vst v11;
	v10 =	vld.idx.msk [tilespmem:v10+s3+$0x0], $0xffff  }
0x324: {  	[tilespmem:s26+$0x0] =	vst v16;
	s1 =	sadd.s32 $0x14400, s19;
	v11 =	vadd.s32 $0x6080, v5;
	v12 =	vld.idx.msk [tilespmem:v12+s3+$0x0], $0xffff  }
0x325: {  	v16 =	vld.idx.msk [tilespmem:v17+s3+$0x0], $0xffff;
	[tilespmem:s30+$0x0] =	vst v13;
	s4 =	sor.u32 s18, s1;
	v13 =	vadd.s32 $0x6080, v6  }
0x326: {  	s5 =	sadd.s32 $0x14400, s22;
	v17 =	vadd.s32 $0x7280, v2;
	s0 =	sor.u32 s17, s1;
	v14 =	vld.idx.msk [tilespmem:v14+s3+$0x0], $0xffff;
	[tilespmem:s4+$0x0] =	vst v15  }
0x327: {  	s6 =	sor.u32 s20, s5;
	v15 =	vadd.s32 $0x6180, v0;
	v8 =	vld.idx.msk [tilespmem:v8+s3+$0x0], $0xffff;
	[tilespmem:s0+$0x0] =	vst v7  }
0x328: {  	s1 =	sor.u32 s21, s5;
	v7 =	vadd.s32 $0x6100, v4;
	v9 =	vld.idx.msk [tilespmem:v9+s3+$0x0], $0xffff;
	[tilespmem:s6+$0x0] =	vst v10  }
0x329: {  	s8 =	sadd.s32 $0x14580, s16;
	s7 =	sor.u32 s23, s24;
	v10 =	vadd.s32 $0x6100, v3;
	[tilespmem:s1+$0x0] =	vst v12;
	v11 =	vld.idx.msk [tilespmem:v11+s3+$0x0], $0xffff  }
0x32a: {  	s9 =	sor.u32 s15, s8;
	s10 =	sadd.s32 $0x14480, s19;
	[tilespmem:s7+$0x0] =	vst v16;
	v12 =	vadd.s32 $0x6100, v5;
	v13 =	vld.idx.msk [tilespmem:v13+s3+$0x0], $0xffff  }
0x32b: {  	s11 =	sor.u32 s18, s10;
	v16 =	vld.idx.msk [tilespmem:v17+s3+$0x0], $0xffff;
	[tilespmem:s9+$0x0] =	vst v14;
	v14 =	vadd.s32 $0x6100, v6  }
0x32c: {  	s12 =	sadd.s32 $0x14480, s22;
	v17 =	vadd.s32 $0x6200, v1;
	s1 =	sor.u32 s17, s10;
	v15 =	vld.idx.msk [tilespmem:v15+s3+$0x0], $0xffff;
	[tilespmem:s11+$0x0] =	vst v8  }
0x32d: {  	s13 =	sor.u32 s20, s12;
	v8 =	vadd.s32 $0x7300, v2;
	v7 =	vld.idx.msk [tilespmem:v7+s3+$0x0], $0xffff;
	[tilespmem:s1+$0x0] =	vst v9  }
0x32e: {  	s0 =	sor.u32 s21, s12;
	v9 =	vadd.s32 $0x6180, v4;
	v10 =	vld.idx.msk [tilespmem:v10+s3+$0x0], $0xffff;
	[tilespmem:s13+$0x0] =	vst v11  }
0x32f: {  	v11 =	vadd.s32 $0x6180, v3;
	[tilespmem:s0+$0x0] =	vst v13;
	v12 =	vld.idx.msk [tilespmem:v12+s3+$0x0], $0xffff  }
0x330: {  	s24 =	sadd.s32 $0x14500, s19;
	s14 =	sor.u32 s23, s8;
	[tilespmem:s29+$0x0] =	vst v16;
	v13 =	vadd.s32 $0x6180, v5;
	v14 =	vld.idx.msk [tilespmem:v14+s3+$0x0], $0xffff  }
0x331: {  	s26 =	sor.u32 s18, s24;
	v16 =	vld.idx.msk [tilespmem:v17+s3+$0x0], $0xffff;
	[tilespmem:s14+$0x0] =	vst v15;
	v15 =	vadd.s32 $0x6180, v6  }
0x332: {  	s2 =	sadd.s32 $0x14500, s22;
	v17 =	vadd.s32 $0x6200, v0;
	s1 =	sor.u32 s17, s24;
	v8 =	vld.idx.msk [tilespmem:v8+s3+$0x0], $0xffff;
	[tilespmem:s26+$0x0] =	vst v7  }
0x333: {  	s4 =	sor.u32 s20, s2;
	v7 =	vadd.s32 $0x6280, v1;
	v9 =	vld.idx.msk [tilespmem:v9+s3+$0x0], $0xffff;
	[tilespmem:s1+$0x0] =	vst v10  }
0x334: {  	s5 =	sadd.s32 $0x14600, s16;
	s0 =	sor.u32 s21, s2;
	v10 =	vadd.s32 $0x6200, v4;
	v11 =	vld.idx.msk [tilespmem:v11+s3+$0x0], $0xffff;
	[tilespmem:s4+$0x0] =	vst v12  }
0x335: {  	s6 =	sor.u32 s15, s5;
	v12 =	vadd.s32 $0x6200, v3;
	[tilespmem:s0+$0x0] =	vst v14;
	v13 =	vld.idx.msk [tilespmem:v13+s3+$0x0], $0xffff  }
0x336: {  	s7 =	sadd.s32 $0x14580, s19;
	[tilespmem:s6+$0x0] =	vst v16;
	v14 =	vadd.s32 $0x6200, v5;
	v15 =	vld.idx.msk [tilespmem:v15+s3+$0x0], $0xffff  }
0x337: {  	s8 =	sor.u32 s18, s7;
	v16 =	vld.idx.msk [tilespmem:v17+s3+$0x0], $0xffff;
	[tilespmem:s28+$0x0] =	vst v8;
	v8 =	vadd.s32 $0x6200, v6  }
0x338: {  	s9 =	sadd.s32 $0x14580, s22;
	v2 =	vadd.s32 $0x7380, v2;
	s0 =	sor.u32 s17, s7;
	v7 =	vld.idx.msk [tilespmem:v7+s3+$0x0], $0xffff;
	[tilespmem:s8+$0x0] =	vst v9  }
0x339: {  	s10 =	sor.u32 s20, s9;
	v9 =	vadd.s32 $0x6280, v0;
	v10 =	vld.idx.msk [tilespmem:v10+s3+$0x0], $0xffff;
	[tilespmem:s0+$0x0] =	vst v11  }
0x33a: {  	s1 =	sor.u32 s21, s9;
	v11 =	vadd.s32 $0x6280, v4;
	v12 =	vld.idx.msk [tilespmem:v12+s3+$0x0], $0xffff;
	[tilespmem:s10+$0x0] =	vst v13  }
0x33b: {  	s12 =	sadd.s32 $0x14680, s16;
	s11 =	sor.u32 s23, s5;
	v13 =	vadd.s32 $0x6280, v3;
	[tilespmem:s1+$0x0] =	vst v15;
	v14 =	vld.idx.msk [tilespmem:v14+s3+$0x0], $0xffff  }
0x33c: {  	s13 =	sor.u32 s15, s12;
	s14 =	sadd.s32 $0x14600, s19;
	[tilespmem:s11+$0x0] =	vst v16;
	v15 =	vadd.s32 $0x6280, v5;
	v8 =	vld.idx.msk [tilespmem:v8+s3+$0x0], $0xffff  }
0x33d: {  	s24 =	sor.u32 s18, s14;
	v2 =	vld.idx.msk [tilespmem:v2+s3+$0x0], $0xffff;
	[tilespmem:s13+$0x0] =	vst v7;
	v7 =	vadd.s32 $0x6280, v6  }
0x33e: {  	s26 =	sadd.s32 $0x14600, s22;
	v16 =	vadd.s32 $0x6300, v1;
	s1 =	sor.u32 s17, s14;
	v9 =	vld.idx.msk [tilespmem:v9+s3+$0x0], $0xffff;
	[tilespmem:s24+$0x0] =	vst v10  }
0x33f: {  	s4 =	sor.u32 s20, s26;
	v10 =	vadd.s32 $0x6300, v0;
	v11 =	vld.idx.msk [tilespmem:v11+s3+$0x0], $0xffff;
	[tilespmem:s1+$0x0] =	vst v12  }
0x340: {  	s0 =	sor.u32 s21, s26;
	v12 =	vadd.s32 $0x6300, v4;
	v13 =	vld.idx.msk [tilespmem:v13+s3+$0x0], $0xffff;
	[tilespmem:s4+$0x0] =	vst v14  }
0x341: {  	v14 =	vadd.s32 $0x6300, v3;
	[tilespmem:s0+$0x0] =	vst v8;
	v15 =	vld.idx.msk [tilespmem:v15+s3+$0x0], $0xffff  }
0x342: {  	s5 =	sor.u32 s23, s12;
	s6 =	sadd.s32 $0x14680, s19;
	[tilespmem:s25+$0x0] =	vst v2;
	v2 =	vadd.s32 $0x6300, v5;
	v7 =	vld.idx.msk [tilespmem:v7+s3+$0x0], $0xffff  }
0x343: {  	s7 =	sor.u32 s18, s6;
	v8 =	vld.idx.msk [tilespmem:v16+s3+$0x0], $0xffff;
	[tilespmem:s5+$0x0] =	vst v9;
	v9 =	vadd.s32 $0x6300, v6  }
0x344: {  	s8 =	sadd.s32 $0x14680, s22;
	s1 =	sor.u32 s17, s6;
	v16 =	vadd.s32 $0x6380, v1;
	v10 =	vld.idx.msk [tilespmem:v10+s3+$0x0], $0xffff;
	[tilespmem:s7+$0x0] =	vst v11  }
0x345: {  	s9 =	sor.u32 s20, s8;
	v11 =	vadd.s32 $0x6380, v0;
	v12 =	vld.idx.msk [tilespmem:v12+s3+$0x0], $0xffff;
	[tilespmem:s1+$0x0] =	vst v13  }
0x346: {  	s10 =	sadd.s32 $0x14700, s16;
	s0 =	sor.u32 s21, s8;
	v13 =	vadd.s32 $0x6380, v4;
	v14 =	vld.idx.msk [tilespmem:v14+s3+$0x0], $0xffff;
	[tilespmem:s9+$0x0] =	vst v15  }
0x347: {  	s11 =	sor.u32 s15, s10;
	v15 =	vadd.s32 $0x6380, v3;
	[tilespmem:s0+$0x0] =	vst v7;
	v2 =	vld.idx.msk [tilespmem:v2+s3+$0x0], $0xffff  }
0x348: {  	s12 =	sor.u32 s23, s10;
	s13 =	sadd.s32 $0x14700, s19;
	[tilespmem:s11+$0x0] =	vst v8;
	v7 =	vadd.s32 $0x6380, v5;
	v8 =	vld.idx.msk [tilespmem:v9+s3+$0x0], $0xffff  }
0x349: {  	s14 =	sor.u32 s18, s13;
	v9 =	vld.idx.msk [tilespmem:v16+s3+$0x0], $0xffff;
	[tilespmem:s12+$0x0] =	vst v10;
	v10 =	vadd.s32 $0x6380, v6  }
0x34a: {  	s24 =	sadd.s32 $0x14700, s22;
	s1 =	sor.u32 s17, s13;
	v16 =	vadd.s32 $0x7000, v1;
	v11 =	vld.idx.msk [tilespmem:v11+s3+$0x0], $0xffff;
	[tilespmem:s14+$0x0] =	vst v12  }
0x34b: {  	s25 =	sor.u32 s20, s24;
	v12 =	vadd.s32 $0x7000, v0;
	v13 =	vld.idx.msk [tilespmem:v13+s3+$0x0], $0xffff;
	[tilespmem:s1+$0x0] =	vst v14  }
0x34c: {  	s26 =	sadd.s32 $0x14780, s16;
	s0 =	sor.u32 s21, s24;
	v14 =	vadd.s32 $0x7000, v4;
	v15 =	vld.idx.msk [tilespmem:v15+s3+$0x0], $0xffff;
	[tilespmem:s25+$0x0] =	vst v2  }
0x34d: {  	s4 =	sor.u32 s15, s26;
	v2 =	vadd.s32 $0x7000, v3;
	[tilespmem:s0+$0x0] =	vst v8;
	v7 =	vld.idx.msk [tilespmem:v7+s3+$0x0], $0xffff  }
0x34e: {  	s6 =	sadd.s32 $0x14780, s19;
	s5 =	sor.u32 s23, s26;
	[tilespmem:s4+$0x0] =	vst v9;
	v8 =	vadd.s32 $0x7000, v5;
	v9 =	vld.idx.msk [tilespmem:v10+s3+$0x0], $0xffff  }
0x34f: {  	s7 =	sor.u32 s18, s6;
	v10 =	vld.idx.msk [tilespmem:v16+s3+$0x0], $0xffff;
	[tilespmem:s5+$0x0] =	vst v11;
	v11 =	vadd.s32 $0x7000, v6  }
0x350: {  	s8 =	sadd.s32 $0x14780, s22;
	s1 =	sor.u32 s17, s6;
	v16 =	vadd.s32 $0x7080, v1;
	v12 =	vld.idx.msk [tilespmem:v12+s3+$0x0], $0xffff;
	[tilespmem:s7+$0x0] =	vst v13  }
0x351: {  	s9 =	sor.u32 s20, s8;
	v13 =	vadd.s32 $0x7080, v0;
	v14 =	vld.idx.msk [tilespmem:v14+s3+$0x0], $0xffff;
	[tilespmem:s1+$0x0] =	vst v15  }
0x352: {  	s10 =	sadd.s32 $0x16400, s16;
	s0 =	sor.u32 s21, s8;
	v15 =	vadd.s32 $0x7080, v4;
	v2 =	vld.idx.msk [tilespmem:v2+s3+$0x0], $0xffff;
	[tilespmem:s9+$0x0] =	vst v7  }
0x353: {  	s11 =	sor.u32 s15, s10;
	v7 =	vadd.s32 $0x7080, v3;
	[tilespmem:s0+$0x0] =	vst v9;
	v8 =	vld.idx.msk [tilespmem:v8+s3+$0x0], $0xffff  }
0x354: {  	s13 =	sadd.s32 $0x16400, s19;
	s12 =	sor.u32 s23, s10;
	[tilespmem:s11+$0x0] =	vst v10;
	v9 =	vadd.s32 $0x7080, v5;
	v10 =	vld.idx.msk [tilespmem:v11+s3+$0x0], $0xffff  }
0x355: {  	s14 =	sor.u32 s18, s13;
	v11 =	vld.idx.msk [tilespmem:v16+s3+$0x0], $0xffff;
	[tilespmem:s12+$0x0] =	vst v12;
	v12 =	vadd.s32 $0x7080, v6  }
0x356: {  	s24 =	sadd.s32 $0x16400, s22;
	s1 =	sor.u32 s17, s13;
	v16 =	vadd.s32 $0x7100, v1;
	v13 =	vld.idx.msk [tilespmem:v13+s3+$0x0], $0xffff;
	[tilespmem:s14+$0x0] =	vst v14  }
0x357: {  	s25 =	sor.u32 s20, s24;
	v14 =	vadd.s32 $0x7100, v0;
	v15 =	vld.idx.msk [tilespmem:v15+s3+$0x0], $0xffff;
	[tilespmem:s1+$0x0] =	vst v2  }
0x358: {  	s26 =	sadd.s32 $0x16480, s16;
	s0 =	sor.u32 s21, s24;
	v2 =	vadd.s32 $0x7100, v4;
	v7 =	vld.idx.msk [tilespmem:v7+s3+$0x0], $0xffff;
	[tilespmem:s25+$0x0] =	vst v8  }
0x359: {  	s4 =	sor.u32 s15, s26;
	v8 =	vadd.s32 $0x7100, v3;
	[tilespmem:s0+$0x0] =	vst v10;
	v9 =	vld.idx.msk [tilespmem:v9+s3+$0x0], $0xffff  }
0x35a: {  	s6 =	sadd.s32 $0x16480, s19;
	s5 =	sor.u32 s23, s26;
	[tilespmem:s4+$0x0] =	vst v11;
	v10 =	vadd.s32 $0x7100, v5;
	v11 =	vld.idx.msk [tilespmem:v12+s3+$0x0], $0xffff  }
0x35b: {  	s7 =	sor.u32 s18, s6;
	v12 =	vld.idx.msk [tilespmem:v16+s3+$0x0], $0xffff;
	[tilespmem:s5+$0x0] =	vst v13;
	v13 =	vadd.s32 $0x7100, v6  }
0x35c: {  	s8 =	sadd.s32 $0x16480, s22;
	s1 =	sor.u32 s17, s6;
	v16 =	vadd.s32 $0x7180, v1;
	v14 =	vld.idx.msk [tilespmem:v14+s3+$0x0], $0xffff;
	[tilespmem:s7+$0x0] =	vst v15  }
0x35d: {  	s9 =	sor.u32 s20, s8;
	v15 =	vadd.s32 $0x7180, v0;
	v2 =	vld.idx.msk [tilespmem:v2+s3+$0x0], $0xffff;
	[tilespmem:s1+$0x0] =	vst v7  }
0x35e: {  	s10 =	sadd.s32 $0x16500, s16;
	s0 =	sor.u32 s21, s8;
	v7 =	vadd.s32 $0x7180, v4;
	v8 =	vld.idx.msk [tilespmem:v8+s3+$0x0], $0xffff;
	[tilespmem:s9+$0x0] =	vst v9  }
0x35f: {  	s11 =	sor.u32 s15, s10;
	v9 =	vadd.s32 $0x7180, v3;
	[tilespmem:s0+$0x0] =	vst v11;
	v10 =	vld.idx.msk [tilespmem:v10+s3+$0x0], $0xffff  }
0x360: {  	s13 =	sadd.s32 $0x16500, s19;
	s12 =	sor.u32 s23, s10;
	[tilespmem:s11+$0x0] =	vst v12;
	v11 =	vadd.s32 $0x7180, v5;
	v12 =	vld.idx.msk [tilespmem:v13+s3+$0x0], $0xffff  }
0x361: {  	s14 =	sor.u32 s18, s13;
	v13 =	vld.idx.msk [tilespmem:v16+s3+$0x0], $0xffff;
	[tilespmem:s12+$0x0] =	vst v14;
	v14 =	vadd.s32 $0x7180, v6  }
0x362: {  	s24 =	sadd.s32 $0x16500, s22;
	s1 =	sor.u32 s17, s13;
	v16 =	vadd.s32 $0x7200, v1;
	v15 =	vld.idx.msk [tilespmem:v15+s3+$0x0], $0xffff;
	[tilespmem:s14+$0x0] =	vst v2  }
0x363: {  	s25 =	sor.u32 s20, s24;
	v2 =	vadd.s32 $0x7200, v0;
	v7 =	vld.idx.msk [tilespmem:v7+s3+$0x0], $0xffff;
	[tilespmem:s1+$0x0] =	vst v8  }
0x364: {  	s26 =	sadd.s32 $0x16580, s16;
	s0 =	sor.u32 s21, s24;
	v8 =	vadd.s32 $0x7200, v4;
	v9 =	vld.idx.msk [tilespmem:v9+s3+$0x0], $0xffff;
	[tilespmem:s25+$0x0] =	vst v10  }
0x365: {  	s4 =	sor.u32 s15, s26;
	v10 =	vadd.s32 $0x7200, v3;
	[tilespmem:s0+$0x0] =	vst v12;
	v11 =	vld.idx.msk [tilespmem:v11+s3+$0x0], $0xffff  }
0x366: {  	s6 =	sadd.s32 $0x16580, s19;
	s5 =	sor.u32 s23, s26;
	[tilespmem:s4+$0x0] =	vst v13;
	v12 =	vadd.s32 $0x7200, v5;
	v13 =	vld.idx.msk [tilespmem:v14+s3+$0x0], $0xffff  }
0x367: {  	s7 =	sor.u32 s18, s6;
	v14 =	vld.idx.msk [tilespmem:v16+s3+$0x0], $0xffff;
	[tilespmem:s5+$0x0] =	vst v15;
	v15 =	vadd.s32 $0x7200, v6  }
0x368: {  	s8 =	sadd.s32 $0x16580, s22;
	s1 =	sor.u32 s17, s6;
	v16 =	vadd.s32 $0x7280, v1;
	v2 =	vld.idx.msk [tilespmem:v2+s3+$0x0], $0xffff;
	[tilespmem:s7+$0x0] =	vst v7  }
0x369: {  	s9 =	sor.u32 s20, s8;
	v7 =	vadd.s32 $0x7280, v0;
	v8 =	vld.idx.msk [tilespmem:v8+s3+$0x0], $0xffff;
	[tilespmem:s1+$0x0] =	vst v9  }
0x36a: {  	s10 =	sadd.s32 $0x16600, s16;
	s0 =	sor.u32 s21, s8;
	v9 =	vadd.s32 $0x7280, v4;
	v10 =	vld.idx.msk [tilespmem:v10+s3+$0x0], $0xffff;
	[tilespmem:s9+$0x0] =	vst v11  }
0x36b: {  	s11 =	sor.u32 s15, s10;
	v11 =	vadd.s32 $0x7280, v3;
	[tilespmem:s0+$0x0] =	vst v13;
	v12 =	vld.idx.msk [tilespmem:v12+s3+$0x0], $0xffff  }
0x36c: {  	s13 =	sadd.s32 $0x16600, s19;
	s12 =	sor.u32 s23, s10;
	[tilespmem:s11+$0x0] =	vst v14;
	v13 =	vadd.s32 $0x7280, v5;
	v14 =	vld.idx.msk [tilespmem:v15+s3+$0x0], $0xffff  }
0x36d: {  	s14 =	sor.u32 s18, s13;
	v15 =	vld.idx.msk [tilespmem:v16+s3+$0x0], $0xffff;
	[tilespmem:s12+$0x0] =	vst v2;
	v2 =	vadd.s32 $0x7280, v6  }
0x36e: {  	s24 =	sadd.s32 $0x16600, s22;
	s1 =	sor.u32 s17, s13;
	v16 =	vadd.s32 $0x7300, v1;
	v7 =	vld.idx.msk [tilespmem:v7+s3+$0x0], $0xffff;
	[tilespmem:s14+$0x0] =	vst v8  }
0x36f: {  	s25 =	sor.u32 s20, s24;
	v8 =	vadd.s32 $0x7300, v0;
	v9 =	vld.idx.msk [tilespmem:v9+s3+$0x0], $0xffff;
	[tilespmem:s1+$0x0] =	vst v10  }
0x370: {  	s26 =	sadd.s32 $0x16680, s16;
	s0 =	sor.u32 s21, s24;
	v10 =	vadd.s32 $0x7300, v4;
	v11 =	vld.idx.msk [tilespmem:v11+s3+$0x0], $0xffff;
	[tilespmem:s25+$0x0] =	vst v12  }
0x371: {  	s4 =	sor.u32 s15, s26;
	v12 =	vadd.s32 $0x7300, v3;
	[tilespmem:s0+$0x0] =	vst v14;
	v13 =	vld.idx.msk [tilespmem:v13+s3+$0x0], $0xffff  }
0x372: {  	s6 =	sadd.s32 $0x16680, s19;
	s5 =	sor.u32 s23, s26;
	[tilespmem:s4+$0x0] =	vst v15;
	v14 =	vadd.s32 $0x7300, v5;
	v2 =	vld.idx.msk [tilespmem:v2+s3+$0x0], $0xffff  }
0x373: {  	s7 =	sor.u32 s18, s6;
	v15 =	vld.idx.msk [tilespmem:v16+s3+$0x0], $0xffff;
	[tilespmem:s5+$0x0] =	vst v7;
	v7 =	vadd.s32 $0x7300, v6  }
0x374: {  	s8 =	sor.u32 s17, s6;
	s9 =	sadd.s32 $0x16680, s22;
	v1 =	vadd.s32 $0x7380, v1;
	v8 =	vld.idx.msk [tilespmem:v8+s3+$0x0], $0xffff;
	[tilespmem:s7+$0x0] =	vst v9  }
0x375: {  	s10 =	sor.u32 s20, s9;
	v0 =	vadd.s32 $0x7380, v0;
	v9 =	vld.idx.msk [tilespmem:v10+s3+$0x0], $0xffff;
	[tilespmem:s8+$0x0] =	vst v11  }
0x376: {  	s11 =	sadd.s32 $0x16700, s16;
	s12 =	sor.u32 s21, s9;
	v4 =	vadd.s32 $0x7380, v4;
	v10 =	vld.idx.msk [tilespmem:v12+s3+$0x0], $0xffff;
	[tilespmem:s10+$0x0] =	vst v13  }
0x377: {  	s13 =	sor.u32 s15, s11;
	v3 =	vadd.s32 $0x7380, v3;
	[tilespmem:s12+$0x0] =	vst v2;
	v11 =	vld.idx.msk [tilespmem:v14+s3+$0x0], $0xffff  }
0x378: {  	s24 =	sadd.s32 $0x16700, s19;
	s14 =	sor.u32 s23, s11;
	[tilespmem:s13+$0x0] =	vst v15;
	v2 =	vadd.s32 $0x7380, v5;
	v5 =	vld.idx.msk [tilespmem:v7+s3+$0x0], $0xffff  }
0x379: {  	s25 =	sor.u32 s18, s24;
	v6 =	vadd.s32 $0x7380, v6;
	v1 =	vld.idx.msk [tilespmem:v1+s3+$0x0], $0xffff;
	[tilespmem:s14+$0x0] =	vst v8  }
0x37a: {  	s26 =	sadd.s32 $0x16700, s22;
	s1 =	sor.u32 s17, s24;
	v0 =	vld.idx.msk [tilespmem:v0+s3+$0x0], $0xffff;
	[tilespmem:s25+$0x0] =	vst v9  }
0x37b: {  	s2 =	sor.u32 s20, s26;
	v4 =	vld.idx.msk [tilespmem:v4+s3+$0x0], $0xffff;
	[tilespmem:s1+$0x0] =	vst v10  }
0x37c: {  	s4 =	sadd.s32 $0x16780, s16;
	s0 =	sor.u32 s21, s26;
	v3 =	vld.idx.msk [tilespmem:v3+s3+$0x0], $0xffff;
	[tilespmem:s2+$0x0] =	vst v11  }
0x37d: {  	s5 =	sor.u32 s15, s4;
	[tilespmem:s0+$0x0] =	vst v5;
	v2 =	vld.idx.msk [tilespmem:v2+s3+$0x0], $0xffff  }
0x37e: {  	s6 =	sor.u32 s23, s4;
	s7 =	sadd.s32 $0x16780, s19;
	[tilespmem:s5+$0x0] =	vst v1;
	v1 =	vld.idx.msk [tilespmem:v6+s3+$0x0], $0xffff  }
0x37f: {  	s8 =	sor.u32 s18, s7;
	[tilespmem:s6+$0x0] =	vst v0  }
0x380: {  	s9 =	sadd.s32 $0x16780, s22;
	s1 =	sor.u32 s17, s7;
	[tilespmem:s8+$0x0] =	vst v4  }
0x381: {  	s10 =	sor.u32 s20, s9;
	[tilespmem:s1+$0x0] =	vst v3  }
0x382: {  	s0 =	sor.u32 s21, s9;
	[tilespmem:s10+$0x0] =	vst v2  }
0x383: {  	s11 =	simm.s32 $0x0;
	[tilespmem:s0+$0x0] =	vst v1  }
0x384: {  	s12 =	simm.s32 $0x8400;
	s13 =	simm.s32 $0x1;
	s1 =	rddreg [dreg:$0x7]  }
0x385: {  	[hbm4b:s1+s11] =	stream.linear.scatter [tilespmem:s12], [sflag:$0x1], $0x10000, $0x38;
	[tilespmem:$0x18400] =	vst v63  }
0x386: {  	_ =	swait.ge [sflag:s13], $0x10000  }
0x387: {  	s16 =	simm.s32 $0x80;
	s14 =	simm.s32 $0x8000;
	[sflag:s13] =	ssyncset.done $0x0  }
0x388: {  	s17 =	simm.s32 $0x400;
	s15 =	rddreg [dreg:$0x8];
	[sflag:s13] =	ssyncadd.s32 $0xFFFF0000  }
0x389: {  	[tilespmem:s14], [sflag:$0x1] =	stream.strided.gather [hbm4b:s15+s16], $0x400, s17, s16, $0x38;
	[tilespmem:$0x18400] =	vst v63  }
0x38a: {  	s23 =	sand.u32 $0x60, s11;
	_ =	swait.ge [sflag:s13], $0x400  }
0x38b: {  	s24 =	sor.u32 $0x10, s23;
	s18 =	sand.u32 $0x380, s11;
	[sflag:s13] =	ssyncset.done $0x0  }
0x38c: {  	s2 =	sor.u32 s24, s18;
	[sflag:s13] =	ssyncadd.s32 $0xFFFFFC00  }
0x38d: {  	v0 =	vld [tilespmem:s2+$0x8000]  }
0x38e: {  	v1 =	vld [tilespmem:s14+$0x0];
	_ =	sdelay $0x3  }
0x38f: {  	v2 =	vshll.u32 v0, $0x3  }
0x390: {  	v3 =	vshll.u32 v1, $0x3;
	v0 =	vand.u32 $0x7F, v0;
	v2 =	vand.u32 $0xFFFFFC00, v2  }
0x391: {  	v1 =	vand.u32 $0x7F, v1;
	v3 =	vand.u32 $0xFFFFFC00, v3;
	v7 =	vor.u32 v0, v2  }
0x392: {  	v2 =	vor.u32 v1, v3;
	_ =	sdelay $0x3  }
0x393: {  	v0 =	vld.idx.msk [tilespmem:v7+s3+$0x0], $0xffff  }
0x394: {  	v3 =	vor.u32 $0x80, v7;
	v1 =	vld.idx.msk [tilespmem:v2+s3+$0x0], $0xffff  }
0x395: {  	s25 =	sand.u32 $0x1C00, s11;
	v4 =	vor.u32 $0x80, v2  }
0x396: {  	s19 =	sadd.s32 $0x8400, s25  }
0x397: {  	s20 =	sor.u32 s24, s19  }
0x398: {  	s1 =	sor.u32 s23, s19;
	[tilespmem:s20+$0x0] =	vst v0  }
0x399: {  	[tilespmem:s1+$0x0] =	vst v1;
	v0 =	vld.idx.msk [tilespmem:v3+s3+$0x0], $0xffff  }
0x39a: {  	v1 =	vld.idx.msk [tilespmem:v4+s3+$0x0], $0xffff;
	v3 =	vor.u32 $0x100, v7  }
0x39b: {  	v4 =	vor.u32 $0x100, v2;
	_ =	sdelay $0x2  }
0x39c: {  	[tilespmem:s20+$0x80] =	vst v0  }
0x39d: {  	[tilespmem:s1+$0x80] =	vst v1;
	v0 =	vld.idx.msk [tilespmem:v3+s3+$0x0], $0xffff  }
0x39e: {  	v1 =	vld.idx.msk [tilespmem:v4+s3+$0x0], $0xffff;
	v3 =	vor.u32 $0x180, v7  }
0x39f: {  	v4 =	vor.u32 $0x180, v2;
	_ =	sdelay $0x2  }
0x3a0: {  	[tilespmem:s20+$0x100] =	vst v0  }
0x3a1: {  	[tilespmem:s1+$0x100] =	vst v1;
	v0 =	vld.idx.msk [tilespmem:v3+s3+$0x0], $0xffff  }
0x3a2: {  	v1 =	vld.idx.msk [tilespmem:v4+s3+$0x0], $0xffff;
	v3 =	vor.u32 $0x200, v7  }
0x3a3: {  	v4 =	vor.u32 $0x200, v2;
	_ =	sdelay $0x2  }
0x3a4: {  	[tilespmem:s20+$0x180] =	vst v0  }
0x3a5: {  	[tilespmem:s1+$0x180] =	vst v1;
	v0 =	vld.idx.msk [tilespmem:v3+s3+$0x0], $0xffff  }
0x3a6: {  	v1 =	vld.idx.msk [tilespmem:v4+s3+$0x0], $0xffff;
	v3 =	vor.u32 $0x280, v7  }
0x3a7: {  	v4 =	vor.u32 $0x280, v2;
	_ =	sdelay $0x2  }
0x3a8: {  	[tilespmem:s20+$0x200] =	vst v0  }
0x3a9: {  	[tilespmem:s1+$0x200] =	vst v1;
	v0 =	vld.idx.msk [tilespmem:v3+s3+$0x0], $0xffff  }
0x3aa: {  	v1 =	vld.idx.msk [tilespmem:v4+s3+$0x0], $0xffff;
	v3 =	vor.u32 $0x300, v7  }
0x3ab: {  	v4 =	vor.u32 $0x300, v2;
	_ =	sdelay $0x2  }
0x3ac: {  	[tilespmem:s20+$0x280] =	vst v0  }
0x3ad: {  	s21 =	sand.u32 $0x3, s11;
	[tilespmem:s1+$0x280] =	vst v1;
	v0 =	vld.idx.msk [tilespmem:v3+s3+$0x0], $0xffff  }
0x3ae: {  	s1 =	sshll.u32 s21, $0x5;
	v1 =	vld.idx.msk [tilespmem:v4+s3+$0x0], $0xffff;
	v3 =	vor.u32 $0x380, v7  }
0x3af: {  	s1 =	sadd.s32 $0x0, s1;
	v4 =	vor.u32 $0x380, v2  }
0x3b0: {  	s22 =	sadd.s32 $0x10, s1  }
0x3b1: {  	s26 =	sor.u32 $0x300, s22  }
0x3b2: {  	s1 =	sor.u32 $0x300, s1;
	[tilespmem:s26+$0x8400] =	vst v0  }
0x3b3: {  	[tilespmem:s1+$0x8400] =	vst v1;
	v0 =	vld.idx.msk [tilespmem:v3+s3+$0x0], $0xffff  }
0x3b4: {  	v1 =	vld.idx.msk [tilespmem:v4+s3+$0x0], $0xffff;
	v3 =	vadd.s32 $0x1000, v7  }
0x3b5: {  	v4 =	vadd.s32 $0x1000, v2;
	_ =	sdelay $0x1  }
0x3b6: {  	s0 =	sor.u32 s11, s11;
	s2 =	sor.u32 $0x380, s22  }
0x3b7: {  	s0 =	sor.u32 $0x380, s0;
	[tilespmem:s2+$0x8400] =	vst v0  }
0x3b8: {  	[tilespmem:s0+$0x8400] =	vst v1;
	v0 =	vld.idx.msk [tilespmem:v3+s3+$0x0], $0xffff  }
0x3b9: {  	v1 =	vld.idx.msk [tilespmem:v4+s3+$0x0], $0xffff;
	v3 =	vadd.s32 $0x1080, v7  }
0x3ba: {  	v4 =	vadd.s32 $0x1080, v2  }
0x3bb: {  	s4 =	sadd.s32 $0xA400, s25  }
0x3bc: {  	s5 =	sor.u32 s24, s4  }
0x3bd: {  	s0 =	sor.u32 s23, s4;
	[tilespmem:s5+$0x0] =	vst v0  }
0x3be: {  	[tilespmem:s0+$0x0] =	vst v1;
	v0 =	vld.idx.msk [tilespmem:v3+s3+$0x0], $0xffff  }
0x3bf: {  	v1 =	vld.idx.msk [tilespmem:v4+s3+$0x0], $0xffff;
	v3 =	vadd.s32 $0x1100, v7  }
0x3c0: {  	v4 =	vadd.s32 $0x1100, v2  }
0x3c1: {  	s6 =	sadd.s32 $0xA480, s25  }
0x3c2: {  	s7 =	sor.u32 s24, s6  }
0x3c3: {  	s0 =	sor.u32 s23, s6;
	[tilespmem:s7+$0x0] =	vst v0  }
0x3c4: {  	[tilespmem:s0+$0x0] =	vst v1;
	v0 =	vld.idx.msk [tilespmem:v3+s3+$0x0], $0xffff  }
0x3c5: {  	v1 =	vld.idx.msk [tilespmem:v4+s3+$0x0], $0xffff;
	v3 =	vadd.s32 $0x1180, v7  }
0x3c6: {  	v4 =	vadd.s32 $0x1180, v2  }
0x3c7: {  	s8 =	sadd.s32 $0xA500, s25  }
0x3c8: {  	s9 =	sor.u32 s24, s8  }
0x3c9: {  	s0 =	sor.u32 s23, s8;
	[tilespmem:s9+$0x0] =	vst v0  }
0x3ca: {  	[tilespmem:s0+$0x0] =	vst v1;
	v0 =	vld.idx.msk [tilespmem:v3+s3+$0x0], $0xffff  }
0x3cb: {  	v1 =	vld.idx.msk [tilespmem:v4+s3+$0x0], $0xffff;
	v3 =	vadd.s32 $0x1200, v7  }
0x3cc: {  	v4 =	vadd.s32 $0x1200, v2  }
0x3cd: {  	s10 =	sadd.s32 $0xA580, s25  }
0x3ce: {  	s11 =	sor.u32 s24, s10  }
0x3cf: {  	s0 =	sor.u32 s23, s10;
	[tilespmem:s11+$0x0] =	vst v0  }
0x3d0: {  	[tilespmem:s0+$0x0] =	vst v1;
	v0 =	vld.idx.msk [tilespmem:v3+s3+$0x0], $0xffff  }
0x3d1: {  	v1 =	vld.idx.msk [tilespmem:v4+s3+$0x0], $0xffff;
	v3 =	vadd.s32 $0x1280, v7  }
0x3d2: {  	v4 =	vadd.s32 $0x1280, v2  }
0x3d3: {  	s12 =	sadd.s32 $0xA600, s25  }
0x3d4: {  	s13 =	sor.u32 s24, s12  }
0x3d5: {  	s0 =	sor.u32 s23, s12;
	[tilespmem:s13+$0x0] =	vst v0  }
0x3d6: {  	[tilespmem:s0+$0x0] =	vst v1;
	v0 =	vld.idx.msk [tilespmem:v3+s3+$0x0], $0xffff  }
0x3d7: {  	v1 =	vld.idx.msk [tilespmem:v4+s3+$0x0], $0xffff;
	v3 =	vadd.s32 $0x1300, v7  }
0x3d8: {  	v4 =	vadd.s32 $0x1300, v2  }
0x3d9: {  	s14 =	sadd.s32 $0xA680, s25  }
0x3da: {  	s15 =	sor.u32 s24, s14  }
0x3db: {  	s0 =	sor.u32 s23, s14;
	[tilespmem:s15+$0x0] =	vst v0  }
0x3dc: {  	[tilespmem:s0+$0x0] =	vst v1;
	v0 =	vld.idx.msk [tilespmem:v3+s3+$0x0], $0xffff  }
0x3dd: {  	v1 =	vld.idx.msk [tilespmem:v4+s3+$0x0], $0xffff;
	v3 =	vadd.s32 $0x1380, v7  }
0x3de: {  	v4 =	vadd.s32 $0x1380, v2  }
0x3df: {  	s16 =	sadd.s32 $0xA700, s25  }
0x3e0: {  	s17 =	sor.u32 s24, s16  }
0x3e1: {  	s0 =	sor.u32 s23, s16;
	[tilespmem:s17+$0x0] =	vst v0  }
0x3e2: {  	[tilespmem:s0+$0x0] =	vst v1;
	v0 =	vld.idx.msk [tilespmem:v3+s3+$0x0], $0xffff  }
0x3e3: {  	v1 =	vld.idx.msk [tilespmem:v4+s3+$0x0], $0xffff  }
0x3e4: {  	v3 =	vadd.s32 $0x2000, v7  }
0x3e5: {  	s18 =	sadd.s32 $0xA780, s25  }
0x3e6: {  	s19 =	sor.u32 s24, s18  }
0x3e7: {  	s20 =	simm.s32 $0x8020;
	s0 =	sor.u32 s23, s18;
	[tilespmem:s19+$0x0] =	vst v0  }
0x3e8: {  	v0 =	vld [tilespmem:s20+$0x0];
	[tilespmem:s0+$0x0] =	vst v1;
	s0 =	simm.s32 $0x20  }
0x3e9: {  	v1 =	vadd.s32 $0x2000, v2;
	v3 =	vld.idx.msk [tilespmem:v3+s3+$0x0], $0xffff;
	s14 =	sand.u32 $0x60, s0  }
0x3ea: {  	v4 =	vadd.s32 $0x2080, v7;
	s21 =	sand.u32 $0x380, s0;
	s15 =	sor.u32 $0x10, s14  }
0x3eb: {  	s1 =	sor.u32 s15, s21  }
0x3ec: {  	s22 =	sadd.s32 $0xC400, s25;
	v5 =	vld [tilespmem:s1+$0x8000]  }
0x3ed: {  	s26 =	sor.u32 s24, s22  }
0x3ee: {  	v1 =	vld.idx.msk [tilespmem:v1+s3+$0x0], $0xffff;
	[tilespmem:s26+$0x0] =	vst v3  }
0x3ef: {  	v3 =	vadd.s32 $0x2080, v2;
	v4 =	vld.idx.msk [tilespmem:v4+s3+$0x0], $0xffff  }
0x3f0: {  	v6 =	vadd.s32 $0x2100, v7  }
0x3f1: {  	v8 =	vshll.u32 v5, $0x3  }
0x3f2: {  	s2 =	sor.u32 s23, s22;
	s4 =	sadd.s32 $0xC480, s25;
	v9 =	vshll.u32 v0, $0x3;
	v5 =	vand.u32 $0x7F, v5;
	v8 =	vand.u32 $0xFFFFFC00, v8  }
0x3f3: {  	s5 =	sor.u32 s24, s4;
	v0 =	vand.u32 $0x7F, v0;
	v9 =	vand.u32 $0xFFFFFC00, v9;
	[tilespmem:s2+$0x0] =	vst v1;
	v1 =	vor.u32 v5, v8  }
0x3f4: {  	v0 =	vor.u32 v0, v9;
	v3 =	vld.idx.msk [tilespmem:v3+s3+$0x0], $0xffff;
	[tilespmem:s5+$0x0] =	vst v4  }
0x3f5: {  	v4 =	vadd.s32 $0x2100, v2;
	v5 =	vld.idx.msk [tilespmem:v6+s3+$0x0], $0xffff  }
0x3f6: {  	v6 =	vadd.s32 $0x2180, v7;
	_ =	sdelay $0x1  }
0x3f7: {  	s6 =	sor.u32 s23, s4;
	s7 =	sadd.s32 $0xC500, s25;
	v8 =	vld.idx.msk [tilespmem:v1+s3+$0x0], $0xffff  }
0x3f8: {  	s8 =	sor.u32 s24, s7;
	s1 =	simm.s32 $0x100;
	v9 =	vld.idx.msk [tilespmem:v0+s3+$0x0], $0xffff;
	[tilespmem:s6+$0x0] =	vst v3;
	v3 =	vor.u32 $0x80, v1  }
0x3f9: {  	s16 =	sand.u32 $0x1C00, s1;
	v4 =	vld.idx.msk [tilespmem:v4+s3+$0x0], $0xffff;
	[tilespmem:s8+$0x0] =	vst v5;
	v5 =	vor.u32 $0x80, v0  }
0x3fa: {  	v10 =	vadd.s32 $0x2180, v2;
	s9 =	sadd.s32 $0x8400, s16;
	v6 =	vld.idx.msk [tilespmem:v6+s3+$0x0], $0xffff  }
0x3fb: {  	v11 =	vadd.s32 $0x2200, v7;
	s4 =	sor.u32 s15, s9  }
0x3fc: {  	s2 =	sor.u32 s14, s9;
	[tilespmem:s4+$0x0] =	vst v8  }
0x3fd: {  	s10 =	sadd.s32 $0xC580, s25;
	s5 =	sor.u32 s23, s7;
	[tilespmem:s2+$0x0] =	vst v9;
	v3 =	vld.idx.msk [tilespmem:v3+s3+$0x0], $0xffff  }
0x3fe: {  	s11 =	sor.u32 s24, s10;
	[tilespmem:s5+$0x0] =	vst v4;
	v4 =	vld.idx.msk [tilespmem:v5+s3+$0x0], $0xffff;
	v5 =	vor.u32 $0x100, v1  }
0x3ff: {  	v8 =	vld.idx.msk [tilespmem:v10+s3+$0x0], $0xffff;
	[tilespmem:s11+$0x0] =	vst v6;
	v6 =	vor.u32 $0x100, v0  }
0x400: {  	v9 =	vadd.s32 $0x2200, v2;
	v10 =	vld.idx.msk [tilespmem:v11+s3+$0x0], $0xffff  }
0x401: {  	v11 =	vadd.s32 $0x2280, v7  }
0x402: {  	[tilespmem:s4+$0x80] =	vst v3  }
0x403: {  	s12 =	sor.u32 s23, s10;
	s13 =	sadd.s32 $0xC600, s25;
	[tilespmem:s2+$0x80] =	vst v4;
	v3 =	vld.idx.msk [tilespmem:v5+s3+$0x0], $0xffff  }
0x404: {  	s17 =	sor.u32 s24, s13;
	[tilespmem:s12+$0x0] =	vst v8;
	v5 =	vor.u32 $0x180, v1;
	v4 =	vld.idx.msk [tilespmem:v6+s3+$0x0], $0xffff  }
0x405: {  	v8 =	vor.u32 $0x180, v0;
	v6 =	vld.idx.msk [tilespmem:v9+s3+$0x0], $0xffff;
	[tilespmem:s17+$0x0] =	vst v10  }
0x406: {  	v9 =	vadd.s32 $0x2280, v2;
	v10 =	vld.idx.msk [tilespmem:v11+s3+$0x0], $0xffff  }
0x407: {  	v11 =	vadd.s32 $0x2300, v7  }
0x408: {  	[tilespmem:s4+$0x100] =	vst v3  }
0x409: {  	s18 =	sor.u32 s23, s13;
	s19 =	sadd.s32 $0xC680, s25;
	[tilespmem:s2+$0x100] =	vst v4;
	v3 =	vld.idx.msk [tilespmem:v5+s3+$0x0], $0xffff  }
0x40a: {  	s20 =	sor.u32 s24, s19;
	[tilespmem:s18+$0x0] =	vst v6;
	v5 =	vor.u32 $0x200, v1;
	v4 =	vld.idx.msk [tilespmem:v8+s3+$0x0], $0xffff  }
0x40b: {  	v6 =	vld.idx.msk [tilespmem:v9+s3+$0x0], $0xffff;
	v8 =	vor.u32 $0x200, v0;
	[tilespmem:s20+$0x0] =	vst v10  }
0x40c: {  	v9 =	vadd.s32 $0x2300, v2;
	v10 =	vld.idx.msk [tilespmem:v11+s3+$0x0], $0xffff  }
0x40d: {  	v11 =	vadd.s32 $0x2380, v7  }
0x40e: {  	[tilespmem:s4+$0x180] =	vst v3  }
0x40f: {  	s22 =	sadd.s32 $0xC700, s25;
	s21 =	sor.u32 s23, s19;
	[tilespmem:s2+$0x180] =	vst v4;
	v3 =	vld.idx.msk [tilespmem:v5+s3+$0x0], $0xffff  }
0x410: {  	s26 =	sor.u32 s24, s22;
	[tilespmem:s21+$0x0] =	vst v6;
	v5 =	vor.u32 $0x280, v1;
	v4 =	vld.idx.msk [tilespmem:v8+s3+$0x0], $0xffff  }
0x411: {  	v6 =	vld.idx.msk [tilespmem:v9+s3+$0x0], $0xffff;
	v8 =	vor.u32 $0x280, v0;
	[tilespmem:s26+$0x0] =	vst v10  }
0x412: {  	v9 =	vadd.s32 $0x2380, v2;
	v10 =	vld.idx.msk [tilespmem:v11+s3+$0x0], $0xffff  }
0x413: {  	v11 =	vadd.s32 $0x3000, v7  }
0x414: {  	[tilespmem:s4+$0x200] =	vst v3  }
0x415: {  	s7 =	sor.u32 s23, s22;
	s8 =	sadd.s32 $0xC780, s25;
	[tilespmem:s2+$0x200] =	vst v4;
	v3 =	vld.idx.msk [tilespmem:v5+s3+$0x0], $0xffff  }
0x416: {  	s9 =	sor.u32 s24, s8;
	[tilespmem:s7+$0x0] =	vst v6;
	v5 =	vor.u32 $0x300, v1;
	v4 =	vld.idx.msk [tilespmem:v8+s3+$0x0], $0xffff  }
0x417: {  	v6 =	vld.idx.msk [tilespmem:v9+s3+$0x0], $0xffff;
	v8 =	vor.u32 $0x300, v0;
	[tilespmem:s9+$0x0] =	vst v10  }
0x418: {  	v9 =	vadd.s32 $0x3000, v2;
	v10 =	vld.idx.msk [tilespmem:v11+s3+$0x0], $0xffff  }
0x419: {  	v11 =	vadd.s32 $0x3080, v7  }
0x41a: {  	s10 =	simm.s32 $0x1;
	[tilespmem:s4+$0x280] =	vst v3  }
0x41b: {  	s11 =	sor.u32 s23, s8;
	s12 =	sadd.s32 $0xE400, s25;
	s4 =	sand.u32 $0x3, s10;
	[tilespmem:s2+$0x280] =	vst v4;
	v3 =	vld.idx.msk [tilespmem:v5+s3+$0x0], $0xffff  }
0x41c: {  	s13 =	sor.u32 s24, s12;
	[tilespmem:s11+$0x0] =	vst v6;
	s4 =	sshll.u32 s4, $0x5;
	v5 =	vor.u32 $0x380, v1;
	v4 =	vld.idx.msk [tilespmem:v8+s3+$0x0], $0xffff  }
0x41d: {  	v6 =	vld.idx.msk [tilespmem:v9+s3+$0x0], $0xffff;
	s4 =	sadd.s32 $0x100, s4;
	v8 =	vor.u32 $0x380, v0;
	[tilespmem:s13+$0x0] =	vst v10  }
0x41e: {  	v9 =	vadd.s32 $0x3080, v2;
	s17 =	sadd.s32 $0x10, s4;
	v10 =	vld.idx.msk [tilespmem:v11+s3+$0x0], $0xffff  }
0x41f: {  	s18 =	sor.u32 $0x300, s17;
	v11 =	vadd.s32 $0x3100, v7  }
0x420: {  	s4 =	sor.u32 $0x300, s4;
	[tilespmem:s18+$0x8400] =	vst v3  }
0x421: {  	s19 =	sadd.s32 $0xE480, s25;
	s2 =	sor.u32 s23, s12;
	[tilespmem:s4+$0x8400] =	vst v4;
	v3 =	vld.idx.msk [tilespmem:v5+s3+$0x0], $0xffff  }
0x422: {  	s20 =	sor.u32 s24, s19;
	[tilespmem:s2+$0x0] =	vst v6;
	v5 =	vadd.s32 $0x1000, v1;
	v4 =	vld.idx.msk [tilespmem:v8+s3+$0x0], $0xffff  }
0x423: {  	v6 =	vld.idx.msk [tilespmem:v9+s3+$0x0], $0xffff;
	v8 =	vadd.s32 $0x1000, v0;
	[tilespmem:s20+$0x0] =	vst v10  }
0x424: {  	v9 =	vadd.s32 $0x3100, v2;
	v10 =	vld.idx.msk [tilespmem:v11+s3+$0x0], $0xffff  }
0x425: {  	s0 =	sor.u32 s1, s0;
	s21 =	sor.u32 $0x380, s17;
	v11 =	vadd.s32 $0x3180, v7  }
0x426: {  	s0 =	sor.u32 $0x380, s0;
	[tilespmem:s21+$0x8400] =	vst v3  }
0x427: {  	s22 =	sor.u32 s23, s19;
	s26 =	sadd.s32 $0xE500, s25;
	[tilespmem:s0+$0x8400] =	vst v4;
	v3 =	vld.idx.msk [tilespmem:v5+s3+$0x0], $0xffff  }
0x428: {  	s4 =	sor.u32 s24, s26;
	[tilespmem:s22+$0x0] =	vst v6;
	v5 =	vadd.s32 $0x1080, v1;
	v4 =	vld.idx.msk [tilespmem:v8+s3+$0x0], $0xffff  }
0x429: {  	v6 =	vld.idx.msk [tilespmem:v9+s3+$0x0], $0xffff;
	v8 =	vadd.s32 $0x1080, v0;
	[tilespmem:s4+$0x0] =	vst v10  }
0x42a: {  	s5 =	sadd.s32 $0xA400, s16;
	v9 =	vadd.s32 $0x3180, v2;
	v10 =	vld.idx.msk [tilespmem:v11+s3+$0x0], $0xffff  }
0x42b: {  	s6 =	sor.u32 s15, s5;
	v11 =	vadd.s32 $0x3200, v7  }
0x42c: {  	s1 =	sor.u32 s14, s5;
	[tilespmem:s6+$0x0] =	vst v3  }
0x42d: {  	s7 =	sadd.s32 $0xE580, s25;
	s0 =	sor.u32 s23, s26;
	[tilespmem:s1+$0x0] =	vst v4;
	v3 =	vld.idx.msk [tilespmem:v5+s3+$0x0], $0xffff  }
0x42e: {  	s8 =	sor.u32 s24, s7;
	[tilespmem:s0+$0x0] =	vst v6;
	v5 =	vadd.s32 $0x1100, v1;
	v4 =	vld.idx.msk [tilespmem:v8+s3+$0x0], $0xffff  }
0x42f: {  	v6 =	vld.idx.msk [tilespmem:v9+s3+$0x0], $0xffff;
	v8 =	vadd.s32 $0x1100, v0;
	[tilespmem:s8+$0x0] =	vst v10  }
0x430: {  	s9 =	sadd.s32 $0xA480, s16;
	v9 =	vadd.s32 $0x3200, v2;
	v10 =	vld.idx.msk [tilespmem:v11+s3+$0x0], $0xffff  }
0x431: {  	s10 =	sor.u32 s15, s9;
	v11 =	vadd.s32 $0x3280, v7  }
0x432: {  	s0 =	sor.u32 s14, s9;
	[tilespmem:s10+$0x0] =	vst v3  }
0x433: {  	s11 =	sadd.s32 $0xE600, s25;
	s1 =	sor.u32 s23, s7;
	[tilespmem:s0+$0x0] =	vst v4;
	v3 =	vld.idx.msk [tilespmem:v5+s3+$0x0], $0xffff  }
0x434: {  	s12 =	sor.u32 s24, s11;
	[tilespmem:s1+$0x0] =	vst v6;
	v5 =	vadd.s32 $0x1180, v1;
	v4 =	vld.idx.msk [tilespmem:v8+s3+$0x0], $0xffff  }
0x435: {  	v6 =	vld.idx.msk [tilespmem:v9+s3+$0x0], $0xffff;
	v8 =	vadd.s32 $0x1180, v0;
	[tilespmem:s12+$0x0] =	vst v10  }
0x436: {  	s13 =	sadd.s32 $0xA500, s16;
	v9 =	vadd.s32 $0x3280, v2;
	v10 =	vld.idx.msk [tilespmem:v11+s3+$0x0], $0xffff  }
0x437: {  	s17 =	sor.u32 s15, s13;
	v11 =	vadd.s32 $0x3300, v7  }
0x438: {  	s1 =	sor.u32 s14, s13;
	[tilespmem:s17+$0x0] =	vst v3  }
0x439: {  	s18 =	sadd.s32 $0xE680, s25;
	s0 =	sor.u32 s23, s11;
	[tilespmem:s1+$0x0] =	vst v4;
	v3 =	vld.idx.msk [tilespmem:v5+s3+$0x0], $0xffff  }
0x43a: {  	s19 =	sor.u32 s24, s18;
	[tilespmem:s0+$0x0] =	vst v6;
	v5 =	vadd.s32 $0x1200, v1;
	v4 =	vld.idx.msk [tilespmem:v8+s3+$0x0], $0xffff  }
0x43b: {  	v6 =	vld.idx.msk [tilespmem:v9+s3+$0x0], $0xffff;
	v8 =	vadd.s32 $0x1200, v0;
	[tilespmem:s19+$0x0] =	vst v10  }
0x43c: {  	s20 =	sadd.s32 $0xA580, s16;
	v9 =	vadd.s32 $0x3300, v2;
	v10 =	vld.idx.msk [tilespmem:v11+s3+$0x0], $0xffff  }
0x43d: {  	s21 =	sor.u32 s15, s20;
	v11 =	vadd.s32 $0x3380, v7  }
0x43e: {  	s0 =	sor.u32 s14, s20;
	[tilespmem:s21+$0x0] =	vst v3  }
0x43f: {  	s22 =	sadd.s32 $0xE700, s25;
	s1 =	sor.u32 s23, s18;
	[tilespmem:s0+$0x0] =	vst v4;
	v3 =	vld.idx.msk [tilespmem:v5+s3+$0x0], $0xffff  }
0x440: {  	s26 =	sor.u32 s24, s22;
	[tilespmem:s1+$0x0] =	vst v6;
	v5 =	vadd.s32 $0x1280, v1;
	v4 =	vld.idx.msk [tilespmem:v8+s3+$0x0], $0xffff  }
0x441: {  	v6 =	vld.idx.msk [tilespmem:v9+s3+$0x0], $0xffff;
	v8 =	vadd.s32 $0x1280, v0;
	[tilespmem:s26+$0x0] =	vst v10  }
0x442: {  	s2 =	sadd.s32 $0xA600, s16;
	v9 =	vadd.s32 $0x3380, v2;
	v10 =	vld.idx.msk [tilespmem:v11+s3+$0x0], $0xffff  }
0x443: {  	s4 =	sor.u32 s15, s2;
	v11 =	vadd.s32 $0x4000, v7  }
0x444: {  	s1 =	sor.u32 s14, s2;
	[tilespmem:s4+$0x0] =	vst v3  }
0x445: {  	s5 =	sadd.s32 $0xE780, s25;
	s0 =	sor.u32 s23, s22;
	[tilespmem:s1+$0x0] =	vst v4;
	v3 =	vld.idx.msk [tilespmem:v5+s3+$0x0], $0xffff  }
0x446: {  	s6 =	sor.u32 s24, s5;
	[tilespmem:s0+$0x0] =	vst v6;
	v5 =	vadd.s32 $0x1300, v1;
	v4 =	vld.idx.msk [tilespmem:v8+s3+$0x0], $0xffff  }
0x447: {  	v6 =	vld.idx.msk [tilespmem:v9+s3+$0x0], $0xffff;
	v8 =	vadd.s32 $0x1300, v0;
	[tilespmem:s6+$0x0] =	vst v10  }
0x448: {  	s7 =	sadd.s32 $0xA680, s16;
	v9 =	vadd.s32 $0x4000, v2;
	v10 =	vld.idx.msk [tilespmem:v11+s3+$0x0], $0xffff  }
0x449: {  	s8 =	sor.u32 s15, s7;
	v11 =	vadd.s32 $0x4080, v7  }
0x44a: {  	s0 =	sor.u32 s14, s7;
	[tilespmem:s8+$0x0] =	vst v3  }
0x44b: {  	s9 =	sadd.s32 $0x10400, s25;
	s1 =	sor.u32 s23, s5;
	[tilespmem:s0+$0x0] =	vst v4;
	v3 =	vld.idx.msk [tilespmem:v5+s3+$0x0], $0xffff  }
0x44c: {  	s10 =	sor.u32 s24, s9;
	[tilespmem:s1+$0x0] =	vst v6;
	v5 =	vadd.s32 $0x1380, v1;
	v4 =	vld.idx.msk [tilespmem:v8+s3+$0x0], $0xffff  }
0x44d: {  	v6 =	vld.idx.msk [tilespmem:v9+s3+$0x0], $0xffff;
	v8 =	vadd.s32 $0x1380, v0;
	[tilespmem:s10+$0x0] =	vst v10  }
0x44e: {  	s11 =	sadd.s32 $0xA700, s16;
	v9 =	vadd.s32 $0x4080, v2;
	v10 =	vld.idx.msk [tilespmem:v11+s3+$0x0], $0xffff  }
0x44f: {  	s12 =	sor.u32 s15, s11;
	v11 =	vadd.s32 $0x4100, v7  }
0x450: {  	s1 =	sor.u32 s14, s11;
	[tilespmem:s12+$0x0] =	vst v3  }
0x451: {  	s13 =	sadd.s32 $0x10480, s25;
	s0 =	sor.u32 s23, s9;
	[tilespmem:s1+$0x0] =	vst v4;
	v3 =	vld.idx.msk [tilespmem:v5+s3+$0x0], $0xffff  }
0x452: {  	s17 =	sor.u32 s24, s13;
	[tilespmem:s0+$0x0] =	vst v6;
	v5 =	vadd.s32 $0x2000, v1;
	v4 =	vld.idx.msk [tilespmem:v8+s3+$0x0], $0xffff  }
0x453: {  	v6 =	vld.idx.msk [tilespmem:v9+s3+$0x0], $0xffff;
	v8 =	vadd.s32 $0x2000, v0;
	[tilespmem:s17+$0x0] =	vst v10  }
0x454: {  	s18 =	sadd.s32 $0xA780, s16;
	v9 =	vadd.s32 $0x4100, v2;
	v10 =	vld.idx.msk [tilespmem:v11+s3+$0x0], $0xffff  }
0x455: {  	s20 =	sor.u32 s15, s18;
	v11 =	vadd.s32 $0x4180, v7  }
0x456: {  	s0 =	sor.u32 s14, s18;
	[tilespmem:s20+$0x0] =	vst v3  }
0x457: {  	s21 =	sadd.s32 $0x10500, s25;
	s1 =	sor.u32 s23, s13;
	[tilespmem:s0+$0x0] =	vst v4;
	v3 =	vld.idx.msk [tilespmem:v5+s3+$0x0], $0xffff;
	s0 =	simm.s32 $0x40  }
0x458: {  	s22 =	sor.u32 s24, s21;
	[tilespmem:s1+$0x0] =	vst v6;
	v5 =	vadd.s32 $0x2080, v1;
	v4 =	vld.idx.msk [tilespmem:v8+s3+$0x0], $0xffff;
	s17 =	sand.u32 $0x60, s0  }
0x459: {  	v6 =	vld.idx.msk [tilespmem:v9+s3+$0x0], $0xffff;
	s26 =	sand.u32 $0x380, s0;
	v8 =	vadd.s32 $0x2080, v0;
	[tilespmem:s22+$0x0] =	vst v10;
	s18 =	sor.u32 $0x10, s17  }
0x45a: {  	s5 =	sadd.s32 $0xC400, s16;
	v9 =	vadd.s32 $0x4180, v2;
	v10 =	vld.idx.msk [tilespmem:v11+s3+$0x0], $0xffff;
	s4 =	sor.u32 s18, s26  }
0x45b: {  	v13 =	vadd.s32 $0x4200, v7;
	s19 =	simm.s32 $0x8040;
	s6 =	sor.u32 s15, s5;
	v11 =	vld [tilespmem:s4+$0x8000]  }
0x45c: {  	v12 =	vld [tilespmem:s19+$0x0];
	s1 =	sor.u32 s14, s5;
	[tilespmem:s6+$0x0] =	vst v3  }
0x45d: {  	s2 =	sor.u32 s23, s21;
	s7 =	sadd.s32 $0x10580, s25;
	[tilespmem:s1+$0x0] =	vst v4;
	v3 =	vld.idx.msk [tilespmem:v5+s3+$0x0], $0xffff  }
0x45e: {  	s8 =	sor.u32 s24, s7;
	[tilespmem:s2+$0x0] =	vst v6;
	v6 =	vadd.s32 $0x2100, v1;
	v5 =	vld.idx.msk [tilespmem:v8+s3+$0x0], $0xffff  }
0x45f: {  	v8 =	vld.idx.msk [tilespmem:v9+s3+$0x0], $0xffff;
	v9 =	vadd.s32 $0x2100, v0;
	[tilespmem:s8+$0x0] =	vst v10  }
0x460: {  	v15 =	vadd.s32 $0x4280, v7;
	s9 =	sadd.s32 $0xC480, s16;
	v10 =	vadd.s32 $0x4200, v2;
	v13 =	vld.idx.msk [tilespmem:v13+s3+$0x0], $0xffff;
	v14 =	vshll.u32 v11, $0x3  }
0x461: {  	s10 =	sor.u32 s15, s9;
	v4 =	vshll.u32 v12, $0x3;
	v11 =	vand.u32 $0x7F, v11;
	v14 =	vand.u32 $0xFFFFFC00, v14  }
0x462: {  	v12 =	vand.u32 $0x7F, v12;
	s2 =	sor.u32 s14, s9;
	v16 =	vand.u32 $0xFFFFFC00, v4;
	v4 =	vor.u32 v11, v14;
	[tilespmem:s10+$0x0] =	vst v3  }
0x463: {  	s11 =	sadd.s32 $0x10600, s25;
	s1 =	sor.u32 s23, s7;
	v3 =	vor.u32 v12, v16;
	[tilespmem:s2+$0x0] =	vst v5;
	v5 =	vld.idx.msk [tilespmem:v6+s3+$0x0], $0xffff  }
0x464: {  	s12 =	sor.u32 s24, s11;
	[tilespmem:s1+$0x0] =	vst v8;
	v8 =	vadd.s32 $0x2180, v1;
	v6 =	vld.idx.msk [tilespmem:v9+s3+$0x0], $0xffff  }
0x465: {  	v9 =	vld.idx.msk [tilespmem:v10+s3+$0x0], $0xffff;
	v10 =	vadd.s32 $0x2180, v0;
	[tilespmem:s12+$0x0] =	vst v13  }
0x466: {  	s13 =	sadd.s32 $0xC500, s16;
	v11 =	vadd.s32 $0x4280, v2;
	v12 =	vld.idx.msk [tilespmem:v15+s3+$0x0], $0xffff  }
0x467: {  	s19 =	sor.u32 s15, s13;
	v14 =	vadd.s32 $0x4300, v7;
	v13 =	vld.idx.msk [tilespmem:v4+s3+$0x0], $0xffff  }
0x468: {  	s20 =	sor.u32 s14, s13;
	v16 =	vor.u32 $0x80, v4;
	s1 =	simm.s32 $0x200;
	v15 =	vld.idx.msk [tilespmem:v3+s3+$0x0], $0xffff;
	[tilespmem:s19+$0x0] =	vst v5  }
0x469: {  	s21 =	sadd.s32 $0x10680, s25;
	s2 =	sor.u32 s23, s11;
	s19 =	sand.u32 $0x1C00, s1;
	v5 =	vor.u32 $0x80, v3;
	[tilespmem:s20+$0x0] =	vst v6;
	v6 =	vld.idx.msk [tilespmem:v8+s3+$0x0], $0xffff  }
0x46a: {  	s26 =	sor.u32 s24, s21;
	[tilespmem:s2+$0x0] =	vst v9;
	s22 =	sadd.s32 $0x8400, s19;
	v9 =	vadd.s32 $0x2200, v1;
	v8 =	vld.idx.msk [tilespmem:v10+s3+$0x0], $0xffff  }
0x46b: {  	v10 =	vld.idx.msk [tilespmem:v11+s3+$0x0], $0xffff;
	s4 =	sor.u32 s18, s22;
	v11 =	vadd.s32 $0x2200, v0;
	[tilespmem:s26+$0x0] =	vst v12  }
0x46c: {  	s7 =	sadd.s32 $0xC580, s16;
	s2 =	sor.u32 s17, s22;
	[tilespmem:s4+$0x0] =	vst v13;
	v12 =	vld.idx.msk [tilespmem:v14+s3+$0x0], $0xffff;
	v13 =	vadd.s32 $0x4300, v2  }
0x46d: {  	s8 =	sor.u32 s15, s7;
	[tilespmem:s2+$0x0] =	vst v15;
	v15 =	vadd.s32 $0x4380, v7;
	v14 =	vld.idx.msk [tilespmem:v16+s3+$0x0], $0xffff  }
0x46e: {  	s6 =	sor.u32 s14, s7;
	v5 =	vld.idx.msk [tilespmem:v5+s3+$0x0], $0xffff;
	v16 =	vor.u32 $0x100, v4;
	[tilespmem:s8+$0x0] =	vst v6  }
0x46f: {  	s5 =	sor.u32 s23, s21;
	s9 =	sadd.s32 $0x10700, s25;
	v6 =	vor.u32 $0x100, v3;
	[tilespmem:s6+$0x0] =	vst v8;
	v8 =	vld.idx.msk [tilespmem:v9+s3+$0x0], $0xffff  }
0x470: {  	s10 =	sor.u32 s24, s9;
	[tilespmem:s5+$0x0] =	vst v10;
	v10 =	vadd.s32 $0x2280, v1;
	v9 =	vld.idx.msk [tilespmem:v11+s3+$0x0], $0xffff  }
0x471: {  	v11 =	vld.idx.msk [tilespmem:v13+s3+$0x0], $0xffff;
	[tilespmem:s10+$0x0] =	vst v12;
	v12 =	vadd.s32 $0x2280, v0  }
0x472: {  	s11 =	sadd.s32 $0xC600, s16;
	[tilespmem:s4+$0x80] =	vst v14;
	v13 =	vld.idx.msk [tilespmem:v15+s3+$0x0], $0xffff;
	v14 =	vadd.s32 $0x4380, v2  }
0x473: {  	s12 =	sor.u32 s15, s11;
	[tilespmem:s2+$0x80] =	vst v5;
	v15 =	vadd.s32 $0x5000, v7;
	v5 =	vld.idx.msk [tilespmem:v16+s3+$0x0], $0xffff  }
0x474: {  	s5 =	sor.u32 s14, s11;
	v6 =	vld.idx.msk [tilespmem:v6+s3+$0x0], $0xffff;
	v16 =	vor.u32 $0x180, v4;
	[tilespmem:s12+$0x0] =	vst v8  }
0x475: {  	s13 =	sadd.s32 $0x10780, s25;
	s6 =	sor.u32 s23, s9;
	v8 =	vor.u32 $0x180, v3;
	[tilespmem:s5+$0x0] =	vst v9;
	v9 =	vld.idx.msk [tilespmem:v10+s3+$0x0], $0xffff  }
0x476: {  	s20 =	sor.u32 s24, s13;
	v10 =	vld.idx.msk [tilespmem:v12+s3+$0x0], $0xffff;
	[tilespmem:s6+$0x0] =	vst v11;
	v11 =	vadd.s32 $0x2300, v1  }
0x477: {  	v12 =	vld.idx.msk [tilespmem:v14+s3+$0x0], $0xffff;
	[tilespmem:s20+$0x0] =	vst v13;
	v13 =	vadd.s32 $0x2300, v0  }
0x478: {  	s21 =	sadd.s32 $0xC680, s16;
	v14 =	vadd.s32 $0x5000, v2;
	[tilespmem:s4+$0x100] =	vst v5;
	v5 =	vld.idx.msk [tilespmem:v15+s3+$0x0], $0xffff  }
0x479: {  	s22 =	sor.u32 s15, s21;
	[tilespmem:s2+$0x100] =	vst v6;
	v15 =	vadd.s32 $0x5080, v7;
	v6 =	vld.idx.msk [tilespmem:v16+s3+$0x0], $0xffff  }
0x47a: {  	s6 =	sor.u32 s14, s21;
	v8 =	vld.idx.msk [tilespmem:v8+s3+$0x0], $0xffff;
	v16 =	vor.u32 $0x200, v4;
	[tilespmem:s22+$0x0] =	vst v9  }
0x47b: {  	s26 =	sadd.s32 $0x12400, s25;
	s5 =	sor.u32 s23, s13;
	v9 =	vor.u32 $0x200, v3;
	[tilespmem:s6+$0x0] =	vst v10;
	v10 =	vld.idx.msk [tilespmem:v11+s3+$0x0], $0xffff  }
0x47c: {  	s7 =	sor.u32 s24, s26;
	v11 =	vld.idx.msk [tilespmem:v13+s3+$0x0], $0xffff;
	[tilespmem:s5+$0x0] =	vst v12;
	v12 =	vadd.s32 $0x2380, v1  }
0x47d: {  	v13 =	vld.idx.msk [tilespmem:v14+s3+$0x0], $0xffff;
	[tilespmem:s7+$0x0] =	vst v5;
	v5 =	vadd.s32 $0x2380, v0  }
0x47e: {  	s8 =	sadd.s32 $0xC700, s16;
	v14 =	vadd.s32 $0x5080, v2;
	[tilespmem:s4+$0x180] =	vst v6;
	v6 =	vld.idx.msk [tilespmem:v15+s3+$0x0], $0xffff  }
0x47f: {  	s9 =	sor.u32 s15, s8;
	[tilespmem:s2+$0x180] =	vst v8;
	v15 =	vadd.s32 $0x5100, v7;
	v8 =	vld.idx.msk [tilespmem:v16+s3+$0x0], $0xffff  }
0x480: {  	s5 =	sor.u32 s14, s8;
	v9 =	vld.idx.msk [tilespmem:v9+s3+$0x0], $0xffff;
	v16 =	vor.u32 $0x280, v4;
	[tilespmem:s9+$0x0] =	vst v10  }
0x481: {  	s10 =	sadd.s32 $0x12480, s25;
	s6 =	sor.u32 s23, s26;
	v10 =	vor.u32 $0x280, v3;
	[tilespmem:s5+$0x0] =	vst v11;
	v11 =	vld.idx.msk [tilespmem:v12+s3+$0x0], $0xffff  }
0x482: {  	s11 =	sor.u32 s24, s10;
	v12 =	vadd.s32 $0x3000, v1;
	v5 =	vld.idx.msk [tilespmem:v5+s3+$0x0], $0xffff;
	[tilespmem:s6+$0x0] =	vst v13  }
0x483: {  	v13 =	vld.idx.msk [tilespmem:v14+s3+$0x0], $0xffff;
	[tilespmem:s11+$0x0] =	vst v6;
	v6 =	vadd.s32 $0x3000, v0  }
0x484: {  	s12 =	sadd.s32 $0xC780, s16;
	v14 =	vadd.s32 $0x5100, v2;
	[tilespmem:s4+$0x200] =	vst v8;
	v8 =	vld.idx.msk [tilespmem:v15+s3+$0x0], $0xffff  }
0x485: {  	s13 =	sor.u32 s15, s12;
	[tilespmem:s2+$0x200] =	vst v9;
	v15 =	vadd.s32 $0x5180, v7;
	v9 =	vld.idx.msk [tilespmem:v16+s3+$0x0], $0xffff  }
0x486: {  	s6 =	sor.u32 s14, s12;
	v10 =	vld.idx.msk [tilespmem:v10+s3+$0x0], $0xffff;
	v16 =	vor.u32 $0x300, v4;
	[tilespmem:s13+$0x0] =	vst v11  }
0x487: {  	s20 =	sadd.s32 $0x12500, s25;
	s5 =	sor.u32 s23, s10;
	v11 =	vor.u32 $0x300, v3;
	[tilespmem:s6+$0x0] =	vst v5;
	v5 =	vld.idx.msk [tilespmem:v12+s3+$0x0], $0xffff  }
0x488: {  	s21 =	sor.u32 s24, s20;
	v12 =	vadd.s32 $0x3080, v1;
	v6 =	vld.idx.msk [tilespmem:v6+s3+$0x0], $0xffff;
	[tilespmem:s5+$0x0] =	vst v13  }
0x489: {  	v13 =	vld.idx.msk [tilespmem:v14+s3+$0x0], $0xffff;
	[tilespmem:s21+$0x0] =	vst v8;
	v8 =	vadd.s32 $0x3080, v0  }
0x48a: {  	s22 =	sadd.s32 $0xE400, s16;
	s26 =	simm.s32 $0x2;
	v14 =	vadd.s32 $0x5180, v2;
	[tilespmem:s4+$0x280] =	vst v9;
	v9 =	vld.idx.msk [tilespmem:v15+s3+$0x0], $0xffff  }
0x48b: {  	s7 =	sor.u32 s15, s22;
	s5 =	sand.u32 $0x3, s26;
	[tilespmem:s2+$0x280] =	vst v10;
	v15 =	vadd.s32 $0x5200, v7;
	v10 =	vld.idx.msk [tilespmem:v16+s3+$0x0], $0xffff  }
0x48c: {  	s4 =	sor.u32 s14, s22;
	s2 =	sshll.u32 s5, $0x5;
	v11 =	vld.idx.msk [tilespmem:v11+s3+$0x0], $0xffff;
	v16 =	vor.u32 $0x380, v4;
	[tilespmem:s7+$0x0] =	vst v5  }
0x48d: {  	s8 =	sor.u32 s23, s20;
	s9 =	sadd.s32 $0x12580, s25;
	s2 =	sadd.s32 $0x200, s2;
	v5 =	vor.u32 $0x380, v3;
	[tilespmem:s4+$0x0] =	vst v6;
	v6 =	vld.idx.msk [tilespmem:v12+s3+$0x0], $0xffff  }
0x48e: {  	s11 =	sor.u32 s24, s9;
	s10 =	sadd.s32 $0x10, s2;
	v12 =	vadd.s32 $0x3100, v1;
	v8 =	vld.idx.msk [tilespmem:v8+s3+$0x0], $0xffff;
	[tilespmem:s8+$0x0] =	vst v13  }
0x48f: {  	s12 =	sor.u32 $0x300, s10;
	v13 =	vld.idx.msk [tilespmem:v14+s3+$0x0], $0xffff;
	[tilespmem:s11+$0x0] =	vst v9;
	v9 =	vadd.s32 $0x3100, v0  }
0x490: {  	s13 =	sadd.s32 $0xE480, s16;
	s2 =	sor.u32 $0x300, s2;
	v14 =	vadd.s32 $0x5200, v2;
	[tilespmem:s12+$0x8400] =	vst v10;
	v10 =	vld.idx.msk [tilespmem:v15+s3+$0x0], $0xffff  }
0x491: {  	s20 =	sor.u32 s15, s13;
	[tilespmem:s2+$0x8400] =	vst v11;
	v15 =	vadd.s32 $0x5280, v7;
	v11 =	vld.idx.msk [tilespmem:v16+s3+$0x0], $0xffff  }
0x492: {  	s5 =	sor.u32 s14, s13;
	v5 =	vld.idx.msk [tilespmem:v5+s3+$0x0], $0xffff;
	[tilespmem:s20+$0x0] =	vst v6  }
0x493: {  	s21 =	sor.u32 s23, s9;
	s22 =	sadd.s32 $0x12600, s25;
	v16 =	vadd.s32 $0x1000, v4;
	[tilespmem:s5+$0x0] =	vst v8;
	v8 =	vld.idx.msk [tilespmem:v12+s3+$0x0], $0xffff  }
0x494: {  	s26 =	sor.u32 s24, s22;
	v6 =	vadd.s32 $0x1000, v3;
	v9 =	vld.idx.msk [tilespmem:v9+s3+$0x0], $0xffff;
	[tilespmem:s21+$0x0] =	vst v13  }
0x495: {  	s0 =	sor.u32 s1, s0;
	s5 =	sor.u32 $0x380, s10;
	v12 =	vadd.s32 $0x3180, v1;
	v13 =	vld.idx.msk [tilespmem:v14+s3+$0x0], $0xffff;
	[tilespmem:s26+$0x0] =	vst v10  }
0x496: {  	s0 =	sor.u32 $0x380, s0;
	s7 =	simm.s32 $0x8060;
	v10 =	vadd.s32 $0x3180, v0;
	[tilespmem:s5+$0x8400] =	vst v11;
	v11 =	vld.idx.msk [tilespmem:v15+s3+$0x0], $0xffff  }
0x497: {  	s6 =	sadd.s32 $0xE500, s16;
	[tilespmem:s0+$0x8400] =	vst v5;
	v15 =	vadd.s32 $0x5280, v2;
	v5 =	vld [tilespmem:s7+$0x0]  }
0x498: {  	s8 =	sor.u32 s15, s6;
	v14 =	vld.idx.msk [tilespmem:v16+s3+$0x0], $0xffff;
	v16 =	vadd.s32 $0x5300, v7  }
0x499: {  	v17 =	vadd.s32 $0x1080, v4;
	s0 =	sor.u32 s14, s6;
	v6 =	vld.idx.msk [tilespmem:v6+s3+$0x0], $0xffff;
	[tilespmem:s8+$0x0] =	vst v8  }
0x49a: {  	s9 =	sor.u32 s23, s22;
	s10 =	sadd.s32 $0x12680, s25;
	v8 =	vadd.s32 $0x1080, v3;
	[tilespmem:s0+$0x0] =	vst v9;
	v9 =	vld.idx.msk [tilespmem:v12+s3+$0x0], $0xffff  }
0x49b: {  	s11 =	sadd.s32 $0xA400, s19;
	s12 =	sor.u32 s24, s10;
	v12 =	vadd.s32 $0x3200, v1;
	v10 =	vld.idx.msk [tilespmem:v10+s3+$0x0], $0xffff;
	[tilespmem:s9+$0x0] =	vst v13  }
0x49c: {  	s13 =	sor.u32 s18, s11;
	v13 =	vld.idx.msk [tilespmem:v15+s3+$0x0], $0xffff;
	[tilespmem:s12+$0x0] =	vst v11;
	v11 =	vadd.s32 $0x3200, v0  }
0x49d: {  	s20 =	sor.u32 s17, s11;
	s21 =	sadd.s32 $0xE580, s16;
	v15 =	vadd.s32 $0x5300, v2;
	[tilespmem:s13+$0x0] =	vst v14;
	v14 =	vld.idx.msk [tilespmem:v16+s3+$0x0], $0xffff  }
0x49e: {  	s22 =	sor.u32 s15, s21;
	[tilespmem:s20+$0x0] =	vst v6;
	v16 =	vadd.s32 $0x5380, v7;
	v6 =	vld.idx.msk [tilespmem:v17+s3+$0x0], $0xffff  }
0x49f: {  	s2 =	sor.u32 s14, s21;
	v8 =	vld.idx.msk [tilespmem:v8+s3+$0x0], $0xffff;
	v17 =	vadd.s32 $0x1100, v4;
	[tilespmem:s22+$0x0] =	vst v9  }
0x4a0: {  	s26 =	sadd.s32 $0x12700, s25;
	s0 =	sor.u32 s23, s10;
	v9 =	vadd.s32 $0x1100, v3;
	[tilespmem:s2+$0x0] =	vst v10;
	v10 =	vld.idx.msk [tilespmem:v12+s3+$0x0], $0xffff  }
0x4a1: {  	s5 =	sadd.s32 $0xA480, s19;
	s6 =	sor.u32 s24, s26;
	v12 =	vadd.s32 $0x3280, v1;
	v11 =	vld.idx.msk [tilespmem:v11+s3+$0x0], $0xffff;
	[tilespmem:s0+$0x0] =	vst v13  }
0x4a2: {  	s7 =	sor.u32 s18, s5;
	v13 =	vld.idx.msk [tilespmem:v15+s3+$0x0], $0xffff;
	[tilespmem:s6+$0x0] =	vst v14;
	v14 =	vadd.s32 $0x3280, v0  }
0x4a3: {  	s8 =	sor.u32 s17, s5;
	s9 =	sadd.s32 $0xE600, s16;
	v15 =	vadd.s32 $0x5380, v2;
	[tilespmem:s7+$0x0] =	vst v6;
	v6 =	vld.idx.msk [tilespmem:v16+s3+$0x0], $0xffff  }
0x4a4: {  	s10 =	sor.u32 s15, s9;
	[tilespmem:s8+$0x0] =	vst v8;
	v16 =	vadd.s32 $0x6000, v7;
	v8 =	vld.idx.msk [tilespmem:v17+s3+$0x0], $0xffff  }
0x4a5: {  	s2 =	sor.u32 s14, s9;
	v9 =	vld.idx.msk [tilespmem:v9+s3+$0x0], $0xffff;
	v17 =	vadd.s32 $0x1180, v4;
	[tilespmem:s10+$0x0] =	vst v10  }
0x4a6: {  	s11 =	sor.u32 s23, s26;
	s12 =	sadd.s32 $0x12780, s25;
	v10 =	vadd.s32 $0x1180, v3;
	[tilespmem:s2+$0x0] =	vst v11;
	v11 =	vld.idx.msk [tilespmem:v12+s3+$0x0], $0xffff  }
0x4a7: {  	s13 =	sadd.s32 $0xA500, s19;
	s20 =	sor.u32 s24, s12;
	v12 =	vld.idx.msk [tilespmem:v14+s3+$0x0], $0xffff;
	[tilespmem:s11+$0x0] =	vst v13;
	v13 =	vadd.s32 $0x3300, v1  }
0x4a8: {  	s21 =	sor.u32 s18, s13;
	v14 =	vld.idx.msk [tilespmem:v15+s3+$0x0], $0xffff;
	[tilespmem:s20+$0x0] =	vst v6;
	v6 =	vadd.s32 $0x3300, v0  }
0x4a9: {  	s26 =	sadd.s32 $0xE680, s16;
	s22 =	sor.u32 s17, s13;
	v15 =	vadd.s32 $0x6000, v2;
	[tilespmem:s21+$0x0] =	vst v8;
	v8 =	vld.idx.msk [tilespmem:v16+s3+$0x0], $0xffff  }
0x4aa: {  	s4 =	sor.u32 s15, s26;
	[tilespmem:s22+$0x0] =	vst v9;
	v16 =	vadd.s32 $0x6080, v7;
	v9 =	vld.idx.msk [tilespmem:v17+s3+$0x0], $0xffff  }
0x4ab: {  	s2 =	sor.u32 s14, s26;
	v10 =	vld.idx.msk [tilespmem:v10+s3+$0x0], $0xffff;
	v17 =	vadd.s32 $0x1200, v4;
	[tilespmem:s4+$0x0] =	vst v11  }
0x4ac: {  	s5 =	sor.u32 s23, s12;
	s6 =	sadd.s32 $0x14400, s25;
	v11 =	vadd.s32 $0x1200, v3;
	[tilespmem:s2+$0x0] =	vst v12;
	v12 =	vld.idx.msk [tilespmem:v13+s3+$0x0], $0xffff  }
0x4ad: {  	s7 =	sadd.s32 $0xA580, s19;
	s8 =	sor.u32 s24, s6;
	v13 =	vadd.s32 $0x3380, v1;
	v6 =	vld.idx.msk [tilespmem:v6+s3+$0x0], $0xffff;
	[tilespmem:s5+$0x0] =	vst v14  }
0x4ae: {  	s9 =	sor.u32 s18, s7;
	v14 =	vld.idx.msk [tilespmem:v15+s3+$0x0], $0xffff;
	[tilespmem:s8+$0x0] =	vst v8;
	v8 =	vadd.s32 $0x3380, v0  }
0x4af: {  	s10 =	sor.u32 s17, s7;
	s11 =	sadd.s32 $0xE700, s16;
	v15 =	vadd.s32 $0x6080, v2;
	[tilespmem:s9+$0x0] =	vst v9;
	v9 =	vld.idx.msk [tilespmem:v16+s3+$0x0], $0xffff  }
0x4b0: {  	s12 =	sor.u32 s15, s11;
	[tilespmem:s10+$0x0] =	vst v10;
	v16 =	vadd.s32 $0x6100, v7;
	v10 =	vld.idx.msk [tilespmem:v17+s3+$0x0], $0xffff  }
0x4b1: {  	s2 =	sor.u32 s14, s11;
	v11 =	vld.idx.msk [tilespmem:v11+s3+$0x0], $0xffff;
	v17 =	vadd.s32 $0x1280, v4;
	[tilespmem:s12+$0x0] =	vst v12  }
0x4b2: {  	s13 =	sor.u32 s23, s6;
	s20 =	sadd.s32 $0x14480, s25;
	v12 =	vadd.s32 $0x1280, v3;
	[tilespmem:s2+$0x0] =	vst v6;
	v6 =	vld.idx.msk [tilespmem:v13+s3+$0x0], $0xffff  }
0x4b3: {  	s21 =	sadd.s32 $0xA600, s19;
	s22 =	sor.u32 s24, s20;
	v13 =	vadd.s32 $0x4000, v1;
	v8 =	vld.idx.msk [tilespmem:v8+s3+$0x0], $0xffff;
	[tilespmem:s13+$0x0] =	vst v14  }
0x4b4: {  	s26 =	sor.u32 s18, s21;
	v14 =	vld.idx.msk [tilespmem:v15+s3+$0x0], $0xffff;
	[tilespmem:s22+$0x0] =	vst v9;
	v9 =	vadd.s32 $0x4000, v0  }
0x4b5: {  	s6 =	sadd.s32 $0xE780, s16;
	s5 =	sor.u32 s17, s21;
	v15 =	vadd.s32 $0x6100, v2;
	[tilespmem:s26+$0x0] =	vst v10;
	v10 =	vld.idx.msk [tilespmem:v16+s3+$0x0], $0xffff  }
0x4b6: {  	s7 =	sor.u32 s15, s6;
	[tilespmem:s5+$0x0] =	vst v11;
	v16 =	vadd.s32 $0x6180, v7;
	v11 =	vld.idx.msk [tilespmem:v17+s3+$0x0], $0xffff  }
0x4b7: {  	s2 =	sor.u32 s14, s6;
	v12 =	vld.idx.msk [tilespmem:v12+s3+$0x0], $0xffff;
	v17 =	vadd.s32 $0x1300, v4;
	[tilespmem:s7+$0x0] =	vst v6  }
0x4b8: {  	s8 =	sor.u32 s23, s20;
	s9 =	sadd.s32 $0x14500, s25;
	v6 =	vadd.s32 $0x1300, v3;
	[tilespmem:s2+$0x0] =	vst v8;
	v8 =	vld.idx.msk [tilespmem:v13+s3+$0x0], $0xffff  }
0x4b9: {  	s10 =	sadd.s32 $0xA680, s19;
	s11 =	sor.u32 s24, s9;
	v13 =	vadd.s32 $0x4080, v1;
	v9 =	vld.idx.msk [tilespmem:v9+s3+$0x0], $0xffff;
	[tilespmem:s8+$0x0] =	vst v14  }
0x4ba: {  	s12 =	sor.u32 s18, s10;
	v14 =	vld.idx.msk [tilespmem:v15+s3+$0x0], $0xffff;
	[tilespmem:s11+$0x0] =	vst v10;
	v10 =	vadd.s32 $0x4080, v0  }
0x4bb: {  	s20 =	sadd.s32 $0x10400, s16;
	s13 =	sor.u32 s17, s10;
	v15 =	vadd.s32 $0x6180, v2;
	[tilespmem:s12+$0x0] =	vst v11;
	v11 =	vld.idx.msk [tilespmem:v16+s3+$0x0], $0xffff  }
0x4bc: {  	s21 =	sor.u32 s15, s20;
	[tilespmem:s13+$0x0] =	vst v12;
	v16 =	vadd.s32 $0x6200, v7;
	v12 =	vld.idx.msk [tilespmem:v17+s3+$0x0], $0xffff  }
0x4bd: {  	s2 =	sor.u32 s14, s20;
	v6 =	vld.idx.msk [tilespmem:v6+s3+$0x0], $0xffff;
	v17 =	vadd.s32 $0x1380, v4;
	[tilespmem:s21+$0x0] =	vst v8  }
0x4be: {  	s22 =	sor.u32 s23, s9;
	s26 =	sadd.s32 $0x14580, s25;
	v8 =	vadd.s32 $0x1380, v3;
	[tilespmem:s2+$0x0] =	vst v9;
	v9 =	vld.idx.msk [tilespmem:v13+s3+$0x0], $0xffff  }
0x4bf: {  	s4 =	sadd.s32 $0xA700, s19;
	s5 =	sor.u32 s24, s26;
	v13 =	vadd.s32 $0x4100, v1;
	v10 =	vld.idx.msk [tilespmem:v10+s3+$0x0], $0xffff;
	[tilespmem:s22+$0x0] =	vst v14  }
0x4c0: {  	s6 =	sor.u32 s18, s4;
	v14 =	vld.idx.msk [tilespmem:v15+s3+$0x0], $0xffff;
	[tilespmem:s5+$0x0] =	vst v11;
	v11 =	vadd.s32 $0x4100, v0  }
0x4c1: {  	s7 =	sor.u32 s17, s4;
	s8 =	sadd.s32 $0x10480, s16;
	v15 =	vadd.s32 $0x6200, v2;
	[tilespmem:s6+$0x0] =	vst v12;
	v12 =	vld.idx.msk [tilespmem:v16+s3+$0x0], $0xffff  }
0x4c2: {  	s9 =	sor.u32 s15, s8;
	[tilespmem:s7+$0x0] =	vst v6;
	v16 =	vadd.s32 $0x6280, v7;
	v6 =	vld.idx.msk [tilespmem:v17+s3+$0x0], $0xffff  }
0x4c3: {  	s2 =	sor.u32 s14, s8;
	v8 =	vld.idx.msk [tilespmem:v8+s3+$0x0], $0xffff;
	v17 =	vadd.s32 $0x2000, v4;
	[tilespmem:s9+$0x0] =	vst v9  }
0x4c4: {  	s10 =	sor.u32 s23, s26;
	s11 =	sadd.s32 $0x14600, s25;
	v9 =	vadd.s32 $0x2000, v3;
	[tilespmem:s2+$0x0] =	vst v10;
	v10 =	vld.idx.msk [tilespmem:v13+s3+$0x0], $0xffff  }
0x4c5: {  	s12 =	sadd.s32 $0xA780, s19;
	s13 =	sor.u32 s24, s11;
	v13 =	vadd.s32 $0x4180, v1;
	v11 =	vld.idx.msk [tilespmem:v11+s3+$0x0], $0xffff;
	[tilespmem:s10+$0x0] =	vst v14  }
0x4c6: {  	s20 =	sor.u32 s18, s12;
	v14 =	vld.idx.msk [tilespmem:v15+s3+$0x0], $0xffff;
	[tilespmem:s13+$0x0] =	vst v12  }
0x4c7: {  	s26 =	simm.s32 $0x60;
	s21 =	sor.u32 s17, s12;
	s22 =	sadd.s32 $0x10500, s16;
	v12 =	vadd.s32 $0x4180, v0;
	[tilespmem:s20+$0x0] =	vst v6;
	v6 =	vld.idx.msk [tilespmem:v16+s3+$0x0], $0xffff  }
0x4c8: {  	s4 =	sor.u32 s15, s22;
	v15 =	vadd.s32 $0x6300, v7;
	[tilespmem:s21+$0x0] =	vst v8;
	s21 =	sand.u32 $0x60, s26;
	v8 =	vld.idx.msk [tilespmem:v17+s3+$0x0], $0xffff  }
0x4c9: {  	s5 =	sand.u32 $0x380, s26;
	s2 =	sor.u32 s14, s22;
	v16 =	vadd.s32 $0x2080, v4;
	v9 =	vld.idx.msk [tilespmem:v9+s3+$0x0], $0xffff;
	s20 =	sor.u32 $0x10, s21;
	[tilespmem:s4+$0x0] =	vst v10  }
0x4ca: {  	s4 =	sadd.s32 $0x14680, s25;
	v10 =	vadd.s32 $0x2080, v3;
	s0 =	sor.u32 s20, s5;
	[tilespmem:s2+$0x0] =	vst v11;
	v11 =	vld.idx.msk [tilespmem:v13+s3+$0x0], $0xffff  }
0x4cb: {  	s6 =	sadd.s32 $0xC400, s19;
	v13 =	vadd.s32 $0x6280, v2;
	s7 =	sor.u32 s24, s4;
	v18 =	vld [tilespmem:s0+$0x8000]  }
0x4cc: {  	v19 =	vadd.s32 $0x4200, v1;
	s8 =	sor.u32 s18, s6;
	v17 =	vshll.u32 v5, $0x3;
	v12 =	vld.idx.msk [tilespmem:v12+s3+$0x0], $0xffff;
	[tilespmem:s7+$0x0] =	vst v6  }
0x4cd: {  	v5 =	vand.u32 $0x7F, v5;
	s2 =	sor.u32 s17, s6;
	v6 =	vand.u32 $0xFFFFFC00, v17;
	[tilespmem:s8+$0x0] =	vst v8;
	v8 =	vadd.s32 $0x4200, v0;
	v15 =	vld.idx.msk [tilespmem:v15+s3+$0x0], $0xffff  }
0x4ce: {  	s9 =	sor.u32 s23, s11;
	s10 =	sadd.s32 $0x10580, s16;
	v6 =	vor.u32 v5, v6;
	[tilespmem:s2+$0x0] =	vst v9;
	v9 =	vld.idx.msk [tilespmem:v16+s3+$0x0], $0xffff  }
0x4cf: {  	s11 =	sor.u32 s15, s10;
	[tilespmem:s9+$0x0] =	vst v14;
	v14 =	vadd.s32 $0x6380, v7;
	v10 =	vld.idx.msk [tilespmem:v10+s3+$0x0], $0xffff  }
0x4d0: {  	s1 =	sor.u32 s14, s10;
	v16 =	vadd.s32 $0x2100, v4;
	[tilespmem:s11+$0x0] =	vst v11;
	v11 =	vld.idx.msk [tilespmem:v13+s3+$0x0], $0xffff  }
0x4d1: {  	v13 =	vadd.s32 $0x2100, v3;
	[tilespmem:s1+$0x0] =	vst v12;
	v12 =	vld.idx.msk [tilespmem:v19+s3+$0x0], $0xffff;
	s1 =	sadd.s32 $0x14700, s25  }
0x4d2: {  	s12 =	sadd.s32 $0xC480, s19;
	v17 =	vadd.s32 $0x6300, v2;
	v5 =	vshll.u32 v18, $0x3;
	s13 =	sor.u32 s24, s1;
	v8 =	vld.idx.msk [tilespmem:v8+s3+$0x0], $0xffff  }
0x4d3: {  	v20 =	vadd.s32 $0x4280, v1;
	s22 =	sor.u32 s18, s12;
	v18 =	vand.u32 $0x7F, v18;
	v5 =	vand.u32 $0xFFFFFC00, v5;
	v19 =	vld.idx.msk [tilespmem:v6+s3+$0x0], $0xffff;
	[tilespmem:s13+$0x0] =	vst v15  }
0x4d4: {  	s0 =	sor.u32 s17, s12;
	v5 =	vor.u32 v18, v5;
	[tilespmem:s22+$0x0] =	vst v9;
	v9 =	vld.idx.msk [tilespmem:v14+s3+$0x0], $0xffff  }
0x4d5: {  	s31 =	simm.s32 $0x300;
	s5 =	sor.u32 s23, s4;
	s6 =	sadd.s32 $0x10600, s16;
	[tilespmem:s0+$0x0] =	vst v10;
	v14 =	vadd.s32 $0x4280, v0;
	v10 =	vld.idx.msk [tilespmem:v16+s3+$0x0], $0xffff  }
0x4d6: {  	s7 =	sor.u32 s15, s6;
	s22 =	sand.u32 $0x1C00, s31;
	v13 =	vld.idx.msk [tilespmem:v13+s3+$0x0], $0xffff;
	[tilespmem:s5+$0x0] =	vst v11;
	v11 =	vadd.s32 $0x7000, v7  }
0x4d7: {  	s8 =	sor.u32 s14, s6;
	v15 =	vadd.s32 $0x2180, v4;
	s13 =	sadd.s32 $0x8400, s22;
	[tilespmem:s7+$0x0] =	vst v12;
	v12 =	vld.idx.msk [tilespmem:v17+s3+$0x0], $0xffff  }
0x4d8: {  	s0 =	sadd.s32 $0x14780, s25;
	v16 =	vadd.s32 $0x2180, v3;
	s4 =	sor.u32 s21, s13;
	v17 =	vld.idx.msk [tilespmem:v20+s3+$0x0], $0xffff;
	[tilespmem:s8+$0x0] =	vst v8  }
0x4d9: {  	s9 =	sadd.s32 $0xC500, s19;
	s10 =	sor.u32 s24, s0;
	v18 =	vld.idx.msk [tilespmem:v5+s3+$0x0], $0xffff;
	v8 =	vadd.s32 $0x6380, v2;
	[tilespmem:s4+$0x0] =	vst v19  }
0x4da: {  	s11 =	sor.u32 s18, s9;
	v20 =	vadd.s32 $0x4300, v1;
	v14 =	vld.idx.msk [tilespmem:v14+s3+$0x0], $0xffff;
	[tilespmem:s10+$0x0] =	vst v9  }
0x4db: {  	s2 =	sor.u32 s17, s9;
	v9 =	vor.u32 $0x80, v5;
	[tilespmem:s11+$0x0] =	vst v10;
	v10 =	vld.idx.msk [tilespmem:v11+s3+$0x0], $0xffff  }
0x4dc: {  	s12 =	sadd.s32 $0x10680, s16;
	s1 =	sor.u32 s23, s1;
	v11 =	vor.u32 $0x80, v6;
	[tilespmem:s2+$0x0] =	vst v13;
	v13 =	vld.idx.msk [tilespmem:v15+s3+$0x0], $0xffff  }
0x4dd: {  	s7 =	sor.u32 s15, s12;
	v19 =	vadd.s32 $0x4300, v0;
	v15 =	vld.idx.msk [tilespmem:v16+s3+$0x0], $0xffff;
	[tilespmem:s1+$0x0] =	vst v12  }
0x4de: {  	s5 =	sor.u32 s20, s13;
	v12 =	vadd.s32 $0x7080, v7;
	[tilespmem:s7+$0x0] =	vst v17;
	v8 =	vld.idx.msk [tilespmem:v8+s3+$0x0], $0xffff  }
0x4df: {  	v16 =	vadd.s32 $0x2200, v4;
	[tilespmem:s5+$0x0] =	vst v18;
	v18 =	vld.idx.msk [tilespmem:v20+s3+$0x0], $0xffff  }
0x4e0: {  	s2 =	sor.u32 s14, s12;
	s1 =	sadd.s32 $0x16400, s25;
	v17 =	vadd.s32 $0x2200, v3;
	v9 =	vld.idx.msk [tilespmem:v9+s3+$0x0], $0xffff  }
0x4e1: {  	s8 =	sadd.s32 $0xC580, s19;
	s9 =	sor.u32 s24, s1;
	v20 =	vadd.s32 $0x4380, v1;
	[tilespmem:s2+$0x0] =	vst v14;
	v11 =	vld.idx.msk [tilespmem:v11+s3+$0x0], $0xffff  }
0x4e2: {  	s10 =	sor.u32 s18, s8;
	[tilespmem:s9+$0x0] =	vst v10;
	v10 =	vor.u32 $0x100, v5;
	v19 =	vld.idx.msk [tilespmem:v19+s3+$0x0], $0xffff  }
0x4e3: {  	s6 =	sor.u32 s17, s8;
	s11 =	sadd.s32 $0x10700, s16;
	[tilespmem:s10+$0x0] =	vst v13;
	v12 =	vld.idx.msk [tilespmem:v12+s3+$0x0], $0xffff;
	v13 =	vor.u32 $0x100, v6  }
0x4e4: {  	s12 =	sor.u32 s15, s11;
	v14 =	vadd.s32 $0x7100, v7;
	[tilespmem:s6+$0x0] =	vst v15;
	v15 =	vld.idx.msk [tilespmem:v16+s3+$0x0], $0xffff  }
0x4e5: {  	v16 =	vld.idx.msk [tilespmem:v17+s3+$0x0], $0xffff;
	v17 =	vadd.s32 $0x2280, v4;
	[tilespmem:s12+$0x0] =	vst v18  }
0x4e6: {  	s2 =	sadd.s32 $0x16480, s25;
	[tilespmem:s5+$0x80] =	vst v9;
	v9 =	vadd.s32 $0x2280, v3;
	v18 =	vld.idx.msk [tilespmem:v20+s3+$0x0], $0xffff  }
0x4e7: {  	s13 =	sadd.s32 $0xC600, s19;
	s9 =	sor.u32 s24, s2;
	[tilespmem:s4+$0x80] =	vst v11;
	v10 =	vld.idx.msk [tilespmem:v10+s3+$0x0], $0xffff;
	v11 =	vadd.s32 $0x4380, v0  }
0x4e8: {  	s10 =	sor.u32 s18, s13;
	v20 =	vadd.s32 $0x5000, v1;
	v13 =	vld.idx.msk [tilespmem:v13+s3+$0x0], $0xffff;
	[tilespmem:s9+$0x0] =	vst v12  }
0x4e9: {  	s7 =	sor.u32 s17, s13;
	v12 =	vor.u32 $0x180, v5;
	[tilespmem:s10+$0x0] =	vst v15;
	v14 =	vld.idx.msk [tilespmem:v14+s3+$0x0], $0xffff  }
0x4ea: {  	s6 =	sor.u32 s14, s11;
	v15 =	vor.u32 $0x180, v6;
	[tilespmem:s7+$0x0] =	vst v16;
	s7 =	sadd.s32 $0x10780, s16;
	v16 =	vld.idx.msk [tilespmem:v17+s3+$0x0], $0xffff  }
0x4eb: {  	[tilespmem:s6+$0x0] =	vst v19;
	s11 =	sor.u32 s15, s7;
	v17 =	vadd.s32 $0x7180, v7;
	v9 =	vld.idx.msk [tilespmem:v9+s3+$0x0], $0xffff  }
0x4ec: {  	v19 =	vadd.s32 $0x2300, v4;
	[tilespmem:s11+$0x0] =	vst v18;
	v11 =	vld.idx.msk [tilespmem:v11+s3+$0x0], $0xffff  }
0x4ed: {  	s6 =	sadd.s32 $0x16500, s25;
	[tilespmem:s5+$0x100] =	vst v10;
	v10 =	vadd.s32 $0x2300, v3;
	v18 =	vld.idx.msk [tilespmem:v20+s3+$0x0], $0xffff  }
0x4ee: {  	s12 =	sadd.s32 $0xC680, s19;
	s13 =	sor.u32 s24, s6;
	[tilespmem:s4+$0x100] =	vst v13;
	v12 =	vld.idx.msk [tilespmem:v12+s3+$0x0], $0xffff;
	v13 =	vadd.s32 $0x5000, v0  }
0x4ef: {  	s10 =	sor.u32 s18, s12;
	v20 =	vadd.s32 $0x5080, v1;
	v15 =	vld.idx.msk [tilespmem:v15+s3+$0x0], $0xffff;
	[tilespmem:s13+$0x0] =	vst v14  }
0x4f0: {  	s8 =	sor.u32 s17, s12;
	v14 =	vor.u32 $0x200, v5;
	[tilespmem:s10+$0x0] =	vst v16;
	v16 =	vld.idx.msk [tilespmem:v17+s3+$0x0], $0xffff  }
0x4f1: {  	s7 =	sor.u32 s14, s7;
	v17 =	vor.u32 $0x200, v6;
	[tilespmem:s8+$0x0] =	vst v9;
	v9 =	vld.idx.msk [tilespmem:v19+s3+$0x0], $0xffff;
	s8 =	sadd.s32 $0x12400, s16  }
0x4f2: {  	v10 =	vld.idx.msk [tilespmem:v10+s3+$0x0], $0xffff;
	[tilespmem:s7+$0x0] =	vst v11;
	s11 =	sor.u32 s15, s8;
	v11 =	vadd.s32 $0x7200, v7  }
0x4f3: {  	v19 =	vadd.s32 $0x2380, v4;
	v13 =	vld.idx.msk [tilespmem:v13+s3+$0x0], $0xffff;
	[tilespmem:s11+$0x0] =	vst v18  }
0x4f4: {  	s7 =	sadd.s32 $0x16580, s25;
	[tilespmem:s5+$0x180] =	vst v12;
	v12 =	vadd.s32 $0x2380, v3;
	v18 =	vld.idx.msk [tilespmem:v20+s3+$0x0], $0xffff  }
0x4f5: {  	s12 =	sadd.s32 $0xC700, s19;
	s13 =	sor.u32 s24, s7;
	[tilespmem:s4+$0x180] =	vst v15;
	v14 =	vld.idx.msk [tilespmem:v14+s3+$0x0], $0xffff;
	v15 =	vadd.s32 $0x5080, v0  }
0x4f6: {  	s11 =	sor.u32 s18, s12;
	v20 =	vadd.s32 $0x5100, v1;
	v17 =	vld.idx.msk [tilespmem:v17+s3+$0x0], $0xffff;
	[tilespmem:s13+$0x0] =	vst v16  }
0x4f7: {  	s9 =	sor.u32 s17, s12;
	v16 =	vor.u32 $0x280, v5;
	[tilespmem:s11+$0x0] =	vst v9;
	v9 =	vld.idx.msk [tilespmem:v11+s3+$0x0], $0xffff  }
0x4f8: {  	s8 =	sor.u32 s14, s8;
	v11 =	vor.u32 $0x280, v6;
	[tilespmem:s9+$0x0] =	vst v10;
	v10 =	vld.idx.msk [tilespmem:v19+s3+$0x0], $0xffff;
	s9 =	sadd.s32 $0x12480, s16  }
0x4f9: {  	v12 =	vld.idx.msk [tilespmem:v12+s3+$0x0], $0xffff;
	[tilespmem:s8+$0x0] =	vst v13;
	s12 =	sor.u32 s15, s9;
	v13 =	vadd.s32 $0x7280, v7  }
0x4fa: {  	v19 =	vadd.s32 $0x3000, v4;
	v15 =	vld.idx.msk [tilespmem:v15+s3+$0x0], $0xffff;
	[tilespmem:s12+$0x0] =	vst v18  }
0x4fb: {  	s28 =	sadd.s32 $0x16600, s25;
	[tilespmem:s5+$0x200] =	vst v14;
	v14 =	vadd.s32 $0x3000, v3;
	v18 =	vld.idx.msk [tilespmem:v20+s3+$0x0], $0xffff  }
0x4fc: {  	s13 =	sadd.s32 $0xC780, s19;
	s11 =	sor.u32 s24, s28;
	[tilespmem:s4+$0x200] =	vst v17;
	v16 =	vld.idx.msk [tilespmem:v16+s3+$0x0], $0xffff;
	v17 =	vadd.s32 $0x5100, v0  }
0x4fd: {  	s12 =	sor.u32 s18, s13;
	v20 =	vadd.s32 $0x5180, v1;
	v11 =	vld.idx.msk [tilespmem:v11+s3+$0x0], $0xffff;
	[tilespmem:s11+$0x0] =	vst v9  }
0x4fe: {  	s8 =	sor.u32 s17, s13;
	v9 =	vor.u32 $0x300, v5;
	[tilespmem:s12+$0x0] =	vst v10;
	v10 =	vld.idx.msk [tilespmem:v13+s3+$0x0], $0xffff  }
0x4ff: {  	s9 =	sor.u32 s14, s9;
	v13 =	vor.u32 $0x300, v6;
	[tilespmem:s8+$0x0] =	vst v12;
	v12 =	vld.idx.msk [tilespmem:v19+s3+$0x0], $0xffff;
	s8 =	sadd.s32 $0x12500, s16  }
0x500: {  	v14 =	vld.idx.msk [tilespmem:v14+s3+$0x0], $0xffff;
	[tilespmem:s9+$0x0] =	vst v15;
	s13 =	sor.u32 s15, s8;
	v15 =	vadd.s32 $0x7300, v7  }
0x501: {  	v19 =	vadd.s32 $0x3080, v4;
	v17 =	vld.idx.msk [tilespmem:v17+s3+$0x0], $0xffff;
	[tilespmem:s13+$0x0] =	vst v18  }
0x502: {  	[tilespmem:s5+$0x280] =	vst v16;
	v16 =	vadd.s32 $0x3080, v3;
	s5 =	sadd.s32 $0x16680, s25;
	v18 =	vld.idx.msk [tilespmem:v20+s3+$0x0], $0xffff  }
0x503: {  	s12 =	simm.s32 $0x3;
	s10 =	sor.u32 s24, s5;
	[tilespmem:s4+$0x280] =	vst v11;
	v9 =	vld.idx.msk [tilespmem:v9+s3+$0x0], $0xffff;
	s4 =	sadd.s32 $0xE400, s19;
	v11 =	vadd.s32 $0x5180, v0  }
0x504: {  	s11 =	sand.u32 $0x3, s12;
	v13 =	vld.idx.msk [tilespmem:v13+s3+$0x0], $0xffff;
	[tilespmem:s10+$0x0] =	vst v10;
	s13 =	sor.u32 s18, s4;
	v10 =	vadd.s32 $0x5200, v1  }
0x505: {  	v20 =	vor.u32 $0x380, v5;
	s4 =	sor.u32 s17, s4;
	s10 =	sshll.u32 s11, $0x5;
	[tilespmem:s13+$0x0] =	vst v12;
	v12 =	vld.idx.msk [tilespmem:v15+s3+$0x0], $0xffff  }
0x506: {  	s8 =	sor.u32 s14, s8;
	s9 =	sadd.s32 $0x300, s10;
	v15 =	vor.u32 $0x380, v6;
	[tilespmem:s4+$0x0] =	vst v14;
	s4 =	sadd.s32 $0x12580, s16;
	v14 =	vld.idx.msk [tilespmem:v19+s3+$0x0], $0xffff  }
0x507: {  	v7 =	vadd.s32 $0x7380, v7;
	s13 =	sadd.s32 $0x10, s9;
	v16 =	vld.idx.msk [tilespmem:v16+s3+$0x0], $0xffff;
	[tilespmem:s8+$0x0] =	vst v17;
	s11 =	sor.u32 s15, s4  }
0x508: {  	v17 =	vadd.s32 $0x3100, v4;
	[tilespmem:s11+$0x0] =	vst v18;
	s10 =	sor.u32 $0x300, s13;
	v11 =	vld.idx.msk [tilespmem:v11+s3+$0x0], $0xffff  }
0x509: {  	s9 =	sor.u32 $0x300, s9;
	s8 =	sadd.s32 $0x16700, s25;
	[tilespmem:s10+$0x8400] =	vst v9;
	v9 =	vadd.s32 $0x3100, v3;
	v10 =	vld.idx.msk [tilespmem:v10+s3+$0x0], $0xffff  }
0x50a: {  	s30 =	sor.u32 s23, s28;
	s29 =	sadd.s32 $0xE480, s19;
	v19 =	vadd.s32 $0x5200, v0;
	s11 =	sor.u32 s24, s8;
	[tilespmem:s9+$0x8400] =	vst v13;
	v18 =	vld.idx.msk [tilespmem:v20+s3+$0x0], $0xffff  }
0x50b: {  	s4 =	sor.u32 s14, s4;
	s28 =	sor.u32 s23, s8;
	s10 =	sor.u32 s18, s29;
	[tilespmem:s11+$0x0] =	vst v12;
	v12 =	vld.idx.msk [tilespmem:v15+s3+$0x0], $0xffff;
	v15 =	vadd.s32 $0x5280, v1  }
0x50c: {  	v20 =	vadd.s32 $0x1000, v5;
	[tilespmem:s10+$0x0] =	vst v14;
	s10 =	sor.u32 s23, s1;
	s1 =	sor.u32 s23, s2;
	s2 =	sor.u32 s17, s29;
	v21 =	vld.idx.msk [tilespmem:v7+s3+$0x0], $0xffff  }
0x50d: {  	v22 =	vadd.s32 $0x1000, v6;
	s9 =	sor.u32 s31, s26;
	[tilespmem:s2+$0x0] =	vst v16;
	s2 =	sor.u32 s23, s6;
	v13 =	vld.idx.msk [tilespmem:v17+s3+$0x0], $0xffff;
	s6 =	sadd.s32 $0x12600, s16  }
0x50e: {  	s11 =	sor.u32 s23, s0;
	s0 =	sor.u32 s23, s7;
	[tilespmem:s4+$0x0] =	vst v11;
	v14 =	vld.idx.msk [tilespmem:v9+s3+$0x0], $0xffff;
	s7 =	sor.u32 s15, s6  }
0x50f: {  	s9 =	sor.u32 $0x380, s9;
	s29 =	sor.u32 s23, s5;
	[tilespmem:s7+$0x0] =	vst v10;
	s7 =	sor.u32 $0x380, s13;
	v10 =	vld.idx.msk [tilespmem:v19+s3+$0x0], $0xffff  }
0x510: {  	s4 =	simm.s32 $0x6;
	s13 =	sadd.s32 $0x16780, s25;
	s25 =	sadd.s32 $0xE500, s19;
	[tilespmem:s7+$0x8400] =	vst v18;
	v7 =	vld.idx.msk [tilespmem:v15+s3+$0x0], $0xffff  }
0x511: {  	s7 =	sor.u32 s14, s6;
	v15 =	vadd.s32 $0x3180, v4;
	[tilespmem:s9+$0x8400] =	vst v12;
	s23 =	sor.u32 s23, s13;
	s5 =	sor.u32 s24, s13;
	v17 =	vld.idx.msk [tilespmem:v20+s3+$0x0], $0xffff  }
0x512: {  	v16 =	vadd.s32 $0x3180, v3;
	v11 =	vadd.s32 $0x5280, v0;
	v9 =	vadd.s32 $0x5300, v1;
	s24 =	simm.s32 $0x8080;
	s6 =	sor.u32 s18, s25;
	v18 =	vld.idx.msk [tilespmem:v22+s3+$0x0], $0xffff;
	[tilespmem:s5+$0x0] =	vst v21;
	s5 =	sor.u32 s17, s25  }
.LBB2_4:
0x513: {  	_ =	sdelay $0x1  }
0x514: {  	v12 =	vld [tilespmem:s24+$0x0];
	s25 =	smov.u32 s14;
	s14 =	smov.u32 s17;
	[tilespmem:s6+$0x0] =	vst v13  }
0x515: {  	s17 =	smov.u32 s21;
	s21 =	sadd.s32 $0x12680, s16;
	v13 =	vadd.s32 $0x1080, v6;
	[tilespmem:s5+$0x0] =	vst v14;
	v14 =	vld.idx.msk [tilespmem:v15+s3+$0x0], $0xffff;
	s5 =	smov.u32 s15  }
0x516: {  	v19 =	vadd.s32 $0x1080, v5;
	s8 =	sadd.s32 $0xA400, s22;
	v15 =	vld.idx.msk [tilespmem:v16+s3+$0x0], $0xffff;
	[tilespmem:s7+$0x0] =	vst v10;
	s6 =	sor.u32 s5, s21  }
0x517: {  	s9 =	sor.u32 s17, s8;
	s8 =	sor.u32 s20, s8;
	v10 =	vadd.s32 $0x7000, v2;
	[tilespmem:s6+$0x0] =	vst v7  }
0x518: {  	v11 =	vld.idx.msk [tilespmem:v11+s3+$0x0], $0xffff;
	v7 =	vadd.s32 $0x3200, v3;
	[tilespmem:s8+$0x0] =	vst v17  }
0x519: {  	s15 =	smov.u32 s18;
	v16 =	vadd.s32 $0x3200, v4;
	[tilespmem:s9+$0x0] =	vst v18;
	s9 =	sadd.s32 $0xE580, s19;
	v9 =	vld.idx.msk [tilespmem:v9+s3+$0x0], $0xffff  }
0x51a: {  	v18 =	vadd.s32 $0x5300, v0;
	s8 =	sor.u32 s15, s9;
	v13 =	vld.idx.msk [tilespmem:v13+s3+$0x0], $0xffff;
	[tilespmem:s11+$0x0] =	vst v8  }
0x51b: {  	s18 =	smov.u32 s20;
	s13 =	sor.u32 s14, s9;
	v17 =	vld.idx.msk [tilespmem:v19+s3+$0x0], $0xffff;
	[tilespmem:s8+$0x0] =	vst v14;
	v14 =	vadd.s32 $0x1100, v6  }
0x51c: {  	s20 =	sadd.s32 $0x12700, s16;
	s7 =	sor.u32 s25, s21;
	s6 =	smov.u32 s22;
	v19 =	vadd.s32 $0x5380, v1;
	v10 =	vld.idx.msk [tilespmem:v10+s3+$0x0], $0xffff;
	[tilespmem:s13+$0x0] =	vst v15  }
0x51d: {  	s21 =	sadd.s32 $0xA480, s6;
	v8 =	vadd.s32 $0x1100, v5;
	s8 =	sor.u32 s5, s20;
	v7 =	vld.idx.msk [tilespmem:v7+s3+$0x0], $0xffff;
	[tilespmem:s7+$0x0] =	vst v11  }
0x51e: {  	s22 =	sor.u32 s17, s21;
	v15 =	vld.idx.msk [tilespmem:v16+s3+$0x0], $0xffff;
	v11 =	vadd.s32 $0x7080, v2;
	[tilespmem:s8+$0x0] =	vst v9  }
0x51f: {  	s9 =	sor.u32 s18, s21;
	v16 =	vadd.s32 $0x3280, v4;
	v18 =	vld.idx.msk [tilespmem:v18+s3+$0x0], $0xffff;
	[tilespmem:s22+$0x0] =	vst v13  }
0x520: {  	v9 =	vadd.s32 $0x3280, v3;
	[tilespmem:s9+$0x0] =	vst v17;
	v14 =	vld.idx.msk [tilespmem:v14+s3+$0x0], $0xffff  }
0x521: {  	s11 =	sadd.s32 $0xE600, s19;
	v13 =	vadd.s32 $0x5380, v0;
	v17 =	vld.idx.msk [tilespmem:v19+s3+$0x0], $0xffff  }
0x522: {  	s8 =	sor.u32 s15, s11;
	v8 =	vld.idx.msk [tilespmem:v8+s3+$0x0], $0xffff;
	[tilespmem:s10+$0x0] =	vst v10  }
0x523: {  	s13 =	sor.u32 s14, s11;
	[tilespmem:s8+$0x0] =	vst v15;
	v15 =	vadd.s32 $0x1180, v6;
	v11 =	vld.idx.msk [tilespmem:v11+s3+$0x0], $0xffff  }
0x524: {  	s21 =	sadd.s32 $0xA500, s6;
	s7 =	sor.u32 s25, s20;
	v19 =	vadd.s32 $0x6000, v1;
	[tilespmem:s13+$0x0] =	vst v7;
	v7 =	vld.idx.msk [tilespmem:v16+s3+$0x0], $0xffff  }
0x525: {  	s20 =	sadd.s32 $0x12780, s16;
	s22 =	sor.u32 s17, s21;
	v10 =	vadd.s32 $0x1180, v5;
	v9 =	vld.idx.msk [tilespmem:v9+s3+$0x0], $0xffff;
	[tilespmem:s7+$0x0] =	vst v18  }
0x526: {  	s8 =	sor.u32 s5, s20;
	v16 =	vadd.s32 $0x7100, v2;
	v13 =	vld.idx.msk [tilespmem:v13+s3+$0x0], $0xffff;
	[tilespmem:s22+$0x0] =	vst v14  }
0x527: {  	s9 =	sor.u32 s18, s21;
	[tilespmem:s8+$0x0] =	vst v17  }
0x528: {  	v15 =	vld.idx.msk [tilespmem:v15+s3+$0x0], $0xffff;
	[tilespmem:s9+$0x0] =	vst v8;
	v8 =	vadd.s32 $0x3300, v3  }
0x529: {  	s11 =	sadd.s32 $0xE680, s19;
	v18 =	vadd.s32 $0x3300, v4;
	v17 =	vld.idx.msk [tilespmem:v19+s3+$0x0], $0xffff  }
0x52a: {  	v14 =	vadd.s32 $0x6000, v0;
	s8 =	sor.u32 s15, s11;
	[tilespmem:s1+$0x0] =	vst v11;
	v10 =	vld.idx.msk [tilespmem:v10+s3+$0x0], $0xffff  }
0x52b: {  	s13 =	sor.u32 s14, s11;
	[tilespmem:s8+$0x0] =	vst v7;
	v7 =	vld.idx.msk [tilespmem:v16+s3+$0x0], $0xffff;
	v16 =	vadd.s32 $0x1200, v6  }
0x52c: {  	s7 =	sor.u32 s25, s20;
	s20 =	sadd.s32 $0x14400, s16;
	v19 =	vadd.s32 $0x6080, v1;
	[tilespmem:s13+$0x0] =	vst v9  }
0x52d: {  	s21 =	sadd.s32 $0xA580, s6;
	v11 =	vadd.s32 $0x1200, v5;
	s1 =	sor.u32 s5, s20;
	v8 =	vld.idx.msk [tilespmem:v8+s3+$0x0], $0xffff;
	[tilespmem:s7+$0x0] =	vst v13  }
0x52e: {  	s10 =	sor.u32 s17, s21;
	v9 =	vld.idx.msk [tilespmem:v18+s3+$0x0], $0xffff;
	[tilespmem:s1+$0x0] =	vst v17  }
0x52f: {  	s8 =	sor.u32 s18, s21;
	v13 =	vadd.s32 $0x7180, v2;
	v14 =	vld.idx.msk [tilespmem:v14+s3+$0x0], $0xffff;
	[tilespmem:s10+$0x0] =	vst v15  }
0x530: {  	[tilespmem:s8+$0x0] =	vst v10;
	v10 =	vadd.s32 $0x3380, v3;
	v16 =	vld.idx.msk [tilespmem:v16+s3+$0x0], $0xffff  }
0x531: {  	s11 =	sadd.s32 $0xE700, s19;
	v18 =	vadd.s32 $0x3380, v4;
	v17 =	vld.idx.msk [tilespmem:v19+s3+$0x0], $0xffff  }
0x532: {  	v15 =	vadd.s32 $0x6080, v0;
	s1 =	sor.u32 s15, s11;
	[tilespmem:s2+$0x0] =	vst v7;
	v11 =	vld.idx.msk [tilespmem:v11+s3+$0x0], $0xffff  }
0x533: {  	s13 =	sor.u32 s14, s11;
	v19 =	vadd.s32 $0x6100, v1;
	[tilespmem:s1+$0x0] =	vst v9  }
0x534: {  	s22 =	sor.u32 s25, s20;
	s20 =	sadd.s32 $0x14480, s16;
	v7 =	vadd.s32 $0x1280, v5;
	v9 =	vld.idx.msk [tilespmem:v13+s3+$0x0], $0xffff;
	[tilespmem:s13+$0x0] =	vst v8  }
0x535: {  	s21 =	sadd.s32 $0xA600, s6;
	s1 =	sor.u32 s5, s20;
	v13 =	vadd.s32 $0x1280, v6;
	v10 =	vld.idx.msk [tilespmem:v10+s3+$0x0], $0xffff;
	[tilespmem:s22+$0x0] =	vst v14  }
0x536: {  	s2 =	sor.u32 s18, s21;
	v8 =	vld.idx.msk [tilespmem:v18+s3+$0x0], $0xffff;
	[tilespmem:s1+$0x0] =	vst v17  }
0x537: {  	v14 =	vadd.s32 $0x7200, v2;
	v15 =	vld.idx.msk [tilespmem:v15+s3+$0x0], $0xffff;
	[tilespmem:s2+$0x0] =	vst v11  }
0x538: {  	s9 =	sor.u32 s17, s21;
	v11 =	vadd.s32 $0x4000, v3;
	v17 =	vld.idx.msk [tilespmem:v19+s3+$0x0], $0xffff  }
0x539: {  	s10 =	sadd.s32 $0xE780, s19;
	v18 =	vadd.s32 $0x4000, v4;
	[tilespmem:s9+$0x0] =	vst v16;
	v7 =	vld.idx.msk [tilespmem:v7+s3+$0x0], $0xffff  }
0x53a: {  	v16 =	vadd.s32 $0x6100, v0;
	s1 =	sor.u32 s15, s10;
	v13 =	vld.idx.msk [tilespmem:v13+s3+$0x0], $0xffff;
	[tilespmem:s0+$0x0] =	vst v9  }
0x53b: {  	s11 =	sor.u32 s14, s10;
	v19 =	vadd.s32 $0x6180, v1;
	[tilespmem:s1+$0x0] =	vst v8  }
0x53c: {  	s13 =	sadd.s32 $0x14500, s16;
	s22 =	sor.u32 s25, s20;
	v9 =	vadd.s32 $0x1300, v5;
	v8 =	vld.idx.msk [tilespmem:v14+s3+$0x0], $0xffff;
	[tilespmem:s11+$0x0] =	vst v10  }
0x53d: {  	s20 =	sadd.s32 $0xA680, s6;
	s0 =	sor.u32 s5, s13;
	v14 =	vadd.s32 $0x1300, v6;
	v11 =	vld.idx.msk [tilespmem:v11+s3+$0x0], $0xffff;
	[tilespmem:s22+$0x0] =	vst v15  }
0x53e: {  	s1 =	sor.u32 s18, s20;
	v10 =	vld.idx.msk [tilespmem:v18+s3+$0x0], $0xffff;
	[tilespmem:s0+$0x0] =	vst v17  }
0x53f: {  	v15 =	vadd.s32 $0x7280, v2;
	v16 =	vld.idx.msk [tilespmem:v16+s3+$0x0], $0xffff;
	[tilespmem:s1+$0x0] =	vst v7  }
0x540: {  	s22 =	sor.u32 s17, s20;
	v7 =	vadd.s32 $0x4080, v3;
	v17 =	vld.idx.msk [tilespmem:v19+s3+$0x0], $0xffff  }
0x541: {  	s8 =	sadd.s32 $0x10400, s19;
	v18 =	vadd.s32 $0x4080, v4;
	[tilespmem:s22+$0x0] =	vst v13;
	v9 =	vld.idx.msk [tilespmem:v9+s3+$0x0], $0xffff  }
0x542: {  	v13 =	vadd.s32 $0x6180, v0;
	s0 =	sor.u32 s15, s8;
	v14 =	vld.idx.msk [tilespmem:v14+s3+$0x0], $0xffff;
	[tilespmem:s30+$0x0] =	vst v8  }
0x543: {  	s9 =	sor.u32 s14, s8;
	v19 =	vadd.s32 $0x6200, v1;
	[tilespmem:s0+$0x0] =	vst v10  }
0x544: {  	s21 =	sor.u32 s25, s13;
	s10 =	sadd.s32 $0x14580, s16;
	v8 =	vadd.s32 $0x1380, v5;
	v10 =	vld.idx.msk [tilespmem:v15+s3+$0x0], $0xffff;
	[tilespmem:s9+$0x0] =	vst v11  }
0x545: {  	s11 =	sadd.s32 $0xA700, s6;
	s0 =	sor.u32 s5, s10;
	v15 =	vadd.s32 $0x1380, v6;
	v7 =	vld.idx.msk [tilespmem:v7+s3+$0x0], $0xffff;
	[tilespmem:s21+$0x0] =	vst v16  }
0x546: {  	s1 =	sor.u32 s18, s11;
	v11 =	vld.idx.msk [tilespmem:v18+s3+$0x0], $0xffff;
	v16 =	vadd.s32 $0x7300, v2;
	[tilespmem:s0+$0x0] =	vst v17  }
0x547: {  	v18 =	vadd.s32 $0x4100, v4;
	v13 =	vld.idx.msk [tilespmem:v13+s3+$0x0], $0xffff;
	[tilespmem:s1+$0x0] =	vst v9  }
0x548: {  	s20 =	sor.u32 s17, s11;
	v9 =	vadd.s32 $0x4100, v3;
	v17 =	vld.idx.msk [tilespmem:v19+s3+$0x0], $0xffff  }
0x549: {  	s21 =	sadd.s32 $0x10480, s19;
	[tilespmem:s20+$0x0] =	vst v14;
	v8 =	vld.idx.msk [tilespmem:v8+s3+$0x0], $0xffff  }
0x54a: {  	v14 =	vadd.s32 $0x6200, v0;
	s0 =	sor.u32 s15, s21;
	v15 =	vld.idx.msk [tilespmem:v15+s3+$0x0], $0xffff;
	[tilespmem:s29+$0x0] =	vst v10  }
0x54b: {  	s22 =	sor.u32 s14, s21;
	v19 =	vadd.s32 $0x6280, v1;
	[tilespmem:s0+$0x0] =	vst v11;
	v11 =	vld.idx.msk [tilespmem:v16+s3+$0x0], $0xffff  }
0x54c: {  	s13 =	sor.u32 s25, s10;
	s1 =	sadd.s32 $0x14600, s16;
	v10 =	vadd.s32 $0x2000, v5;
	[tilespmem:s22+$0x0] =	vst v7;
	v7 =	vld.idx.msk [tilespmem:v18+s3+$0x0], $0xffff  }
0x54d: {  	s7 =	sadd.s32 $0xA780, s6;
	s0 =	sor.u32 s5, s1;
	v16 =	vadd.s32 $0x2000, v6;
	v9 =	vld.idx.msk [tilespmem:v9+s3+$0x0], $0xffff;
	[tilespmem:s13+$0x0] =	vst v13  }
0x54e: {  	s10 =	sadd.s32 $0x10500, s19;
	s8 =	sor.u32 s25, s1;
	s1 =	sor.u32 s18, s7;
	[tilespmem:s0+$0x0] =	vst v17  }
0x54f: {  	s26 =	sadd.s32 $0x20, s26;
	s11 =	sor.u32 s14, s10;
	v13 =	vadd.s32 $0x7380, v2;
	v2 =	vmov v0;
	v0 =	vmov v3;
	v14 =	vld.idx.msk [tilespmem:v14+s3+$0x0], $0xffff;
	[tilespmem:s1+$0x0] =	vst v8  }
0x550: {  	s9 =	sor.u32 s17, s7;
	s0 =	sor.u32 s15, s10;
	s10 =	sand.u32 $0x60, s26;
	v8 =	vadd.s32 $0x4180, v0;
	v17 =	vld.idx.msk [tilespmem:v19+s3+$0x0], $0xffff  }
0x551: {  	v3 =	vmov v6;
	v6 =	vadd.s32 $0x4180, v4;
	s13 =	sand.u32 $0x380, s26;
	[tilespmem:s9+$0x0] =	vst v15;
	s20 =	sor.u32 $0x10, s10;
	v10 =	vld.idx.msk [tilespmem:v10+s3+$0x0], $0xffff  }
0x552: {  	v15 =	vld.idx.msk [tilespmem:v16+s3+$0x0], $0xffff;
	[tilespmem:s0+$0x0] =	vst v7;
	s7 =	sor.u32 s20, s13  }
0x553: {  	v16 =	vadd.s32 $0x6300, v1;
	[tilespmem:s28+$0x0] =	vst v11;
	v18 =	vld [tilespmem:s7+$0x8000]  }
0x554: {  	s21 =	sadd.s32 $0x14680, s16;
	v11 =	vadd.s32 $0x2080, v5;
	v7 =	vld.idx.msk [tilespmem:v13+s3+$0x0], $0xffff;
	[tilespmem:s11+$0x0] =	vst v9  }
0x555: {  	s22 =	sadd.s32 $0xC400, s6;
	s9 =	sor.u32 s5, s21;
	v13 =	vadd.s32 $0x2080, v3;
	v8 =	vld.idx.msk [tilespmem:v8+s3+$0x0], $0xffff;
	[tilespmem:s8+$0x0] =	vst v14  }
0x556: {  	s13 =	sor.u32 s18, s22;
	v9 =	vld.idx.msk [tilespmem:v6+s3+$0x0], $0xffff;
	v6 =	vshll.u32 v12, $0x3;
	v14 =	vadd.s32 $0x6280, v2;
	[tilespmem:s9+$0x0] =	vst v17  }
0x557: {  	v19 =	vadd.s32 $0x4200, v4;
	v12 =	vand.u32 $0x7F, v12;
	v6 =	vand.u32 $0xFFFFFC00, v6;
	[tilespmem:s13+$0x0] =	vst v10  }
0x558: {  	s11 =	sor.u32 s17, s22;
	v6 =	vor.u32 v12, v6;
	v16 =	vld.idx.msk [tilespmem:v16+s3+$0x0], $0xffff  }
0x559: {  	s8 =	sor.u32 s25, s21;
	s21 =	sadd.s32 $0x10580, s19;
	[tilespmem:s11+$0x0] =	vst v15;
	v10 =	vadd.s32 $0x4200, v0;
	v11 =	vld.idx.msk [tilespmem:v11+s3+$0x0], $0xffff  }
0x55a: {  	s0 =	sor.u32 s15, s21;
	v12 =	vld.idx.msk [tilespmem:v13+s3+$0x0], $0xffff;
	v13 =	vadd.s32 $0x6380, v1;
	[tilespmem:s23+$0x0] =	vst v7  }
0x55b: {  	s2 =	sadd.s32 $0x14700, s16;
	s22 =	sor.u32 s14, s21;
	v15 =	vadd.s32 $0x2100, v5;
	[tilespmem:s0+$0x0] =	vst v9;
	v9 =	vld.idx.msk [tilespmem:v14+s3+$0x0], $0xffff  }
0x55c: {  	s1 =	sor.u32 s5, s2;
	s7 =	sadd.s32 $0xC480, s6;
	v7 =	vshll.u32 v18, $0x3;
	v14 =	vadd.s32 $0x2100, v3;
	[tilespmem:s22+$0x0] =	vst v8;
	v8 =	vld.idx.msk [tilespmem:v19+s3+$0x0], $0xffff  }
0x55d: {  	v17 =	vadd.s32 $0x6300, v2;
	s0 =	sor.u32 s25, s2;
	v18 =	vand.u32 $0x7F, v18;
	s2 =	sor.u32 s18, s7;
	v7 =	vand.u32 $0xFFFFFC00, v7;
	v19 =	vld.idx.msk [tilespmem:v6+s3+$0x0], $0xffff;
	[tilespmem:s1+$0x0] =	vst v16  }
0x55e: {  	v7 =	vor.u32 v18, v7;
	v10 =	vld.idx.msk [tilespmem:v10+s3+$0x0], $0xffff;
	[tilespmem:s2+$0x0] =	vst v11  }
0x55f: {  	v20 =	vadd.s32 $0x4280, v4;
	s9 =	sor.u32 s17, s7;
	v11 =	vld.idx.msk [tilespmem:v13+s3+$0x0], $0xffff  }
0x560: {  	s11 =	sadd.s32 $0x10600, s19;
	[tilespmem:s9+$0x0] =	vst v12;
	v12 =	vld.idx.msk [tilespmem:v15+s3+$0x0], $0xffff;
	v13 =	vadd.s32 $0x4280, v0  }
0x561: {  	s1 =	sor.u32 s15, s11;
	v14 =	vld.idx.msk [tilespmem:v14+s3+$0x0], $0xffff;
	[tilespmem:s8+$0x0] =	vst v9;
	v9 =	vadd.s32 $0x7000, v1  }
0x562: {  	s21 =	sadd.s32 $0x14780, s16;
	s13 =	sor.u32 s14, s11;
	v15 =	vadd.s32 $0x2180, v5;
	[tilespmem:s1+$0x0] =	vst v8;
	v8 =	vld.idx.msk [tilespmem:v17+s3+$0x0], $0xffff  }
0x563: {  	s22 =	sadd.s32 $0xC500, s6;
	v16 =	vadd.s32 $0x2180, v3;
	s1 =	sor.u32 s5, s21;
	v17 =	vld.idx.msk [tilespmem:v7+s3+$0x0], $0xffff;
	[tilespmem:s13+$0x0] =	vst v10  }
0x564: {  	s2 =	sor.u32 s18, s22;
	v10 =	vld.idx.msk [tilespmem:v20+s3+$0x0], $0xffff;
	[tilespmem:s1+$0x0] =	vst v11  }
0x565: {  	v18 =	vadd.s32 $0x6380, v2;
	v13 =	vld.idx.msk [tilespmem:v13+s3+$0x0], $0xffff;
	[tilespmem:s2+$0x0] =	vst v12  }
0x566: {  	s31 =	sadd.s32 $0x100, s31;
	s8 =	sor.u32 s17, s22;
	v20 =	vadd.s32 $0x4300, v4;
	v9 =	vld.idx.msk [tilespmem:v9+s3+$0x0], $0xffff  }
0x567: {  	s11 =	sadd.s32 $0x10680, s19;
	s22 =	sand.u32 $0x1C00, s31;
	v11 =	vor.u32 $0x80, v7;
	[tilespmem:s8+$0x0] =	vst v14;
	v14 =	vld.idx.msk [tilespmem:v15+s3+$0x0], $0xffff  }
0x568: {  	s23 =	sor.u32 s25, s21;
	s21 =	sor.u32 s15, s11;
	s13 =	sadd.s32 $0x8400, s22;
	v12 =	vor.u32 $0x80, v6;
	v15 =	vld.idx.msk [tilespmem:v16+s3+$0x0], $0xffff;
	[tilespmem:s0+$0x0] =	vst v8  }
0x569: {  	[dreg:$0x4] =	wrdreg s23;
	s9 =	sor.u32 s31, s26;
	s28 =	sor.u32 s20, s13;
	[tilespmem:s21+$0x0] =	vst v10;
	v10 =	vadd.s32 $0x2200, v3  }
0x56a: {  	s23 =	sor.u32 $0x380, s9;
	s9 =	sadd.s32 $0x16400, s16;
	s7 =	sor.u32 s10, s13;
	v16 =	vadd.s32 $0x7080, v1;
	v8 =	vld.idx.msk [tilespmem:v18+s3+$0x0], $0xffff;
	[tilespmem:s28+$0x0] =	vst v17  }
0x56b: {  	v21 =	vadd.s32 $0x2200, v5;
	s13 =	sadd.s32 $0xC580, s6;
	s1 =	sor.u32 s5, s9;
	[tilespmem:s7+$0x0] =	vst v19;
	v17 =	vld.idx.msk [tilespmem:v20+s3+$0x0], $0xffff  }
0x56c: {  	s21 =	sor.u32 s17, s13;
	v11 =	vld.idx.msk [tilespmem:v11+s3+$0x0], $0xffff;
	[tilespmem:s1+$0x0] =	vst v9  }
0x56d: {  	s2 =	sor.u32 s18, s13;
	v18 =	vadd.s32 $0x4300, v0;
	v12 =	vld.idx.msk [tilespmem:v12+s3+$0x0], $0xffff;
	[tilespmem:s21+$0x0] =	vst v15  }
0x56e: {  	s8 =	sadd.s32 $0x10700, s19;
	s0 =	sor.u32 s14, s11;
	v19 =	vadd.s32 $0x4380, v4;
	[tilespmem:s2+$0x0] =	vst v14;
	v10 =	vld.idx.msk [tilespmem:v10+s3+$0x0], $0xffff  }
0x56f: {  	v9 =	vor.u32 $0x100, v7;
	s1 =	sor.u32 s15, s8;
	[tilespmem:s0+$0x0] =	vst v13;
	v14 =	vld.idx.msk [tilespmem:v16+s3+$0x0], $0xffff  }
0x570: {  	v16 =	vor.u32 $0x100, v6;
	v15 =	vld.idx.msk [tilespmem:v21+s3+$0x0], $0xffff;
	[tilespmem:s1+$0x0] =	vst v17  }
0x571: {  	[tilespmem:s28+$0x80] =	vst v11;
	v11 =	vadd.s32 $0x2280, v3  }
0x572: {  	s11 =	sor.u32 s25, s9;
	s9 =	sadd.s32 $0x16480, s16;
	v13 =	vadd.s32 $0x7100, v1;
	v18 =	vld.idx.msk [tilespmem:v18+s3+$0x0], $0xffff  }
0x573: {  	s13 =	sadd.s32 $0xC600, s6;
	v20 =	vadd.s32 $0x2280, v5;
	s2 =	sor.u32 s5, s9;
	v17 =	vld.idx.msk [tilespmem:v19+s3+$0x0], $0xffff;
	[tilespmem:s7+$0x80] =	vst v12  }
0x574: {  	s21 =	sor.u32 s17, s13;
	v12 =	vadd.s32 $0x4380, v0;
	v9 =	vld.idx.msk [tilespmem:v9+s3+$0x0], $0xffff;
	[tilespmem:s2+$0x0] =	vst v14  }
0x575: {  	s0 =	sor.u32 s14, s8;
	s8 =	sor.u32 s18, s13;
	v19 =	vadd.s32 $0x5000, v4;
	v16 =	vld.idx.msk [tilespmem:v16+s3+$0x0], $0xffff;
	[tilespmem:s21+$0x0] =	vst v10  }
0x576: {  	s1 =	sor.u32 s25, s9;
	s9 =	sadd.s32 $0x10780, s19;
	v14 =	vor.u32 $0x180, v7;
	[tilespmem:s8+$0x0] =	vst v15;
	v11 =	vld.idx.msk [tilespmem:v11+s3+$0x0], $0xffff  }
0x577: {  	s2 =	sor.u32 s15, s9;
	v15 =	vor.u32 $0x180, v6;
	[tilespmem:s0+$0x0] =	vst v18;
	v13 =	vld.idx.msk [tilespmem:v13+s3+$0x0], $0xffff  }
0x578: {  	v10 =	vld.idx.msk [tilespmem:v20+s3+$0x0], $0xffff;
	[tilespmem:s2+$0x0] =	vst v17  }
0x579: {  	v12 =	vld.idx.msk [tilespmem:v12+s3+$0x0], $0xffff;
	[tilespmem:s28+$0x100] =	vst v9;
	v9 =	vadd.s32 $0x2300, v3  }
0x57a: {  	s13 =	sadd.s32 $0x16500, s16;
	s21 =	sadd.s32 $0xC680, s6;
	v18 =	vadd.s32 $0x7180, v1;
	v17 =	vld.idx.msk [tilespmem:v19+s3+$0x0], $0xffff  }
0x57b: {  	s8 =	sor.u32 s5, s13;
	v20 =	vadd.s32 $0x2300, v5;
	s2 =	sor.u32 s25, s13;
	s13 =	sor.u32 s17, s21;
	[tilespmem:s7+$0x100] =	vst v16;
	v14 =	vld.idx.msk [tilespmem:v14+s3+$0x0], $0xffff  }
0x57c: {  	v15 =	vld.idx.msk [tilespmem:v15+s3+$0x0], $0xffff;
	[tilespmem:s13+$0x0] =	vst v11  }
0x57d: {  	s0 =	sor.u32 s14, s9;
	s9 =	sor.u32 s18, s21;
	v16 =	vadd.s32 $0x5000, v0;
	[tilespmem:s8+$0x0] =	vst v13  }
0x57e: {  	s21 =	sadd.s32 $0x12400, s19;
	v19 =	vadd.s32 $0x5080, v4;
	[tilespmem:s9+$0x0] =	vst v10;
	v9 =	vld.idx.msk [tilespmem:v9+s3+$0x0], $0xffff  }
0x57f: {  	v13 =	vor.u32 $0x200, v7;
	s8 =	sor.u32 s15, s21;
	[tilespmem:s0+$0x0] =	vst v12;
	v10 =	vld.idx.msk [tilespmem:v18+s3+$0x0], $0xffff  }
0x580: {  	v18 =	vor.u32 $0x200, v6;
	v11 =	vld.idx.msk [tilespmem:v20+s3+$0x0], $0xffff;
	[tilespmem:s8+$0x0] =	vst v17  }
0x581: {  	[tilespmem:s28+$0x180] =	vst v14;
	v14 =	vadd.s32 $0x2380, v3  }
0x582: {  	s13 =	sadd.s32 $0x16580, s16;
	v12 =	vadd.s32 $0x7200, v1;
	v16 =	vld.idx.msk [tilespmem:v16+s3+$0x0], $0xffff  }
0x583: {  	s9 =	sor.u32 s14, s21;
	s21 =	sadd.s32 $0xC700, s6;
	v20 =	vadd.s32 $0x2380, v5;
	s8 =	sor.u32 s5, s13;
	v17 =	vld.idx.msk [tilespmem:v19+s3+$0x0], $0xffff;
	[tilespmem:s7+$0x180] =	vst v15  }
0x584: {  	s29 =	sor.u32 s17, s21;
	v13 =	vld.idx.msk [tilespmem:v13+s3+$0x0], $0xffff;
	[tilespmem:s8+$0x0] =	vst v10  }
0x585: {  	s0 =	sor.u32 s25, s13;
	s13 =	sor.u32 s18, s21;
	v15 =	vadd.s32 $0x5080, v0;
	v18 =	vld.idx.msk [tilespmem:v18+s3+$0x0], $0xffff;
	[tilespmem:s29+$0x0] =	vst v9  }
0x586: {  	s21 =	sadd.s32 $0x12480, s19;
	v19 =	vadd.s32 $0x5100, v4;
	[tilespmem:s13+$0x0] =	vst v11;
	v14 =	vld.idx.msk [tilespmem:v14+s3+$0x0], $0xffff  }
0x587: {  	v10 =	vor.u32 $0x280, v7;
	s8 =	sor.u32 s15, s21;
	[tilespmem:s9+$0x0] =	vst v16;
	v11 =	vld.idx.msk [tilespmem:v12+s3+$0x0], $0xffff  }
0x588: {  	v12 =	vor.u32 $0x280, v6;
	v9 =	vld.idx.msk [tilespmem:v20+s3+$0x0], $0xffff;
	[tilespmem:s8+$0x0] =	vst v17  }
0x589: {  	[tilespmem:s28+$0x200] =	vst v13;
	v13 =	vadd.s32 $0x3000, v3  }
0x58a: {  	v16 =	vadd.s32 $0x7280, v1;
	s13 =	sadd.s32 $0x16600, s16;
	v15 =	vld.idx.msk [tilespmem:v15+s3+$0x0], $0xffff  }
0x58b: {  	s9 =	sor.u32 s14, s21;
	s21 =	sadd.s32 $0xC780, s6;
	v20 =	vadd.s32 $0x3000, v5;
	s8 =	sor.u32 s5, s13;
	v17 =	vld.idx.msk [tilespmem:v19+s3+$0x0], $0xffff;
	[tilespmem:s7+$0x200] =	vst v18  }
0x58c: {  	s29 =	sor.u32 s17, s21;
	v10 =	vld.idx.msk [tilespmem:v10+s3+$0x0], $0xffff;
	[tilespmem:s8+$0x0] =	vst v11  }
0x58d: {  	s30 =	sor.u32 s25, s13;
	s13 =	sor.u32 s18, s21;
	v18 =	vadd.s32 $0x5100, v0;
	v12 =	vld.idx.msk [tilespmem:v12+s3+$0x0], $0xffff;
	[tilespmem:s29+$0x0] =	vst v14  }
0x58e: {  	s21 =	sadd.s32 $0x12500, s19;
	v19 =	vadd.s32 $0x5180, v4;
	[tilespmem:s13+$0x0] =	vst v9;
	v13 =	vld.idx.msk [tilespmem:v13+s3+$0x0], $0xffff  }
0x58f: {  	v11 =	vor.u32 $0x300, v7;
	s8 =	sor.u32 s15, s21;
	[tilespmem:s9+$0x0] =	vst v15;
	v9 =	vld.idx.msk [tilespmem:v16+s3+$0x0], $0xffff  }
0x590: {  	v16 =	vor.u32 $0x300, v6;
	v14 =	vld.idx.msk [tilespmem:v20+s3+$0x0], $0xffff;
	[tilespmem:s8+$0x0] =	vst v17  }
0x591: {  	[tilespmem:s28+$0x280] =	vst v10;
	v10 =	vadd.s32 $0x3080, v3  }
0x592: {  	v15 =	vadd.s32 $0x7300, v1;
	s8 =	sadd.s32 $0x16680, s16;
	v18 =	vld.idx.msk [tilespmem:v18+s3+$0x0], $0xffff  }
0x593: {  	v20 =	vadd.s32 $0x3080, v5;
	s13 =	sor.u32 s5, s8;
	v17 =	vld.idx.msk [tilespmem:v19+s3+$0x0], $0xffff;
	[tilespmem:s7+$0x280] =	vst v12;
	s7 =	sadd.s32 $0xE400, s6  }
0x594: {  	s12 =	sadd.s32 $0x1, s12;
	s9 =	sor.u32 s14, s21;
	v11 =	vld.idx.msk [tilespmem:v11+s3+$0x0], $0xffff;
	s21 =	sor.u32 s17, s7;
	[tilespmem:s13+$0x0] =	vst v9  }
0x595: {  	s28 =	sand.u32 $0x3, s12;
	v12 =	vadd.s32 $0x5180, v0;
	s7 =	sor.u32 s18, s7;
	v16 =	vld.idx.msk [tilespmem:v16+s3+$0x0], $0xffff;
	[tilespmem:s21+$0x0] =	vst v13  }
0x596: {  	v19 =	vadd.s32 $0x5200, v4;
	s13 =	sshll.u32 s28, $0x5;
	[tilespmem:s7+$0x0] =	vst v14;
	v10 =	vld.idx.msk [tilespmem:v10+s3+$0x0], $0xffff  }
0x597: {  	s29 =	sor.u32 s25, s8;
	s8 =	sadd.s32 $0x12580, s19;
	v9 =	vor.u32 $0x380, v7;
	s7 =	sadd.s32 s13, s31;
	v14 =	vld.idx.msk [tilespmem:v15+s3+$0x0], $0xffff  }
0x598: {  	[tilespmem:s9+$0x0] =	vst v18;
	v15 =	vor.u32 $0x380, v6;
	v13 =	vld.idx.msk [tilespmem:v20+s3+$0x0], $0xffff;
	s13 =	sor.u32 $0x300, s7;
	s21 =	sadd.s32 $0x10, s7;
	s7 =	sor.u32 s15, s8  }
0x599: {  	v18 =	vadd.s32 $0x7380, v1;
	s9 =	sor.u32 $0x300, s21;
	[tilespmem:s7+$0x0] =	vst v17  }
0x59a: {  	v1 =	vmov v4;
	v4 =	vmov v5;
	v12 =	vld.idx.msk [tilespmem:v12+s3+$0x0], $0xffff;
	s7 =	sadd.s32 $0x16700, s16;
	[tilespmem:s9+$0x8400] =	vst v11;
	v11 =	vadd.s32 $0x3100, v3  }
0x59b: {  	v5 =	vmov v7;
	v7 =	vadd.s32 $0x3100, v4;
	s9 =	sadd.s32 $0xE480, s6;
	s28 =	sor.u32 s25, s7;
	s7 =	sor.u32 s5, s7;
	v17 =	vld.idx.msk [tilespmem:v19+s3+$0x0], $0xffff;
	[tilespmem:s13+$0x8400] =	vst v16  }
0x59c: {  	v9 =	vld.idx.msk [tilespmem:v9+s3+$0x0], $0xffff;
	v16 =	vadd.s32 $0x5200, v0;
	s13 =	sor.u32 s17, s9;
	s9 =	sor.u32 s18, s9;
	[tilespmem:s7+$0x0] =	vst v14  }
0x59d: {  	v20 =	vadd.s32 $0x5280, v1;
	v19 =	vld.idx.msk [tilespmem:v15+s3+$0x0], $0xffff;
	[tilespmem:s9+$0x0] =	vst v13  }
0x59e: {  	s4 =	sadd.s32 $0x2, s4;
	s8 =	sor.u32 s14, s8;
	v63 =	vadd.s32 $0x1000, v5;
	[tilespmem:s13+$0x0] =	vst v10;
	s13 =	sadd.s32 $0x12600, s19;
	v22 =	vld.idx.msk [tilespmem:v18+s3+$0x0], $0xffff  }
0x59f: {  	p0 =	slt.u32 s4, $0x3E;
	s9 =	sor.u32 s15, s13;
	v18 =	vadd.s32 $0x1000, v6;
	v14 =	vld.idx.msk [tilespmem:v11+s3+$0x0], $0xffff;
	[tilespmem:s8+$0x0] =	vst v12  }
.Ltmp1:
0x5a0: {  	s7 =	sor.u32 s14, s13;
	s13 =	sor.u32 $0x380, s21;
	v13 =	vld.idx.msk [tilespmem:v7+s3+$0x0], $0xffff;
	[tilespmem:s9+$0x0] =	vst v17;
	(pc) =	sbr.rel @p0 .LBB2_4-.Ltmp1, $4  }
0x5a1: {  	s24 =	sadd.s32 $0x20, s24;
	s21 =	smov.u32 s10;
	s10 =	smov.u32 s11;
	v10 =	vld.idx.msk [tilespmem:v16+s3+$0x0], $0xffff;
	[tilespmem:s13+$0x8400] =	vst v9  }
0x5a2: {  	s13 =	sadd.s32 $0x16780, s16;
	s16 =	smov.u32 s19;
	s19 =	smov.u32 s6;
	v7 =	vld.idx.msk [tilespmem:v20+s3+$0x0], $0xffff  }
0x5a3: {  	v15 =	vadd.s32 $0x3180, v4;
	s11 =	rddreg [dreg:$0x4];
	[tilespmem:s23+$0x8400] =	vst v19;
	v17 =	vld.idx.msk [tilespmem:v63+s3+$0x0], $0xffff;
	s6 =	sadd.s32 $0xE500, s19;
	s8 =	sor.u32 s5, s13  }
0x5a4: {  	v11 =	vadd.s32 $0x5280, v0;
	v16 =	vadd.s32 $0x3180, v3;
	v9 =	vadd.s32 $0x5300, v1;
	s23 =	sor.u32 s25, s13;
	s5 =	sor.u32 s17, s6;
	s6 =	sor.u32 s18, s6;
	v18 =	vld.idx.msk [tilespmem:v18+s3+$0x0], $0xffff;
	[tilespmem:s8+$0x0] =	vst v22  }
0x5a5: {  	v12 =	vadd.s32 $0x1080, v5  }
0x5a6: {  	v19 =	vadd.s32 $0x1080, v6  }
0x5a7: {  	s4 =	sadd.s32 $0xA400, s22  }
0x5a8: {  	s8 =	sor.u32 s20, s4  }
0x5a9: {  	s4 =	sor.u32 s21, s4;
	[tilespmem:s8+$0x0] =	vst v17  }
0x5aa: {  	[tilespmem:s4+$0x0] =	vst v18;
	v12 =	vld.idx.msk [tilespmem:v12+s3+$0x0], $0xffff  }
0x5ab: {  	v36 =	vadd.s32 $0x1100, v5;
	v35 =	vld.idx.msk [tilespmem:v19+s3+$0x0], $0xffff  }
0x5ac: {  	v37 =	vadd.s32 $0x1100, v6  }
0x5ad: {  	s24 =	sadd.s32 $0xA480, s22  }
0x5ae: {  	s25 =	sor.u32 s20, s24  }
0x5af: {  	s4 =	sor.u32 s21, s24;
	[tilespmem:s25+$0x0] =	vst v12  }
0x5b0: {  	[tilespmem:s4+$0x0] =	vst v35;
	v12 =	vld.idx.msk [tilespmem:v36+s3+$0x0], $0xffff  }
0x5b1: {  	v38 =	vadd.s32 $0x1180, v5;
	v17 =	vld.idx.msk [tilespmem:v37+s3+$0x0], $0xffff  }
0x5b2: {  	v39 =	vadd.s32 $0x1180, v6  }
0x5b3: {  	s26 =	sadd.s32 $0xA500, s22  }
0x5b4: {  	s31 =	sor.u32 s20, s26  }
0x5b5: {  	s4 =	sor.u32 s21, s26;
	[tilespmem:s31+$0x0] =	vst v12  }
0x5b6: {  	[tilespmem:s4+$0x0] =	vst v17;
	v12 =	vld.idx.msk [tilespmem:v38+s3+$0x0], $0xffff  }
0x5b7: {  	v40 =	vadd.s32 $0x1200, v5;
	v17 =	vld.idx.msk [tilespmem:v39+s3+$0x0], $0xffff  }
0x5b8: {  	v41 =	vadd.s32 $0x1200, v6  }
0x5b9: {  	s8 =	sadd.s32 $0xA580, s22  }
0x5ba: {  	s9 =	sor.u32 s20, s8  }
0x5bb: {  	s4 =	sor.u32 s21, s8;
	[tilespmem:s9+$0x0] =	vst v12  }
0x5bc: {  	[tilespmem:s4+$0x0] =	vst v17;
	v12 =	vld.idx.msk [tilespmem:v40+s3+$0x0], $0xffff  }
0x5bd: {  	v42 =	vadd.s32 $0x1280, v5;
	v17 =	vld.idx.msk [tilespmem:v41+s3+$0x0], $0xffff  }
0x5be: {  	v43 =	vadd.s32 $0x1280, v6  }
0x5bf: {  	s12 =	sadd.s32 $0xA600, s22  }
0x5c0: {  	s13 =	sor.u32 s20, s12  }
0x5c1: {  	s4 =	sor.u32 s21, s12;
	[tilespmem:s13+$0x0] =	vst v12  }
0x5c2: {  	[tilespmem:s4+$0x0] =	vst v17;
	v12 =	vld.idx.msk [tilespmem:v42+s3+$0x0], $0xffff  }
0x5c3: {  	v44 =	vadd.s32 $0x1300, v5;
	v17 =	vld.idx.msk [tilespmem:v43+s3+$0x0], $0xffff  }
0x5c4: {  	v45 =	vadd.s32 $0x1300, v6  }
0x5c5: {  	s24 =	sadd.s32 $0xA680, s22  }
0x5c6: {  	s25 =	sor.u32 s20, s24  }
0x5c7: {  	s4 =	sor.u32 s21, s24;
	[tilespmem:s25+$0x0] =	vst v12  }
0x5c8: {  	[tilespmem:s4+$0x0] =	vst v17;
	v12 =	vld.idx.msk [tilespmem:v44+s3+$0x0], $0xffff  }
0x5c9: {  	v46 =	vadd.s32 $0x1380, v5;
	v17 =	vld.idx.msk [tilespmem:v45+s3+$0x0], $0xffff  }
0x5ca: {  	v47 =	vadd.s32 $0x1380, v6  }
0x5cb: {  	s26 =	sadd.s32 $0xA700, s22  }
0x5cc: {  	s31 =	sor.u32 s20, s26  }
0x5cd: {  	s4 =	sor.u32 s21, s26;
	[tilespmem:s31+$0x0] =	vst v12  }
0x5ce: {  	[tilespmem:s4+$0x0] =	vst v17;
	v12 =	vld.idx.msk [tilespmem:v46+s3+$0x0], $0xffff  }
0x5cf: {  	v48 =	vadd.s32 $0x2000, v5;
	v17 =	vld.idx.msk [tilespmem:v47+s3+$0x0], $0xffff  }
0x5d0: {  	v49 =	vadd.s32 $0x2000, v6  }
0x5d1: {  	s8 =	sadd.s32 $0xA780, s22  }
0x5d2: {  	s9 =	sor.u32 s20, s8  }
0x5d3: {  	s4 =	sor.u32 s21, s8;
	[tilespmem:s9+$0x0] =	vst v12  }
0x5d4: {  	[tilespmem:s4+$0x0] =	vst v17;
	v12 =	vld.idx.msk [tilespmem:v48+s3+$0x0], $0xffff  }
0x5d5: {  	v50 =	vadd.s32 $0x2080, v5;
	v17 =	vld.idx.msk [tilespmem:v49+s3+$0x0], $0xffff  }
0x5d6: {  	v51 =	vadd.s32 $0x2080, v6  }
0x5d7: {  	s12 =	sadd.s32 $0xC400, s22  }
0x5d8: {  	s13 =	sor.u32 s20, s12  }
0x5d9: {  	s4 =	sor.u32 s21, s12;
	[tilespmem:s13+$0x0] =	vst v12  }
0x5da: {  	[tilespmem:s4+$0x0] =	vst v17;
	v12 =	vld.idx.msk [tilespmem:v50+s3+$0x0], $0xffff  }
0x5db: {  	v52 =	vadd.s32 $0x2100, v5;
	v17 =	vld.idx.msk [tilespmem:v51+s3+$0x0], $0xffff  }
0x5dc: {  	v53 =	vadd.s32 $0x2100, v6  }
0x5dd: {  	s24 =	sadd.s32 $0xC480, s22  }
0x5de: {  	s25 =	sor.u32 s20, s24  }
0x5df: {  	s4 =	sor.u32 s21, s24;
	[tilespmem:s25+$0x0] =	vst v12  }
0x5e0: {  	[tilespmem:s4+$0x0] =	vst v17;
	v12 =	vld.idx.msk [tilespmem:v52+s3+$0x0], $0xffff  }
0x5e1: {  	v54 =	vadd.s32 $0x2180, v5;
	v17 =	vld.idx.msk [tilespmem:v53+s3+$0x0], $0xffff  }
0x5e2: {  	v55 =	vadd.s32 $0x2180, v6  }
0x5e3: {  	s26 =	sadd.s32 $0xC500, s22  }
0x5e4: {  	s31 =	sor.u32 s20, s26  }
0x5e5: {  	s4 =	sor.u32 s21, s26;
	[tilespmem:s31+$0x0] =	vst v12  }
0x5e6: {  	[tilespmem:s4+$0x0] =	vst v17;
	v12 =	vld.idx.msk [tilespmem:v54+s3+$0x0], $0xffff  }
0x5e7: {  	v56 =	vadd.s32 $0x2200, v5;
	v17 =	vld.idx.msk [tilespmem:v55+s3+$0x0], $0xffff  }
0x5e8: {  	v57 =	vadd.s32 $0x2200, v6  }
0x5e9: {  	s8 =	sadd.s32 $0xC580, s22  }
0x5ea: {  	s9 =	sor.u32 s20, s8  }
0x5eb: {  	s4 =	sor.u32 s21, s8;
	[tilespmem:s9+$0x0] =	vst v12  }
0x5ec: {  	[tilespmem:s4+$0x0] =	vst v17;
	v12 =	vld.idx.msk [tilespmem:v56+s3+$0x0], $0xffff  }
0x5ed: {  	v58 =	vadd.s32 $0x2280, v5;
	v17 =	vld.idx.msk [tilespmem:v57+s3+$0x0], $0xffff  }
0x5ee: {  	v59 =	vadd.s32 $0x2280, v6  }
0x5ef: {  	s12 =	sadd.s32 $0xC600, s22  }
0x5f0: {  	s13 =	sor.u32 s20, s12  }
0x5f1: {  	s4 =	sor.u32 s21, s12;
	[tilespmem:s13+$0x0] =	vst v12  }
0x5f2: {  	[tilespmem:s4+$0x0] =	vst v17;
	v12 =	vld.idx.msk [tilespmem:v58+s3+$0x0], $0xffff  }
0x5f3: {  	v60 =	vadd.s32 $0x2300, v5;
	v17 =	vld.idx.msk [tilespmem:v59+s3+$0x0], $0xffff  }
0x5f4: {  	v61 =	vadd.s32 $0x2300, v6  }
0x5f5: {  	s24 =	sadd.s32 $0xC680, s22  }
0x5f6: {  	s25 =	sor.u32 s20, s24  }
0x5f7: {  	s4 =	sor.u32 s21, s24;
	[tilespmem:s25+$0x0] =	vst v12  }
0x5f8: {  	[tilespmem:s4+$0x0] =	vst v17;
	v12 =	vld.idx.msk [tilespmem:v60+s3+$0x0], $0xffff  }
0x5f9: {  	v62 =	vadd.s32 $0x2380, v5;
	v17 =	vld.idx.msk [tilespmem:v61+s3+$0x0], $0xffff  }
0x5fa: {  	v63 =	vadd.s32 $0x2380, v6  }
0x5fb: {  	s26 =	sadd.s32 $0xC700, s22  }
0x5fc: {  	s31 =	sor.u32 s20, s26  }
0x5fd: {  	s4 =	sor.u32 s21, s26;
	[tilespmem:s31+$0x0] =	vst v12  }
0x5fe: {  	[tilespmem:s4+$0x0] =	vst v17;
	v12 =	vld.idx.msk [tilespmem:v62+s3+$0x0], $0xffff  }
0x5ff: {  	v21 =	vadd.s32 $0x3000, v5;
	v17 =	vld.idx.msk [tilespmem:v63+s3+$0x0], $0xffff  }
0x600: {  	v22 =	vadd.s32 $0x3000, v6  }
0x601: {  	s8 =	sadd.s32 $0xC780, s22  }
0x602: {  	s9 =	sor.u32 s20, s8  }
0x603: {  	s4 =	sor.u32 s21, s8;
	[tilespmem:s9+$0x0] =	vst v12  }
0x604: {  	[tilespmem:s4+$0x0] =	vst v17;
	v12 =	vld.idx.msk [tilespmem:v21+s3+$0x0], $0xffff  }
0x605: {  	v23 =	vadd.s32 $0x3080, v5;
	v17 =	vld.idx.msk [tilespmem:v22+s3+$0x0], $0xffff  }
0x606: {  	v24 =	vadd.s32 $0x3080, v6  }
0x607: {  	s12 =	sadd.s32 $0xE400, s22  }
0x608: {  	s13 =	sor.u32 s20, s12  }
0x609: {  	s4 =	sor.u32 s21, s12;
	[tilespmem:s13+$0x0] =	vst v12  }
0x60a: {  	[tilespmem:s4+$0x0] =	vst v17;
	v12 =	vld.idx.msk [tilespmem:v23+s3+$0x0], $0xffff  }
0x60b: {  	v25 =	vadd.s32 $0x3100, v5;
	v17 =	vld.idx.msk [tilespmem:v24+s3+$0x0], $0xffff  }
0x60c: {  	v26 =	vadd.s32 $0x3100, v6  }
0x60d: {  	s24 =	sadd.s32 $0xE480, s22  }
0x60e: {  	s25 =	sor.u32 s20, s24  }
0x60f: {  	s4 =	sor.u32 s21, s24;
	[tilespmem:s25+$0x0] =	vst v12  }
0x610: {  	[tilespmem:s4+$0x0] =	vst v17;
	v12 =	vld.idx.msk [tilespmem:v25+s3+$0x0], $0xffff  }
0x611: {  	v27 =	vadd.s32 $0x3180, v5;
	v17 =	vld.idx.msk [tilespmem:v26+s3+$0x0], $0xffff  }
0x612: {  	v28 =	vadd.s32 $0x3180, v6  }
0x613: {  	[tilespmem:s6+$0x0] =	vst v13;
	s26 =	sadd.s32 $0xE500, s22  }
0x614: {  	[tilespmem:s5+$0x0] =	vst v14;
	v13 =	vld.idx.msk [tilespmem:v15+s3+$0x0], $0xffff;
	s31 =	sor.u32 s20, s26  }
0x615: {  	v29 =	vadd.s32 $0x3200, v4;
	v14 =	vld.idx.msk [tilespmem:v16+s3+$0x0], $0xffff;
	s4 =	sor.u32 s21, s26;
	[tilespmem:s31+$0x0] =	vst v12  }
0x616: {  	v30 =	vadd.s32 $0x3200, v3;
	[tilespmem:s4+$0x0] =	vst v17;
	v31 =	vld.idx.msk [tilespmem:v27+s3+$0x0], $0xffff  }
0x617: {  	s5 =	sadd.s32 $0xE580, s19;
	v32 =	vadd.s32 $0x3200, v5;
	v17 =	vld.idx.msk [tilespmem:v28+s3+$0x0], $0xffff  }
0x618: {  	v33 =	vadd.s32 $0x3200, v6;
	s6 =	sor.u32 s18, s5  }
0x619: {  	[tilespmem:s6+$0x0] =	vst v13;
	s8 =	sadd.s32 $0xE580, s22;
	s4 =	sor.u32 s17, s5  }
0x61a: {  	v13 =	vld.idx.msk [tilespmem:v29+s3+$0x0], $0xffff;
	s9 =	sor.u32 s20, s8;
	[tilespmem:s4+$0x0] =	vst v14  }
0x61b: {  	v34 =	vadd.s32 $0x3280, v4;
	s5 =	sor.u32 s21, s8;
	v12 =	vld.idx.msk [tilespmem:v30+s3+$0x0], $0xffff;
	[tilespmem:s9+$0x0] =	vst v31  }
0x61c: {  	v35 =	vadd.s32 $0x3280, v3;
	[tilespmem:s5+$0x0] =	vst v17;
	v16 =	vld.idx.msk [tilespmem:v32+s3+$0x0], $0xffff  }
0x61d: {  	v36 =	vadd.s32 $0x3280, v5;
	s12 =	sadd.s32 $0xE600, s19;
	v17 =	vld.idx.msk [tilespmem:v33+s3+$0x0], $0xffff  }
0x61e: {  	v37 =	vadd.s32 $0x3280, v6;
	s13 =	sor.u32 s18, s12  }
0x61f: {  	s24 =	sadd.s32 $0xE600, s22;
	[tilespmem:s13+$0x0] =	vst v13;
	s4 =	sor.u32 s17, s12  }
0x620: {  	v38 =	vld.idx.msk [tilespmem:v34+s3+$0x0], $0xffff;
	s25 =	sor.u32 s20, s24;
	[tilespmem:s4+$0x0] =	vst v12  }
0x621: {  	v40 =	vadd.s32 $0x3300, v4;
	s5 =	sor.u32 s21, s24;
	v39 =	vld.idx.msk [tilespmem:v35+s3+$0x0], $0xffff;
	[tilespmem:s25+$0x0] =	vst v16  }
0x622: {  	v41 =	vadd.s32 $0x3300, v3;
	[tilespmem:s5+$0x0] =	vst v17;
	v16 =	vld.idx.msk [tilespmem:v36+s3+$0x0], $0xffff  }
0x623: {  	v42 =	vadd.s32 $0x3300, v5;
	s26 =	sadd.s32 $0xE680, s19;
	v17 =	vld.idx.msk [tilespmem:v37+s3+$0x0], $0xffff  }
0x624: {  	v43 =	vadd.s32 $0x3300, v6;
	s31 =	sor.u32 s18, s26  }
0x625: {  	s6 =	sadd.s32 $0xE680, s22;
	[tilespmem:s31+$0x0] =	vst v38;
	s4 =	sor.u32 s17, s26  }
0x626: {  	s8 =	sor.u32 s20, s6;
	v12 =	vld.idx.msk [tilespmem:v40+s3+$0x0], $0xffff;
	[tilespmem:s4+$0x0] =	vst v39  }
0x627: {  	v44 =	vadd.s32 $0x3380, v4;
	s5 =	sor.u32 s21, s6;
	v13 =	vld.idx.msk [tilespmem:v41+s3+$0x0], $0xffff;
	[tilespmem:s8+$0x0] =	vst v16  }
0x628: {  	v45 =	vadd.s32 $0x3380, v3;
	[tilespmem:s5+$0x0] =	vst v17;
	v16 =	vld.idx.msk [tilespmem:v42+s3+$0x0], $0xffff  }
0x629: {  	v46 =	vadd.s32 $0x3380, v5;
	s9 =	sadd.s32 $0xE700, s19;
	v17 =	vld.idx.msk [tilespmem:v43+s3+$0x0], $0xffff  }
0x62a: {  	v47 =	vadd.s32 $0x3380, v6;
	s12 =	sor.u32 s18, s9  }
0x62b: {  	s13 =	sadd.s32 $0xE700, s22;
	[tilespmem:s12+$0x0] =	vst v12;
	s4 =	sor.u32 s17, s9  }
0x62c: {  	s24 =	sor.u32 s20, s13;
	v12 =	vld.idx.msk [tilespmem:v44+s3+$0x0], $0xffff;
	[tilespmem:s4+$0x0] =	vst v13  }
0x62d: {  	v48 =	vadd.s32 $0x4000, v4;
	s5 =	sor.u32 s21, s13;
	v13 =	vld.idx.msk [tilespmem:v45+s3+$0x0], $0xffff;
	[tilespmem:s24+$0x0] =	vst v16  }
0x62e: {  	v49 =	vadd.s32 $0x4000, v3;
	[tilespmem:s5+$0x0] =	vst v17;
	v16 =	vld.idx.msk [tilespmem:v46+s3+$0x0], $0xffff  }
0x62f: {  	v50 =	vadd.s32 $0x4000, v5;
	s25 =	sadd.s32 $0xE780, s19;
	v17 =	vld.idx.msk [tilespmem:v47+s3+$0x0], $0xffff  }
0x630: {  	v51 =	vadd.s32 $0x4000, v6;
	s26 =	sor.u32 s18, s25  }
0x631: {  	s31 =	sadd.s32 $0xE780, s22;
	[tilespmem:s26+$0x0] =	vst v12;
	s4 =	sor.u32 s17, s25  }
0x632: {  	s6 =	sor.u32 s20, s31;
	v12 =	vld.idx.msk [tilespmem:v48+s3+$0x0], $0xffff;
	[tilespmem:s4+$0x0] =	vst v13  }
0x633: {  	v52 =	vadd.s32 $0x4080, v4;
	s5 =	sor.u32 s21, s31;
	v13 =	vld.idx.msk [tilespmem:v49+s3+$0x0], $0xffff;
	[tilespmem:s6+$0x0] =	vst v16  }
0x634: {  	v53 =	vadd.s32 $0x4080, v3;
	[tilespmem:s5+$0x0] =	vst v17;
	v16 =	vld.idx.msk [tilespmem:v50+s3+$0x0], $0xffff  }
0x635: {  	v54 =	vadd.s32 $0x4080, v5;
	s8 =	sadd.s32 $0x10400, s19;
	v17 =	vld.idx.msk [tilespmem:v51+s3+$0x0], $0xffff  }
0x636: {  	v55 =	vadd.s32 $0x4080, v6;
	s9 =	sor.u32 s18, s8  }
0x637: {  	s12 =	sadd.s32 $0x10400, s22;
	[tilespmem:s9+$0x0] =	vst v12;
	s4 =	sor.u32 s17, s8  }
0x638: {  	s13 =	sor.u32 s20, s12;
	v12 =	vld.idx.msk [tilespmem:v52+s3+$0x0], $0xffff;
	[tilespmem:s4+$0x0] =	vst v13  }
0x639: {  	v56 =	vadd.s32 $0x4100, v4;
	s5 =	sor.u32 s21, s12;
	v13 =	vld.idx.msk [tilespmem:v53+s3+$0x0], $0xffff;
	[tilespmem:s13+$0x0] =	vst v16  }
0x63a: {  	v57 =	vadd.s32 $0x4100, v3;
	[tilespmem:s5+$0x0] =	vst v17;
	v16 =	vld.idx.msk [tilespmem:v54+s3+$0x0], $0xffff  }
0x63b: {  	v58 =	vadd.s32 $0x4100, v5;
	s24 =	sadd.s32 $0x10480, s19;
	v17 =	vld.idx.msk [tilespmem:v55+s3+$0x0], $0xffff  }
0x63c: {  	v59 =	vadd.s32 $0x4100, v6;
	s25 =	sor.u32 s18, s24  }
0x63d: {  	s26 =	sadd.s32 $0x10480, s22;
	[tilespmem:s25+$0x0] =	vst v12;
	s4 =	sor.u32 s17, s24  }
0x63e: {  	s31 =	sor.u32 s20, s26;
	v12 =	vld.idx.msk [tilespmem:v56+s3+$0x0], $0xffff;
	[tilespmem:s4+$0x0] =	vst v13  }
0x63f: {  	v60 =	vadd.s32 $0x4180, v4;
	s5 =	sor.u32 s21, s26;
	v13 =	vld.idx.msk [tilespmem:v57+s3+$0x0], $0xffff;
	[tilespmem:s31+$0x0] =	vst v16  }
0x640: {  	v61 =	vadd.s32 $0x4180, v3;
	[tilespmem:s5+$0x0] =	vst v17;
	v16 =	vld.idx.msk [tilespmem:v58+s3+$0x0], $0xffff  }
0x641: {  	v62 =	vadd.s32 $0x4180, v5;
	s5 =	sadd.s32 $0x10500, s19;
	v17 =	vld.idx.msk [tilespmem:v59+s3+$0x0], $0xffff  }
0x642: {  	v63 =	vadd.s32 $0x4180, v6;
	s6 =	sor.u32 s18, s5  }
0x643: {  	s8 =	sadd.s32 $0x10500, s22;
	s4 =	sor.u32 s17, s5;
	[tilespmem:s6+$0x0] =	vst v12  }
0x644: {  	s9 =	sor.u32 s20, s8;
	[tilespmem:s4+$0x0] =	vst v13;
	v12 =	vld.idx.msk [tilespmem:v60+s3+$0x0], $0xffff  }
0x645: {  	v21 =	vadd.s32 $0x4200, v4;
	s5 =	sor.u32 s21, s8;
	v13 =	vld.idx.msk [tilespmem:v61+s3+$0x0], $0xffff;
	[tilespmem:s9+$0x0] =	vst v16  }
0x646: {  	v22 =	vadd.s32 $0x4200, v3;
	[tilespmem:s5+$0x0] =	vst v17;
	v16 =	vld.idx.msk [tilespmem:v62+s3+$0x0], $0xffff  }
0x647: {  	v23 =	vadd.s32 $0x4200, v5;
	s12 =	sadd.s32 $0x10580, s19;
	v17 =	vld.idx.msk [tilespmem:v63+s3+$0x0], $0xffff  }
0x648: {  	v24 =	vadd.s32 $0x4200, v6;
	s13 =	sor.u32 s18, s12  }
0x649: {  	s24 =	sadd.s32 $0x10580, s22;
	s4 =	sor.u32 s17, s12;
	[tilespmem:s13+$0x0] =	vst v12  }
0x64a: {  	s25 =	sor.u32 s20, s24;
	[tilespmem:s4+$0x0] =	vst v13;
	v12 =	vld.idx.msk [tilespmem:v21+s3+$0x0], $0xffff  }
0x64b: {  	v25 =	vadd.s32 $0x4280, v4;
	s5 =	sor.u32 s21, s24;
	v13 =	vld.idx.msk [tilespmem:v22+s3+$0x0], $0xffff;
	[tilespmem:s25+$0x0] =	vst v16  }
0x64c: {  	v26 =	vadd.s32 $0x4280, v3;
	[tilespmem:s5+$0x0] =	vst v17;
	v16 =	vld.idx.msk [tilespmem:v23+s3+$0x0], $0xffff  }
0x64d: {  	v27 =	vadd.s32 $0x4280, v5;
	s26 =	sadd.s32 $0x10600, s19;
	v17 =	vld.idx.msk [tilespmem:v24+s3+$0x0], $0xffff  }
0x64e: {  	v28 =	vadd.s32 $0x4280, v6;
	s31 =	sor.u32 s18, s26  }
0x64f: {  	s6 =	sadd.s32 $0x10600, s22;
	s4 =	sor.u32 s17, s26;
	[tilespmem:s31+$0x0] =	vst v12  }
0x650: {  	s8 =	sor.u32 s20, s6;
	[tilespmem:s4+$0x0] =	vst v13;
	v12 =	vld.idx.msk [tilespmem:v25+s3+$0x0], $0xffff  }
0x651: {  	v29 =	vadd.s32 $0x4300, v4;
	s5 =	sor.u32 s21, s6;
	v13 =	vld.idx.msk [tilespmem:v26+s3+$0x0], $0xffff;
	[tilespmem:s8+$0x0] =	vst v16  }
0x652: {  	v30 =	vadd.s32 $0x4300, v3;
	[tilespmem:s5+$0x0] =	vst v17;
	v16 =	vld.idx.msk [tilespmem:v27+s3+$0x0], $0xffff  }
0x653: {  	v31 =	vadd.s32 $0x4300, v5;
	s9 =	sadd.s32 $0x10680, s19;
	v17 =	vld.idx.msk [tilespmem:v28+s3+$0x0], $0xffff  }
0x654: {  	v32 =	vadd.s32 $0x4300, v6;
	s12 =	sor.u32 s18, s9  }
0x655: {  	s13 =	sadd.s32 $0x10680, s22;
	s4 =	sor.u32 s17, s9;
	[tilespmem:s12+$0x0] =	vst v12  }
0x656: {  	s24 =	sor.u32 s20, s13;
	[tilespmem:s4+$0x0] =	vst v13;
	v12 =	vld.idx.msk [tilespmem:v29+s3+$0x0], $0xffff  }
0x657: {  	v33 =	vadd.s32 $0x4380, v4;
	s5 =	sor.u32 s21, s13;
	v34 =	vld.idx.msk [tilespmem:v30+s3+$0x0], $0xffff;
	[tilespmem:s24+$0x0] =	vst v16  }
0x658: {  	v35 =	vadd.s32 $0x4380, v3;
	[tilespmem:s5+$0x0] =	vst v17;
	v16 =	vld.idx.msk [tilespmem:v31+s3+$0x0], $0xffff  }
0x659: {  	v36 =	vadd.s32 $0x4380, v5;
	s25 =	sadd.s32 $0x10700, s19;
	v37 =	vld.idx.msk [tilespmem:v32+s3+$0x0], $0xffff  }
0x65a: {  	v38 =	vadd.s32 $0x4380, v6;
	s26 =	sor.u32 s18, s25  }
0x65b: {  	s31 =	sadd.s32 $0x10700, s22;
	s4 =	sor.u32 s17, s25;
	[tilespmem:s26+$0x0] =	vst v12  }
0x65c: {  	s6 =	sor.u32 s20, s31;
	[tilespmem:s4+$0x0] =	vst v34;
	v12 =	vld.idx.msk [tilespmem:v33+s3+$0x0], $0xffff  }
0x65d: {  	v39 =	vadd.s32 $0x5000, v4;
	s5 =	sor.u32 s21, s31;
	v14 =	vld.idx.msk [tilespmem:v35+s3+$0x0], $0xffff;
	[tilespmem:s6+$0x0] =	vst v16  }
0x65e: {  	v40 =	vadd.s32 $0x5000, v3;
	[tilespmem:s5+$0x0] =	vst v37;
	v16 =	vld.idx.msk [tilespmem:v36+s3+$0x0], $0xffff  }
0x65f: {  	v41 =	vadd.s32 $0x5000, v5;
	s8 =	sadd.s32 $0x10780, s19;
	v18 =	vld.idx.msk [tilespmem:v38+s3+$0x0], $0xffff  }
0x660: {  	v42 =	vadd.s32 $0x5000, v6;
	s9 =	sor.u32 s18, s8  }
0x661: {  	s12 =	sadd.s32 $0x10780, s22;
	s4 =	sor.u32 s17, s8;
	[tilespmem:s9+$0x0] =	vst v12  }
0x662: {  	s13 =	sor.u32 s20, s12;
	[tilespmem:s4+$0x0] =	vst v14;
	v12 =	vld.idx.msk [tilespmem:v39+s3+$0x0], $0xffff  }
0x663: {  	v43 =	vadd.s32 $0x5080, v4;
	s5 =	sor.u32 s21, s12;
	v14 =	vld.idx.msk [tilespmem:v40+s3+$0x0], $0xffff;
	[tilespmem:s13+$0x0] =	vst v16  }
0x664: {  	v44 =	vadd.s32 $0x5080, v3;
	[tilespmem:s5+$0x0] =	vst v18;
	v16 =	vld.idx.msk [tilespmem:v41+s3+$0x0], $0xffff  }
0x665: {  	[tilespmem:s11+$0x0] =	vst v8;
	v45 =	vadd.s32 $0x5080, v5;
	s26 =	sadd.s32 $0x12400, s19;
	v46 =	vld.idx.msk [tilespmem:v42+s3+$0x0], $0xffff  }
0x666: {  	[tilespmem:s7+$0x0] =	vst v10;
	v47 =	vadd.s32 $0x5080, v6;
	s31 =	sor.u32 s18, s26  }
0x667: {  	s7 =	sadd.s32 $0x12400, s22;
	v11 =	vld.idx.msk [tilespmem:v11+s3+$0x0], $0xffff;
	s6 =	sor.u32 s17, s26;
	[tilespmem:s31+$0x0] =	vst v12  }
0x668: {  	v48 =	vadd.s32 $0x7000, v2;
	s8 =	sor.u32 s20, s7;
	[tilespmem:s6+$0x0] =	vst v14;
	v13 =	vld.idx.msk [tilespmem:v43+s3+$0x0], $0xffff  }
0x669: {  	v49 =	vadd.s32 $0x5100, v4;
	s24 =	sadd.s32 $0x12680, s16;
	s5 =	sor.u32 s21, s7;
	v15 =	vld.idx.msk [tilespmem:v44+s3+$0x0], $0xffff;
	[tilespmem:s8+$0x0] =	vst v16  }
0x66a: {  	v50 =	vadd.s32 $0x5100, v3;
	s25 =	sor.u32 s15, s24;
	[tilespmem:s5+$0x0] =	vst v46;
	v10 =	vld.idx.msk [tilespmem:v45+s3+$0x0], $0xffff  }
0x66b: {  	v51 =	vadd.s32 $0x5100, v5;
	[tilespmem:s25+$0x0] =	vst v7;
	s4 =	sor.u32 s14, s24;
	s9 =	sadd.s32 $0x12480, s19;
	v7 =	vld.idx.msk [tilespmem:v47+s3+$0x0], $0xffff  }
0x66c: {  	v52 =	vadd.s32 $0x5100, v6;
	v9 =	vld.idx.msk [tilespmem:v9+s3+$0x0], $0xffff;
	[tilespmem:s4+$0x0] =	vst v11;
	s11 =	sor.u32 s18, s9  }
0x66d: {  	v53 =	vadd.s32 $0x5300, v0;
	s12 =	sadd.s32 $0x12480, s22;
	v12 =	vld.idx.msk [tilespmem:v48+s3+$0x0], $0xffff;
	s5 =	sor.u32 s17, s9;
	[tilespmem:s11+$0x0] =	vst v13  }
0x66e: {  	v54 =	vadd.s32 $0x5380, v1;
	s13 =	sor.u32 s20, s12;
	[tilespmem:s5+$0x0] =	vst v15;
	v14 =	vld.idx.msk [tilespmem:v49+s3+$0x0], $0xffff  }
0x66f: {  	v55 =	vadd.s32 $0x5180, v4;
	s24 =	sadd.s32 $0x12700, s16;
	s4 =	sor.u32 s21, s12;
	v15 =	vld.idx.msk [tilespmem:v50+s3+$0x0], $0xffff;
	[tilespmem:s13+$0x0] =	vst v10  }
0x670: {  	v56 =	vadd.s32 $0x5180, v3;
	s25 =	sor.u32 s15, s24;
	[tilespmem:s4+$0x0] =	vst v7;
	v8 =	vld.idx.msk [tilespmem:v51+s3+$0x0], $0xffff  }
0x671: {  	v57 =	vadd.s32 $0x5180, v5;
	s26 =	sadd.s32 $0x12500, s19;
	[tilespmem:s25+$0x0] =	vst v9;
	v11 =	vld.idx.msk [tilespmem:v52+s3+$0x0], $0xffff  }
0x672: {  	v59 =	vadd.s32 $0x5180, v6;
	v58 =	vld.idx.msk [tilespmem:v53+s3+$0x0], $0xffff;
	s31 =	sor.u32 s18, s26;
	[tilespmem:s10+$0x0] =	vst v12  }
0x673: {  	v60 =	vadd.s32 $0x7080, v2;
	s7 =	sadd.s32 $0x12500, s22;
	v13 =	vld.idx.msk [tilespmem:v54+s3+$0x0], $0xffff;
	s4 =	sor.u32 s17, s26;
	[tilespmem:s31+$0x0] =	vst v14  }
0x674: {  	v61 =	vadd.s32 $0x5380, v0;
	s8 =	sor.u32 s20, s7;
	[tilespmem:s4+$0x0] =	vst v15;
	v10 =	vld.idx.msk [tilespmem:v55+s3+$0x0], $0xffff  }
0x675: {  	v62 =	vadd.s32 $0x5200, v4;
	s6 =	sor.u32 s21, s7;
	v7 =	vld.idx.msk [tilespmem:v56+s3+$0x0], $0xffff;
	[tilespmem:s8+$0x0] =	vst v8  }
0x676: {  	v63 =	vadd.s32 $0x5200, v3;
	s9 =	sor.u32 s14, s24;
	s10 =	sadd.s32 $0x12780, s16;
	[tilespmem:s6+$0x0] =	vst v11;
	v9 =	vld.idx.msk [tilespmem:v57+s3+$0x0], $0xffff  }
0x677: {  	v20 =	vadd.s32 $0x5200, v5;
	s12 =	sadd.s32 $0x12580, s19;
	[tilespmem:s9+$0x0] =	vst v58;
	s11 =	sor.u32 s15, s10;
	v12 =	vld.idx.msk [tilespmem:v59+s3+$0x0], $0xffff  }
0x678: {  	v22 =	vadd.s32 $0x5200, v6;
	v21 =	vld.idx.msk [tilespmem:v60+s3+$0x0], $0xffff;
	s13 =	sor.u32 s18, s12;
	[tilespmem:s11+$0x0] =	vst v13  }
0x679: {  	v23 =	vadd.s32 $0x6000, v1;
	s24 =	sadd.s32 $0x12580, s22;
	v14 =	vld.idx.msk [tilespmem:v61+s3+$0x0], $0xffff;
	s6 =	sor.u32 s17, s12;
	[tilespmem:s13+$0x0] =	vst v10  }
0x67a: {  	v24 =	vadd.s32 $0x7100, v2;
	s25 =	sor.u32 s20, s24;
	[tilespmem:s6+$0x0] =	vst v7;
	v15 =	vld.idx.msk [tilespmem:v62+s3+$0x0], $0xffff  }
0x67b: {  	v25 =	vadd.s32 $0x5280, v4;
	s4 =	sor.u32 s21, s24;
	v8 =	vld.idx.msk [tilespmem:v63+s3+$0x0], $0xffff;
	[tilespmem:s25+$0x0] =	vst v9  }
0x67c: {  	v26 =	vadd.s32 $0x5280, v3;
	[tilespmem:s4+$0x0] =	vst v12;
	v11 =	vld.idx.msk [tilespmem:v20+s3+$0x0], $0xffff  }
0x67d: {  	v27 =	vadd.s32 $0x5280, v5;
	s26 =	sor.u32 s14, s10;
	[tilespmem:s1+$0x0] =	vst v21;
	s31 =	sadd.s32 $0x12600, s19;
	v13 =	vld.idx.msk [tilespmem:v22+s3+$0x0], $0xffff  }
0x67e: {  	v29 =	vadd.s32 $0x5280, v6;
	v28 =	vld.idx.msk [tilespmem:v23+s3+$0x0], $0xffff;
	s5 =	sor.u32 s18, s31;
	[tilespmem:s26+$0x0] =	vst v14  }
0x67f: {  	v30 =	vadd.s32 $0x6000, v0;
	s1 =	sor.u32 s17, s31;
	v10 =	vld.idx.msk [tilespmem:v24+s3+$0x0], $0xffff;
	s6 =	sadd.s32 $0x12600, s22;
	[tilespmem:s5+$0x0] =	vst v15  }
0x680: {  	v31 =	vadd.s32 $0x6080, v1;
	s7 =	sor.u32 s20, s6;
	[tilespmem:s1+$0x0] =	vst v8;
	v7 =	vld.idx.msk [tilespmem:v25+s3+$0x0], $0xffff  }
0x681: {  	v32 =	vadd.s32 $0x5300, v4;
	s8 =	sadd.s32 $0x14400, s16;
	s4 =	sor.u32 s21, s6;
	v9 =	vld.idx.msk [tilespmem:v26+s3+$0x0], $0xffff;
	[tilespmem:s7+$0x0] =	vst v11  }
0x682: {  	v33 =	vadd.s32 $0x5300, v3;
	s9 =	sor.u32 s15, s8;
	[tilespmem:s4+$0x0] =	vst v13;
	v12 =	vld.idx.msk [tilespmem:v27+s3+$0x0], $0xffff  }
0x683: {  	v34 =	vadd.s32 $0x5300, v5;
	s10 =	sadd.s32 $0x12680, s19;
	[tilespmem:s9+$0x0] =	vst v28;
	v14 =	vld.idx.msk [tilespmem:v29+s3+$0x0], $0xffff  }
0x684: {  	v36 =	vadd.s32 $0x5300, v6;
	s11 =	sor.u32 s18, s10;
	v35 =	vld.idx.msk [tilespmem:v30+s3+$0x0], $0xffff;
	[tilespmem:s2+$0x0] =	vst v10  }
0x685: {  	v37 =	vadd.s32 $0x7180, v2;
	s12 =	sadd.s32 $0x12680, s22;
	v15 =	vld.idx.msk [tilespmem:v31+s3+$0x0], $0xffff;
	s4 =	sor.u32 s17, s10;
	[tilespmem:s11+$0x0] =	vst v7  }
0x686: {  	v38 =	vadd.s32 $0x6080, v0;
	s13 =	sor.u32 s20, s12;
	[tilespmem:s4+$0x0] =	vst v9;
	v8 =	vld.idx.msk [tilespmem:v32+s3+$0x0], $0xffff  }
0x687: {  	v39 =	vadd.s32 $0x5380, v4;
	s2 =	sor.u32 s21, s12;
	v11 =	vld.idx.msk [tilespmem:v33+s3+$0x0], $0xffff;
	[tilespmem:s13+$0x0] =	vst v12  }
0x688: {  	v40 =	vadd.s32 $0x5380, v3;
	s24 =	sadd.s32 $0x14480, s16;
	s1 =	sor.u32 s14, s8;
	[tilespmem:s2+$0x0] =	vst v14;
	v13 =	vld.idx.msk [tilespmem:v34+s3+$0x0], $0xffff  }
0x689: {  	v41 =	vadd.s32 $0x5380, v5;
	s26 =	sadd.s32 $0x12700, s19;
	s25 =	sor.u32 s15, s24;
	[tilespmem:s1+$0x0] =	vst v35;
	v10 =	vld.idx.msk [tilespmem:v36+s3+$0x0], $0xffff  }
0x68a: {  	v43 =	vadd.s32 $0x5380, v6;
	s31 =	sor.u32 s18, s26;
	v42 =	vld.idx.msk [tilespmem:v37+s3+$0x0], $0xffff;
	[tilespmem:s25+$0x0] =	vst v15  }
0x68b: {  	v44 =	vadd.s32 $0x6100, v1;
	s5 =	sadd.s32 $0x12700, s22;
	v7 =	vld.idx.msk [tilespmem:v38+s3+$0x0], $0xffff;
	s2 =	sor.u32 s17, s26;
	[tilespmem:s31+$0x0] =	vst v8  }
0x68c: {  	v45 =	vadd.s32 $0x7200, v2;
	s6 =	sor.u32 s20, s5;
	[tilespmem:s2+$0x0] =	vst v11;
	v9 =	vld.idx.msk [tilespmem:v39+s3+$0x0], $0xffff  }
0x68d: {  	v46 =	vadd.s32 $0x6000, v4;
	s1 =	sor.u32 s21, s5;
	v12 =	vld.idx.msk [tilespmem:v40+s3+$0x0], $0xffff;
	[tilespmem:s6+$0x0] =	vst v13  }
0x68e: {  	v47 =	vadd.s32 $0x6000, v3;
	[tilespmem:s1+$0x0] =	vst v10;
	v13 =	vld.idx.msk [tilespmem:v41+s3+$0x0], $0xffff  }
0x68f: {  	v48 =	vadd.s32 $0x6000, v5;
	s8 =	sadd.s32 $0x12780, s19;
	s7 =	sor.u32 s14, s24;
	[tilespmem:s0+$0x0] =	vst v42;
	v15 =	vld.idx.msk [tilespmem:v43+s3+$0x0], $0xffff  }
0x690: {  	v50 =	vadd.s32 $0x6000, v6;
	s9 =	sor.u32 s18, s8;
	v49 =	vld.idx.msk [tilespmem:v44+s3+$0x0], $0xffff;
	[tilespmem:s7+$0x0] =	vst v7  }
0x691: {  	v51 =	vadd.s32 $0x6100, v0;
	s10 =	sadd.s32 $0x12780, s22;
	s0 =	sor.u32 s17, s8;
	v8 =	vld.idx.msk [tilespmem:v45+s3+$0x0], $0xffff;
	[tilespmem:s9+$0x0] =	vst v9  }
0x692: {  	v52 =	vadd.s32 $0x6180, v1;
	s11 =	sor.u32 s20, s10;
	[tilespmem:s0+$0x0] =	vst v12;
	v11 =	vld.idx.msk [tilespmem:v46+s3+$0x0], $0xffff  }
0x693: {  	v53 =	vadd.s32 $0x6080, v4;
	s12 =	sadd.s32 $0x14500, s16;
	s1 =	sor.u32 s21, s10;
	v10 =	vld.idx.msk [tilespmem:v47+s3+$0x0], $0xffff;
	[tilespmem:s11+$0x0] =	vst v13  }
0x694: {  	v54 =	vadd.s32 $0x6080, v3;
	s13 =	sor.u32 s15, s12;
	[tilespmem:s1+$0x0] =	vst v15;
	v14 =	vld.idx.msk [tilespmem:v48+s3+$0x0], $0xffff  }
0x695: {  	v55 =	vadd.s32 $0x6080, v5;
	s24 =	sadd.s32 $0x14400, s19;
	[tilespmem:s13+$0x0] =	vst v49;
	v7 =	vld.idx.msk [tilespmem:v50+s3+$0x0], $0xffff  }
0x696: {  	v57 =	vadd.s32 $0x6080, v6;
	s25 =	sor.u32 s18, s24;
	v56 =	vld.idx.msk [tilespmem:v51+s3+$0x0], $0xffff;
	[tilespmem:s30+$0x0] =	vst v8  }
0x697: {  	v58 =	vadd.s32 $0x7280, v2;
	s26 =	sadd.s32 $0x14400, s22;
	v9 =	vld.idx.msk [tilespmem:v52+s3+$0x0], $0xffff;
	s1 =	sor.u32 s17, s24;
	[tilespmem:s25+$0x0] =	vst v11  }
0x698: {  	v59 =	vadd.s32 $0x6180, v0;
	s30 =	sor.u32 s20, s26;
	[tilespmem:s1+$0x0] =	vst v10;
	v12 =	vld.idx.msk [tilespmem:v53+s3+$0x0], $0xffff  }
0x699: {  	v60 =	vadd.s32 $0x6100, v4;
	s2 =	sor.u32 s21, s26;
	v13 =	vld.idx.msk [tilespmem:v54+s3+$0x0], $0xffff;
	[tilespmem:s30+$0x0] =	vst v14  }
0x69a: {  	v61 =	vadd.s32 $0x6100, v3;
	s31 =	sadd.s32 $0x14580, s16;
	s0 =	sor.u32 s14, s12;
	[tilespmem:s2+$0x0] =	vst v7;
	v15 =	vld.idx.msk [tilespmem:v55+s3+$0x0], $0xffff  }
0x69b: {  	v62 =	vadd.s32 $0x6100, v5;
	s5 =	sadd.s32 $0x14480, s19;
	s4 =	sor.u32 s15, s31;
	[tilespmem:s0+$0x0] =	vst v56;
	v8 =	vld.idx.msk [tilespmem:v57+s3+$0x0], $0xffff  }
0x69c: {  	v20 =	vadd.s32 $0x6100, v6;
	s6 =	sor.u32 s18, s5;
	v63 =	vld.idx.msk [tilespmem:v58+s3+$0x0], $0xffff;
	[tilespmem:s4+$0x0] =	vst v9  }
0x69d: {  	v21 =	vadd.s32 $0x6200, v1;
	s7 =	sadd.s32 $0x14480, s22;
	v11 =	vld.idx.msk [tilespmem:v59+s3+$0x0], $0xffff;
	s2 =	sor.u32 s17, s5;
	[tilespmem:s6+$0x0] =	vst v12  }
0x69e: {  	v22 =	vadd.s32 $0x7300, v2;
	s8 =	sor.u32 s20, s7;
	[tilespmem:s2+$0x0] =	vst v13;
	v10 =	vld.idx.msk [tilespmem:v60+s3+$0x0], $0xffff  }
0x69f: {  	v23 =	vadd.s32 $0x6180, v4;
	s0 =	sor.u32 s21, s7;
	v14 =	vld.idx.msk [tilespmem:v61+s3+$0x0], $0xffff;
	[tilespmem:s8+$0x0] =	vst v15  }
0x6a0: {  	v24 =	vadd.s32 $0x6180, v3;
	[tilespmem:s0+$0x0] =	vst v8;
	v7 =	vld.idx.msk [tilespmem:v62+s3+$0x0], $0xffff  }
0x6a1: {  	v25 =	vadd.s32 $0x6180, v5;
	s10 =	sadd.s32 $0x14500, s19;
	s9 =	sor.u32 s14, s31;
	[tilespmem:s29+$0x0] =	vst v63;
	v9 =	vld.idx.msk [tilespmem:v20+s3+$0x0], $0xffff  }
0x6a2: {  	v27 =	vadd.s32 $0x6180, v6;
	s11 =	sor.u32 s18, s10;
	v26 =	vld.idx.msk [tilespmem:v21+s3+$0x0], $0xffff;
	[tilespmem:s9+$0x0] =	vst v11  }
0x6a3: {  	v28 =	vadd.s32 $0x6200, v0;
	s12 =	sadd.s32 $0x14500, s22;
	s1 =	sor.u32 s17, s10;
	v12 =	vld.idx.msk [tilespmem:v22+s3+$0x0], $0xffff;
	[tilespmem:s11+$0x0] =	vst v10  }
0x6a4: {  	v29 =	vadd.s32 $0x6280, v1;
	s13 =	sor.u32 s20, s12;
	[tilespmem:s1+$0x0] =	vst v14;
	v13 =	vld.idx.msk [tilespmem:v23+s3+$0x0], $0xffff  }
0x6a5: {  	v30 =	vadd.s32 $0x6200, v4;
	s24 =	sadd.s32 $0x14600, s16;
	s0 =	sor.u32 s21, s12;
	v8 =	vld.idx.msk [tilespmem:v24+s3+$0x0], $0xffff;
	[tilespmem:s13+$0x0] =	vst v7  }
0x6a6: {  	v31 =	vadd.s32 $0x6200, v3;
	s25 =	sor.u32 s15, s24;
	[tilespmem:s0+$0x0] =	vst v9;
	v32 =	vld.idx.msk [tilespmem:v25+s3+$0x0], $0xffff  }
0x6a7: {  	v33 =	vadd.s32 $0x6200, v5;
	s26 =	sadd.s32 $0x14580, s19;
	[tilespmem:s25+$0x0] =	vst v26;
	v11 =	vld.idx.msk [tilespmem:v27+s3+$0x0], $0xffff  }
0x6a8: {  	v35 =	vadd.s32 $0x6200, v6;
	s29 =	sor.u32 s18, s26;
	v34 =	vld.idx.msk [tilespmem:v28+s3+$0x0], $0xffff;
	[tilespmem:s28+$0x0] =	vst v12  }
0x6a9: {  	v36 =	vadd.s32 $0x7380, v2;
	s30 =	sadd.s32 $0x14580, s22;
	v10 =	vld.idx.msk [tilespmem:v29+s3+$0x0], $0xffff;
	s0 =	sor.u32 s17, s26;
	[tilespmem:s29+$0x0] =	vst v13  }
0x6aa: {  	v37 =	vadd.s32 $0x6280, v0;
	s31 =	sor.u32 s20, s30;
	[tilespmem:s0+$0x0] =	vst v8;
	v7 =	vld.idx.msk [tilespmem:v30+s3+$0x0], $0xffff  }
0x6ab: {  	v38 =	vadd.s32 $0x6280, v4;
	s2 =	sor.u32 s21, s30;
	v9 =	vld.idx.msk [tilespmem:v31+s3+$0x0], $0xffff;
	[tilespmem:s31+$0x0] =	vst v32  }
0x6ac: {  	v39 =	vadd.s32 $0x6280, v3;
	s4 =	sor.u32 s14, s24;
	s5 =	sadd.s32 $0x14680, s16;
	[tilespmem:s2+$0x0] =	vst v11;
	v15 =	vld.idx.msk [tilespmem:v33+s3+$0x0], $0xffff  }
0x6ad: {  	v40 =	vadd.s32 $0x6280, v5;
	s7 =	sadd.s32 $0x14600, s19;
	s6 =	sor.u32 s15, s5;
	[tilespmem:s4+$0x0] =	vst v34;
	v12 =	vld.idx.msk [tilespmem:v35+s3+$0x0], $0xffff  }
0x6ae: {  	v41 =	vadd.s32 $0x6280, v6;
	s8 =	sor.u32 s18, s7;
	v2 =	vld.idx.msk [tilespmem:v36+s3+$0x0], $0xffff;
	[tilespmem:s6+$0x0] =	vst v10  }
0x6af: {  	v42 =	vadd.s32 $0x6300, v1;
	s9 =	sadd.s32 $0x14600, s22;
	v13 =	vld.idx.msk [tilespmem:v37+s3+$0x0], $0xffff;
	s2 =	sor.u32 s17, s7;
	[tilespmem:s8+$0x0] =	vst v7  }
0x6b0: {  	v43 =	vadd.s32 $0x6300, v0;
	s10 =	sor.u32 s20, s9;
	[tilespmem:s2+$0x0] =	vst v9;
	v8 =	vld.idx.msk [tilespmem:v38+s3+$0x0], $0xffff  }
0x6b1: {  	v44 =	vadd.s32 $0x6300, v4;
	s0 =	sor.u32 s21, s9;
	v14 =	vld.idx.msk [tilespmem:v39+s3+$0x0], $0xffff;
	[tilespmem:s10+$0x0] =	vst v15  }
0x6b2: {  	v45 =	vadd.s32 $0x6300, v3;
	[tilespmem:s0+$0x0] =	vst v12;
	v11 =	vld.idx.msk [tilespmem:v40+s3+$0x0], $0xffff  }
0x6b3: {  	v46 =	vadd.s32 $0x6300, v5;
	s12 =	sadd.s32 $0x14680, s19;
	s11 =	sor.u32 s14, s5;
	[tilespmem:s23+$0x0] =	vst v2;
	v10 =	vld.idx.msk [tilespmem:v41+s3+$0x0], $0xffff  }
0x6b4: {  	v48 =	vadd.s32 $0x6300, v6;
	s13 =	sor.u32 s18, s12;
	v47 =	vld.idx.msk [tilespmem:v42+s3+$0x0], $0xffff;
	[tilespmem:s11+$0x0] =	vst v13  }
0x6b5: {  	v49 =	vadd.s32 $0x6380, v1;
	s1 =	sor.u32 s17, s12;
	s23 =	sadd.s32 $0x14680, s22;
	v7 =	vld.idx.msk [tilespmem:v43+s3+$0x0], $0xffff;
	[tilespmem:s13+$0x0] =	vst v8  }
0x6b6: {  	v50 =	vadd.s32 $0x6380, v0;
	s24 =	sor.u32 s20, s23;
	[tilespmem:s1+$0x0] =	vst v14;
	v9 =	vld.idx.msk [tilespmem:v44+s3+$0x0], $0xffff  }
0x6b7: {  	v51 =	vadd.s32 $0x6380, v4;
	s25 =	sadd.s32 $0x14700, s16;
	s0 =	sor.u32 s21, s23;
	v12 =	vld.idx.msk [tilespmem:v45+s3+$0x0], $0xffff;
	[tilespmem:s24+$0x0] =	vst v11  }
0x6b8: {  	v52 =	vadd.s32 $0x6380, v3;
	s26 =	sor.u32 s15, s25;
	[tilespmem:s0+$0x0] =	vst v10;
	v2 =	vld.idx.msk [tilespmem:v46+s3+$0x0], $0xffff  }
0x6b9: {  	v53 =	vadd.s32 $0x6380, v5;
	s28 =	sadd.s32 $0x14700, s19;
	[tilespmem:s26+$0x0] =	vst v47;
	s1 =	sor.u32 s14, s25;
	v13 =	vld.idx.msk [tilespmem:v48+s3+$0x0], $0xffff  }
0x6ba: {  	v54 =	vadd.s32 $0x6380, v6;
	s29 =	sor.u32 s18, s28;
	v15 =	vld.idx.msk [tilespmem:v49+s3+$0x0], $0xffff;
	[tilespmem:s1+$0x0] =	vst v7  }
0x6bb: {  	v55 =	vadd.s32 $0x7000, v1;
	s30 =	sadd.s32 $0x14700, s22;
	v8 =	vld.idx.msk [tilespmem:v50+s3+$0x0], $0xffff;
	s0 =	sor.u32 s17, s28;
	[tilespmem:s29+$0x0] =	vst v9  }
0x6bc: {  	v56 =	vadd.s32 $0x7000, v0;
	s31 =	sor.u32 s20, s30;
	[tilespmem:s0+$0x0] =	vst v12;
	v11 =	vld.idx.msk [tilespmem:v51+s3+$0x0], $0xffff  }
0x6bd: {  	v57 =	vadd.s32 $0x7000, v4;
	s2 =	sadd.s32 $0x14780, s16;
	s1 =	sor.u32 s21, s30;
	v10 =	vld.idx.msk [tilespmem:v52+s3+$0x0], $0xffff;
	[tilespmem:s31+$0x0] =	vst v2  }
0x6be: {  	v58 =	vadd.s32 $0x7000, v3;
	s4 =	sor.u32 s15, s2;
	[tilespmem:s1+$0x0] =	vst v13;
	v59 =	vld.idx.msk [tilespmem:v53+s3+$0x0], $0xffff  }
0x6bf: {  	v60 =	vadd.s32 $0x7000, v5;
	s5 =	sadd.s32 $0x14780, s19;
	[tilespmem:s4+$0x0] =	vst v15;
	s0 =	sor.u32 s14, s2;
	v7 =	vld.idx.msk [tilespmem:v54+s3+$0x0], $0xffff  }
0x6c0: {  	v61 =	vadd.s32 $0x7000, v6;
	s6 =	sor.u32 s18, s5;
	v15 =	vld.idx.msk [tilespmem:v55+s3+$0x0], $0xffff;
	[tilespmem:s0+$0x0] =	vst v8  }
0x6c1: {  	v62 =	vadd.s32 $0x7080, v1;
	s7 =	sadd.s32 $0x14780, s22;
	v9 =	vld.idx.msk [tilespmem:v56+s3+$0x0], $0xffff;
	s1 =	sor.u32 s17, s5;
	[tilespmem:s6+$0x0] =	vst v11  }
0x6c2: {  	v63 =	vadd.s32 $0x7080, v0;
	s8 =	sor.u32 s20, s7;
	[tilespmem:s1+$0x0] =	vst v10;
	v2 =	vld.idx.msk [tilespmem:v57+s3+$0x0], $0xffff  }
0x6c3: {  	v20 =	vadd.s32 $0x7080, v4;
	s9 =	sadd.s32 $0x16400, s16;
	s0 =	sor.u32 s21, s7;
	v12 =	vld.idx.msk [tilespmem:v58+s3+$0x0], $0xffff;
	[tilespmem:s8+$0x0] =	vst v59  }
0x6c4: {  	v21 =	vadd.s32 $0x7080, v3;
	s10 =	sor.u32 s15, s9;
	[tilespmem:s0+$0x0] =	vst v7;
	v13 =	vld.idx.msk [tilespmem:v60+s3+$0x0], $0xffff  }
0x6c5: {  	v22 =	vadd.s32 $0x7080, v5;
	s11 =	sadd.s32 $0x16400, s19;
	[tilespmem:s10+$0x0] =	vst v15;
	s1 =	sor.u32 s14, s9;
	v8 =	vld.idx.msk [tilespmem:v61+s3+$0x0], $0xffff  }
0x6c6: {  	v23 =	vadd.s32 $0x7080, v6;
	s12 =	sor.u32 s18, s11;
	v15 =	vld.idx.msk [tilespmem:v62+s3+$0x0], $0xffff;
	[tilespmem:s1+$0x0] =	vst v9  }
0x6c7: {  	v24 =	vadd.s32 $0x7100, v1;
	s13 =	sadd.s32 $0x16400, s22;
	v11 =	vld.idx.msk [tilespmem:v63+s3+$0x0], $0xffff;
	s0 =	sor.u32 s17, s11;
	[tilespmem:s12+$0x0] =	vst v2  }
0x6c8: {  	v25 =	vadd.s32 $0x7100, v0;
	s23 =	sor.u32 s20, s13;
	[tilespmem:s0+$0x0] =	vst v12;
	v10 =	vld.idx.msk [tilespmem:v20+s3+$0x0], $0xffff  }
0x6c9: {  	v26 =	vadd.s32 $0x7100, v4;
	s24 =	sadd.s32 $0x16480, s16;
	s1 =	sor.u32 s21, s13;
	v7 =	vld.idx.msk [tilespmem:v21+s3+$0x0], $0xffff;
	[tilespmem:s23+$0x0] =	vst v13  }
0x6ca: {  	v27 =	vadd.s32 $0x7100, v3;
	s25 =	sor.u32 s15, s24;
	[tilespmem:s1+$0x0] =	vst v8;
	v13 =	vld.idx.msk [tilespmem:v22+s3+$0x0], $0xffff  }
0x6cb: {  	v28 =	vadd.s32 $0x7100, v5;
	s26 =	sadd.s32 $0x16480, s19;
	[tilespmem:s25+$0x0] =	vst v15;
	s0 =	sor.u32 s14, s24;
	v9 =	vld.idx.msk [tilespmem:v23+s3+$0x0], $0xffff  }
0x6cc: {  	v29 =	vadd.s32 $0x7100, v6;
	s28 =	sor.u32 s18, s26;
	v15 =	vld.idx.msk [tilespmem:v24+s3+$0x0], $0xffff;
	[tilespmem:s0+$0x0] =	vst v11  }
0x6cd: {  	v30 =	vadd.s32 $0x7180, v1;
	s29 =	sadd.s32 $0x16480, s22;
	v2 =	vld.idx.msk [tilespmem:v25+s3+$0x0], $0xffff;
	s1 =	sor.u32 s17, s26;
	[tilespmem:s28+$0x0] =	vst v10  }
0x6ce: {  	v31 =	vadd.s32 $0x7180, v0;
	s30 =	sor.u32 s20, s29;
	[tilespmem:s1+$0x0] =	vst v7;
	v12 =	vld.idx.msk [tilespmem:v26+s3+$0x0], $0xffff  }
0x6cf: {  	v32 =	vadd.s32 $0x7180, v4;
	s31 =	sadd.s32 $0x16500, s16;
	s0 =	sor.u32 s21, s29;
	v8 =	vld.idx.msk [tilespmem:v27+s3+$0x0], $0xffff;
	[tilespmem:s30+$0x0] =	vst v13  }
0x6d0: {  	v33 =	vadd.s32 $0x7180, v3;
	s2 =	sor.u32 s15, s31;
	[tilespmem:s0+$0x0] =	vst v9;
	v13 =	vld.idx.msk [tilespmem:v28+s3+$0x0], $0xffff  }
0x6d1: {  	v34 =	vadd.s32 $0x7180, v5;
	s4 =	sadd.s32 $0x16500, s19;
	[tilespmem:s2+$0x0] =	vst v15;
	s1 =	sor.u32 s14, s31;
	v11 =	vld.idx.msk [tilespmem:v29+s3+$0x0], $0xffff  }
0x6d2: {  	v35 =	vadd.s32 $0x7180, v6;
	s5 =	sor.u32 s18, s4;
	v15 =	vld.idx.msk [tilespmem:v30+s3+$0x0], $0xffff;
	[tilespmem:s1+$0x0] =	vst v2  }
0x6d3: {  	v36 =	vadd.s32 $0x7200, v1;
	s6 =	sadd.s32 $0x16500, s22;
	v10 =	vld.idx.msk [tilespmem:v31+s3+$0x0], $0xffff;
	s0 =	sor.u32 s17, s4;
	[tilespmem:s5+$0x0] =	vst v12  }
0x6d4: {  	v37 =	vadd.s32 $0x7200, v0;
	s7 =	sor.u32 s20, s6;
	[tilespmem:s0+$0x0] =	vst v8;
	v7 =	vld.idx.msk [tilespmem:v32+s3+$0x0], $0xffff  }
0x6d5: {  	v38 =	vadd.s32 $0x7200, v4;
	s8 =	sadd.s32 $0x16580, s16;
	s1 =	sor.u32 s21, s6;
	v9 =	vld.idx.msk [tilespmem:v33+s3+$0x0], $0xffff;
	[tilespmem:s7+$0x0] =	vst v13  }
0x6d6: {  	v39 =	vadd.s32 $0x7200, v3;
	s9 =	sor.u32 s15, s8;
	[tilespmem:s1+$0x0] =	vst v11;
	v13 =	vld.idx.msk [tilespmem:v34+s3+$0x0], $0xffff  }
0x6d7: {  	v40 =	vadd.s32 $0x7200, v5;
	s10 =	sadd.s32 $0x16580, s19;
	[tilespmem:s9+$0x0] =	vst v15;
	s0 =	sor.u32 s14, s8;
	v2 =	vld.idx.msk [tilespmem:v35+s3+$0x0], $0xffff  }
0x6d8: {  	v41 =	vadd.s32 $0x7200, v6;
	s11 =	sor.u32 s18, s10;
	v15 =	vld.idx.msk [tilespmem:v36+s3+$0x0], $0xffff;
	[tilespmem:s0+$0x0] =	vst v10  }
0x6d9: {  	v42 =	vadd.s32 $0x7280, v1;
	s12 =	sadd.s32 $0x16580, s22;
	v12 =	vld.idx.msk [tilespmem:v37+s3+$0x0], $0xffff;
	s1 =	sor.u32 s17, s10;
	[tilespmem:s11+$0x0] =	vst v7  }
0x6da: {  	v43 =	vadd.s32 $0x7280, v0;
	s13 =	sor.u32 s20, s12;
	[tilespmem:s1+$0x0] =	vst v9;
	v8 =	vld.idx.msk [tilespmem:v38+s3+$0x0], $0xffff  }
0x6db: {  	v44 =	vadd.s32 $0x7280, v4;
	s23 =	sadd.s32 $0x16600, s16;
	s0 =	sor.u32 s21, s12;
	v11 =	vld.idx.msk [tilespmem:v39+s3+$0x0], $0xffff;
	[tilespmem:s13+$0x0] =	vst v13  }
0x6dc: {  	v45 =	vadd.s32 $0x7280, v3;
	s24 =	sor.u32 s15, s23;
	[tilespmem:s0+$0x0] =	vst v2;
	v13 =	vld.idx.msk [tilespmem:v40+s3+$0x0], $0xffff  }
0x6dd: {  	v46 =	vadd.s32 $0x7280, v5;
	s25 =	sadd.s32 $0x16600, s19;
	[tilespmem:s24+$0x0] =	vst v15;
	s1 =	sor.u32 s14, s23;
	v10 =	vld.idx.msk [tilespmem:v41+s3+$0x0], $0xffff  }
0x6de: {  	v47 =	vadd.s32 $0x7280, v6;
	s26 =	sor.u32 s18, s25;
	v15 =	vld.idx.msk [tilespmem:v42+s3+$0x0], $0xffff;
	[tilespmem:s1+$0x0] =	vst v12  }
0x6df: {  	v48 =	vadd.s32 $0x7300, v1;
	s28 =	sadd.s32 $0x16600, s22;
	v7 =	vld.idx.msk [tilespmem:v43+s3+$0x0], $0xffff;
	s0 =	sor.u32 s17, s25;
	[tilespmem:s26+$0x0] =	vst v8  }
0x6e0: {  	v49 =	vadd.s32 $0x7300, v0;
	s29 =	sor.u32 s20, s28;
	[tilespmem:s0+$0x0] =	vst v11;
	v9 =	vld.idx.msk [tilespmem:v44+s3+$0x0], $0xffff  }
0x6e1: {  	v50 =	vadd.s32 $0x7300, v4;
	s30 =	sadd.s32 $0x16680, s16;
	s1 =	sor.u32 s21, s28;
	v2 =	vld.idx.msk [tilespmem:v45+s3+$0x0], $0xffff;
	[tilespmem:s29+$0x0] =	vst v13  }
0x6e2: {  	v51 =	vadd.s32 $0x7300, v3;
	s31 =	sor.u32 s15, s30;
	[tilespmem:s1+$0x0] =	vst v10;
	v13 =	vld.idx.msk [tilespmem:v46+s3+$0x0], $0xffff  }
0x6e3: {  	v52 =	vadd.s32 $0x7300, v5;
	s2 =	sadd.s32 $0x16680, s19;
	[tilespmem:s31+$0x0] =	vst v15;
	s0 =	sor.u32 s14, s30;
	v12 =	vld.idx.msk [tilespmem:v47+s3+$0x0], $0xffff  }
0x6e4: {  	v53 =	vadd.s32 $0x7300, v6;
	s4 =	sor.u32 s18, s2;
	v15 =	vld.idx.msk [tilespmem:v48+s3+$0x0], $0xffff;
	[tilespmem:s0+$0x0] =	vst v7  }
0x6e5: {  	v54 =	vadd.s32 $0x7380, v1;
	s6 =	sadd.s32 $0x16680, s22;
	s5 =	sor.u32 s17, s2;
	v8 =	vld.idx.msk [tilespmem:v49+s3+$0x0], $0xffff;
	[tilespmem:s4+$0x0] =	vst v9  }
0x6e6: {  	v55 =	vadd.s32 $0x7380, v0;
	s7 =	sor.u32 s20, s6;
	[tilespmem:s5+$0x0] =	vst v2;
	v9 =	vld.idx.msk [tilespmem:v50+s3+$0x0], $0xffff  }
0x6e7: {  	v56 =	vadd.s32 $0x7380, v4;
	s8 =	sadd.s32 $0x16700, s16;
	s1 =	sor.u32 s21, s6;
	v57 =	vld.idx.msk [tilespmem:v51+s3+$0x0], $0xffff;
	[tilespmem:s7+$0x0] =	vst v13  }
0x6e8: {  	v58 =	vadd.s32 $0x7380, v3;
	s9 =	sor.u32 s15, s8;
	[tilespmem:s1+$0x0] =	vst v12;
	v59 =	vld.idx.msk [tilespmem:v52+s3+$0x0], $0xffff  }
0x6e9: {  	v60 =	vadd.s32 $0x7380, v5;
	s10 =	sadd.s32 $0x16700, s19;
	s0 =	sor.u32 s14, s8;
	[tilespmem:s9+$0x0] =	vst v15;
	v7 =	vld.idx.msk [tilespmem:v53+s3+$0x0], $0xffff  }
0x6ea: {  	v61 =	vadd.s32 $0x7380, v6;
	s11 =	sor.u32 s18, s10;
	v1 =	vld.idx.msk [tilespmem:v54+s3+$0x0], $0xffff;
	[tilespmem:s0+$0x0] =	vst v8  }
0x6eb: {  	s12 =	sadd.s32 $0x16700, s22;
	v0 =	vld.idx.msk [tilespmem:v55+s3+$0x0], $0xffff;
	s1 =	sor.u32 s17, s10;
	[tilespmem:s11+$0x0] =	vst v9  }
0x6ec: {  	s13 =	sor.u32 s20, s12;
	[tilespmem:s1+$0x0] =	vst v57;
	v2 =	vld.idx.msk [tilespmem:v56+s3+$0x0], $0xffff  }
0x6ed: {  	s16 =	sadd.s32 $0x16780, s16;
	s0 =	sor.u32 s21, s12;
	v3 =	vld.idx.msk [tilespmem:v58+s3+$0x0], $0xffff;
	[tilespmem:s13+$0x0] =	vst v59  }
0x6ee: {  	s23 =	sor.u32 s15, s16;
	[tilespmem:s0+$0x0] =	vst v7;
	v62 =	vld.idx.msk [tilespmem:v60+s3+$0x0], $0xffff  }
0x6ef: {  	s24 =	sadd.s32 $0x16780, s19;
	[tilespmem:s23+$0x0] =	vst v1;
	s1 =	sor.u32 s14, s16;
	v63 =	vld.idx.msk [tilespmem:v61+s3+$0x0], $0xffff  }
0x6f0: {  	s25 =	sor.u32 s18, s24;
	[tilespmem:s1+$0x0] =	vst v0  }
0x6f1: {  	s26 =	sadd.s32 $0x16780, s22;
	s0 =	sor.u32 s17, s24;
	[tilespmem:s25+$0x0] =	vst v2  }
0x6f2: {  	s28 =	sor.u32 s20, s26;
	[tilespmem:s0+$0x0] =	vst v3  }
0x6f3: {  	s1 =	sor.u32 s21, s26;
	[tilespmem:s28+$0x0] =	vst v62  }
0x6f4: {  	[tilespmem:s1+$0x0] =	vst v63  }
0x6f5: {  	s2 =	simm.s32 $0x1;
	s29 =	simm.s32 $0x8400;
	s0 =	rddreg [dreg:$0x9]  }
0x6f6: {  	[hbm4b:s0+s3] =	stream.linear.scatter [tilespmem:s29], [sflag:$0x1], $0x10000, $0x38;
	[tilespmem:$0x18400] =	vst v63  }
0x6f7: {  	_ =	swait.ge [sflag:s2], $0x10000  }
0x6f8: {  	s30 =	rddreg [dreg:$0xb]  }
0x6f9: {  	s31 =	rddreg [dreg:$0xa];
	s1 =	sadd.s32 $0x1, s30  }
0x6fa: {  	p0 =	sne.s32 s1, s31  }
.Ltmp2:
0x6fb: {  	_ = 	snop;
	(pc) =	sbr.rel @p0 .LBB2_1-.Ltmp2, $3  }
0x6fc: {  	_ =	sdelay $0x1  }
0x6fd: {  	[sflag:s2] =	ssyncset.done $0x0  }
0x6fe: {  	[sflag:s2] =	ssyncadd.s32 $0xFFFF0000  }
0x6ff: {  	_ =	sfence.sel $0x180000  }
0x700: {  	[bflag:$0x0] =	sbarrier.arrive $0xFFFF  }
0x701: {  	_ =	strace $0x90000047  }
0x702: {  	s0 =	stileid.u32;
	[bflag:$0x2] =	sbarrier.arrive $0xFFFF  }
0x703: {  	p0 =	sne.s32 s0, $0x0;
	s0 =	rddreg [dreg:$0x3]  }
0x704: {  	s0 =	sadd.s32 @!p0 $0x100000, s0  }
0x705: {  	[sflag:s0] =	ssyncadd.tile.s32 @!p0 $0x1;
	_ =	shalt  }
.Lfunc_end2:
_tile_overlayer_lowered:
.L_overlay_start_2:
0x706: {  	(tag) =	ssettag $0x2  }
0x707: {  	s0 =	rddreg [dreg:$0x0];
	s2 =	stileid.u32  }
0x708: {  	s1 =	rddreg [dreg:$0x1];
	p0 =	sne.s32 s2, $0x0  }
0x709: {  	s3 =	rddreg [dreg:$0x2];
	[bflag:$0x3] =	sbarrier.arrive $0xFFFF;
	s2 =	simm.s32 @!p0 $0x1C01  }
0x70a: {  	[timem:s3], [sflag:s2] =	dma.local @!p0 [hbm:s0], s1  }
0x70b: {  	s0 =	simm.s32 @!p0 $0x1  }
0x70c: {  	_ =	swait.ge @!p0 [sflag:s0], s1  }
0x70d: {  	s1 =	ssub.s32 @!p0 $0x0, s1;
	[sflag:s0] =	ssyncset.done @!p0 $0x0  }
0x70e: {  	[sflag:s0] =	ssyncadd.s32 @!p0 s1  }
0x70f: {  	[bflag:$0x3] =	sbarrier.arrive $0xFFFF  }
0x710: {  	_ =	shalt  }

</sc_bundles>
